<compile_context>
chip_gen: v7x
topology: tpu7x:2x2x1
jax: 0.10.2.dev20260603
libtpu: 0.0.44.dev20260713+nightly
codegen_flags: <defaults>
</compile_context>

<pallas_src>
import functools

import jax
import jax.numpy as jnp
from jax import lax
from jax.experimental import pallas as pl
from jax.experimental.pallas import tpu as pltpu
from jax.experimental.pallas import tpu_sc as plsc

OUT_F = 4096
IN_F = 4096
NNZ = 167772

NC = 2
NS = 16
LANES = 16

CHUNKS = 88
SLICE = CHUNKS * 128
NNZ_PAD = SLICE * NS
PAD = NNZ_PAD - NNZ
NROWS2 = NNZ_PAD // 128
NSTREAM = SLICE // 128

HALF_ROWS = OUT_F // 2
SC_ROWS = HALF_ROWS // NC
PASS_ROWS = [128] * 8
PASS_WORDS = [r * IN_F for r in PASS_ROWS]
TILE_WORDS = max(PASS_WORDS)

ZB_WORDS = 16384

BN = 256


def _sc_body(half_base, rows_hbm, cols_hbm, w_hbm, out_hbm,
             rowsv, colsv, wv, goffv, offsv, zb, shared, sem):
    c = lax.axis_index("c")
    s = lax.axis_index("s")
    core_base = half_base * IN_F + c * (SC_ROWS * IN_F)
    lane = lax.iota(jnp.int32, LANES)

    pltpu.sync_copy(rows_hbm.at[pl.ds(s * CHUNKS, CHUNKS)], rowsv)
    pltpu.sync_copy(cols_hbm.at[pl.ds(s * CHUNKS, CHUNKS)], colsv)
    pltpu.sync_copy(w_hbm.at[pl.ds(s * SLICE, SLICE)], wv)

    @pl.loop(0, ZB_WORDS // LANES)
    def _(i):
        zb[pl.ds(i * LANES, LANES)] = jnp.zeros((LANES,), jnp.float32)

    @pl.loop(0, CHUNKS)
    def _(i):
        for k in range(128 // LANES):
            sl = pl.ds(k * LANES, LANES)
            goffv[i, sl] = (rowsv[i, sl] << 12) + colsv[i, sl] - core_base

    dump = TILE_WORDS + s * LANES + lane

    pass_base = 0
    for p, pwords in enumerate(PASS_WORDS):
        seg = pwords // NS

        for z in range(seg // ZB_WORDS):
            pltpu.sync_copy(zb, shared.at[pl.ds(s * seg + z * ZB_WORDS,
                                                ZB_WORDS)])

        @pl.loop(0, CHUNKS)
        def _(i):
            for k in range(128 // LANES):
                sl = pl.ds(k * LANES, LANES)
                g = (goffv[i, sl] - pass_base).astype(jnp.uint32)
                ok = g < jnp.uint32(pwords)
                offsv[i, sl] = jnp.where(ok, g.astype(jnp.int32), dump)

        plsc.subcore_barrier()

        @pl.loop(0, NSTREAM)
        def _(j):
            pltpu.async_copy(wv.at[pl.ds(j * 128, 128)],
                             shared.at[offsv.at[j]], sem, add=True)

        @pl.loop(0, NSTREAM)
        def _(j):
            pltpu.make_async_copy(wv.at[pl.ds(0, 128)],
                                  shared.at[offsv.at[0]], sem).wait()

        plsc.subcore_barrier()

        out_base = core_base + pass_base + s * seg
        pltpu.sync_copy(shared.at[pl.ds(s * seg, seg)],
                        out_hbm.at[pl.ds(out_base, seg)])

        pass_base += pwords


def _make_sc_scatter(half_base):
    @functools.partial(
        pl.kernel,
        out_type=jax.ShapeDtypeStruct((HALF_ROWS * IN_F,), jnp.float32),
        mesh=plsc.VectorSubcoreMesh(core_axis_name="c", subcore_axis_name="s"),
        scratch_types=[
            pltpu.VMEM((CHUNKS, 128), jnp.int32),
            pltpu.VMEM((CHUNKS, 128), jnp.int32),
            pltpu.VMEM((SLICE,), jnp.float32),
            pltpu.VMEM((CHUNKS, 128), jnp.int32),
            pltpu.VMEM((CHUNKS, 128), jnp.int32),
            pltpu.VMEM((ZB_WORDS,), jnp.float32),
            pltpu.VMEM_SHARED((TILE_WORDS + NS * LANES,), jnp.float32),
            pltpu.SemaphoreType.DMA,
        ],
        name=f"sc_scatter_{half_base}",
    )
    def _sc_scatter(rows_hbm, cols_hbm, w_hbm, out_hbm,
                    rowsv, colsv, wv, goffv, offsv, zb, shared, sem):
        _sc_body(half_base, rows_hbm, cols_hbm, w_hbm, out_hbm,
                 rowsv, colsv, wv, goffv, offsv, zb, shared, sem)

    return _sc_scatter


_sc_scatter_lo = _make_sc_scatter(0)
_sc_scatter_hi = _make_sc_scatter(HALF_ROWS)


def _matmul_body(x_ref, w_ref, b_ref, o_ref):
    xb = x_ref[...]
    wb = w_ref[...].reshape(BN, IN_F).astype(jnp.bfloat16)
    acc = lax.dot_general(xb, wb, (((1,), (1,)), ((), ())),
                          preferred_element_type=jnp.float32)
    o_ref[...] = acc + b_ref[...]


def _matmul_body_alias(x_ref, w_ref, b_ref, _prev_ref, o_ref):
    _matmul_body(x_ref, w_ref, b_ref, o_ref)


def _matmul_lo(x_bf16, w_flat, bias2d):
    m = x_bf16.shape[0]
    grid = (HALF_ROWS // BN,)
    return pl.pallas_call(
        _matmul_body,
        grid=grid,
        in_specs=[
            pl.BlockSpec((m, IN_F), lambda j: (0, 0)),
            pl.BlockSpec((BN * IN_F,), lambda j: (j,)),
            pl.BlockSpec((1, BN), lambda j: (0, j)),
        ],
        out_specs=pl.BlockSpec((m, BN), lambda j: (0, j)),
        out_shape=jax.ShapeDtypeStruct((m, OUT_F), jnp.float32),
    )(x_bf16, w_flat, bias2d)


def _matmul_hi(x_bf16, w_flat, bias2d, prev_out):
    m = x_bf16.shape[0]
    off = HALF_ROWS // BN
    grid = (HALF_ROWS // BN,)
    return pl.pallas_call(
        _matmul_body_alias,
        grid=grid,
        in_specs=[
            pl.BlockSpec((m, IN_F), lambda j: (0, 0)),
            pl.BlockSpec((BN * IN_F,), lambda j: (j,)),
            pl.BlockSpec((1, BN), lambda j: (0, j + off)),
            pl.BlockSpec((8, 128), lambda j: (0, 0)),
        ],
        out_specs=pl.BlockSpec((m, BN), lambda j: (0, j + off)),
        out_shape=jax.ShapeDtypeStruct((m, OUT_F), jnp.float32),
        input_output_aliases={3: 0},
    )(x_bf16, w_flat, bias2d, prev_out)


def kernel(inputs, indices, weights, bias):
    output_shape = list(inputs.shape)
    output_shape[-1] = OUT_F
    x = inputs.reshape(-1, inputs.shape[-1])
    rows = jnp.concatenate(
        [indices[0], jnp.full((PAD,), OUT_F, jnp.int32)]).reshape(NROWS2, 128)
    cols = jnp.concatenate(
        [indices[1], jnp.zeros((PAD,), jnp.int32)]).reshape(NROWS2, 128)
    wvals = jnp.concatenate([weights, jnp.zeros((PAD,), jnp.float32)])
    w_lo = _sc_scatter_lo(rows, cols, wvals)
    w_hi = _sc_scatter_hi(rows, cols, wvals)
    x_bf = x.astype(jnp.bfloat16)
    bias2d = bias.reshape(1, OUT_F)
    out = _matmul_lo(x_bf, w_lo, bias2d)
    out = _matmul_hi(x_bf, w_hi, bias2d, out)
    return out.reshape(output_shape)

# --- scband reference (transcript-rebuilt; emitter-appended) ---
"""Pipeline reference for scband-sparse-linear-68771016343946 (READ-ONLY COPY).

The authoritative reference and input builder live on the scoring server;
editing this copy changes nothing except your own understanding.
"""

import jax, jax.numpy as jnp
import numpy as np

IN_FEATURES = 4096
OUT_FEATURES = 4096
NNZ = 167772
BATCH = 1024

def setup_inputs(seed: int = 0) -> dict:
    key = jax.random.key(seed)
    k1, k2, k3, k4, k5 = jax.random.split(key, 5)
    inputs = jax.random.normal(k1, (BATCH, IN_FEATURES), dtype=jnp.float32)
    rows = jax.random.randint(k2, (NNZ,), 0, OUT_FEATURES, dtype=jnp.int32)
    cols = jax.random.randint(k3, (NNZ,), 0, IN_FEATURES, dtype=jnp.int32)
    indices = jnp.stack([rows, cols], axis=0)
    stdv = 1.0 / np.sqrt(OUT_FEATURES)
    weights = jax.random.uniform(k4, (NNZ,), minval=-stdv, maxval=stdv, dtype=jnp.float32)
    bias = jax.random.uniform(k5, (OUT_FEATURES,), minval=-stdv, maxval=stdv, dtype=jnp.float32)
    return {"inputs": inputs, "indices": indices, "weights": weights, "bias": bias}

def reference(inputs, indices, weights, bias):
    # SparseLinear forward: y = x @ A^T + b where A is a COO sparse (out, in) matrix.
    # torch_sparse.coalesce sums duplicate coordinates; the scatter-add below
    # reproduces that exactly (duplicates accumulate into the same dense slot).
    output_shape = list(inputs.shape)
    output_shape[-1] = OUT_FEATURES
    x = inputs.reshape(-1, inputs.shape[-1])
    rows = indices[0]
    cols = indices[1]
    W = jnp.zeros((OUT_FEATURES, IN_FEATURES), dtype=weights.dtype).at[rows, cols].add(weights)
    out = x @ W.T + bias
    return out.reshape(output_shape)

if __name__ == "__main__":
    import jax
    _d = setup_inputs()
    print(jax.jit(kernel)(*tuple(_d.values())))

</pallas_src>

<mosaic_0001>
#map = affine_map<(d0, d1) -> (0, 0)>
#map1 = affine_map<(d0, d1) -> (0)>
module attributes {stable_mosaic.version = 14 : i64} {
  func.func @sc_scatter_0(%arg0: i32, %arg1: i32, %arg2: memref<1408x128xi32, #tpu.memory_space<hbm>>, %arg3: memref<1408x128xi32, #tpu.memory_space<hbm>>, %arg4: memref<180224xf32, #tpu.memory_space<hbm>>, %arg5: memref<8388608xf32, #tpu.memory_space<hbm>>, %arg6: memref<88x128xi32, #tpu.memory_space<vmem>>, %arg7: memref<88x128xi32, #tpu.memory_space<vmem>>, %arg8: memref<11264xf32, #tpu.memory_space<vmem>>, %arg9: memref<88x128xi32, #tpu.memory_space<vmem>>, %arg10: memref<88x128xi32, #tpu.memory_space<vmem>>, %arg11: memref<16384xf32, #tpu.memory_space<vmem>>, %arg12: memref<524544xf32, #tpu.memory_space<vmem_shared>>, %arg13: memref<!tpu.dma_semaphore, #tpu.memory_space<semaphore_mem>>) attributes {dimension_semantics = [#tpu.dimension_semantics<core_parallel>, #tpu.dimension_semantics<subcore_parallel>], iteration_bounds = array<i64: 2, 16>, scalar_prefetch = 0 : i64, scratch_operands = 8 : i64, tpu.core_type = #tpu.core_type<sc_vector_subcore>, window_params = [{transform_indices = #map}, {transform_indices = #map}, {transform_indices = #map1}, {transform_indices = #map1}]} {
    %mul3A = arith.constant 4194304 : i32
    %mul3A_0 = arith.muli %arg0, %mul3A : i32
    %add3A = arith.constant 0 : i32
    %add3A_1 = arith.addi %add3A, %mul3A_0 : i32
    %iota3A = tpu.iota {dimensions = array<i32: 0>} : vector<16xi32>
    %mul3A_2 = arith.constant 88 : i32
    %mul3A_3 = arith.muli %arg1, %mul3A_2 : i32
    "tpu.region"() ({
      %run_scoped3A = tpu.sem_alloc : memref<!tpu.dma_semaphore, #tpu.memory_space<semaphore_mem>>
      %dma_start3A = arith.constant 0 : i32
      %dma_start3A_278 = tpu.memref_slice %arg2[%mul3A_3, %dma_start3A] : memref<1408x128xi32, #tpu.memory_space<hbm>> -> memref<88x128xi32, #tpu.memory_space<hbm>>
      %dma_start3A_279 = arith.constant 0 : i32
      %dma_start3A_280 = tpu.memref_slice %arg2[%mul3A_3, %dma_start3A_279] : memref<1408x128xi32, #tpu.memory_space<hbm>> -> memref<88x128xi32, #tpu.memory_space<hbm>>
      tpu.enqueue_dma source(%dma_start3A_280 : memref<88x128xi32, #tpu.memory_space<hbm>>) target(%arg6 : memref<88x128xi32, #tpu.memory_space<vmem>>) target_semaphore(%run_scoped3A : memref<!tpu.dma_semaphore, #tpu.memory_space<semaphore_mem>>)
      %dma_wait3A = arith.constant 0 : i32
      %dma_wait3A_281 = tpu.memref_slice %arg2[%mul3A_3, %dma_wait3A] : memref<1408x128xi32, #tpu.memory_space<hbm>> -> memref<88x128xi32, #tpu.memory_space<hbm>>
      %dma_wait3A_282 = arith.constant 0 : i32
      %dma_wait3A_283 = tpu.memref_slice %arg2[%mul3A_3, %dma_wait3A_282] : memref<1408x128xi32, #tpu.memory_space<hbm>> -> memref<88x128xi32, #tpu.memory_space<hbm>>
      tpu.wait_dma2 semaphore(%run_scoped3A : memref<!tpu.dma_semaphore, #tpu.memory_space<semaphore_mem>>) src(%dma_wait3A_283 : memref<88x128xi32, #tpu.memory_space<hbm>>) dst(%arg6 : memref<88x128xi32, #tpu.memory_space<vmem>>)
      tpu.yield
    }) : () -> ()
    %mul3A_4 = arith.constant 88 : i32
    %mul3A_5 = arith.muli %arg1, %mul3A_4 : i32
    "tpu.region"() ({
      %run_scoped3A = tpu.sem_alloc : memref<!tpu.dma_semaphore, #tpu.memory_space<semaphore_mem>>
      %dma_start3A = arith.constant 0 : i32
      %dma_start3A_278 = tpu.memref_slice %arg3[%mul3A_5, %dma_start3A] : memref<1408x128xi32, #tpu.memory_space<hbm>> -> memref<88x128xi32, #tpu.memory_space<hbm>>
      %dma_start3A_279 = arith.constant 0 : i32
      %dma_start3A_280 = tpu.memref_slice %arg3[%mul3A_5, %dma_start3A_279] : memref<1408x128xi32, #tpu.memory_space<hbm>> -> memref<88x128xi32, #tpu.memory_space<hbm>>
      tpu.enqueue_dma source(%dma_start3A_280 : memref<88x128xi32, #tpu.memory_space<hbm>>) target(%arg7 : memref<88x128xi32, #tpu.memory_space<vmem>>) target_semaphore(%run_scoped3A : memref<!tpu.dma_semaphore, #tpu.memory_space<semaphore_mem>>)
      %dma_wait3A = arith.constant 0 : i32
      %dma_wait3A_281 = tpu.memref_slice %arg3[%mul3A_5, %dma_wait3A] : memref<1408x128xi32, #tpu.memory_space<hbm>> -> memref<88x128xi32, #tpu.memory_space<hbm>>
      %dma_wait3A_282 = arith.constant 0 : i32
      %dma_wait3A_283 = tpu.memref_slice %arg3[%mul3A_5, %dma_wait3A_282] : memref<1408x128xi32, #tpu.memory_space<hbm>> -> memref<88x128xi32, #tpu.memory_space<hbm>>
      tpu.wait_dma2 semaphore(%run_scoped3A : memref<!tpu.dma_semaphore, #tpu.memory_space<semaphore_mem>>) src(%dma_wait3A_283 : memref<88x128xi32, #tpu.memory_space<hbm>>) dst(%arg7 : memref<88x128xi32, #tpu.memory_space<vmem>>)
      tpu.yield
    }) : () -> ()
    %mul3A_6 = arith.constant 11264 : i32
    %mul3A_7 = arith.muli %arg1, %mul3A_6 : i32
    "tpu.region"() ({
      %run_scoped3A = tpu.sem_alloc : memref<!tpu.dma_semaphore, #tpu.memory_space<semaphore_mem>>
      %dma_start3A = tpu.memref_slice %arg4[%mul3A_7] : memref<180224xf32, #tpu.memory_space<hbm>> -> memref<11264xf32, #tpu.memory_space<hbm>>
      %dma_start3A_278 = tpu.memref_slice %arg4[%mul3A_7] : memref<180224xf32, #tpu.memory_space<hbm>> -> memref<11264xf32, #tpu.memory_space<hbm>>
      tpu.enqueue_dma source(%dma_start3A_278 : memref<11264xf32, #tpu.memory_space<hbm>>) target(%arg8 : memref<11264xf32, #tpu.memory_space<vmem>>) target_semaphore(%run_scoped3A : memref<!tpu.dma_semaphore, #tpu.memory_space<semaphore_mem>>)
      %dma_wait3A = tpu.memref_slice %arg4[%mul3A_7] : memref<180224xf32, #tpu.memory_space<hbm>> -> memref<11264xf32, #tpu.memory_space<hbm>>
      %dma_wait3A_279 = tpu.memref_slice %arg4[%mul3A_7] : memref<180224xf32, #tpu.memory_space<hbm>> -> memref<11264xf32, #tpu.memory_space<hbm>>
      tpu.wait_dma2 semaphore(%run_scoped3A : memref<!tpu.dma_semaphore, #tpu.memory_space<semaphore_mem>>) src(%dma_wait3A_279 : memref<11264xf32, #tpu.memory_space<hbm>>) dst(%arg8 : memref<11264xf32, #tpu.memory_space<vmem>>)
      tpu.yield
    }) : () -> ()
    %scan3A = arith.constant 0 : i32
    %scan3A_8 = arith.constant 1024 : i32
    %scan3A_9 = arith.addi %scan3A, %scan3A_8 : i32
    %scan3A_10 = arith.constant 1 : i32
    scf.for %scan3A_278 = %scan3A to %scan3A_9 step %scan3A_10  : i32 {
      %mul3A_279 = arith.constant 1 : i32
      %mul3A_280 = arith.muli %scan3A_278, %mul3A_279 : i32
      %add3A_281 = arith.constant 0 : i32
      %add3A_282 = arith.addi %add3A_281, %mul3A_280 : i32
      %broadcast_in_dim3A = arith.constant 0.000000e+00 : f32
      %broadcast_in_dim3A_283 = vector.broadcast %broadcast_in_dim3A : f32 to vector<16xf32>
      %mul3A_284 = arith.constant 16 : i32
      %mul3A_285 = arith.muli %add3A_282, %mul3A_284 : i32
      %swap3A = arith.index_cast %mul3A_285 : i32 to index
      %swap3A_286 = tpu.vector_load %arg11[%swap3A] {strides = array<i32>} : memref<16384xf32, #tpu.memory_space<vmem>>, vector<16xf32>,
      %swap3A_287 = vector.shape_cast %swap3A_286 : vector<16xf32> to vector<16xf32>
      %swap3A_288 = vector.shape_cast %broadcast_in_dim3A_283 : vector<16xf32> to vector<16xf32>
      tpu.vector_store %arg11[%swap3A], %swap3A_288 {strides = array<i32>} : memref<16384xf32, #tpu.memory_space<vmem>>, vector<16xf32>,
    }
    %scan3A_11 = arith.constant 1024 : i32
    %scan3A_12 = arith.constant 0 : i32
    %scan3A_13 = arith.constant 88 : i32
    %scan3A_14 = arith.addi %scan3A_12, %scan3A_13 : i32
    %scan3A_15 = arith.constant 1 : i32
    scf.for %scan3A_278 = %scan3A_12 to %scan3A_14 step %scan3A_15  : i32 {
      %mul3A_279 = arith.constant 1 : i32
      %mul3A_280 = arith.muli %scan3A_278, %mul3A_279 : i32
      %add3A_281 = arith.constant 0 : i32
      %add3A_282 = arith.addi %add3A_281, %mul3A_280 : i32
      %get3A = arith.index_cast %add3A_282 : i32 to index
      %get3A_283 = arith.constant 0 : index
      %get3A_284 = tpu.vector_load %arg6[%get3A, %get3A_283] {strides = array<i32>} : memref<88x128xi32, #tpu.memory_space<vmem>>, vector<1x16xi32>,
      %get3A_285 = vector.shape_cast %get3A_284 : vector<1x16xi32> to vector<16xi32>
      %shift_left3A = arith.constant 12 : i32
      %shift_left3A_286 = vector.broadcast %shift_left3A : i32 to vector<16xi32>
      %shift_left3A_287 = arith.shli %get3A_285, %shift_left3A_286 : vector<16xi32>
      %get3A_288 = arith.index_cast %add3A_282 : i32 to index
      %get3A_289 = arith.constant 0 : index
      %get3A_290 = tpu.vector_load %arg7[%get3A_288, %get3A_289] {strides = array<i32>} : memref<88x128xi32, #tpu.memory_space<vmem>>, vector<1x16xi32>,
      %get3A_291 = vector.shape_cast %get3A_290 : vector<1x16xi32> to vector<16xi32>
      %add3A_292 = arith.addi %shift_left3A_287, %get3A_291 : vector<16xi32>
      %sub3A = vector.broadcast %add3A_1 : i32 to vector<16xi32>
      %sub3A_293 = arith.subi %add3A_292, %sub3A : vector<16xi32>
      %swap3A = arith.index_cast %add3A_282 : i32 to index
      %swap3A_294 = arith.constant 0 : index
      %swap3A_295 = tpu.vector_load %arg9[%swap3A, %swap3A_294] {strides = array<i32>} : memref<88x128xi32, #tpu.memory_space<vmem>>, vector<1x16xi32>,
      %swap3A_296 = vector.shape_cast %swap3A_295 : vector<1x16xi32> to vector<16xi32>
      %swap3A_297 = vector.shape_cast %sub3A_293 : vector<16xi32> to vector<1x16xi32>
      tpu.vector_store %arg9[%swap3A, %swap3A_294], %swap3A_297 {strides = array<i32>} : memref<88x128xi32, #tpu.memory_space<vmem>>, vector<1x16xi32>,
      %get3A_298 = arith.index_cast %add3A_282 : i32 to index
      %get3A_299 = arith.constant 16 : index
      %get3A_300 = tpu.vector_load %arg6[%get3A_298, %get3A_299] {strides = array<i32>} : memref<88x128xi32, #tpu.memory_space<vmem>>, vector<1x16xi32>,
      %get3A_301 = vector.shape_cast %get3A_300 : vector<1x16xi32> to vector<16xi32>
      %shift_left3A_302 = arith.constant 12 : i32
      %shift_left3A_303 = vector.broadcast %shift_left3A_302 : i32 to vector<16xi32>
      %shift_left3A_304 = arith.shli %get3A_301, %shift_left3A_303 : vector<16xi32>
      %get3A_305 = arith.index_cast %add3A_282 : i32 to index
      %get3A_306 = arith.constant 16 : index
      %get3A_307 = tpu.vector_load %arg7[%get3A_305, %get3A_306] {strides = array<i32>} : memref<88x128xi32, #tpu.memory_space<vmem>>, vector<1x16xi32>,
      %get3A_308 = vector.shape_cast %get3A_307 : vector<1x16xi32> to vector<16xi32>
      %add3A_309 = arith.addi %shift_left3A_304, %get3A_308 : vector<16xi32>
      %sub3A_310 = vector.broadcast %add3A_1 : i32 to vector<16xi32>
      %sub3A_311 = arith.subi %add3A_309, %sub3A_310 : vector<16xi32>
      %swap3A_312 = arith.index_cast %add3A_282 : i32 to index
      %swap3A_313 = arith.constant 16 : index
      %swap3A_314 = tpu.vector_load %arg9[%swap3A_312, %swap3A_313] {strides = array<i32>} : memref<88x128xi32, #tpu.memory_space<vmem>>, vector<1x16xi32>,
      %swap3A_315 = vector.shape_cast %swap3A_314 : vector<1x16xi32> to vector<16xi32>
      %swap3A_316 = vector.shape_cast %sub3A_311 : vector<16xi32> to vector<1x16xi32>
      tpu.vector_store %arg9[%swap3A_312, %swap3A_313], %swap3A_316 {strides = array<i32>} : memref<88x128xi32, #tpu.memory_space<vmem>>, vector<1x16xi32>,
      %get3A_317 = arith.index_cast %add3A_282 : i32 to index
      %get3A_318 = arith.constant 32 : index
      %get3A_319 = tpu.vector_load %arg6[%get3A_317, %get3A_318] {strides = array<i32>} : memref<88x128xi32, #tpu.memory_space<vmem>>, vector<1x16xi32>,
      %get3A_320 = vector.shape_cast %get3A_319 : vector<1x16xi32> to vector<16xi32>
      %shift_left3A_321 = arith.constant 12 : i32
      %shift_left3A_322 = vector.broadcast %shift_left3A_321 : i32 to vector<16xi32>
      %shift_left3A_323 = arith.shli %get3A_320, %shift_left3A_322 : vector<16xi32>
      %get3A_324 = arith.index_cast %add3A_282 : i32 to index
      %get3A_325 = arith.constant 32 : index
      %get3A_326 = tpu.vector_load %arg7[%get3A_324, %get3A_325] {strides = array<i32>} : memref<88x128xi32, #tpu.memory_space<vmem>>, vector<1x16xi32>,
      %get3A_327 = vector.shape_cast %get3A_326 : vector<1x16xi32> to vector<16xi32>
      %add3A_328 = arith.addi %shift_left3A_323, %get3A_327 : vector<16xi32>
      %sub3A_329 = vector.broadcast %add3A_1 : i32 to vector<16xi32>
      %sub3A_330 = arith.subi %add3A_328, %sub3A_329 : vector<16xi32>
      %swap3A_331 = arith.index_cast %add3A_282 : i32 to index
      %swap3A_332 = arith.constant 32 : index
      %swap3A_333 = tpu.vector_load %arg9[%swap3A_331, %swap3A_332] {strides = array<i32>} : memref<88x128xi32, #tpu.memory_space<vmem>>, vector<1x16xi32>,
      %swap3A_334 = vector.shape_cast %swap3A_333 : vector<1x16xi32> to vector<16xi32>
      %swap3A_335 = vector.shape_cast %sub3A_330 : vector<16xi32> to vector<1x16xi32>
      tpu.vector_store %arg9[%swap3A_331, %swap3A_332], %swap3A_335 {strides = array<i32>} : memref<88x128xi32, #tpu.memory_space<vmem>>, vector<1x16xi32>,
      %get3A_336 = arith.index_cast %add3A_282 : i32 to index
      %get3A_337 = arith.constant 48 : index
      %get3A_338 = tpu.vector_load %arg6[%get3A_336, %get3A_337] {strides = array<i32>} : memref<88x128xi32, #tpu.memory_space<vmem>>, vector<1x16xi32>,
      %get3A_339 = vector.shape_cast %get3A_338 : vector<1x16xi32> to vector<16xi32>
      %shift_left3A_340 = arith.constant 12 : i32
      %shift_left3A_341 = vector.broadcast %shift_left3A_340 : i32 to vector<16xi32>
      %shift_left3A_342 = arith.shli %get3A_339, %shift_left3A_341 : vector<16xi32>
      %get3A_343 = arith.index_cast %add3A_282 : i32 to index
      %get3A_344 = arith.constant 48 : index
      %get3A_345 = tpu.vector_load %arg7[%get3A_343, %get3A_344] {strides = array<i32>} : memref<88x128xi32, #tpu.memory_space<vmem>>, vector<1x16xi32>,
      %get3A_346 = vector.shape_cast %get3A_345 : vector<1x16xi32> to vector<16xi32>
      %add3A_347 = arith.addi %shift_left3A_342, %get3A_346 : vector<16xi32>
      %sub3A_348 = vector.broadcast %add3A_1 : i32 to vector<16xi32>
      %sub3A_349 = arith.subi %add3A_347, %sub3A_348 : vector<16xi32>
      %swap3A_350 = arith.index_cast %add3A_282 : i32 to index
      %swap3A_351 = arith.constant 48 : index
      %swap3A_352 = tpu.vector_load %arg9[%swap3A_350, %swap3A_351] {strides = array<i32>} : memref<88x128xi32, #tpu.memory_space<vmem>>, vector<1x16xi32>,
      %swap3A_353 = vector.shape_cast %swap3A_352 : vector<1x16xi32> to vector<16xi32>
      %swap3A_354 = vector.shape_cast %sub3A_349 : vector<16xi32> to vector<1x16xi32>
      tpu.vector_store %arg9[%swap3A_350, %swap3A_351], %swap3A_354 {strides = array<i32>} : memref<88x128xi32, #tpu.memory_space<vmem>>, vector<1x16xi32>,
      %get3A_355 = arith.index_cast %add3A_282 : i32 to index
      %get3A_356 = arith.constant 64 : index
      %get3A_357 = tpu.vector_load %arg6[%get3A_355, %get3A_356] {strides = array<i32>} : memref<88x128xi32, #tpu.memory_space<vmem>>, vector<1x16xi32>,
      %get3A_358 = vector.shape_cast %get3A_357 : vector<1x16xi32> to vector<16xi32>
      %shift_left3A_359 = arith.constant 12 : i32
      %shift_left3A_360 = vector.broadcast %shift_left3A_359 : i32 to vector<16xi32>
      %shift_left3A_361 = arith.shli %get3A_358, %shift_left3A_360 : vector<16xi32>
      %get3A_362 = arith.index_cast %add3A_282 : i32 to index
      %get3A_363 = arith.constant 64 : index
      %get3A_364 = tpu.vector_load %arg7[%get3A_362, %get3A_363] {strides = array<i32>} : memref<88x128xi32, #tpu.memory_space<vmem>>, vector<1x16xi32>,
      %get3A_365 = vector.shape_cast %get3A_364 : vector<1x16xi32> to vector<16xi32>
      %add3A_366 = arith.addi %shift_left3A_361, %get3A_365 : vector<16xi32>
      %sub3A_367 = vector.broadcast %add3A_1 : i32 to vector<16xi32>
      %sub3A_368 = arith.subi %add3A_366, %sub3A_367 : vector<16xi32>
      %swap3A_369 = arith.index_cast %add3A_282 : i32 to index
      %swap3A_370 = arith.constant 64 : index
      %swap3A_371 = tpu.vector_load %arg9[%swap3A_369, %swap3A_370] {strides = array<i32>} : memref<88x128xi32, #tpu.memory_space<vmem>>, vector<1x16xi32>,
      %swap3A_372 = vector.shape_cast %swap3A_371 : vector<1x16xi32> to vector<16xi32>
      %swap3A_373 = vector.shape_cast %sub3A_368 : vector<16xi32> to vector<1x16xi32>
      tpu.vector_store %arg9[%swap3A_369, %swap3A_370], %swap3A_373 {strides = array<i32>} : memref<88x128xi32, #tpu.memory_space<vmem>>, vector<1x16xi32>,
      %get3A_374 = arith.index_cast %add3A_282 : i32 to index
      %get3A_375 = arith.constant 80 : index
      %get3A_376 = tpu.vector_load %arg6[%get3A_374, %get3A_375] {strides = array<i32>} : memref<88x128xi32, #tpu.memory_space<vmem>>, vector<1x16xi32>,
      %get3A_377 = vector.shape_cast %get3A_376 : vector<1x16xi32> to vector<16xi32>
      %shift_left3A_378 = arith.constant 12 : i32
      %shift_left3A_379 = vector.broadcast %shift_left3A_378 : i32 to vector<16xi32>
      %shift_left3A_380 = arith.shli %get3A_377, %shift_left3A_379 : vector<16xi32>
      %get3A_381 = arith.index_cast %add3A_282 : i32 to index
      %get3A_382 = arith.constant 80 : index
      %get3A_383 = tpu.vector_load %arg7[%get3A_381, %get3A_382] {strides = array<i32>} : memref<88x128xi32, #tpu.memory_space<vmem>>, vector<1x16xi32>,
      %get3A_384 = vector.shape_cast %get3A_383 : vector<1x16xi32> to vector<16xi32>
      %add3A_385 = arith.addi %shift_left3A_380, %get3A_384 : vector<16xi32>
      %sub3A_386 = vector.broadcast %add3A_1 : i32 to vector<16xi32>
      %sub3A_387 = arith.subi %add3A_385, %sub3A_386 : vector<16xi32>
      %swap3A_388 = arith.index_cast %add3A_282 : i32 to index
      %swap3A_389 = arith.constant 80 : index
      %swap3A_390 = tpu.vector_load %arg9[%swap3A_388, %swap3A_389] {strides = array<i32>} : memref<88x128xi32, #tpu.memory_space<vmem>>, vector<1x16xi32>,
      %swap3A_391 = vector.shape_cast %swap3A_390 : vector<1x16xi32> to vector<16xi32>
      %swap3A_392 = vector.shape_cast %sub3A_387 : vector<16xi32> to vector<1x16xi32>
      tpu.vector_store %arg9[%swap3A_388, %swap3A_389], %swap3A_392 {strides = array<i32>} : memref<88x128xi32, #tpu.memory_space<vmem>>, vector<1x16xi32>,
      %get3A_393 = arith.index_cast %add3A_282 : i32 to index
      %get3A_394 = arith.constant 96 : index
      %get3A_395 = tpu.vector_load %arg6[%get3A_393, %get3A_394] {strides = array<i32>} : memref<88x128xi32, #tpu.memory_space<vmem>>, vector<1x16xi32>,
      %get3A_396 = vector.shape_cast %get3A_395 : vector<1x16xi32> to vector<16xi32>
      %shift_left3A_397 = arith.constant 12 : i32
      %shift_left3A_398 = vector.broadcast %shift_left3A_397 : i32 to vector<16xi32>
      %shift_left3A_399 = arith.shli %get3A_396, %shift_left3A_398 : vector<16xi32>
      %get3A_400 = arith.index_cast %add3A_282 : i32 to index
      %get3A_401 = arith.constant 96 : index
      %get3A_402 = tpu.vector_load %arg7[%get3A_400, %get3A_401] {strides = array<i32>} : memref<88x128xi32, #tpu.memory_space<vmem>>, vector<1x16xi32>,
      %get3A_403 = vector.shape_cast %get3A_402 : vector<1x16xi32> to vector<16xi32>
      %add3A_404 = arith.addi %shift_left3A_399, %get3A_403 : vector<16xi32>
      %sub3A_405 = vector.broadcast %add3A_1 : i32 to vector<16xi32>
      %sub3A_406 = arith.subi %add3A_404, %sub3A_405 : vector<16xi32>
      %swap3A_407 = arith.index_cast %add3A_282 : i32 to index
      %swap3A_408 = arith.constant 96 : index
      %swap3A_409 = tpu.vector_load %arg9[%swap3A_407, %swap3A_408] {strides = array<i32>} : memref<88x128xi32, #tpu.memory_space<vmem>>, vector<1x16xi32>,
      %swap3A_410 = vector.shape_cast %swap3A_409 : vector<1x16xi32> to vector<16xi32>
      %swap3A_411 = vector.shape_cast %sub3A_406 : vector<16xi32> to vector<1x16xi32>
      tpu.vector_store %arg9[%swap3A_407, %swap3A_408], %swap3A_411 {strides = array<i32>} : memref<88x128xi32, #tpu.memory_space<vmem>>, vector<1x16xi32>,
      %get3A_412 = arith.index_cast %add3A_282 : i32 to index
      %get3A_413 = arith.constant 112 : index
      %get3A_414 = tpu.vector_load %arg6[%get3A_412, %get3A_413] {strides = array<i32>} : memref<88x128xi32, #tpu.memory_space<vmem>>, vector<1x16xi32>,
      %get3A_415 = vector.shape_cast %get3A_414 : vector<1x16xi32> to vector<16xi32>
      %shift_left3A_416 = arith.constant 12 : i32
      %shift_left3A_417 = vector.broadcast %shift_left3A_416 : i32 to vector<16xi32>
      %shift_left3A_418 = arith.shli %get3A_415, %shift_left3A_417 : vector<16xi32>
      %get3A_419 = arith.index_cast %add3A_282 : i32 to index
      %get3A_420 = arith.constant 112 : index
      %get3A_421 = tpu.vector_load %arg7[%get3A_419, %get3A_420] {strides = array<i32>} : memref<88x128xi32, #tpu.memory_space<vmem>>, vector<1x16xi32>,
      %get3A_422 = vector.shape_cast %get3A_421 : vector<1x16xi32> to vector<16xi32>
      %add3A_423 = arith.addi %shift_left3A_418, %get3A_422 : vector<16xi32>
      %sub3A_424 = vector.broadcast %add3A_1 : i32 to vector<16xi32>
      %sub3A_425 = arith.subi %add3A_423, %sub3A_424 : vector<16xi32>
      %swap3A_426 = arith.index_cast %add3A_282 : i32 to index
      %swap3A_427 = arith.constant 112 : index
      %swap3A_428 = tpu.vector_load %arg9[%swap3A_426, %swap3A_427] {strides = array<i32>} : memref<88x128xi32, #tpu.memory_space<vmem>>, vector<1x16xi32>,
      %swap3A_429 = vector.shape_cast %swap3A_428 : vector<1x16xi32> to vector<16xi32>
      %swap3A_430 = vector.shape_cast %sub3A_425 : vector<16xi32> to vector<1x16xi32>
      tpu.vector_store %arg9[%swap3A_426, %swap3A_427], %swap3A_430 {strides = array<i32>} : memref<88x128xi32, #tpu.memory_space<vmem>>, vector<1x16xi32>,
    }
    %scan3A_16 = arith.constant 88 : i32
    %mul3A_17 = arith.constant 16 : i32
    %mul3A_18 = arith.muli %arg1, %mul3A_17 : i32
    %add3A_19 = arith.constant 524288 : i32
    %add3A_20 = arith.addi %add3A_19, %mul3A_18 : i32
    %add3A_21 = vector.broadcast %add3A_20 : i32 to vector<16xi32>
    %add3A_22 = arith.addi %add3A_21, %iota3A : vector<16xi32>
    %mul3A_23 = arith.constant 32768 : i32
    %mul3A_24 = arith.muli %arg1, %mul3A_23 : i32
    %add3A_25 = arith.constant 0 : i32
    %add3A_26 = arith.addi %mul3A_24, %add3A_25 : i32
    "tpu.region"() ({
      %run_scoped3A = tpu.sem_alloc : memref<!tpu.dma_semaphore, #tpu.memory_space<semaphore_mem>>
      %dma_start3A = tpu.memref_slice %arg12[%add3A_26] : memref<524544xf32, #tpu.memory_space<vmem_shared>> -> memref<16384xf32, #tpu.memory_space<vmem_shared>>
      %dma_start3A_278 = tpu.memref_slice %arg12[%add3A_26] : memref<524544xf32, #tpu.memory_space<vmem_shared>> -> memref<16384xf32, #tpu.memory_space<vmem_shared>>
      tpu.enqueue_dma source(%arg11 : memref<16384xf32, #tpu.memory_space<vmem>>) target(%dma_start3A_278 : memref<16384xf32, #tpu.memory_space<vmem_shared>>) target_semaphore(%run_scoped3A : memref<!tpu.dma_semaphore, #tpu.memory_space<semaphore_mem>>)
      %dma_wait3A = tpu.memref_slice %arg12[%add3A_26] : memref<524544xf32, #tpu.memory_space<vmem_shared>> -> memref<16384xf32, #tpu.memory_space<vmem_shared>>
      %dma_wait3A_279 = tpu.memref_slice %arg12[%add3A_26] : memref<524544xf32, #tpu.memory_space<vmem_shared>> -> memref<16384xf32, #tpu.memory_space<vmem_shared>>
      tpu.wait_dma2 semaphore(%run_scoped3A : memref<!tpu.dma_semaphore, #tpu.memory_space<semaphore_mem>>) src(%arg11 : memref<16384xf32, #tpu.memory_space<vmem>>) dst(%dma_wait3A_279 : memref<16384xf32, #tpu.memory_space<vmem_shared>>)
      tpu.yield
    }) : () -> ()
    %mul3A_27 = arith.constant 32768 : i32
    %mul3A_28 = arith.muli %arg1, %mul3A_27 : i32
    %add3A_29 = arith.constant 16384 : i32
    %add3A_30 = arith.addi %mul3A_28, %add3A_29 : i32
    "tpu.region"() ({
      %run_scoped3A = tpu.sem_alloc : memref<!tpu.dma_semaphore, #tpu.memory_space<semaphore_mem>>
      %dma_start3A = tpu.memref_slice %arg12[%add3A_30] : memref<524544xf32, #tpu.memory_space<vmem_shared>> -> memref<16384xf32, #tpu.memory_space<vmem_shared>>
      %dma_start3A_278 = tpu.memref_slice %arg12[%add3A_30] : memref<524544xf32, #tpu.memory_space<vmem_shared>> -> memref<16384xf32, #tpu.memory_space<vmem_shared>>
      tpu.enqueue_dma source(%arg11 : memref<16384xf32, #tpu.memory_space<vmem>>) target(%dma_start3A_278 : memref<16384xf32, #tpu.memory_space<vmem_shared>>) target_semaphore(%run_scoped3A : memref<!tpu.dma_semaphore, #tpu.memory_space<semaphore_mem>>)
      %dma_wait3A = tpu.memref_slice %arg12[%add3A_30] : memref<524544xf32, #tpu.memory_space<vmem_shared>> -> memref<16384xf32, #tpu.memory_space<vmem_shared>>
      %dma_wait3A_279 = tpu.memref_slice %arg12[%add3A_30] : memref<524544xf32, #tpu.memory_space<vmem_shared>> -> memref<16384xf32, #tpu.memory_space<vmem_shared>>
      tpu.wait_dma2 semaphore(%run_scoped3A : memref<!tpu.dma_semaphore, #tpu.memory_space<semaphore_mem>>) src(%arg11 : memref<16384xf32, #tpu.memory_space<vmem>>) dst(%dma_wait3A_279 : memref<16384xf32, #tpu.memory_space<vmem_shared>>)
      tpu.yield
    }) : () -> ()
    %scan3A_31 = arith.constant 0 : i32
    %scan3A_32 = arith.constant 88 : i32
    %scan3A_33 = arith.addi %scan3A_31, %scan3A_32 : i32
    %scan3A_34 = arith.constant 1 : i32
    scf.for %scan3A_278 = %scan3A_31 to %scan3A_33 step %scan3A_34  : i32 {
      %mul3A_279 = arith.constant 1 : i32
      %mul3A_280 = arith.muli %scan3A_278, %mul3A_279 : i32
      %add3A_281 = arith.constant 0 : i32
      %add3A_282 = arith.addi %add3A_281, %mul3A_280 : i32
      %get3A = arith.index_cast %add3A_282 : i32 to index
      %get3A_283 = arith.constant 0 : index
      %get3A_284 = tpu.vector_load %arg9[%get3A, %get3A_283] {strides = array<i32>} : memref<88x128xi32, #tpu.memory_space<vmem>>, vector<1x16xi32>,
      %get3A_285 = vector.shape_cast %get3A_284 : vector<1x16xi32> to vector<16xi32>
      %sub3A = arith.constant 0 : i32
      %sub3A_286 = vector.broadcast %sub3A : i32 to vector<16xi32>
      %sub3A_287 = arith.subi %get3A_285, %sub3A_286 : vector<16xi32>
      %lt3A = arith.constant 524288 : i32
      %lt3A_288 = vector.broadcast %lt3A : i32 to vector<16xi32>
      %lt3A_289 = arith.cmpi ult, %sub3A_287, %lt3A_288 : vector<16xi32>
      %select_n3A = arith.select %lt3A_289, %sub3A_287, %add3A_22 : vector<16xi1>, vector<16xi32>
      %swap3A = arith.index_cast %add3A_282 : i32 to index
      %swap3A_290 = arith.constant 0 : index
      %swap3A_291 = tpu.vector_load %arg10[%swap3A, %swap3A_290] {strides = array<i32>} : memref<88x128xi32, #tpu.memory_space<vmem>>, vector<1x16xi32>,
      %swap3A_292 = vector.shape_cast %swap3A_291 : vector<1x16xi32> to vector<16xi32>
      %swap3A_293 = vector.shape_cast %select_n3A : vector<16xi32> to vector<1x16xi32>
      tpu.vector_store %arg10[%swap3A, %swap3A_290], %swap3A_293 {strides = array<i32>} : memref<88x128xi32, #tpu.memory_space<vmem>>, vector<1x16xi32>,
      %get3A_294 = arith.index_cast %add3A_282 : i32 to index
      %get3A_295 = arith.constant 16 : index
      %get3A_296 = tpu.vector_load %arg9[%get3A_294, %get3A_295] {strides = array<i32>} : memref<88x128xi32, #tpu.memory_space<vmem>>, vector<1x16xi32>,
      %get3A_297 = vector.shape_cast %get3A_296 : vector<1x16xi32> to vector<16xi32>
      %sub3A_298 = arith.constant 0 : i32
      %sub3A_299 = vector.broadcast %sub3A_298 : i32 to vector<16xi32>
      %sub3A_300 = arith.subi %get3A_297, %sub3A_299 : vector<16xi32>
      %lt3A_301 = arith.constant 524288 : i32
      %lt3A_302 = vector.broadcast %lt3A_301 : i32 to vector<16xi32>
      %lt3A_303 = arith.cmpi ult, %sub3A_300, %lt3A_302 : vector<16xi32>
      %select_n3A_304 = arith.select %lt3A_303, %sub3A_300, %add3A_22 : vector<16xi1>, vector<16xi32>
      %swap3A_305 = arith.index_cast %add3A_282 : i32 to index
      %swap3A_306 = arith.constant 16 : index
      %swap3A_307 = tpu.vector_load %arg10[%swap3A_305, %swap3A_306] {strides = array<i32>} : memref<88x128xi32, #tpu.memory_space<vmem>>, vector<1x16xi32>,
      %swap3A_308 = vector.shape_cast %swap3A_307 : vector<1x16xi32> to vector<16xi32>
      %swap3A_309 = vector.shape_cast %select_n3A_304 : vector<16xi32> to vector<1x16xi32>
      tpu.vector_store %arg10[%swap3A_305, %swap3A_306], %swap3A_309 {strides = array<i32>} : memref<88x128xi32, #tpu.memory_space<vmem>>, vector<1x16xi32>,
      %get3A_310 = arith.index_cast %add3A_282 : i32 to index
      %get3A_311 = arith.constant 32 : index
      %get3A_312 = tpu.vector_load %arg9[%get3A_310, %get3A_311] {strides = array<i32>} : memref<88x128xi32, #tpu.memory_space<vmem>>, vector<1x16xi32>,
      %get3A_313 = vector.shape_cast %get3A_312 : vector<1x16xi32> to vector<16xi32>
      %sub3A_314 = arith.constant 0 : i32
      %sub3A_315 = vector.broadcast %sub3A_314 : i32 to vector<16xi32>
      %sub3A_316 = arith.subi %get3A_313, %sub3A_315 : vector<16xi32>
      %lt3A_317 = arith.constant 524288 : i32
      %lt3A_318 = vector.broadcast %lt3A_317 : i32 to vector<16xi32>
      %lt3A_319 = arith.cmpi ult, %sub3A_316, %lt3A_318 : vector<16xi32>
      %select_n3A_320 = arith.select %lt3A_319, %sub3A_316, %add3A_22 : vector<16xi1>, vector<16xi32>
      %swap3A_321 = arith.index_cast %add3A_282 : i32 to index
      %swap3A_322 = arith.constant 32 : index
      %swap3A_323 = tpu.vector_load %arg10[%swap3A_321, %swap3A_322] {strides = array<i32>} : memref<88x128xi32, #tpu.memory_space<vmem>>, vector<1x16xi32>,
      %swap3A_324 = vector.shape_cast %swap3A_323 : vector<1x16xi32> to vector<16xi32>
      %swap3A_325 = vector.shape_cast %select_n3A_320 : vector<16xi32> to vector<1x16xi32>
      tpu.vector_store %arg10[%swap3A_321, %swap3A_322], %swap3A_325 {strides = array<i32>} : memref<88x128xi32, #tpu.memory_space<vmem>>, vector<1x16xi32>,
      %get3A_326 = arith.index_cast %add3A_282 : i32 to index
      %get3A_327 = arith.constant 48 : index
      %get3A_328 = tpu.vector_load %arg9[%get3A_326, %get3A_327] {strides = array<i32>} : memref<88x128xi32, #tpu.memory_space<vmem>>, vector<1x16xi32>,
      %get3A_329 = vector.shape_cast %get3A_328 : vector<1x16xi32> to vector<16xi32>
      %sub3A_330 = arith.constant 0 : i32
      %sub3A_331 = vector.broadcast %sub3A_330 : i32 to vector<16xi32>
      %sub3A_332 = arith.subi %get3A_329, %sub3A_331 : vector<16xi32>
      %lt3A_333 = arith.constant 524288 : i32
      %lt3A_334 = vector.broadcast %lt3A_333 : i32 to vector<16xi32>
      %lt3A_335 = arith.cmpi ult, %sub3A_332, %lt3A_334 : vector<16xi32>
      %select_n3A_336 = arith.select %lt3A_335, %sub3A_332, %add3A_22 : vector<16xi1>, vector<16xi32>
      %swap3A_337 = arith.index_cast %add3A_282 : i32 to index
      %swap3A_338 = arith.constant 48 : index
      %swap3A_339 = tpu.vector_load %arg10[%swap3A_337, %swap3A_338] {strides = array<i32>} : memref<88x128xi32, #tpu.memory_space<vmem>>, vector<1x16xi32>,
      %swap3A_340 = vector.shape_cast %swap3A_339 : vector<1x16xi32> to vector<16xi32>
      %swap3A_341 = vector.shape_cast %select_n3A_336 : vector<16xi32> to vector<1x16xi32>
      tpu.vector_store %arg10[%swap3A_337, %swap3A_338], %swap3A_341 {strides = array<i32>} : memref<88x128xi32, #tpu.memory_space<vmem>>, vector<1x16xi32>,
      %get3A_342 = arith.index_cast %add3A_282 : i32 to index
      %get3A_343 = arith.constant 64 : index
      %get3A_344 = tpu.vector_load %arg9[%get3A_342, %get3A_343] {strides = array<i32>} : memref<88x128xi32, #tpu.memory_space<vmem>>, vector<1x16xi32>,
      %get3A_345 = vector.shape_cast %get3A_344 : vector<1x16xi32> to vector<16xi32>
      %sub3A_346 = arith.constant 0 : i32
      %sub3A_347 = vector.broadcast %sub3A_346 : i32 to vector<16xi32>
      %sub3A_348 = arith.subi %get3A_345, %sub3A_347 : vector<16xi32>
      %lt3A_349 = arith.constant 524288 : i32
      %lt3A_350 = vector.broadcast %lt3A_349 : i32 to vector<16xi32>
      %lt3A_351 = arith.cmpi ult, %sub3A_348, %lt3A_350 : vector<16xi32>
      %select_n3A_352 = arith.select %lt3A_351, %sub3A_348, %add3A_22 : vector<16xi1>, vector<16xi32>
      %swap3A_353 = arith.index_cast %add3A_282 : i32 to index
      %swap3A_354 = arith.constant 64 : index
      %swap3A_355 = tpu.vector_load %arg10[%swap3A_353, %swap3A_354] {strides = array<i32>} : memref<88x128xi32, #tpu.memory_space<vmem>>, vector<1x16xi32>,
      %swap3A_356 = vector.shape_cast %swap3A_355 : vector<1x16xi32> to vector<16xi32>
      %swap3A_357 = vector.shape_cast %select_n3A_352 : vector<16xi32> to vector<1x16xi32>
      tpu.vector_store %arg10[%swap3A_353, %swap3A_354], %swap3A_357 {strides = array<i32>} : memref<88x128xi32, #tpu.memory_space<vmem>>, vector<1x16xi32>,
      %get3A_358 = arith.index_cast %add3A_282 : i32 to index
      %get3A_359 = arith.constant 80 : index
      %get3A_360 = tpu.vector_load %arg9[%get3A_358, %get3A_359] {strides = array<i32>} : memref<88x128xi32, #tpu.memory_space<vmem>>, vector<1x16xi32>,
      %get3A_361 = vector.shape_cast %get3A_360 : vector<1x16xi32> to vector<16xi32>
      %sub3A_362 = arith.constant 0 : i32
      %sub3A_363 = vector.broadcast %sub3A_362 : i32 to vector<16xi32>
      %sub3A_364 = arith.subi %get3A_361, %sub3A_363 : vector<16xi32>
      %lt3A_365 = arith.constant 524288 : i32
      %lt3A_366 = vector.broadcast %lt3A_365 : i32 to vector<16xi32>
      %lt3A_367 = arith.cmpi ult, %sub3A_364, %lt3A_366 : vector<16xi32>
      %select_n3A_368 = arith.select %lt3A_367, %sub3A_364, %add3A_22 : vector<16xi1>, vector<16xi32>
      %swap3A_369 = arith.index_cast %add3A_282 : i32 to index
      %swap3A_370 = arith.constant 80 : index
      %swap3A_371 = tpu.vector_load %arg10[%swap3A_369, %swap3A_370] {strides = array<i32>} : memref<88x128xi32, #tpu.memory_space<vmem>>, vector<1x16xi32>,
      %swap3A_372 = vector.shape_cast %swap3A_371 : vector<1x16xi32> to vector<16xi32>
      %swap3A_373 = vector.shape_cast %select_n3A_368 : vector<16xi32> to vector<1x16xi32>
      tpu.vector_store %arg10[%swap3A_369, %swap3A_370], %swap3A_373 {strides = array<i32>} : memref<88x128xi32, #tpu.memory_space<vmem>>, vector<1x16xi32>,
      %get3A_374 = arith.index_cast %add3A_282 : i32 to index
      %get3A_375 = arith.constant 96 : index
      %get3A_376 = tpu.vector_load %arg9[%get3A_374, %get3A_375] {strides = array<i32>} : memref<88x128xi32, #tpu.memory_space<vmem>>, vector<1x16xi32>,
      %get3A_377 = vector.shape_cast %get3A_376 : vector<1x16xi32> to vector<16xi32>
      %sub3A_378 = arith.constant 0 : i32
      %sub3A_379 = vector.broadcast %sub3A_378 : i32 to vector<16xi32>
      %sub3A_380 = arith.subi %get3A_377, %sub3A_379 : vector<16xi32>
      %lt3A_381 = arith.constant 524288 : i32
      %lt3A_382 = vector.broadcast %lt3A_381 : i32 to vector<16xi32>
      %lt3A_383 = arith.cmpi ult, %sub3A_380, %lt3A_382 : vector<16xi32>
      %select_n3A_384 = arith.select %lt3A_383, %sub3A_380, %add3A_22 : vector<16xi1>, vector<16xi32>
      %swap3A_385 = arith.index_cast %add3A_282 : i32 to index
      %swap3A_386 = arith.constant 96 : index
      %swap3A_387 = tpu.vector_load %arg10[%swap3A_385, %swap3A_386] {strides = array<i32>} : memref<88x128xi32, #tpu.memory_space<vmem>>, vector<1x16xi32>,
      %swap3A_388 = vector.shape_cast %swap3A_387 : vector<1x16xi32> to vector<16xi32>
      %swap3A_389 = vector.shape_cast %select_n3A_384 : vector<16xi32> to vector<1x16xi32>
      tpu.vector_store %arg10[%swap3A_385, %swap3A_386], %swap3A_389 {strides = array<i32>} : memref<88x128xi32, #tpu.memory_space<vmem>>, vector<1x16xi32>,
      %get3A_390 = arith.index_cast %add3A_282 : i32 to index
      %get3A_391 = arith.constant 112 : index
      %get3A_392 = tpu.vector_load %arg9[%get3A_390, %get3A_391] {strides = array<i32>} : memref<88x128xi32, #tpu.memory_space<vmem>>, vector<1x16xi32>,
      %get3A_393 = vector.shape_cast %get3A_392 : vector<1x16xi32> to vector<16xi32>
      %sub3A_394 = arith.constant 0 : i32
      %sub3A_395 = vector.broadcast %sub3A_394 : i32 to vector<16xi32>
      %sub3A_396 = arith.subi %get3A_393, %sub3A_395 : vector<16xi32>
      %lt3A_397 = arith.constant 524288 : i32
      %lt3A_398 = vector.broadcast %lt3A_397 : i32 to vector<16xi32>
      %lt3A_399 = arith.cmpi ult, %sub3A_396, %lt3A_398 : vector<16xi32>
      %select_n3A_400 = arith.select %lt3A_399, %sub3A_396, %add3A_22 : vector<16xi1>, vector<16xi32>
      %swap3A_401 = arith.index_cast %add3A_282 : i32 to index
      %swap3A_402 = arith.constant 112 : index
      %swap3A_403 = tpu.vector_load %arg10[%swap3A_401, %swap3A_402] {strides = array<i32>} : memref<88x128xi32, #tpu.memory_space<vmem>>, vector<1x16xi32>,
      %swap3A_404 = vector.shape_cast %swap3A_403 : vector<1x16xi32> to vector<16xi32>
      %swap3A_405 = vector.shape_cast %select_n3A_400 : vector<16xi32> to vector<1x16xi32>
      tpu.vector_store %arg10[%swap3A_401, %swap3A_402], %swap3A_405 {strides = array<i32>} : memref<88x128xi32, #tpu.memory_space<vmem>>, vector<1x16xi32>,
    }
    %scan3A_35 = arith.constant 88 : i32
    %barrier3A = arith.constant 0 : index
    tpu.barrier barrier_id(%barrier3A)
    %scan3A_36 = arith.constant 0 : i32
    %scan3A_37 = arith.constant 88 : i32
    %scan3A_38 = arith.addi %scan3A_36, %scan3A_37 : i32
    %scan3A_39 = arith.constant 1 : i32
    scf.for %scan3A_278 = %scan3A_36 to %scan3A_38 step %scan3A_39  : i32 {
      %mul3A_279 = arith.constant 1 : i32
      %mul3A_280 = arith.muli %scan3A_278, %mul3A_279 : i32
      %add3A_281 = arith.constant 0 : i32
      %add3A_282 = arith.addi %add3A_281, %mul3A_280 : i32
      %mul3A_283 = arith.constant 128 : i32
      %mul3A_284 = arith.muli %add3A_282, %mul3A_283 : i32
      %dma_start3A = tpu.memref_slice %arg8[%mul3A_284] : memref<11264xf32, #tpu.memory_space<vmem>> -> memref<128xf32, #tpu.memory_space<vmem>>
      %dma_start3A_285 = arith.constant 0 : i32
      %dma_start3A_286 = tpu.memref_slice %arg10[%add3A_282, %dma_start3A_285] : memref<88x128xi32, #tpu.memory_space<vmem>> -> memref<1x128xi32, #tpu.memory_space<vmem>>
      %dma_start3A_287 = tpu.memref_squeeze %dma_start3A_286 : memref<1x128xi32, #tpu.memory_space<vmem>> -> memref<128xi32, #tpu.memory_space<vmem>>
      %dma_start3A_288 = arith.constant 0 : i32
      %dma_start3A_289 = tpu.memref_slice %arg12[%dma_start3A_288] : memref<524544xf32, #tpu.memory_space<vmem_shared>> -> memref<524544xf32, #tpu.memory_space<vmem_shared>>
      tpu.enqueue_indirect_dma source(%dma_start3A : memref<128xf32, #tpu.memory_space<vmem>>) target(%dma_start3A_289 : memref<524544xf32, #tpu.memory_space<vmem_shared>>) offsets(%dma_start3A_287 : memref<128xi32, #tpu.memory_space<vmem>>) semaphore(%arg13 : memref<!tpu.dma_semaphore, #tpu.memory_space<semaphore_mem>>) {add = true}
    }
    %scan3A_40 = arith.constant 88 : i32
    %scan3A_41 = arith.constant 0 : i32
    %scan3A_42 = arith.constant 88 : i32
    %scan3A_43 = arith.addi %scan3A_41, %scan3A_42 : i32
    %scan3A_44 = arith.constant 1 : i32
    scf.for %scan3A_278 = %scan3A_41 to %scan3A_43 step %scan3A_44  : i32 {
      %mul3A_279 = arith.constant 1 : i32
      %mul3A_280 = arith.muli %scan3A_278, %mul3A_279 : i32
      %add3A_281 = arith.constant 0 : i32
      %add3A_282 = arith.addi %add3A_281, %mul3A_280 : i32
      %dma_wait3A = arith.constant 0 : i32
      %dma_wait3A_283 = arith.constant 0 : i32
      %dma_wait3A_284 = tpu.memref_slice %arg8[%dma_wait3A_283] : memref<11264xf32, #tpu.memory_space<vmem>> -> memref<128xf32, #tpu.memory_space<vmem>>
      %dma_wait3A_285 = arith.constant 0 : i32
      %dma_wait3A_286 = tpu.memref_slice %arg10[%dma_wait3A, %dma_wait3A_285] : memref<88x128xi32, #tpu.memory_space<vmem>> -> memref<1x128xi32, #tpu.memory_space<vmem>>
      %dma_wait3A_287 = tpu.memref_squeeze %dma_wait3A_286 : memref<1x128xi32, #tpu.memory_space<vmem>> -> memref<128xi32, #tpu.memory_space<vmem>>
      %dma_wait3A_288 = arith.constant 0 : i32
      %dma_wait3A_289 = tpu.memref_slice %arg12[%dma_wait3A_288] : memref<524544xf32, #tpu.memory_space<vmem_shared>> -> memref<524544xf32, #tpu.memory_space<vmem_shared>>
      tpu.wait_indirect_dma semaphore(%arg13 : memref<!tpu.dma_semaphore, #tpu.memory_space<semaphore_mem>>) src(%dma_wait3A_284 : memref<128xf32, #tpu.memory_space<vmem>>) dst(%dma_wait3A_289 : memref<524544xf32, #tpu.memory_space<vmem_shared>>)
    }
    %scan3A_45 = arith.constant 88 : i32
    %barrier3A_46 = arith.constant 0 : index
    tpu.barrier barrier_id(%barrier3A_46)
    %add3A_47 = arith.constant 0 : i32
    %add3A_48 = arith.addi %add3A_1, %add3A_47 : i32
    %mul3A_49 = arith.constant 32768 : i32
    %mul3A_50 = arith.muli %arg1, %mul3A_49 : i32
    %add3A_51 = arith.addi %add3A_48, %mul3A_50 : i32
    %mul3A_52 = arith.constant 32768 : i32
    %mul3A_53 = arith.muli %arg1, %mul3A_52 : i32
    "tpu.region"() ({
      %run_scoped3A = tpu.sem_alloc : memref<!tpu.dma_semaphore, #tpu.memory_space<semaphore_mem>>
      %dma_start3A = tpu.memref_slice %arg5[%add3A_51] : memref<8388608xf32, #tpu.memory_space<hbm>> -> memref<32768xf32, #tpu.memory_space<hbm>>
      %dma_start3A_278 = tpu.memref_slice %arg12[%mul3A_53] : memref<524544xf32, #tpu.memory_space<vmem_shared>> -> memref<32768xf32, #tpu.memory_space<vmem_shared>>
      tpu.enqueue_dma source(%dma_start3A_278 : memref<32768xf32, #tpu.memory_space<vmem_shared>>) target(%dma_start3A : memref<32768xf32, #tpu.memory_space<hbm>>) target_semaphore(%run_scoped3A : memref<!tpu.dma_semaphore, #tpu.memory_space<semaphore_mem>>)
      %dma_wait3A = tpu.memref_slice %arg5[%add3A_51] : memref<8388608xf32, #tpu.memory_space<hbm>> -> memref<32768xf32, #tpu.memory_space<hbm>>
      %dma_wait3A_279 = tpu.memref_slice %arg12[%mul3A_53] : memref<524544xf32, #tpu.memory_space<vmem_shared>> -> memref<32768xf32, #tpu.memory_space<vmem_shared>>
      tpu.wait_dma2 semaphore(%run_scoped3A : memref<!tpu.dma_semaphore, #tpu.memory_space<semaphore_mem>>) src(%dma_wait3A_279 : memref<32768xf32, #tpu.memory_space<vmem_shared>>) dst(%dma_wait3A : memref<32768xf32, #tpu.memory_space<hbm>>)
      tpu.yield
    }) : () -> ()
    %mul3A_54 = arith.constant 32768 : i32
    %mul3A_55 = arith.muli %arg1, %mul3A_54 : i32
    %add3A_56 = arith.constant 0 : i32
    %add3A_57 = arith.addi %mul3A_55, %add3A_56 : i32
    "tpu.region"() ({
      %run_scoped3A = tpu.sem_alloc : memref<!tpu.dma_semaphore, #tpu.memory_space<semaphore_mem>>
      %dma_start3A = tpu.memref_slice %arg12[%add3A_57] : memref<524544xf32, #tpu.memory_space<vmem_shared>> -> memref<16384xf32, #tpu.memory_space<vmem_shared>>
      %dma_start3A_278 = tpu.memref_slice %arg12[%add3A_57] : memref<524544xf32, #tpu.memory_space<vmem_shared>> -> memref<16384xf32, #tpu.memory_space<vmem_shared>>
      tpu.enqueue_dma source(%arg11 : memref<16384xf32, #tpu.memory_space<vmem>>) target(%dma_start3A_278 : memref<16384xf32, #tpu.memory_space<vmem_shared>>) target_semaphore(%run_scoped3A : memref<!tpu.dma_semaphore, #tpu.memory_space<semaphore_mem>>)
      %dma_wait3A = tpu.memref_slice %arg12[%add3A_57] : memref<524544xf32, #tpu.memory_space<vmem_shared>> -> memref<16384xf32, #tpu.memory_space<vmem_shared>>
      %dma_wait3A_279 = tpu.memref_slice %arg12[%add3A_57] : memref<524544xf32, #tpu.memory_space<vmem_shared>> -> memref<16384xf32, #tpu.memory_space<vmem_shared>>
      tpu.wait_dma2 semaphore(%run_scoped3A : memref<!tpu.dma_semaphore, #tpu.memory_space<semaphore_mem>>) src(%arg11 : memref<16384xf32, #tpu.memory_space<vmem>>) dst(%dma_wait3A_279 : memref<16384xf32, #tpu.memory_space<vmem_shared>>)
      tpu.yield
    }) : () -> ()
    %mul3A_58 = arith.constant 32768 : i32
    %mul3A_59 = arith.muli %arg1, %mul3A_58 : i32
    %add3A_60 = arith.constant 16384 : i32
    %add3A_61 = arith.addi %mul3A_59, %add3A_60 : i32
    "tpu.region"() ({
      %run_scoped3A = tpu.sem_alloc : memref<!tpu.dma_semaphore, #tpu.memory_space<semaphore_mem>>
      %dma_start3A = tpu.memref_slice %arg12[%add3A_61] : memref<524544xf32, #tpu.memory_space<vmem_shared>> -> memref<16384xf32, #tpu.memory_space<vmem_shared>>
      %dma_start3A_278 = tpu.memref_slice %arg12[%add3A_61] : memref<524544xf32, #tpu.memory_space<vmem_shared>> -> memref<16384xf32, #tpu.memory_space<vmem_shared>>
      tpu.enqueue_dma source(%arg11 : memref<16384xf32, #tpu.memory_space<vmem>>) target(%dma_start3A_278 : memref<16384xf32, #tpu.memory_space<vmem_shared>>) target_semaphore(%run_scoped3A : memref<!tpu.dma_semaphore, #tpu.memory_space<semaphore_mem>>)
      %dma_wait3A = tpu.memref_slice %arg12[%add3A_61] : memref<524544xf32, #tpu.memory_space<vmem_shared>> -> memref<16384xf32, #tpu.memory_space<vmem_shared>>
      %dma_wait3A_279 = tpu.memref_slice %arg12[%add3A_61] : memref<524544xf32, #tpu.memory_space<vmem_shared>> -> memref<16384xf32, #tpu.memory_space<vmem_shared>>
      tpu.wait_dma2 semaphore(%run_scoped3A : memref<!tpu.dma_semaphore, #tpu.memory_space<semaphore_mem>>) src(%arg11 : memref<16384xf32, #tpu.memory_space<vmem>>) dst(%dma_wait3A_279 : memref<16384xf32, #tpu.memory_space<vmem_shared>>)
      tpu.yield
    }) : () -> ()
    %scan3A_62 = arith.constant 0 : i32
    %scan3A_63 = arith.constant 88 : i32
    %scan3A_64 = arith.addi %scan3A_62, %scan3A_63 : i32
    %scan3A_65 = arith.constant 1 : i32
    scf.for %scan3A_278 = %scan3A_62 to %scan3A_64 step %scan3A_65  : i32 {
      %mul3A_279 = arith.constant 1 : i32
      %mul3A_280 = arith.muli %scan3A_278, %mul3A_279 : i32
      %add3A_281 = arith.constant 0 : i32
      %add3A_282 = arith.addi %add3A_281, %mul3A_280 : i32
      %get3A = arith.index_cast %add3A_282 : i32 to index
      %get3A_283 = arith.constant 0 : index
      %get3A_284 = tpu.vector_load %arg9[%get3A, %get3A_283] {strides = array<i32>} : memref<88x128xi32, #tpu.memory_space<vmem>>, vector<1x16xi32>,
      %get3A_285 = vector.shape_cast %get3A_284 : vector<1x16xi32> to vector<16xi32>
      %sub3A = arith.constant 524288 : i32
      %sub3A_286 = vector.broadcast %sub3A : i32 to vector<16xi32>
      %sub3A_287 = arith.subi %get3A_285, %sub3A_286 : vector<16xi32>
      %lt3A = arith.constant 524288 : i32
      %lt3A_288 = vector.broadcast %lt3A : i32 to vector<16xi32>
      %lt3A_289 = arith.cmpi ult, %sub3A_287, %lt3A_288 : vector<16xi32>
      %select_n3A = arith.select %lt3A_289, %sub3A_287, %add3A_22 : vector<16xi1>, vector<16xi32>
      %swap3A = arith.index_cast %add3A_282 : i32 to index
      %swap3A_290 = arith.constant 0 : index
      %swap3A_291 = tpu.vector_load %arg10[%swap3A, %swap3A_290] {strides = array<i32>} : memref<88x128xi32, #tpu.memory_space<vmem>>, vector<1x16xi32>,
      %swap3A_292 = vector.shape_cast %swap3A_291 : vector<1x16xi32> to vector<16xi32>
      %swap3A_293 = vector.shape_cast %select_n3A : vector<16xi32> to vector<1x16xi32>
      tpu.vector_store %arg10[%swap3A, %swap3A_290], %swap3A_293 {strides = array<i32>} : memref<88x128xi32, #tpu.memory_space<vmem>>, vector<1x16xi32>,
      %get3A_294 = arith.index_cast %add3A_282 : i32 to index
      %get3A_295 = arith.constant 16 : index
      %get3A_296 = tpu.vector_load %arg9[%get3A_294, %get3A_295] {strides = array<i32>} : memref<88x128xi32, #tpu.memory_space<vmem>>, vector<1x16xi32>,
      %get3A_297 = vector.shape_cast %get3A_296 : vector<1x16xi32> to vector<16xi32>
      %sub3A_298 = arith.constant 524288 : i32
      %sub3A_299 = vector.broadcast %sub3A_298 : i32 to vector<16xi32>
      %sub3A_300 = arith.subi %get3A_297, %sub3A_299 : vector<16xi32>
      %lt3A_301 = arith.constant 524288 : i32
      %lt3A_302 = vector.broadcast %lt3A_301 : i32 to vector<16xi32>
      %lt3A_303 = arith.cmpi ult, %sub3A_300, %lt3A_302 : vector<16xi32>
      %select_n3A_304 = arith.select %lt3A_303, %sub3A_300, %add3A_22 : vector<16xi1>, vector<16xi32>
      %swap3A_305 = arith.index_cast %add3A_282 : i32 to index
      %swap3A_306 = arith.constant 16 : index
      %swap3A_307 = tpu.vector_load %arg10[%swap3A_305, %swap3A_306] {strides = array<i32>} : memref<88x128xi32, #tpu.memory_space<vmem>>, vector<1x16xi32>,
      %swap3A_308 = vector.shape_cast %swap3A_307 : vector<1x16xi32> to vector<16xi32>
      %swap3A_309 = vector.shape_cast %select_n3A_304 : vector<16xi32> to vector<1x16xi32>
      tpu.vector_store %arg10[%swap3A_305, %swap3A_306], %swap3A_309 {strides = array<i32>} : memref<88x128xi32, #tpu.memory_space<vmem>>, vector<1x16xi32>,
      %get3A_310 = arith.index_cast %add3A_282 : i32 to index
      %get3A_311 = arith.constant 32 : index
      %get3A_312 = tpu.vector_load %arg9[%get3A_310, %get3A_311] {strides = array<i32>} : memref<88x128xi32, #tpu.memory_space<vmem>>, vector<1x16xi32>,
      %get3A_313 = vector.shape_cast %get3A_312 : vector<1x16xi32> to vector<16xi32>
      %sub3A_314 = arith.constant 524288 : i32
      %sub3A_315 = vector.broadcast %sub3A_314 : i32 to vector<16xi32>
      %sub3A_316 = arith.subi %get3A_313, %sub3A_315 : vector<16xi32>
      %lt3A_317 = arith.constant 524288 : i32
      %lt3A_318 = vector.broadcast %lt3A_317 : i32 to vector<16xi32>
      %lt3A_319 = arith.cmpi ult, %sub3A_316, %lt3A_318 : vector<16xi32>
      %select_n3A_320 = arith.select %lt3A_319, %sub3A_316, %add3A_22 : vector<16xi1>, vector<16xi32>
      %swap3A_321 = arith.index_cast %add3A_282 : i32 to index
      %swap3A_322 = arith.constant 32 : index
      %swap3A_323 = tpu.vector_load %arg10[%swap3A_321, %swap3A_322] {strides = array<i32>} : memref<88x128xi32, #tpu.memory_space<vmem>>, vector<1x16xi32>,
      %swap3A_324 = vector.shape_cast %swap3A_323 : vector<1x16xi32> to vector<16xi32>
      %swap3A_325 = vector.shape_cast %select_n3A_320 : vector<16xi32> to vector<1x16xi32>
      tpu.vector_store %arg10[%swap3A_321, %swap3A_322], %swap3A_325 {strides = array<i32>} : memref<88x128xi32, #tpu.memory_space<vmem>>, vector<1x16xi32>,
      %get3A_326 = arith.index_cast %add3A_282 : i32 to index
      %get3A_327 = arith.constant 48 : index
      %get3A_328 = tpu.vector_load %arg9[%get3A_326, %get3A_327] {strides = array<i32>} : memref<88x128xi32, #tpu.memory_space<vmem>>, vector<1x16xi32>,
      %get3A_329 = vector.shape_cast %get3A_328 : vector<1x16xi32> to vector<16xi32>
      %sub3A_330 = arith.constant 524288 : i32
      %sub3A_331 = vector.broadcast %sub3A_330 : i32 to vector<16xi32>
      %sub3A_332 = arith.subi %get3A_329, %sub3A_331 : vector<16xi32>
      %lt3A_333 = arith.constant 524288 : i32
      %lt3A_334 = vector.broadcast %lt3A_333 : i32 to vector<16xi32>
      %lt3A_335 = arith.cmpi ult, %sub3A_332, %lt3A_334 : vector<16xi32>
      %select_n3A_336 = arith.select %lt3A_335, %sub3A_332, %add3A_22 : vector<16xi1>, vector<16xi32>
      %swap3A_337 = arith.index_cast %add3A_282 : i32 to index
      %swap3A_338 = arith.constant 48 : index
      %swap3A_339 = tpu.vector_load %arg10[%swap3A_337, %swap3A_338] {strides = array<i32>} : memref<88x128xi32, #tpu.memory_space<vmem>>, vector<1x16xi32>,
      %swap3A_340 = vector.shape_cast %swap3A_339 : vector<1x16xi32> to vector<16xi32>
      %swap3A_341 = vector.shape_cast %select_n3A_336 : vector<16xi32> to vector<1x16xi32>
      tpu.vector_store %arg10[%swap3A_337, %swap3A_338], %swap3A_341 {strides = array<i32>} : memref<88x128xi32, #tpu.memory_space<vmem>>, vector<1x16xi32>,
      %get3A_342 = arith.index_cast %add3A_282 : i32 to index
      %get3A_343 = arith.constant 64 : index
      %get3A_344 = tpu.vector_load %arg9[%get3A_342, %get3A_343] {strides = array<i32>} : memref<88x128xi32, #tpu.memory_space<vmem>>, vector<1x16xi32>,
      %get3A_345 = vector.shape_cast %get3A_344 : vector<1x16xi32> to vector<16xi32>
      %sub3A_346 = arith.constant 524288 : i32
      %sub3A_347 = vector.broadcast %sub3A_346 : i32 to vector<16xi32>
      %sub3A_348 = arith.subi %get3A_345, %sub3A_347 : vector<16xi32>
      %lt3A_349 = arith.constant 524288 : i32
      %lt3A_350 = vector.broadcast %lt3A_349 : i32 to vector<16xi32>
      %lt3A_351 = arith.cmpi ult, %sub3A_348, %lt3A_350 : vector<16xi32>
      %select_n3A_352 = arith.select %lt3A_351, %sub3A_348, %add3A_22 : vector<16xi1>, vector<16xi32>
      %swap3A_353 = arith.index_cast %add3A_282 : i32 to index
      %swap3A_354 = arith.constant 64 : index
      %swap3A_355 = tpu.vector_load %arg10[%swap3A_353, %swap3A_354] {strides = array<i32>} : memref<88x128xi32, #tpu.memory_space<vmem>>, vector<1x16xi32>,
      %swap3A_356 = vector.shape_cast %swap3A_355 : vector<1x16xi32> to vector<16xi32>
      %swap3A_357 = vector.shape_cast %select_n3A_352 : vector<16xi32> to vector<1x16xi32>
      tpu.vector_store %arg10[%swap3A_353, %swap3A_354], %swap3A_357 {strides = array<i32>} : memref<88x128xi32, #tpu.memory_space<vmem>>, vector<1x16xi32>,
      %get3A_358 = arith.index_cast %add3A_282 : i32 to index
      %get3A_359 = arith.constant 80 : index
      %get3A_360 = tpu.vector_load %arg9[%get3A_358, %get3A_359] {strides = array<i32>} : memref<88x128xi32, #tpu.memory_space<vmem>>, vector<1x16xi32>,
      %get3A_361 = vector.shape_cast %get3A_360 : vector<1x16xi32> to vector<16xi32>
      %sub3A_362 = arith.constant 524288 : i32
      %sub3A_363 = vector.broadcast %sub3A_362 : i32 to vector<16xi32>
      %sub3A_364 = arith.subi %get3A_361, %sub3A_363 : vector<16xi32>
      %lt3A_365 = arith.constant 524288 : i32
      %lt3A_366 = vector.broadcast %lt3A_365 : i32 to vector<16xi32>
      %lt3A_367 = arith.cmpi ult, %sub3A_364, %lt3A_366 : vector<16xi32>
      %select_n3A_368 = arith.select %lt3A_367, %sub3A_364, %add3A_22 : vector<16xi1>, vector<16xi32>
      %swap3A_369 = arith.index_cast %add3A_282 : i32 to index
      %swap3A_370 = arith.constant 80 : index
      %swap3A_371 = tpu.vector_load %arg10[%swap3A_369, %swap3A_370] {strides = array<i32>} : memref<88x128xi32, #tpu.memory_space<vmem>>, vector<1x16xi32>,
      %swap3A_372 = vector.shape_cast %swap3A_371 : vector<1x16xi32> to vector<16xi32>
      %swap3A_373 = vector.shape_cast %select_n3A_368 : vector<16xi32> to vector<1x16xi32>
      tpu.vector_store %arg10[%swap3A_369, %swap3A_370], %swap3A_373 {strides = array<i32>} : memref<88x128xi32, #tpu.memory_space<vmem>>, vector<1x16xi32>,
      %get3A_374 = arith.index_cast %add3A_282 : i32 to index
      %get3A_375 = arith.constant 96 : index
      %get3A_376 = tpu.vector_load %arg9[%get3A_374, %get3A_375] {strides = array<i32>} : memref<88x128xi32, #tpu.memory_space<vmem>>, vector<1x16xi32>,
      %get3A_377 = vector.shape_cast %get3A_376 : vector<1x16xi32> to vector<16xi32>
      %sub3A_378 = arith.constant 524288 : i32
      %sub3A_379 = vector.broadcast %sub3A_378 : i32 to vector<16xi32>
      %sub3A_380 = arith.subi %get3A_377, %sub3A_379 : vector<16xi32>
      %lt3A_381 = arith.constant 524288 : i32
      %lt3A_382 = vector.broadcast %lt3A_381 : i32 to vector<16xi32>
      %lt3A_383 = arith.cmpi ult, %sub3A_380, %lt3A_382 : vector<16xi32>
      %select_n3A_384 = arith.select %lt3A_383, %sub3A_380, %add3A_22 : vector<16xi1>, vector<16xi32>
      %swap3A_385 = arith.index_cast %add3A_282 : i32 to index
      %swap3A_386 = arith.constant 96 : index
      %swap3A_387 = tpu.vector_load %arg10[%swap3A_385, %swap3A_386] {strides = array<i32>} : memref<88x128xi32, #tpu.memory_space<vmem>>, vector<1x16xi32>,
      %swap3A_388 = vector.shape_cast %swap3A_387 : vector<1x16xi32> to vector<16xi32>
      %swap3A_389 = vector.shape_cast %select_n3A_384 : vector<16xi32> to vector<1x16xi32>
      tpu.vector_store %arg10[%swap3A_385, %swap3A_386], %swap3A_389 {strides = array<i32>} : memref<88x128xi32, #tpu.memory_space<vmem>>, vector<1x16xi32>,
      %get3A_390 = arith.index_cast %add3A_282 : i32 to index
      %get3A_391 = arith.constant 112 : index
      %get3A_392 = tpu.vector_load %arg9[%get3A_390, %get3A_391] {strides = array<i32>} : memref<88x128xi32, #tpu.memory_space<vmem>>, vector<1x16xi32>,
      %get3A_393 = vector.shape_cast %get3A_392 : vector<1x16xi32> to vector<16xi32>
      %sub3A_394 = arith.constant 524288 : i32
      %sub3A_395 = vector.broadcast %sub3A_394 : i32 to vector<16xi32>
      %sub3A_396 = arith.subi %get3A_393, %sub3A_395 : vector<16xi32>
      %lt3A_397 = arith.constant 524288 : i32
      %lt3A_398 = vector.broadcast %lt3A_397 : i32 to vector<16xi32>
      %lt3A_399 = arith.cmpi ult, %sub3A_396, %lt3A_398 : vector<16xi32>
      %select_n3A_400 = arith.select %lt3A_399, %sub3A_396, %add3A_22 : vector<16xi1>, vector<16xi32>
      %swap3A_401 = arith.index_cast %add3A_282 : i32 to index
      %swap3A_402 = arith.constant 112 : index
      %swap3A_403 = tpu.vector_load %arg10[%swap3A_401, %swap3A_402] {strides = array<i32>} : memref<88x128xi32, #tpu.memory_space<vmem>>, vector<1x16xi32>,
      %swap3A_404 = vector.shape_cast %swap3A_403 : vector<1x16xi32> to vector<16xi32>
      %swap3A_405 = vector.shape_cast %select_n3A_400 : vector<16xi32> to vector<1x16xi32>
      tpu.vector_store %arg10[%swap3A_401, %swap3A_402], %swap3A_405 {strides = array<i32>} : memref<88x128xi32, #tpu.memory_space<vmem>>, vector<1x16xi32>,
    }
    %scan3A_66 = arith.constant 88 : i32
    %barrier3A_67 = arith.constant 0 : index
    tpu.barrier barrier_id(%barrier3A_67)
    %scan3A_68 = arith.constant 0 : i32
    %scan3A_69 = arith.constant 88 : i32
    %scan3A_70 = arith.addi %scan3A_68, %scan3A_69 : i32
    %scan3A_71 = arith.constant 1 : i32
    scf.for %scan3A_278 = %scan3A_68 to %scan3A_70 step %scan3A_71  : i32 {
      %mul3A_279 = arith.constant 1 : i32
      %mul3A_280 = arith.muli %scan3A_278, %mul3A_279 : i32
      %add3A_281 = arith.constant 0 : i32
      %add3A_282 = arith.addi %add3A_281, %mul3A_280 : i32
      %mul3A_283 = arith.constant 128 : i32
      %mul3A_284 = arith.muli %add3A_282, %mul3A_283 : i32
      %dma_start3A = tpu.memref_slice %arg8[%mul3A_284] : memref<11264xf32, #tpu.memory_space<vmem>> -> memref<128xf32, #tpu.memory_space<vmem>>
      %dma_start3A_285 = arith.constant 0 : i32
      %dma_start3A_286 = tpu.memref_slice %arg10[%add3A_282, %dma_start3A_285] : memref<88x128xi32, #tpu.memory_space<vmem>> -> memref<1x128xi32, #tpu.memory_space<vmem>>
      %dma_start3A_287 = tpu.memref_squeeze %dma_start3A_286 : memref<1x128xi32, #tpu.memory_space<vmem>> -> memref<128xi32, #tpu.memory_space<vmem>>
      %dma_start3A_288 = arith.constant 0 : i32
      %dma_start3A_289 = tpu.memref_slice %arg12[%dma_start3A_288] : memref<524544xf32, #tpu.memory_space<vmem_shared>> -> memref<524544xf32, #tpu.memory_space<vmem_shared>>
      tpu.enqueue_indirect_dma source(%dma_start3A : memref<128xf32, #tpu.memory_space<vmem>>) target(%dma_start3A_289 : memref<524544xf32, #tpu.memory_space<vmem_shared>>) offsets(%dma_start3A_287 : memref<128xi32, #tpu.memory_space<vmem>>) semaphore(%arg13 : memref<!tpu.dma_semaphore, #tpu.memory_space<semaphore_mem>>) {add = true}
    }
    %scan3A_72 = arith.constant 88 : i32
    %scan3A_73 = arith.constant 0 : i32
    %scan3A_74 = arith.constant 88 : i32
    %scan3A_75 = arith.addi %scan3A_73, %scan3A_74 : i32
    %scan3A_76 = arith.constant 1 : i32
    scf.for %scan3A_278 = %scan3A_73 to %scan3A_75 step %scan3A_76  : i32 {
      %mul3A_279 = arith.constant 1 : i32
      %mul3A_280 = arith.muli %scan3A_278, %mul3A_279 : i32
      %add3A_281 = arith.constant 0 : i32
      %add3A_282 = arith.addi %add3A_281, %mul3A_280 : i32
      %dma_wait3A = arith.constant 0 : i32
      %dma_wait3A_283 = arith.constant 0 : i32
      %dma_wait3A_284 = tpu.memref_slice %arg8[%dma_wait3A_283] : memref<11264xf32, #tpu.memory_space<vmem>> -> memref<128xf32, #tpu.memory_space<vmem>>
      %dma_wait3A_285 = arith.constant 0 : i32
      %dma_wait3A_286 = tpu.memref_slice %arg10[%dma_wait3A, %dma_wait3A_285] : memref<88x128xi32, #tpu.memory_space<vmem>> -> memref<1x128xi32, #tpu.memory_space<vmem>>
      %dma_wait3A_287 = tpu.memref_squeeze %dma_wait3A_286 : memref<1x128xi32, #tpu.memory_space<vmem>> -> memref<128xi32, #tpu.memory_space<vmem>>
      %dma_wait3A_288 = arith.constant 0 : i32
      %dma_wait3A_289 = tpu.memref_slice %arg12[%dma_wait3A_288] : memref<524544xf32, #tpu.memory_space<vmem_shared>> -> memref<524544xf32, #tpu.memory_space<vmem_shared>>
      tpu.wait_indirect_dma semaphore(%arg13 : memref<!tpu.dma_semaphore, #tpu.memory_space<semaphore_mem>>) src(%dma_wait3A_284 : memref<128xf32, #tpu.memory_space<vmem>>) dst(%dma_wait3A_289 : memref<524544xf32, #tpu.memory_space<vmem_shared>>)
    }
    %scan3A_77 = arith.constant 88 : i32
    %barrier3A_78 = arith.constant 0 : index
    tpu.barrier barrier_id(%barrier3A_78)
    %add3A_79 = arith.constant 524288 : i32
    %add3A_80 = arith.addi %add3A_1, %add3A_79 : i32
    %mul3A_81 = arith.constant 32768 : i32
    %mul3A_82 = arith.muli %arg1, %mul3A_81 : i32
    %add3A_83 = arith.addi %add3A_80, %mul3A_82 : i32
    %mul3A_84 = arith.constant 32768 : i32
    %mul3A_85 = arith.muli %arg1, %mul3A_84 : i32
    "tpu.region"() ({
      %run_scoped3A = tpu.sem_alloc : memref<!tpu.dma_semaphore, #tpu.memory_space<semaphore_mem>>
      %dma_start3A = tpu.memref_slice %arg5[%add3A_83] : memref<8388608xf32, #tpu.memory_space<hbm>> -> memref<32768xf32, #tpu.memory_space<hbm>>
      %dma_start3A_278 = tpu.memref_slice %arg12[%mul3A_85] : memref<524544xf32, #tpu.memory_space<vmem_shared>> -> memref<32768xf32, #tpu.memory_space<vmem_shared>>
      tpu.enqueue_dma source(%dma_start3A_278 : memref<32768xf32, #tpu.memory_space<vmem_shared>>) target(%dma_start3A : memref<32768xf32, #tpu.memory_space<hbm>>) target_semaphore(%run_scoped3A : memref<!tpu.dma_semaphore, #tpu.memory_space<semaphore_mem>>)
      %dma_wait3A = tpu.memref_slice %arg5[%add3A_83] : memref<8388608xf32, #tpu.memory_space<hbm>> -> memref<32768xf32, #tpu.memory_space<hbm>>
      %dma_wait3A_279 = tpu.memref_slice %arg12[%mul3A_85] : memref<524544xf32, #tpu.memory_space<vmem_shared>> -> memref<32768xf32, #tpu.memory_space<vmem_shared>>
      tpu.wait_dma2 semaphore(%run_scoped3A : memref<!tpu.dma_semaphore, #tpu.memory_space<semaphore_mem>>) src(%dma_wait3A_279 : memref<32768xf32, #tpu.memory_space<vmem_shared>>) dst(%dma_wait3A : memref<32768xf32, #tpu.memory_space<hbm>>)
      tpu.yield
    }) : () -> ()
    %mul3A_86 = arith.constant 32768 : i32
    %mul3A_87 = arith.muli %arg1, %mul3A_86 : i32
    %add3A_88 = arith.constant 0 : i32
    %add3A_89 = arith.addi %mul3A_87, %add3A_88 : i32
    "tpu.region"() ({
      %run_scoped3A = tpu.sem_alloc : memref<!tpu.dma_semaphore, #tpu.memory_space<semaphore_mem>>
      %dma_start3A = tpu.memref_slice %arg12[%add3A_89] : memref<524544xf32, #tpu.memory_space<vmem_shared>> -> memref<16384xf32, #tpu.memory_space<vmem_shared>>
      %dma_start3A_278 = tpu.memref_slice %arg12[%add3A_89] : memref<524544xf32, #tpu.memory_space<vmem_shared>> -> memref<16384xf32, #tpu.memory_space<vmem_shared>>
      tpu.enqueue_dma source(%arg11 : memref<16384xf32, #tpu.memory_space<vmem>>) target(%dma_start3A_278 : memref<16384xf32, #tpu.memory_space<vmem_shared>>) target_semaphore(%run_scoped3A : memref<!tpu.dma_semaphore, #tpu.memory_space<semaphore_mem>>)
      %dma_wait3A = tpu.memref_slice %arg12[%add3A_89] : memref<524544xf32, #tpu.memory_space<vmem_shared>> -> memref<16384xf32, #tpu.memory_space<vmem_shared>>
      %dma_wait3A_279 = tpu.memref_slice %arg12[%add3A_89] : memref<524544xf32, #tpu.memory_space<vmem_shared>> -> memref<16384xf32, #tpu.memory_space<vmem_shared>>
      tpu.wait_dma2 semaphore(%run_scoped3A : memref<!tpu.dma_semaphore, #tpu.memory_space<semaphore_mem>>) src(%arg11 : memref<16384xf32, #tpu.memory_space<vmem>>) dst(%dma_wait3A_279 : memref<16384xf32, #tpu.memory_space<vmem_shared>>)
      tpu.yield
    }) : () -> ()
    %mul3A_90 = arith.constant 32768 : i32
    %mul3A_91 = arith.muli %arg1, %mul3A_90 : i32
    %add3A_92 = arith.constant 16384 : i32
    %add3A_93 = arith.addi %mul3A_91, %add3A_92 : i32
    "tpu.region"() ({
      %run_scoped3A = tpu.sem_alloc : memref<!tpu.dma_semaphore, #tpu.memory_space<semaphore_mem>>
      %dma_start3A = tpu.memref_slice %arg12[%add3A_93] : memref<524544xf32, #tpu.memory_space<vmem_shared>> -> memref<16384xf32, #tpu.memory_space<vmem_shared>>
      %dma_start3A_278 = tpu.memref_slice %arg12[%add3A_93] : memref<524544xf32, #tpu.memory_space<vmem_shared>> -> memref<16384xf32, #tpu.memory_space<vmem_shared>>
      tpu.enqueue_dma source(%arg11 : memref<16384xf32, #tpu.memory_space<vmem>>) target(%dma_start3A_278 : memref<16384xf32, #tpu.memory_space<vmem_shared>>) target_semaphore(%run_scoped3A : memref<!tpu.dma_semaphore, #tpu.memory_space<semaphore_mem>>)
      %dma_wait3A = tpu.memref_slice %arg12[%add3A_93] : memref<524544xf32, #tpu.memory_space<vmem_shared>> -> memref<16384xf32, #tpu.memory_space<vmem_shared>>
      %dma_wait3A_279 = tpu.memref_slice %arg12[%add3A_93] : memref<524544xf32, #tpu.memory_space<vmem_shared>> -> memref<16384xf32, #tpu.memory_space<vmem_shared>>
      tpu.wait_dma2 semaphore(%run_scoped3A : memref<!tpu.dma_semaphore, #tpu.memory_space<semaphore_mem>>) src(%arg11 : memref<16384xf32, #tpu.memory_space<vmem>>) dst(%dma_wait3A_279 : memref<16384xf32, #tpu.memory_space<vmem_shared>>)
      tpu.yield
    }) : () -> ()
    %scan3A_94 = arith.constant 0 : i32
    %scan3A_95 = arith.constant 88 : i32
    %scan3A_96 = arith.addi %scan3A_94, %scan3A_95 : i32
    %scan3A_97 = arith.constant 1 : i32
    scf.for %scan3A_278 = %scan3A_94 to %scan3A_96 step %scan3A_97  : i32 {
      %mul3A_279 = arith.constant 1 : i32
      %mul3A_280 = arith.muli %scan3A_278, %mul3A_279 : i32
      %add3A_281 = arith.constant 0 : i32
      %add3A_282 = arith.addi %add3A_281, %mul3A_280 : i32
      %get3A = arith.index_cast %add3A_282 : i32 to index
      %get3A_283 = arith.constant 0 : index
      %get3A_284 = tpu.vector_load %arg9[%get3A, %get3A_283] {strides = array<i32>} : memref<88x128xi32, #tpu.memory_space<vmem>>, vector<1x16xi32>,
      %get3A_285 = vector.shape_cast %get3A_284 : vector<1x16xi32> to vector<16xi32>
      %sub3A = arith.constant 1048576 : i32
      %sub3A_286 = vector.broadcast %sub3A : i32 to vector<16xi32>
      %sub3A_287 = arith.subi %get3A_285, %sub3A_286 : vector<16xi32>
      %lt3A = arith.constant 524288 : i32
      %lt3A_288 = vector.broadcast %lt3A : i32 to vector<16xi32>
      %lt3A_289 = arith.cmpi ult, %sub3A_287, %lt3A_288 : vector<16xi32>
      %select_n3A = arith.select %lt3A_289, %sub3A_287, %add3A_22 : vector<16xi1>, vector<16xi32>
      %swap3A = arith.index_cast %add3A_282 : i32 to index
      %swap3A_290 = arith.constant 0 : index
      %swap3A_291 = tpu.vector_load %arg10[%swap3A, %swap3A_290] {strides = array<i32>} : memref<88x128xi32, #tpu.memory_space<vmem>>, vector<1x16xi32>,
      %swap3A_292 = vector.shape_cast %swap3A_291 : vector<1x16xi32> to vector<16xi32>
      %swap3A_293 = vector.shape_cast %select_n3A : vector<16xi32> to vector<1x16xi32>
      tpu.vector_store %arg10[%swap3A, %swap3A_290], %swap3A_293 {strides = array<i32>} : memref<88x128xi32, #tpu.memory_space<vmem>>, vector<1x16xi32>,
      %get3A_294 = arith.index_cast %add3A_282 : i32 to index
      %get3A_295 = arith.constant 16 : index
      %get3A_296 = tpu.vector_load %arg9[%get3A_294, %get3A_295] {strides = array<i32>} : memref<88x128xi32, #tpu.memory_space<vmem>>, vector<1x16xi32>,
      %get3A_297 = vector.shape_cast %get3A_296 : vector<1x16xi32> to vector<16xi32>
      %sub3A_298 = arith.constant 1048576 : i32
      %sub3A_299 = vector.broadcast %sub3A_298 : i32 to vector<16xi32>
      %sub3A_300 = arith.subi %get3A_297, %sub3A_299 : vector<16xi32>
      %lt3A_301 = arith.constant 524288 : i32
      %lt3A_302 = vector.broadcast %lt3A_301 : i32 to vector<16xi32>
      %lt3A_303 = arith.cmpi ult, %sub3A_300, %lt3A_302 : vector<16xi32>
      %select_n3A_304 = arith.select %lt3A_303, %sub3A_300, %add3A_22 : vector<16xi1>, vector<16xi32>
      %swap3A_305 = arith.index_cast %add3A_282 : i32 to index
      %swap3A_306 = arith.constant 16 : index
      %swap3A_307 = tpu.vector_load %arg10[%swap3A_305, %swap3A_306] {strides = array<i32>} : memref<88x128xi32, #tpu.memory_space<vmem>>, vector<1x16xi32>,
      %swap3A_308 = vector.shape_cast %swap3A_307 : vector<1x16xi32> to vector<16xi32>
      %swap3A_309 = vector.shape_cast %select_n3A_304 : vector<16xi32> to vector<1x16xi32>
      tpu.vector_store %arg10[%swap3A_305, %swap3A_306], %swap3A_309 {strides = array<i32>} : memref<88x128xi32, #tpu.memory_space<vmem>>, vector<1x16xi32>,
      %get3A_310 = arith.index_cast %add3A_282 : i32 to index
      %get3A_311 = arith.constant 32 : index
      %get3A_312 = tpu.vector_load %arg9[%get3A_310, %get3A_311] {strides = array<i32>} : memref<88x128xi32, #tpu.memory_space<vmem>>, vector<1x16xi32>,
      %get3A_313 = vector.shape_cast %get3A_312 : vector<1x16xi32> to vector<16xi32>
      %sub3A_314 = arith.constant 1048576 : i32
      %sub3A_315 = vector.broadcast %sub3A_314 : i32 to vector<16xi32>
      %sub3A_316 = arith.subi %get3A_313, %sub3A_315 : vector<16xi32>
      %lt3A_317 = arith.constant 524288 : i32
      %lt3A_318 = vector.broadcast %lt3A_317 : i32 to vector<16xi32>
      %lt3A_319 = arith.cmpi ult, %sub3A_316, %lt3A_318 : vector<16xi32>
      %select_n3A_320 = arith.select %lt3A_319, %sub3A_316, %add3A_22 : vector<16xi1>, vector<16xi32>
      %swap3A_321 = arith.index_cast %add3A_282 : i32 to index
      %swap3A_322 = arith.constant 32 : index
      %swap3A_323 = tpu.vector_load %arg10[%swap3A_321, %swap3A_322] {strides = array<i32>} : memref<88x128xi32, #tpu.memory_space<vmem>>, vector<1x16xi32>,
      %swap3A_324 = vector.shape_cast %swap3A_323 : vector<1x16xi32> to vector<16xi32>
      %swap3A_325 = vector.shape_cast %select_n3A_320 : vector<16xi32> to vector<1x16xi32>
      tpu.vector_store %arg10[%swap3A_321, %swap3A_322], %swap3A_325 {strides = array<i32>} : memref<88x128xi32, #tpu.memory_space<vmem>>, vector<1x16xi32>,
      %get3A_326 = arith.index_cast %add3A_282 : i32 to index
      %get3A_327 = arith.constant 48 : index
      %get3A_328 = tpu.vector_load %arg9[%get3A_326, %get3A_327] {strides = array<i32>} : memref<88x128xi32, #tpu.memory_space<vmem>>, vector<1x16xi32>,
      %get3A_329 = vector.shape_cast %get3A_328 : vector<1x16xi32> to vector<16xi32>
      %sub3A_330 = arith.constant 1048576 : i32
      %sub3A_331 = vector.broadcast %sub3A_330 : i32 to vector<16xi32>
      %sub3A_332 = arith.subi %get3A_329, %sub3A_331 : vector<16xi32>
      %lt3A_333 = arith.constant 524288 : i32
      %lt3A_334 = vector.broadcast %lt3A_333 : i32 to vector<16xi32>
      %lt3A_335 = arith.cmpi ult, %sub3A_332, %lt3A_334 : vector<16xi32>
      %select_n3A_336 = arith.select %lt3A_335, %sub3A_332, %add3A_22 : vector<16xi1>, vector<16xi32>
      %swap3A_337 = arith.index_cast %add3A_282 : i32 to index
      %swap3A_338 = arith.constant 48 : index
      %swap3A_339 = tpu.vector_load %arg10[%swap3A_337, %swap3A_338] {strides = array<i32>} : memref<88x128xi32, #tpu.memory_space<vmem>>, vector<1x16xi32>,
      %swap3A_340 = vector.shape_cast %swap3A_339 : vector<1x16xi32> to vector<16xi32>
      %swap3A_341 = vector.shape_cast %select_n3A_336 : vector<16xi32> to vector<1x16xi32>
      tpu.vector_store %arg10[%swap3A_337, %swap3A_338], %swap3A_341 {strides = array<i32>} : memref<88x128xi32, #tpu.memory_space<vmem>>, vector<1x16xi32>,
      %get3A_342 = arith.index_cast %add3A_282 : i32 to index
      %get3A_343 = arith.constant 64 : index
      %get3A_344 = tpu.vector_load %arg9[%get3A_342, %get3A_343] {strides = array<i32>} : memref<88x128xi32, #tpu.memory_space<vmem>>, vector<1x16xi32>,
      %get3A_345 = vector.shape_cast %get3A_344 : vector<1x16xi32> to vector<16xi32>
      %sub3A_346 = arith.constant 1048576 : i32
      %sub3A_347 = vector.broadcast %sub3A_346 : i32 to vector<16xi32>
      %sub3A_348 = arith.subi %get3A_345, %sub3A_347 : vector<16xi32>
      %lt3A_349 = arith.constant 524288 : i32
      %lt3A_350 = vector.broadcast %lt3A_349 : i32 to vector<16xi32>
      %lt3A_351 = arith.cmpi ult, %sub3A_348, %lt3A_350 : vector<16xi32>
      %select_n3A_352 = arith.select %lt3A_351, %sub3A_348, %add3A_22 : vector<16xi1>, vector<16xi32>
      %swap3A_353 = arith.index_cast %add3A_282 : i32 to index
      %swap3A_354 = arith.constant 64 : index
      %swap3A_355 = tpu.vector_load %arg10[%swap3A_353, %swap3A_354] {strides = array<i32>} : memref<88x128xi32, #tpu.memory_space<vmem>>, vector<1x16xi32>,
      %swap3A_356 = vector.shape_cast %swap3A_355 : vector<1x16xi32> to vector<16xi32>
      %swap3A_357 = vector.shape_cast %select_n3A_352 : vector<16xi32> to vector<1x16xi32>
      tpu.vector_store %arg10[%swap3A_353, %swap3A_354], %swap3A_357 {strides = array<i32>} : memref<88x128xi32, #tpu.memory_space<vmem>>, vector<1x16xi32>,
      %get3A_358 = arith.index_cast %add3A_282 : i32 to index
      %get3A_359 = arith.constant 80 : index
      %get3A_360 = tpu.vector_load %arg9[%get3A_358, %get3A_359] {strides = array<i32>} : memref<88x128xi32, #tpu.memory_space<vmem>>, vector<1x16xi32>,
      %get3A_361 = vector.shape_cast %get3A_360 : vector<1x16xi32> to vector<16xi32>
      %sub3A_362 = arith.constant 1048576 : i32
      %sub3A_363 = vector.broadcast %sub3A_362 : i32 to vector<16xi32>
      %sub3A_364 = arith.subi %get3A_361, %sub3A_363 : vector<16xi32>
      %lt3A_365 = arith.constant 524288 : i32
      %lt3A_366 = vector.broadcast %lt3A_365 : i32 to vector<16xi32>
      %lt3A_367 = arith.cmpi ult, %sub3A_364, %lt3A_366 : vector<16xi32>
      %select_n3A_368 = arith.select %lt3A_367, %sub3A_364, %add3A_22 : vector<16xi1>, vector<16xi32>
      %swap3A_369 = arith.index_cast %add3A_282 : i32 to index
      %swap3A_370 = arith.constant 80 : index
      %swap3A_371 = tpu.vector_load %arg10[%swap3A_369, %swap3A_370] {strides = array<i32>} : memref<88x128xi32, #tpu.memory_space<vmem>>, vector<1x16xi32>,
      %swap3A_372 = vector.shape_cast %swap3A_371 : vector<1x16xi32> to vector<16xi32>
      %swap3A_373 = vector.shape_cast %select_n3A_368 : vector<16xi32> to vector<1x16xi32>
      tpu.vector_store %arg10[%swap3A_369, %swap3A_370], %swap3A_373 {strides = array<i32>} : memref<88x128xi32, #tpu.memory_space<vmem>>, vector<1x16xi32>,
      %get3A_374 = arith.index_cast %add3A_282 : i32 to index
      %get3A_375 = arith.constant 96 : index
      %get3A_376 = tpu.vector_load %arg9[%get3A_374, %get3A_375] {strides = array<i32>} : memref<88x128xi32, #tpu.memory_space<vmem>>, vector<1x16xi32>,
      %get3A_377 = vector.shape_cast %get3A_376 : vector<1x16xi32> to vector<16xi32>
      %sub3A_378 = arith.constant 1048576 : i32
      %sub3A_379 = vector.broadcast %sub3A_378 : i32 to vector<16xi32>
      %sub3A_380 = arith.subi %get3A_377, %sub3A_379 : vector<16xi32>
      %lt3A_381 = arith.constant 524288 : i32
      %lt3A_382 = vector.broadcast %lt3A_381 : i32 to vector<16xi32>
      %lt3A_383 = arith.cmpi ult, %sub3A_380, %lt3A_382 : vector<16xi32>
      %select_n3A_384 = arith.select %lt3A_383, %sub3A_380, %add3A_22 : vector<16xi1>, vector<16xi32>
      %swap3A_385 = arith.index_cast %add3A_282 : i32 to index
      %swap3A_386 = arith.constant 96 : index
      %swap3A_387 = tpu.vector_load %arg10[%swap3A_385, %swap3A_386] {strides = array<i32>} : memref<88x128xi32, #tpu.memory_space<vmem>>, vector<1x16xi32>,
      %swap3A_388 = vector.shape_cast %swap3A_387 : vector<1x16xi32> to vector<16xi32>
      %swap3A_389 = vector.shape_cast %select_n3A_384 : vector<16xi32> to vector<1x16xi32>
      tpu.vector_store %arg10[%swap3A_385, %swap3A_386], %swap3A_389 {strides = array<i32>} : memref<88x128xi32, #tpu.memory_space<vmem>>, vector<1x16xi32>,
      %get3A_390 = arith.index_cast %add3A_282 : i32 to index
      %get3A_391 = arith.constant 112 : index
      %get3A_392 = tpu.vector_load %arg9[%get3A_390, %get3A_391] {strides = array<i32>} : memref<88x128xi32, #tpu.memory_space<vmem>>, vector<1x16xi32>,
      %get3A_393 = vector.shape_cast %get3A_392 : vector<1x16xi32> to vector<16xi32>
      %sub3A_394 = arith.constant 1048576 : i32
      %sub3A_395 = vector.broadcast %sub3A_394 : i32 to vector<16xi32>
      %sub3A_396 = arith.subi %get3A_393, %sub3A_395 : vector<16xi32>
      %lt3A_397 = arith.constant 524288 : i32
      %lt3A_398 = vector.broadcast %lt3A_397 : i32 to vector<16xi32>
      %lt3A_399 = arith.cmpi ult, %sub3A_396, %lt3A_398 : vector<16xi32>
      %select_n3A_400 = arith.select %lt3A_399, %sub3A_396, %add3A_22 : vector<16xi1>, vector<16xi32>
      %swap3A_401 = arith.index_cast %add3A_282 : i32 to index
      %swap3A_402 = arith.constant 112 : index
      %swap3A_403 = tpu.vector_load %arg10[%swap3A_401, %swap3A_402] {strides = array<i32>} : memref<88x128xi32, #tpu.memory_space<vmem>>, vector<1x16xi32>,
      %swap3A_404 = vector.shape_cast %swap3A_403 : vector<1x16xi32> to vector<16xi32>
      %swap3A_405 = vector.shape_cast %select_n3A_400 : vector<16xi32> to vector<1x16xi32>
      tpu.vector_store %arg10[%swap3A_401, %swap3A_402], %swap3A_405 {strides = array<i32>} : memref<88x128xi32, #tpu.memory_space<vmem>>, vector<1x16xi32>,
    }
    %scan3A_98 = arith.constant 88 : i32
    %barrier3A_99 = arith.constant 0 : index
    tpu.barrier barrier_id(%barrier3A_99)
    %scan3A_100 = arith.constant 0 : i32
    %scan3A_101 = arith.constant 88 : i32
    %scan3A_102 = arith.addi %scan3A_100, %scan3A_101 : i32
    %scan3A_103 = arith.constant 1 : i32
    scf.for %scan3A_278 = %scan3A_100 to %scan3A_102 step %scan3A_103  : i32 {
      %mul3A_279 = arith.constant 1 : i32
      %mul3A_280 = arith.muli %scan3A_278, %mul3A_279 : i32
      %add3A_281 = arith.constant 0 : i32
      %add3A_282 = arith.addi %add3A_281, %mul3A_280 : i32
      %mul3A_283 = arith.constant 128 : i32
      %mul3A_284 = arith.muli %add3A_282, %mul3A_283 : i32
      %dma_start3A = tpu.memref_slice %arg8[%mul3A_284] : memref<11264xf32, #tpu.memory_space<vmem>> -> memref<128xf32, #tpu.memory_space<vmem>>
      %dma_start3A_285 = arith.constant 0 : i32
      %dma_start3A_286 = tpu.memref_slice %arg10[%add3A_282, %dma_start3A_285] : memref<88x128xi32, #tpu.memory_space<vmem>> -> memref<1x128xi32, #tpu.memory_space<vmem>>
      %dma_start3A_287 = tpu.memref_squeeze %dma_start3A_286 : memref<1x128xi32, #tpu.memory_space<vmem>> -> memref<128xi32, #tpu.memory_space<vmem>>
      %dma_start3A_288 = arith.constant 0 : i32
      %dma_start3A_289 = tpu.memref_slice %arg12[%dma_start3A_288] : memref<524544xf32, #tpu.memory_space<vmem_shared>> -> memref<524544xf32, #tpu.memory_space<vmem_shared>>
      tpu.enqueue_indirect_dma source(%dma_start3A : memref<128xf32, #tpu.memory_space<vmem>>) target(%dma_start3A_289 : memref<524544xf32, #tpu.memory_space<vmem_shared>>) offsets(%dma_start3A_287 : memref<128xi32, #tpu.memory_space<vmem>>) semaphore(%arg13 : memref<!tpu.dma_semaphore, #tpu.memory_space<semaphore_mem>>) {add = true}
    }
    %scan3A_104 = arith.constant 88 : i32
    %scan3A_105 = arith.constant 0 : i32
    %scan3A_106 = arith.constant 88 : i32
    %scan3A_107 = arith.addi %scan3A_105, %scan3A_106 : i32
    %scan3A_108 = arith.constant 1 : i32
    scf.for %scan3A_278 = %scan3A_105 to %scan3A_107 step %scan3A_108  : i32 {
      %mul3A_279 = arith.constant 1 : i32
      %mul3A_280 = arith.muli %scan3A_278, %mul3A_279 : i32
      %add3A_281 = arith.constant 0 : i32
      %add3A_282 = arith.addi %add3A_281, %mul3A_280 : i32
      %dma_wait3A = arith.constant 0 : i32
      %dma_wait3A_283 = arith.constant 0 : i32
      %dma_wait3A_284 = tpu.memref_slice %arg8[%dma_wait3A_283] : memref<11264xf32, #tpu.memory_space<vmem>> -> memref<128xf32, #tpu.memory_space<vmem>>
      %dma_wait3A_285 = arith.constant 0 : i32
      %dma_wait3A_286 = tpu.memref_slice %arg10[%dma_wait3A, %dma_wait3A_285] : memref<88x128xi32, #tpu.memory_space<vmem>> -> memref<1x128xi32, #tpu.memory_space<vmem>>
      %dma_wait3A_287 = tpu.memref_squeeze %dma_wait3A_286 : memref<1x128xi32, #tpu.memory_space<vmem>> -> memref<128xi32, #tpu.memory_space<vmem>>
      %dma_wait3A_288 = arith.constant 0 : i32
      %dma_wait3A_289 = tpu.memref_slice %arg12[%dma_wait3A_288] : memref<524544xf32, #tpu.memory_space<vmem_shared>> -> memref<524544xf32, #tpu.memory_space<vmem_shared>>
      tpu.wait_indirect_dma semaphore(%arg13 : memref<!tpu.dma_semaphore, #tpu.memory_space<semaphore_mem>>) src(%dma_wait3A_284 : memref<128xf32, #tpu.memory_space<vmem>>) dst(%dma_wait3A_289 : memref<524544xf32, #tpu.memory_space<vmem_shared>>)
    }
    %scan3A_109 = arith.constant 88 : i32
    %barrier3A_110 = arith.constant 0 : index
    tpu.barrier barrier_id(%barrier3A_110)
    %add3A_111 = arith.constant 1048576 : i32
    %add3A_112 = arith.addi %add3A_1, %add3A_111 : i32
    %mul3A_113 = arith.constant 32768 : i32
    %mul3A_114 = arith.muli %arg1, %mul3A_113 : i32
    %add3A_115 = arith.addi %add3A_112, %mul3A_114 : i32
    %mul3A_116 = arith.constant 32768 : i32
    %mul3A_117 = arith.muli %arg1, %mul3A_116 : i32
    "tpu.region"() ({
      %run_scoped3A = tpu.sem_alloc : memref<!tpu.dma_semaphore, #tpu.memory_space<semaphore_mem>>
      %dma_start3A = tpu.memref_slice %arg5[%add3A_115] : memref<8388608xf32, #tpu.memory_space<hbm>> -> memref<32768xf32, #tpu.memory_space<hbm>>
      %dma_start3A_278 = tpu.memref_slice %arg12[%mul3A_117] : memref<524544xf32, #tpu.memory_space<vmem_shared>> -> memref<32768xf32, #tpu.memory_space<vmem_shared>>
      tpu.enqueue_dma source(%dma_start3A_278 : memref<32768xf32, #tpu.memory_space<vmem_shared>>) target(%dma_start3A : memref<32768xf32, #tpu.memory_space<hbm>>) target_semaphore(%run_scoped3A : memref<!tpu.dma_semaphore, #tpu.memory_space<semaphore_mem>>)
      %dma_wait3A = tpu.memref_slice %arg5[%add3A_115] : memref<8388608xf32, #tpu.memory_space<hbm>> -> memref<32768xf32, #tpu.memory_space<hbm>>
      %dma_wait3A_279 = tpu.memref_slice %arg12[%mul3A_117] : memref<524544xf32, #tpu.memory_space<vmem_shared>> -> memref<32768xf32, #tpu.memory_space<vmem_shared>>
      tpu.wait_dma2 semaphore(%run_scoped3A : memref<!tpu.dma_semaphore, #tpu.memory_space<semaphore_mem>>) src(%dma_wait3A_279 : memref<32768xf32, #tpu.memory_space<vmem_shared>>) dst(%dma_wait3A : memref<32768xf32, #tpu.memory_space<hbm>>)
      tpu.yield
    }) : () -> ()
    %mul3A_118 = arith.constant 32768 : i32
    %mul3A_119 = arith.muli %arg1, %mul3A_118 : i32
    %add3A_120 = arith.constant 0 : i32
    %add3A_121 = arith.addi %mul3A_119, %add3A_120 : i32
    "tpu.region"() ({
      %run_scoped3A = tpu.sem_alloc : memref<!tpu.dma_semaphore, #tpu.memory_space<semaphore_mem>>
      %dma_start3A = tpu.memref_slice %arg12[%add3A_121] : memref<524544xf32, #tpu.memory_space<vmem_shared>> -> memref<16384xf32, #tpu.memory_space<vmem_shared>>
      %dma_start3A_278 = tpu.memref_slice %arg12[%add3A_121] : memref<524544xf32, #tpu.memory_space<vmem_shared>> -> memref<16384xf32, #tpu.memory_space<vmem_shared>>
      tpu.enqueue_dma source(%arg11 : memref<16384xf32, #tpu.memory_space<vmem>>) target(%dma_start3A_278 : memref<16384xf32, #tpu.memory_space<vmem_shared>>) target_semaphore(%run_scoped3A : memref<!tpu.dma_semaphore, #tpu.memory_space<semaphore_mem>>)
      %dma_wait3A = tpu.memref_slice %arg12[%add3A_121] : memref<524544xf32, #tpu.memory_space<vmem_shared>> -> memref<16384xf32, #tpu.memory_space<vmem_shared>>
      %dma_wait3A_279 = tpu.memref_slice %arg12[%add3A_121] : memref<524544xf32, #tpu.memory_space<vmem_shared>> -> memref<16384xf32, #tpu.memory_space<vmem_shared>>
      tpu.wait_dma2 semaphore(%run_scoped3A : memref<!tpu.dma_semaphore, #tpu.memory_space<semaphore_mem>>) src(%arg11 : memref<16384xf32, #tpu.memory_space<vmem>>) dst(%dma_wait3A_279 : memref<16384xf32, #tpu.memory_space<vmem_shared>>)
      tpu.yield
    }) : () -> ()
    %mul3A_122 = arith.constant 32768 : i32
    %mul3A_123 = arith.muli %arg1, %mul3A_122 : i32
    %add3A_124 = arith.constant 16384 : i32
    %add3A_125 = arith.addi %mul3A_123, %add3A_124 : i32
    "tpu.region"() ({
      %run_scoped3A = tpu.sem_alloc : memref<!tpu.dma_semaphore, #tpu.memory_space<semaphore_mem>>
      %dma_start3A = tpu.memref_slice %arg12[%add3A_125] : memref<524544xf32, #tpu.memory_space<vmem_shared>> -> memref<16384xf32, #tpu.memory_space<vmem_shared>>
      %dma_start3A_278 = tpu.memref_slice %arg12[%add3A_125] : memref<524544xf32, #tpu.memory_space<vmem_shared>> -> memref<16384xf32, #tpu.memory_space<vmem_shared>>
      tpu.enqueue_dma source(%arg11 : memref<16384xf32, #tpu.memory_space<vmem>>) target(%dma_start3A_278 : memref<16384xf32, #tpu.memory_space<vmem_shared>>) target_semaphore(%run_scoped3A : memref<!tpu.dma_semaphore, #tpu.memory_space<semaphore_mem>>)
      %dma_wait3A = tpu.memref_slice %arg12[%add3A_125] : memref<524544xf32, #tpu.memory_space<vmem_shared>> -> memref<16384xf32, #tpu.memory_space<vmem_shared>>
      %dma_wait3A_279 = tpu.memref_slice %arg12[%add3A_125] : memref<524544xf32, #tpu.memory_space<vmem_shared>> -> memref<16384xf32, #tpu.memory_space<vmem_shared>>
      tpu.wait_dma2 semaphore(%run_scoped3A : memref<!tpu.dma_semaphore, #tpu.memory_space<semaphore_mem>>) src(%arg11 : memref<16384xf32, #tpu.memory_space<vmem>>) dst(%dma_wait3A_279 : memref<16384xf32, #tpu.memory_space<vmem_shared>>)
      tpu.yield
    }) : () -> ()
    %scan3A_126 = arith.constant 0 : i32
    %scan3A_127 = arith.constant 88 : i32
    %scan3A_128 = arith.addi %scan3A_126, %scan3A_127 : i32
    %scan3A_129 = arith.constant 1 : i32
    scf.for %scan3A_278 = %scan3A_126 to %scan3A_128 step %scan3A_129  : i32 {
      %mul3A_279 = arith.constant 1 : i32
      %mul3A_280 = arith.muli %scan3A_278, %mul3A_279 : i32
      %add3A_281 = arith.constant 0 : i32
      %add3A_282 = arith.addi %add3A_281, %mul3A_280 : i32
      %get3A = arith.index_cast %add3A_282 : i32 to index
      %get3A_283 = arith.constant 0 : index
      %get3A_284 = tpu.vector_load %arg9[%get3A, %get3A_283] {strides = array<i32>} : memref<88x128xi32, #tpu.memory_space<vmem>>, vector<1x16xi32>,
      %get3A_285 = vector.shape_cast %get3A_284 : vector<1x16xi32> to vector<16xi32>
      %sub3A = arith.constant 1572864 : i32
      %sub3A_286 = vector.broadcast %sub3A : i32 to vector<16xi32>
      %sub3A_287 = arith.subi %get3A_285, %sub3A_286 : vector<16xi32>
      %lt3A = arith.constant 524288 : i32
      %lt3A_288 = vector.broadcast %lt3A : i32 to vector<16xi32>
      %lt3A_289 = arith.cmpi ult, %sub3A_287, %lt3A_288 : vector<16xi32>
      %select_n3A = arith.select %lt3A_289, %sub3A_287, %add3A_22 : vector<16xi1>, vector<16xi32>
      %swap3A = arith.index_cast %add3A_282 : i32 to index
      %swap3A_290 = arith.constant 0 : index
      %swap3A_291 = tpu.vector_load %arg10[%swap3A, %swap3A_290] {strides = array<i32>} : memref<88x128xi32, #tpu.memory_space<vmem>>, vector<1x16xi32>,
      %swap3A_292 = vector.shape_cast %swap3A_291 : vector<1x16xi32> to vector<16xi32>
      %swap3A_293 = vector.shape_cast %select_n3A : vector<16xi32> to vector<1x16xi32>
      tpu.vector_store %arg10[%swap3A, %swap3A_290], %swap3A_293 {strides = array<i32>} : memref<88x128xi32, #tpu.memory_space<vmem>>, vector<1x16xi32>,
      %get3A_294 = arith.index_cast %add3A_282 : i32 to index
      %get3A_295 = arith.constant 16 : index
      %get3A_296 = tpu.vector_load %arg9[%get3A_294, %get3A_295] {strides = array<i32>} : memref<88x128xi32, #tpu.memory_space<vmem>>, vector<1x16xi32>,
      %get3A_297 = vector.shape_cast %get3A_296 : vector<1x16xi32> to vector<16xi32>
      %sub3A_298 = arith.constant 1572864 : i32
      %sub3A_299 = vector.broadcast %sub3A_298 : i32 to vector<16xi32>
      %sub3A_300 = arith.subi %get3A_297, %sub3A_299 : vector<16xi32>
      %lt3A_301 = arith.constant 524288 : i32
      %lt3A_302 = vector.broadcast %lt3A_301 : i32 to vector<16xi32>
      %lt3A_303 = arith.cmpi ult, %sub3A_300, %lt3A_302 : vector<16xi32>
      %select_n3A_304 = arith.select %lt3A_303, %sub3A_300, %add3A_22 : vector<16xi1>, vector<16xi32>
      %swap3A_305 = arith.index_cast %add3A_282 : i32 to index
      %swap3A_306 = arith.constant 16 : index
      %swap3A_307 = tpu.vector_load %arg10[%swap3A_305, %swap3A_306] {strides = array<i32>} : memref<88x128xi32, #tpu.memory_space<vmem>>, vector<1x16xi32>,
      %swap3A_308 = vector.shape_cast %swap3A_307 : vector<1x16xi32> to vector<16xi32>
      %swap3A_309 = vector.shape_cast %select_n3A_304 : vector<16xi32> to vector<1x16xi32>
      tpu.vector_store %arg10[%swap3A_305, %swap3A_306], %swap3A_309 {strides = array<i32>} : memref<88x128xi32, #tpu.memory_space<vmem>>, vector<1x16xi32>,
      %get3A_310 = arith.index_cast %add3A_282 : i32 to index
      %get3A_311 = arith.constant 32 : index
      %get3A_312 = tpu.vector_load %arg9[%get3A_310, %get3A_311] {strides = array<i32>} : memref<88x128xi32, #tpu.memory_space<vmem>>, vector<1x16xi32>,
      %get3A_313 = vector.shape_cast %get3A_312 : vector<1x16xi32> to vector<16xi32>
      %sub3A_314 = arith.constant 1572864 : i32
      %sub3A_315 = vector.broadcast %sub3A_314 : i32 to vector<16xi32>
      %sub3A_316 = arith.subi %get3A_313, %sub3A_315 : vector<16xi32>
      %lt3A_317 = arith.constant 524288 : i32
      %lt3A_318 = vector.broadcast %lt3A_317 : i32 to vector<16xi32>
      %lt3A_319 = arith.cmpi ult, %sub3A_316, %lt3A_318 : vector<16xi32>
      %select_n3A_320 = arith.select %lt3A_319, %sub3A_316, %add3A_22 : vector<16xi1>, vector<16xi32>
      %swap3A_321 = arith.index_cast %add3A_282 : i32 to index
      %swap3A_322 = arith.constant 32 : index
      %swap3A_323 = tpu.vector_load %arg10[%swap3A_321, %swap3A_322] {strides = array<i32>} : memref<88x128xi32, #tpu.memory_space<vmem>>, vector<1x16xi32>,
      %swap3A_324 = vector.shape_cast %swap3A_323 : vector<1x16xi32> to vector<16xi32>
      %swap3A_325 = vector.shape_cast %select_n3A_320 : vector<16xi32> to vector<1x16xi32>
      tpu.vector_store %arg10[%swap3A_321, %swap3A_322], %swap3A_325 {strides = array<i32>} : memref<88x128xi32, #tpu.memory_space<vmem>>, vector<1x16xi32>,
      %get3A_326 = arith.index_cast %add3A_282 : i32 to index
      %get3A_327 = arith.constant 48 : index
      %get3A_328 = tpu.vector_load %arg9[%get3A_326, %get3A_327] {strides = array<i32>} : memref<88x128xi32, #tpu.memory_space<vmem>>, vector<1x16xi32>,
      %get3A_329 = vector.shape_cast %get3A_328 : vector<1x16xi32> to vector<16xi32>
      %sub3A_330 = arith.constant 1572864 : i32
      %sub3A_331 = vector.broadcast %sub3A_330 : i32 to vector<16xi32>
      %sub3A_332 = arith.subi %get3A_329, %sub3A_331 : vector<16xi32>
      %lt3A_333 = arith.constant 524288 : i32
      %lt3A_334 = vector.broadcast %lt3A_333 : i32 to vector<16xi32>
      %lt3A_335 = arith.cmpi ult, %sub3A_332, %lt3A_334 : vector<16xi32>
      %select_n3A_336 = arith.select %lt3A_335, %sub3A_332, %add3A_22 : vector<16xi1>, vector<16xi32>
      %swap3A_337 = arith.index_cast %add3A_282 : i32 to index
      %swap3A_338 = arith.constant 48 : index
      %swap3A_339 = tpu.vector_load %arg10[%swap3A_337, %swap3A_338] {strides = array<i32>} : memref<88x128xi32, #tpu.memory_space<vmem>>, vector<1x16xi32>,
      %swap3A_340 = vector.shape_cast %swap3A_339 : vector<1x16xi32> to vector<16xi32>
      %swap3A_341 = vector.shape_cast %select_n3A_336 : vector<16xi32> to vector<1x16xi32>
      tpu.vector_store %arg10[%swap3A_337, %swap3A_338], %swap3A_341 {strides = array<i32>} : memref<88x128xi32, #tpu.memory_space<vmem>>, vector<1x16xi32>,
      %get3A_342 = arith.index_cast %add3A_282 : i32 to index
      %get3A_343 = arith.constant 64 : index
      %get3A_344 = tpu.vector_load %arg9[%get3A_342, %get3A_343] {strides = array<i32>} : memref<88x128xi32, #tpu.memory_space<vmem>>, vector<1x16xi32>,
      %get3A_345 = vector.shape_cast %get3A_344 : vector<1x16xi32> to vector<16xi32>
      %sub3A_346 = arith.constant 1572864 : i32
      %sub3A_347 = vector.broadcast %sub3A_346 : i32 to vector<16xi32>
      %sub3A_348 = arith.subi %get3A_345, %sub3A_347 : vector<16xi32>
      %lt3A_349 = arith.constant 524288 : i32
      %lt3A_350 = vector.broadcast %lt3A_349 : i32 to vector<16xi32>
      %lt3A_351 = arith.cmpi ult, %sub3A_348, %lt3A_350 : vector<16xi32>
      %select_n3A_352 = arith.select %lt3A_351, %sub3A_348, %add3A_22 : vector<16xi1>, vector<16xi32>
      %swap3A_353 = arith.index_cast %add3A_282 : i32 to index
      %swap3A_354 = arith.constant 64 : index
      %swap3A_355 = tpu.vector_load %arg10[%swap3A_353, %swap3A_354] {strides = array<i32>} : memref<88x128xi32, #tpu.memory_space<vmem>>, vector<1x16xi32>,
      %swap3A_356 = vector.shape_cast %swap3A_355 : vector<1x16xi32> to vector<16xi32>
      %swap3A_357 = vector.shape_cast %select_n3A_352 : vector<16xi32> to vector<1x16xi32>
      tpu.vector_store %arg10[%swap3A_353, %swap3A_354], %swap3A_357 {strides = array<i32>} : memref<88x128xi32, #tpu.memory_space<vmem>>, vector<1x16xi32>,
      %get3A_358 = arith.index_cast %add3A_282 : i32 to index
      %get3A_359 = arith.constant 80 : index
      %get3A_360 = tpu.vector_load %arg9[%get3A_358, %get3A_359] {strides = array<i32>} : memref<88x128xi32, #tpu.memory_space<vmem>>, vector<1x16xi32>,
      %get3A_361 = vector.shape_cast %get3A_360 : vector<1x16xi32> to vector<16xi32>
      %sub3A_362 = arith.constant 1572864 : i32
      %sub3A_363 = vector.broadcast %sub3A_362 : i32 to vector<16xi32>
      %sub3A_364 = arith.subi %get3A_361, %sub3A_363 : vector<16xi32>
      %lt3A_365 = arith.constant 524288 : i32
      %lt3A_366 = vector.broadcast %lt3A_365 : i32 to vector<16xi32>
      %lt3A_367 = arith.cmpi ult, %sub3A_364, %lt3A_366 : vector<16xi32>
      %select_n3A_368 = arith.select %lt3A_367, %sub3A_364, %add3A_22 : vector<16xi1>, vector<16xi32>
      %swap3A_369 = arith.index_cast %add3A_282 : i32 to index
      %swap3A_370 = arith.constant 80 : index
      %swap3A_371 = tpu.vector_load %arg10[%swap3A_369, %swap3A_370] {strides = array<i32>} : memref<88x128xi32, #tpu.memory_space<vmem>>, vector<1x16xi32>,
      %swap3A_372 = vector.shape_cast %swap3A_371 : vector<1x16xi32> to vector<16xi32>
      %swap3A_373 = vector.shape_cast %select_n3A_368 : vector<16xi32> to vector<1x16xi32>
      tpu.vector_store %arg10[%swap3A_369, %swap3A_370], %swap3A_373 {strides = array<i32>} : memref<88x128xi32, #tpu.memory_space<vmem>>, vector<1x16xi32>,
      %get3A_374 = arith.index_cast %add3A_282 : i32 to index
      %get3A_375 = arith.constant 96 : index
      %get3A_376 = tpu.vector_load %arg9[%get3A_374, %get3A_375] {strides = array<i32>} : memref<88x128xi32, #tpu.memory_space<vmem>>, vector<1x16xi32>,
      %get3A_377 = vector.shape_cast %get3A_376 : vector<1x16xi32> to vector<16xi32>
      %sub3A_378 = arith.constant 1572864 : i32
      %sub3A_379 = vector.broadcast %sub3A_378 : i32 to vector<16xi32>
      %sub3A_380 = arith.subi %get3A_377, %sub3A_379 : vector<16xi32>
      %lt3A_381 = arith.constant 524288 : i32
      %lt3A_382 = vector.broadcast %lt3A_381 : i32 to vector<16xi32>
      %lt3A_383 = arith.cmpi ult, %sub3A_380, %lt3A_382 : vector<16xi32>
      %select_n3A_384 = arith.select %lt3A_383, %sub3A_380, %add3A_22 : vector<16xi1>, vector<16xi32>
      %swap3A_385 = arith.index_cast %add3A_282 : i32 to index
      %swap3A_386 = arith.constant 96 : index
      %swap3A_387 = tpu.vector_load %arg10[%swap3A_385, %swap3A_386] {strides = array<i32>} : memref<88x128xi32, #tpu.memory_space<vmem>>, vector<1x16xi32>,
      %swap3A_388 = vector.shape_cast %swap3A_387 : vector<1x16xi32> to vector<16xi32>
      %swap3A_389 = vector.shape_cast %select_n3A_384 : vector<16xi32> to vector<1x16xi32>
      tpu.vector_store %arg10[%swap3A_385, %swap3A_386], %swap3A_389 {strides = array<i32>} : memref<88x128xi32, #tpu.memory_space<vmem>>, vector<1x16xi32>,
      %get3A_390 = arith.index_cast %add3A_282 : i32 to index
      %get3A_391 = arith.constant 112 : index
      %get3A_392 = tpu.vector_load %arg9[%get3A_390, %get3A_391] {strides = array<i32>} : memref<88x128xi32, #tpu.memory_space<vmem>>, vector<1x16xi32>,
      %get3A_393 = vector.shape_cast %get3A_392 : vector<1x16xi32> to vector<16xi32>
      %sub3A_394 = arith.constant 1572864 : i32
      %sub3A_395 = vector.broadcast %sub3A_394 : i32 to vector<16xi32>
      %sub3A_396 = arith.subi %get3A_393, %sub3A_395 : vector<16xi32>
      %lt3A_397 = arith.constant 524288 : i32
      %lt3A_398 = vector.broadcast %lt3A_397 : i32 to vector<16xi32>
      %lt3A_399 = arith.cmpi ult, %sub3A_396, %lt3A_398 : vector<16xi32>
      %select_n3A_400 = arith.select %lt3A_399, %sub3A_396, %add3A_22 : vector<16xi1>, vector<16xi32>
      %swap3A_401 = arith.index_cast %add3A_282 : i32 to index
      %swap3A_402 = arith.constant 112 : index
      %swap3A_403 = tpu.vector_load %arg10[%swap3A_401, %swap3A_402] {strides = array<i32>} : memref<88x128xi32, #tpu.memory_space<vmem>>, vector<1x16xi32>,
      %swap3A_404 = vector.shape_cast %swap3A_403 : vector<1x16xi32> to vector<16xi32>
      %swap3A_405 = vector.shape_cast %select_n3A_400 : vector<16xi32> to vector<1x16xi32>
      tpu.vector_store %arg10[%swap3A_401, %swap3A_402], %swap3A_405 {strides = array<i32>} : memref<88x128xi32, #tpu.memory_space<vmem>>, vector<1x16xi32>,
    }
    %scan3A_130 = arith.constant 88 : i32
    %barrier3A_131 = arith.constant 0 : index
    tpu.barrier barrier_id(%barrier3A_131)
    %scan3A_132 = arith.constant 0 : i32
    %scan3A_133 = arith.constant 88 : i32
    %scan3A_134 = arith.addi %scan3A_132, %scan3A_133 : i32
    %scan3A_135 = arith.constant 1 : i32
    scf.for %scan3A_278 = %scan3A_132 to %scan3A_134 step %scan3A_135  : i32 {
      %mul3A_279 = arith.constant 1 : i32
      %mul3A_280 = arith.muli %scan3A_278, %mul3A_279 : i32
      %add3A_281 = arith.constant 0 : i32
      %add3A_282 = arith.addi %add3A_281, %mul3A_280 : i32
      %mul3A_283 = arith.constant 128 : i32
      %mul3A_284 = arith.muli %add3A_282, %mul3A_283 : i32
      %dma_start3A = tpu.memref_slice %arg8[%mul3A_284] : memref<11264xf32, #tpu.memory_space<vmem>> -> memref<128xf32, #tpu.memory_space<vmem>>
      %dma_start3A_285 = arith.constant 0 : i32
      %dma_start3A_286 = tpu.memref_slice %arg10[%add3A_282, %dma_start3A_285] : memref<88x128xi32, #tpu.memory_space<vmem>> -> memref<1x128xi32, #tpu.memory_space<vmem>>
      %dma_start3A_287 = tpu.memref_squeeze %dma_start3A_286 : memref<1x128xi32, #tpu.memory_space<vmem>> -> memref<128xi32, #tpu.memory_space<vmem>>
      %dma_start3A_288 = arith.constant 0 : i32
      %dma_start3A_289 = tpu.memref_slice %arg12[%dma_start3A_288] : memref<524544xf32, #tpu.memory_space<vmem_shared>> -> memref<524544xf32, #tpu.memory_space<vmem_shared>>
      tpu.enqueue_indirect_dma source(%dma_start3A : memref<128xf32, #tpu.memory_space<vmem>>) target(%dma_start3A_289 : memref<524544xf32, #tpu.memory_space<vmem_shared>>) offsets(%dma_start3A_287 : memref<128xi32, #tpu.memory_space<vmem>>) semaphore(%arg13 : memref<!tpu.dma_semaphore, #tpu.memory_space<semaphore_mem>>) {add = true}
    }
    %scan3A_136 = arith.constant 88 : i32
    %scan3A_137 = arith.constant 0 : i32
    %scan3A_138 = arith.constant 88 : i32
    %scan3A_139 = arith.addi %scan3A_137, %scan3A_138 : i32
    %scan3A_140 = arith.constant 1 : i32
    scf.for %scan3A_278 = %scan3A_137 to %scan3A_139 step %scan3A_140  : i32 {
      %mul3A_279 = arith.constant 1 : i32
      %mul3A_280 = arith.muli %scan3A_278, %mul3A_279 : i32
      %add3A_281 = arith.constant 0 : i32
      %add3A_282 = arith.addi %add3A_281, %mul3A_280 : i32
      %dma_wait3A = arith.constant 0 : i32
      %dma_wait3A_283 = arith.constant 0 : i32
      %dma_wait3A_284 = tpu.memref_slice %arg8[%dma_wait3A_283] : memref<11264xf32, #tpu.memory_space<vmem>> -> memref<128xf32, #tpu.memory_space<vmem>>
      %dma_wait3A_285 = arith.constant 0 : i32
      %dma_wait3A_286 = tpu.memref_slice %arg10[%dma_wait3A, %dma_wait3A_285] : memref<88x128xi32, #tpu.memory_space<vmem>> -> memref<1x128xi32, #tpu.memory_space<vmem>>
      %dma_wait3A_287 = tpu.memref_squeeze %dma_wait3A_286 : memref<1x128xi32, #tpu.memory_space<vmem>> -> memref<128xi32, #tpu.memory_space<vmem>>
      %dma_wait3A_288 = arith.constant 0 : i32
      %dma_wait3A_289 = tpu.memref_slice %arg12[%dma_wait3A_288] : memref<524544xf32, #tpu.memory_space<vmem_shared>> -> memref<524544xf32, #tpu.memory_space<vmem_shared>>
      tpu.wait_indirect_dma semaphore(%arg13 : memref<!tpu.dma_semaphore, #tpu.memory_space<semaphore_mem>>) src(%dma_wait3A_284 : memref<128xf32, #tpu.memory_space<vmem>>) dst(%dma_wait3A_289 : memref<524544xf32, #tpu.memory_space<vmem_shared>>)
    }
    %scan3A_141 = arith.constant 88 : i32
    %barrier3A_142 = arith.constant 0 : index
    tpu.barrier barrier_id(%barrier3A_142)
    %add3A_143 = arith.constant 1572864 : i32
    %add3A_144 = arith.addi %add3A_1, %add3A_143 : i32
    %mul3A_145 = arith.constant 32768 : i32
    %mul3A_146 = arith.muli %arg1, %mul3A_145 : i32
    %add3A_147 = arith.addi %add3A_144, %mul3A_146 : i32
    %mul3A_148 = arith.constant 32768 : i32
    %mul3A_149 = arith.muli %arg1, %mul3A_148 : i32
    "tpu.region"() ({
      %run_scoped3A = tpu.sem_alloc : memref<!tpu.dma_semaphore, #tpu.memory_space<semaphore_mem>>
      %dma_start3A = tpu.memref_slice %arg5[%add3A_147] : memref<8388608xf32, #tpu.memory_space<hbm>> -> memref<32768xf32, #tpu.memory_space<hbm>>
      %dma_start3A_278 = tpu.memref_slice %arg12[%mul3A_149] : memref<524544xf32, #tpu.memory_space<vmem_shared>> -> memref<32768xf32, #tpu.memory_space<vmem_shared>>
      tpu.enqueue_dma source(%dma_start3A_278 : memref<32768xf32, #tpu.memory_space<vmem_shared>>) target(%dma_start3A : memref<32768xf32, #tpu.memory_space<hbm>>) target_semaphore(%run_scoped3A : memref<!tpu.dma_semaphore, #tpu.memory_space<semaphore_mem>>)
      %dma_wait3A = tpu.memref_slice %arg5[%add3A_147] : memref<8388608xf32, #tpu.memory_space<hbm>> -> memref<32768xf32, #tpu.memory_space<hbm>>
      %dma_wait3A_279 = tpu.memref_slice %arg12[%mul3A_149] : memref<524544xf32, #tpu.memory_space<vmem_shared>> -> memref<32768xf32, #tpu.memory_space<vmem_shared>>
      tpu.wait_dma2 semaphore(%run_scoped3A : memref<!tpu.dma_semaphore, #tpu.memory_space<semaphore_mem>>) src(%dma_wait3A_279 : memref<32768xf32, #tpu.memory_space<vmem_shared>>) dst(%dma_wait3A : memref<32768xf32, #tpu.memory_space<hbm>>)
      tpu.yield
    }) : () -> ()
    %mul3A_150 = arith.constant 32768 : i32
    %mul3A_151 = arith.muli %arg1, %mul3A_150 : i32
    %add3A_152 = arith.constant 0 : i32
    %add3A_153 = arith.addi %mul3A_151, %add3A_152 : i32
    "tpu.region"() ({
      %run_scoped3A = tpu.sem_alloc : memref<!tpu.dma_semaphore, #tpu.memory_space<semaphore_mem>>
      %dma_start3A = tpu.memref_slice %arg12[%add3A_153] : memref<524544xf32, #tpu.memory_space<vmem_shared>> -> memref<16384xf32, #tpu.memory_space<vmem_shared>>
      %dma_start3A_278 = tpu.memref_slice %arg12[%add3A_153] : memref<524544xf32, #tpu.memory_space<vmem_shared>> -> memref<16384xf32, #tpu.memory_space<vmem_shared>>
      tpu.enqueue_dma source(%arg11 : memref<16384xf32, #tpu.memory_space<vmem>>) target(%dma_start3A_278 : memref<16384xf32, #tpu.memory_space<vmem_shared>>) target_semaphore(%run_scoped3A : memref<!tpu.dma_semaphore, #tpu.memory_space<semaphore_mem>>)
      %dma_wait3A = tpu.memref_slice %arg12[%add3A_153] : memref<524544xf32, #tpu.memory_space<vmem_shared>> -> memref<16384xf32, #tpu.memory_space<vmem_shared>>
      %dma_wait3A_279 = tpu.memref_slice %arg12[%add3A_153] : memref<524544xf32, #tpu.memory_space<vmem_shared>> -> memref<16384xf32, #tpu.memory_space<vmem_shared>>
      tpu.wait_dma2 semaphore(%run_scoped3A : memref<!tpu.dma_semaphore, #tpu.memory_space<semaphore_mem>>) src(%arg11 : memref<16384xf32, #tpu.memory_space<vmem>>) dst(%dma_wait3A_279 : memref<16384xf32, #tpu.memory_space<vmem_shared>>)
      tpu.yield
    }) : () -> ()
    %mul3A_154 = arith.constant 32768 : i32
    %mul3A_155 = arith.muli %arg1, %mul3A_154 : i32
    %add3A_156 = arith.constant 16384 : i32
    %add3A_157 = arith.addi %mul3A_155, %add3A_156 : i32
    "tpu.region"() ({
      %run_scoped3A = tpu.sem_alloc : memref<!tpu.dma_semaphore, #tpu.memory_space<semaphore_mem>>
      %dma_start3A = tpu.memref_slice %arg12[%add3A_157] : memref<524544xf32, #tpu.memory_space<vmem_shared>> -> memref<16384xf32, #tpu.memory_space<vmem_shared>>
      %dma_start3A_278 = tpu.memref_slice %arg12[%add3A_157] : memref<524544xf32, #tpu.memory_space<vmem_shared>> -> memref<16384xf32, #tpu.memory_space<vmem_shared>>
      tpu.enqueue_dma source(%arg11 : memref<16384xf32, #tpu.memory_space<vmem>>) target(%dma_start3A_278 : memref<16384xf32, #tpu.memory_space<vmem_shared>>) target_semaphore(%run_scoped3A : memref<!tpu.dma_semaphore, #tpu.memory_space<semaphore_mem>>)
      %dma_wait3A = tpu.memref_slice %arg12[%add3A_157] : memref<524544xf32, #tpu.memory_space<vmem_shared>> -> memref<16384xf32, #tpu.memory_space<vmem_shared>>
      %dma_wait3A_279 = tpu.memref_slice %arg12[%add3A_157] : memref<524544xf32, #tpu.memory_space<vmem_shared>> -> memref<16384xf32, #tpu.memory_space<vmem_shared>>
      tpu.wait_dma2 semaphore(%run_scoped3A : memref<!tpu.dma_semaphore, #tpu.memory_space<semaphore_mem>>) src(%arg11 : memref<16384xf32, #tpu.memory_space<vmem>>) dst(%dma_wait3A_279 : memref<16384xf32, #tpu.memory_space<vmem_shared>>)
      tpu.yield
    }) : () -> ()
    %scan3A_158 = arith.constant 0 : i32
    %scan3A_159 = arith.constant 88 : i32
    %scan3A_160 = arith.addi %scan3A_158, %scan3A_159 : i32
    %scan3A_161 = arith.constant 1 : i32
    scf.for %scan3A_278 = %scan3A_158 to %scan3A_160 step %scan3A_161  : i32 {
      %mul3A_279 = arith.constant 1 : i32
      %mul3A_280 = arith.muli %scan3A_278, %mul3A_279 : i32
      %add3A_281 = arith.constant 0 : i32
      %add3A_282 = arith.addi %add3A_281, %mul3A_280 : i32
      %get3A = arith.index_cast %add3A_282 : i32 to index
      %get3A_283 = arith.constant 0 : index
      %get3A_284 = tpu.vector_load %arg9[%get3A, %get3A_283] {strides = array<i32>} : memref<88x128xi32, #tpu.memory_space<vmem>>, vector<1x16xi32>,
      %get3A_285 = vector.shape_cast %get3A_284 : vector<1x16xi32> to vector<16xi32>
      %sub3A = arith.constant 2097152 : i32
      %sub3A_286 = vector.broadcast %sub3A : i32 to vector<16xi32>
      %sub3A_287 = arith.subi %get3A_285, %sub3A_286 : vector<16xi32>
      %lt3A = arith.constant 524288 : i32
      %lt3A_288 = vector.broadcast %lt3A : i32 to vector<16xi32>
      %lt3A_289 = arith.cmpi ult, %sub3A_287, %lt3A_288 : vector<16xi32>
      %select_n3A = arith.select %lt3A_289, %sub3A_287, %add3A_22 : vector<16xi1>, vector<16xi32>
      %swap3A = arith.index_cast %add3A_282 : i32 to index
      %swap3A_290 = arith.constant 0 : index
      %swap3A_291 = tpu.vector_load %arg10[%swap3A, %swap3A_290] {strides = array<i32>} : memref<88x128xi32, #tpu.memory_space<vmem>>, vector<1x16xi32>,
      %swap3A_292 = vector.shape_cast %swap3A_291 : vector<1x16xi32> to vector<16xi32>
      %swap3A_293 = vector.shape_cast %select_n3A : vector<16xi32> to vector<1x16xi32>
      tpu.vector_store %arg10[%swap3A, %swap3A_290], %swap3A_293 {strides = array<i32>} : memref<88x128xi32, #tpu.memory_space<vmem>>, vector<1x16xi32>,
      %get3A_294 = arith.index_cast %add3A_282 : i32 to index
      %get3A_295 = arith.constant 16 : index
      %get3A_296 = tpu.vector_load %arg9[%get3A_294, %get3A_295] {strides = array<i32>} : memref<88x128xi32, #tpu.memory_space<vmem>>, vector<1x16xi32>,
      %get3A_297 = vector.shape_cast %get3A_296 : vector<1x16xi32> to vector<16xi32>
      %sub3A_298 = arith.constant 2097152 : i32
      %sub3A_299 = vector.broadcast %sub3A_298 : i32 to vector<16xi32>
      %sub3A_300 = arith.subi %get3A_297, %sub3A_299 : vector<16xi32>
      %lt3A_301 = arith.constant 524288 : i32
      %lt3A_302 = vector.broadcast %lt3A_301 : i32 to vector<16xi32>
      %lt3A_303 = arith.cmpi ult, %sub3A_300, %lt3A_302 : vector<16xi32>
      %select_n3A_304 = arith.select %lt3A_303, %sub3A_300, %add3A_22 : vector<16xi1>, vector<16xi32>
      %swap3A_305 = arith.index_cast %add3A_282 : i32 to index
      %swap3A_306 = arith.constant 16 : index
      %swap3A_307 = tpu.vector_load %arg10[%swap3A_305, %swap3A_306] {strides = array<i32>} : memref<88x128xi32, #tpu.memory_space<vmem>>, vector<1x16xi32>,
      %swap3A_308 = vector.shape_cast %swap3A_307 : vector<1x16xi32> to vector<16xi32>
      %swap3A_309 = vector.shape_cast %select_n3A_304 : vector<16xi32> to vector<1x16xi32>
      tpu.vector_store %arg10[%swap3A_305, %swap3A_306], %swap3A_309 {strides = array<i32>} : memref<88x128xi32, #tpu.memory_space<vmem>>, vector<1x16xi32>,
      %get3A_310 = arith.index_cast %add3A_282 : i32 to index
      %get3A_311 = arith.constant 32 : index
      %get3A_312 = tpu.vector_load %arg9[%get3A_310, %get3A_311] {strides = array<i32>} : memref<88x128xi32, #tpu.memory_space<vmem>>, vector<1x16xi32>,
      %get3A_313 = vector.shape_cast %get3A_312 : vector<1x16xi32> to vector<16xi32>
      %sub3A_314 = arith.constant 2097152 : i32
      %sub3A_315 = vector.broadcast %sub3A_314 : i32 to vector<16xi32>
      %sub3A_316 = arith.subi %get3A_313, %sub3A_315 : vector<16xi32>
      %lt3A_317 = arith.constant 524288 : i32
      %lt3A_318 = vector.broadcast %lt3A_317 : i32 to vector<16xi32>
      %lt3A_319 = arith.cmpi ult, %sub3A_316, %lt3A_318 : vector<16xi32>
      %select_n3A_320 = arith.select %lt3A_319, %sub3A_316, %add3A_22 : vector<16xi1>, vector<16xi32>
      %swap3A_321 = arith.index_cast %add3A_282 : i32 to index
      %swap3A_322 = arith.constant 32 : index
      %swap3A_323 = tpu.vector_load %arg10[%swap3A_321, %swap3A_322] {strides = array<i32>} : memref<88x128xi32, #tpu.memory_space<vmem>>, vector<1x16xi32>,
      %swap3A_324 = vector.shape_cast %swap3A_323 : vector<1x16xi32> to vector<16xi32>
      %swap3A_325 = vector.shape_cast %select_n3A_320 : vector<16xi32> to vector<1x16xi32>
      tpu.vector_store %arg10[%swap3A_321, %swap3A_322], %swap3A_325 {strides = array<i32>} : memref<88x128xi32, #tpu.memory_space<vmem>>, vector<1x16xi32>,
      %get3A_326 = arith.index_cast %add3A_282 : i32 to index
      %get3A_327 = arith.constant 48 : index
      %get3A_328 = tpu.vector_load %arg9[%get3A_326, %get3A_327] {strides = array<i32>} : memref<88x128xi32, #tpu.memory_space<vmem>>, vector<1x16xi32>,
      %get3A_329 = vector.shape_cast %get3A_328 : vector<1x16xi32> to vector<16xi32>
      %sub3A_330 = arith.constant 2097152 : i32
      %sub3A_331 = vector.broadcast %sub3A_330 : i32 to vector<16xi32>
      %sub3A_332 = arith.subi %get3A_329, %sub3A_331 : vector<16xi32>
      %lt3A_333 = arith.constant 524288 : i32
      %lt3A_334 = vector.broadcast %lt3A_333 : i32 to vector<16xi32>
      %lt3A_335 = arith.cmpi ult, %sub3A_332, %lt3A_334 : vector<16xi32>
      %select_n3A_336 = arith.select %lt3A_335, %sub3A_332, %add3A_22 : vector<16xi1>, vector<16xi32>
      %swap3A_337 = arith.index_cast %add3A_282 : i32 to index
      %swap3A_338 = arith.constant 48 : index
      %swap3A_339 = tpu.vector_load %arg10[%swap3A_337, %swap3A_338] {strides = array<i32>} : memref<88x128xi32, #tpu.memory_space<vmem>>, vector<1x16xi32>,
      %swap3A_340 = vector.shape_cast %swap3A_339 : vector<1x16xi32> to vector<16xi32>
      %swap3A_341 = vector.shape_cast %select_n3A_336 : vector<16xi32> to vector<1x16xi32>
      tpu.vector_store %arg10[%swap3A_337, %swap3A_338], %swap3A_341 {strides = array<i32>} : memref<88x128xi32, #tpu.memory_space<vmem>>, vector<1x16xi32>,
      %get3A_342 = arith.index_cast %add3A_282 : i32 to index
      %get3A_343 = arith.constant 64 : index
      %get3A_344 = tpu.vector_load %arg9[%get3A_342, %get3A_343] {strides = array<i32>} : memref<88x128xi32, #tpu.memory_space<vmem>>, vector<1x16xi32>,
      %get3A_345 = vector.shape_cast %get3A_344 : vector<1x16xi32> to vector<16xi32>
      %sub3A_346 = arith.constant 2097152 : i32
      %sub3A_347 = vector.broadcast %sub3A_346 : i32 to vector<16xi32>
      %sub3A_348 = arith.subi %get3A_345, %sub3A_347 : vector<16xi32>
      %lt3A_349 = arith.constant 524288 : i32
      %lt3A_350 = vector.broadcast %lt3A_349 : i32 to vector<16xi32>
      %lt3A_351 = arith.cmpi ult, %sub3A_348, %lt3A_350 : vector<16xi32>
      %select_n3A_352 = arith.select %lt3A_351, %sub3A_348, %add3A_22 : vector<16xi1>, vector<16xi32>
      %swap3A_353 = arith.index_cast %add3A_282 : i32 to index
      %swap3A_354 = arith.constant 64 : index
      %swap3A_355 = tpu.vector_load %arg10[%swap3A_353, %swap3A_354] {strides = array<i32>} : memref<88x128xi32, #tpu.memory_space<vmem>>, vector<1x16xi32>,
      %swap3A_356 = vector.shape_cast %swap3A_355 : vector<1x16xi32> to vector<16xi32>
      %swap3A_357 = vector.shape_cast %select_n3A_352 : vector<16xi32> to vector<1x16xi32>
      tpu.vector_store %arg10[%swap3A_353, %swap3A_354], %swap3A_357 {strides = array<i32>} : memref<88x128xi32, #tpu.memory_space<vmem>>, vector<1x16xi32>,
      %get3A_358 = arith.index_cast %add3A_282 : i32 to index
      %get3A_359 = arith.constant 80 : index
      %get3A_360 = tpu.vector_load %arg9[%get3A_358, %get3A_359] {strides = array<i32>} : memref<88x128xi32, #tpu.memory_space<vmem>>, vector<1x16xi32>,
      %get3A_361 = vector.shape_cast %get3A_360 : vector<1x16xi32> to vector<16xi32>
      %sub3A_362 = arith.constant 2097152 : i32
      %sub3A_363 = vector.broadcast %sub3A_362 : i32 to vector<16xi32>
      %sub3A_364 = arith.subi %get3A_361, %sub3A_363 : vector<16xi32>
      %lt3A_365 = arith.constant 524288 : i32
      %lt3A_366 = vector.broadcast %lt3A_365 : i32 to vector<16xi32>
      %lt3A_367 = arith.cmpi ult, %sub3A_364, %lt3A_366 : vector<16xi32>
      %select_n3A_368 = arith.select %lt3A_367, %sub3A_364, %add3A_22 : vector<16xi1>, vector<16xi32>
      %swap3A_369 = arith.index_cast %add3A_282 : i32 to index
      %swap3A_370 = arith.constant 80 : index
      %swap3A_371 = tpu.vector_load %arg10[%swap3A_369, %swap3A_370] {strides = array<i32>} : memref<88x128xi32, #tpu.memory_space<vmem>>, vector<1x16xi32>,
      %swap3A_372 = vector.shape_cast %swap3A_371 : vector<1x16xi32> to vector<16xi32>
      %swap3A_373 = vector.shape_cast %select_n3A_368 : vector<16xi32> to vector<1x16xi32>
      tpu.vector_store %arg10[%swap3A_369, %swap3A_370], %swap3A_373 {strides = array<i32>} : memref<88x128xi32, #tpu.memory_space<vmem>>, vector<1x16xi32>,
      %get3A_374 = arith.index_cast %add3A_282 : i32 to index
      %get3A_375 = arith.constant 96 : index
      %get3A_376 = tpu.vector_load %arg9[%get3A_374, %get3A_375] {strides = array<i32>} : memref<88x128xi32, #tpu.memory_space<vmem>>, vector<1x16xi32>,
      %get3A_377 = vector.shape_cast %get3A_376 : vector<1x16xi32> to vector<16xi32>
      %sub3A_378 = arith.constant 2097152 : i32
      %sub3A_379 = vector.broadcast %sub3A_378 : i32 to vector<16xi32>
      %sub3A_380 = arith.subi %get3A_377, %sub3A_379 : vector<16xi32>
      %lt3A_381 = arith.constant 524288 : i32
      %lt3A_382 = vector.broadcast %lt3A_381 : i32 to vector<16xi32>
      %lt3A_383 = arith.cmpi ult, %sub3A_380, %lt3A_382 : vector<16xi32>
      %select_n3A_384 = arith.select %lt3A_383, %sub3A_380, %add3A_22 : vector<16xi1>, vector<16xi32>
      %swap3A_385 = arith.index_cast %add3A_282 : i32 to index
      %swap3A_386 = arith.constant 96 : index
      %swap3A_387 = tpu.vector_load %arg10[%swap3A_385, %swap3A_386] {strides = array<i32>} : memref<88x128xi32, #tpu.memory_space<vmem>>, vector<1x16xi32>,
      %swap3A_388 = vector.shape_cast %swap3A_387 : vector<1x16xi32> to vector<16xi32>
      %swap3A_389 = vector.shape_cast %select_n3A_384 : vector<16xi32> to vector<1x16xi32>
      tpu.vector_store %arg10[%swap3A_385, %swap3A_386], %swap3A_389 {strides = array<i32>} : memref<88x128xi32, #tpu.memory_space<vmem>>, vector<1x16xi32>,
      %get3A_390 = arith.index_cast %add3A_282 : i32 to index
      %get3A_391 = arith.constant 112 : index
      %get3A_392 = tpu.vector_load %arg9[%get3A_390, %get3A_391] {strides = array<i32>} : memref<88x128xi32, #tpu.memory_space<vmem>>, vector<1x16xi32>,
      %get3A_393 = vector.shape_cast %get3A_392 : vector<1x16xi32> to vector<16xi32>
      %sub3A_394 = arith.constant 2097152 : i32
      %sub3A_395 = vector.broadcast %sub3A_394 : i32 to vector<16xi32>
      %sub3A_396 = arith.subi %get3A_393, %sub3A_395 : vector<16xi32>
      %lt3A_397 = arith.constant 524288 : i32
      %lt3A_398 = vector.broadcast %lt3A_397 : i32 to vector<16xi32>
      %lt3A_399 = arith.cmpi ult, %sub3A_396, %lt3A_398 : vector<16xi32>
      %select_n3A_400 = arith.select %lt3A_399, %sub3A_396, %add3A_22 : vector<16xi1>, vector<16xi32>
      %swap3A_401 = arith.index_cast %add3A_282 : i32 to index
      %swap3A_402 = arith.constant 112 : index
      %swap3A_403 = tpu.vector_load %arg10[%swap3A_401, %swap3A_402] {strides = array<i32>} : memref<88x128xi32, #tpu.memory_space<vmem>>, vector<1x16xi32>,
      %swap3A_404 = vector.shape_cast %swap3A_403 : vector<1x16xi32> to vector<16xi32>
      %swap3A_405 = vector.shape_cast %select_n3A_400 : vector<16xi32> to vector<1x16xi32>
      tpu.vector_store %arg10[%swap3A_401, %swap3A_402], %swap3A_405 {strides = array<i32>} : memref<88x128xi32, #tpu.memory_space<vmem>>, vector<1x16xi32>,
    }
    %scan3A_162 = arith.constant 88 : i32
    %barrier3A_163 = arith.constant 0 : index
    tpu.barrier barrier_id(%barrier3A_163)
    %scan3A_164 = arith.constant 0 : i32
    %scan3A_165 = arith.constant 88 : i32
    %scan3A_166 = arith.addi %scan3A_164, %scan3A_165 : i32
    %scan3A_167 = arith.constant 1 : i32
    scf.for %scan3A_278 = %scan3A_164 to %scan3A_166 step %scan3A_167  : i32 {
      %mul3A_279 = arith.constant 1 : i32
      %mul3A_280 = arith.muli %scan3A_278, %mul3A_279 : i32
      %add3A_281 = arith.constant 0 : i32
      %add3A_282 = arith.addi %add3A_281, %mul3A_280 : i32
      %mul3A_283 = arith.constant 128 : i32
      %mul3A_284 = arith.muli %add3A_282, %mul3A_283 : i32
      %dma_start3A = tpu.memref_slice %arg8[%mul3A_284] : memref<11264xf32, #tpu.memory_space<vmem>> -> memref<128xf32, #tpu.memory_space<vmem>>
      %dma_start3A_285 = arith.constant 0 : i32
      %dma_start3A_286 = tpu.memref_slice %arg10[%add3A_282, %dma_start3A_285] : memref<88x128xi32, #tpu.memory_space<vmem>> -> memref<1x128xi32, #tpu.memory_space<vmem>>
      %dma_start3A_287 = tpu.memref_squeeze %dma_start3A_286 : memref<1x128xi32, #tpu.memory_space<vmem>> -> memref<128xi32, #tpu.memory_space<vmem>>
      %dma_start3A_288 = arith.constant 0 : i32
      %dma_start3A_289 = tpu.memref_slice %arg12[%dma_start3A_288] : memref<524544xf32, #tpu.memory_space<vmem_shared>> -> memref<524544xf32, #tpu.memory_space<vmem_shared>>
      tpu.enqueue_indirect_dma source(%dma_start3A : memref<128xf32, #tpu.memory_space<vmem>>) target(%dma_start3A_289 : memref<524544xf32, #tpu.memory_space<vmem_shared>>) offsets(%dma_start3A_287 : memref<128xi32, #tpu.memory_space<vmem>>) semaphore(%arg13 : memref<!tpu.dma_semaphore, #tpu.memory_space<semaphore_mem>>) {add = true}
    }
    %scan3A_168 = arith.constant 88 : i32
    %scan3A_169 = arith.constant 0 : i32
    %scan3A_170 = arith.constant 88 : i32
    %scan3A_171 = arith.addi %scan3A_169, %scan3A_170 : i32
    %scan3A_172 = arith.constant 1 : i32
    scf.for %scan3A_278 = %scan3A_169 to %scan3A_171 step %scan3A_172  : i32 {
      %mul3A_279 = arith.constant 1 : i32
      %mul3A_280 = arith.muli %scan3A_278, %mul3A_279 : i32
      %add3A_281 = arith.constant 0 : i32
      %add3A_282 = arith.addi %add3A_281, %mul3A_280 : i32
      %dma_wait3A = arith.constant 0 : i32
      %dma_wait3A_283 = arith.constant 0 : i32
      %dma_wait3A_284 = tpu.memref_slice %arg8[%dma_wait3A_283] : memref<11264xf32, #tpu.memory_space<vmem>> -> memref<128xf32, #tpu.memory_space<vmem>>
      %dma_wait3A_285 = arith.constant 0 : i32
      %dma_wait3A_286 = tpu.memref_slice %arg10[%dma_wait3A, %dma_wait3A_285] : memref<88x128xi32, #tpu.memory_space<vmem>> -> memref<1x128xi32, #tpu.memory_space<vmem>>
      %dma_wait3A_287 = tpu.memref_squeeze %dma_wait3A_286 : memref<1x128xi32, #tpu.memory_space<vmem>> -> memref<128xi32, #tpu.memory_space<vmem>>
      %dma_wait3A_288 = arith.constant 0 : i32
      %dma_wait3A_289 = tpu.memref_slice %arg12[%dma_wait3A_288] : memref<524544xf32, #tpu.memory_space<vmem_shared>> -> memref<524544xf32, #tpu.memory_space<vmem_shared>>
      tpu.wait_indirect_dma semaphore(%arg13 : memref<!tpu.dma_semaphore, #tpu.memory_space<semaphore_mem>>) src(%dma_wait3A_284 : memref<128xf32, #tpu.memory_space<vmem>>) dst(%dma_wait3A_289 : memref<524544xf32, #tpu.memory_space<vmem_shared>>)
    }
    %scan3A_173 = arith.constant 88 : i32
    %barrier3A_174 = arith.constant 0 : index
    tpu.barrier barrier_id(%barrier3A_174)
    %add3A_175 = arith.constant 2097152 : i32
    %add3A_176 = arith.addi %add3A_1, %add3A_175 : i32
    %mul3A_177 = arith.constant 32768 : i32
    %mul3A_178 = arith.muli %arg1, %mul3A_177 : i32
    %add3A_179 = arith.addi %add3A_176, %mul3A_178 : i32
    %mul3A_180 = arith.constant 32768 : i32
    %mul3A_181 = arith.muli %arg1, %mul3A_180 : i32
    "tpu.region"() ({
      %run_scoped3A = tpu.sem_alloc : memref<!tpu.dma_semaphore, #tpu.memory_space<semaphore_mem>>
      %dma_start3A = tpu.memref_slice %arg5[%add3A_179] : memref<8388608xf32, #tpu.memory_space<hbm>> -> memref<32768xf32, #tpu.memory_space<hbm>>
      %dma_start3A_278 = tpu.memref_slice %arg12[%mul3A_181] : memref<524544xf32, #tpu.memory_space<vmem_shared>> -> memref<32768xf32, #tpu.memory_space<vmem_shared>>
      tpu.enqueue_dma source(%dma_start3A_278 : memref<32768xf32, #tpu.memory_space<vmem_shared>>) target(%dma_start3A : memref<32768xf32, #tpu.memory_space<hbm>>) target_semaphore(%run_scoped3A : memref<!tpu.dma_semaphore, #tpu.memory_space<semaphore_mem>>)
      %dma_wait3A = tpu.memref_slice %arg5[%add3A_179] : memref<8388608xf32, #tpu.memory_space<hbm>> -> memref<32768xf32, #tpu.memory_space<hbm>>
      %dma_wait3A_279 = tpu.memref_slice %arg12[%mul3A_181] : memref<524544xf32, #tpu.memory_space<vmem_shared>> -> memref<32768xf32, #tpu.memory_space<vmem_shared>>
      tpu.wait_dma2 semaphore(%run_scoped3A : memref<!tpu.dma_semaphore, #tpu.memory_space<semaphore_mem>>) src(%dma_wait3A_279 : memref<32768xf32, #tpu.memory_space<vmem_shared>>) dst(%dma_wait3A : memref<32768xf32, #tpu.memory_space<hbm>>)
      tpu.yield
    }) : () -> ()
    %mul3A_182 = arith.constant 32768 : i32
    %mul3A_183 = arith.muli %arg1, %mul3A_182 : i32
    %add3A_184 = arith.constant 0 : i32
    %add3A_185 = arith.addi %mul3A_183, %add3A_184 : i32
    "tpu.region"() ({
      %run_scoped3A = tpu.sem_alloc : memref<!tpu.dma_semaphore, #tpu.memory_space<semaphore_mem>>
      %dma_start3A = tpu.memref_slice %arg12[%add3A_185] : memref<524544xf32, #tpu.memory_space<vmem_shared>> -> memref<16384xf32, #tpu.memory_space<vmem_shared>>
      %dma_start3A_278 = tpu.memref_slice %arg12[%add3A_185] : memref<524544xf32, #tpu.memory_space<vmem_shared>> -> memref<16384xf32, #tpu.memory_space<vmem_shared>>
      tpu.enqueue_dma source(%arg11 : memref<16384xf32, #tpu.memory_space<vmem>>) target(%dma_start3A_278 : memref<16384xf32, #tpu.memory_space<vmem_shared>>) target_semaphore(%run_scoped3A : memref<!tpu.dma_semaphore, #tpu.memory_space<semaphore_mem>>)
      %dma_wait3A = tpu.memref_slice %arg12[%add3A_185] : memref<524544xf32, #tpu.memory_space<vmem_shared>> -> memref<16384xf32, #tpu.memory_space<vmem_shared>>
      %dma_wait3A_279 = tpu.memref_slice %arg12[%add3A_185] : memref<524544xf32, #tpu.memory_space<vmem_shared>> -> memref<16384xf32, #tpu.memory_space<vmem_shared>>
      tpu.wait_dma2 semaphore(%run_scoped3A : memref<!tpu.dma_semaphore, #tpu.memory_space<semaphore_mem>>) src(%arg11 : memref<16384xf32, #tpu.memory_space<vmem>>) dst(%dma_wait3A_279 : memref<16384xf32, #tpu.memory_space<vmem_shared>>)
      tpu.yield
    }) : () -> ()
    %mul3A_186 = arith.constant 32768 : i32
    %mul3A_187 = arith.muli %arg1, %mul3A_186 : i32
    %add3A_188 = arith.constant 16384 : i32
    %add3A_189 = arith.addi %mul3A_187, %add3A_188 : i32
    "tpu.region"() ({
      %run_scoped3A = tpu.sem_alloc : memref<!tpu.dma_semaphore, #tpu.memory_space<semaphore_mem>>
      %dma_start3A = tpu.memref_slice %arg12[%add3A_189] : memref<524544xf32, #tpu.memory_space<vmem_shared>> -> memref<16384xf32, #tpu.memory_space<vmem_shared>>
      %dma_start3A_278 = tpu.memref_slice %arg12[%add3A_189] : memref<524544xf32, #tpu.memory_space<vmem_shared>> -> memref<16384xf32, #tpu.memory_space<vmem_shared>>
      tpu.enqueue_dma source(%arg11 : memref<16384xf32, #tpu.memory_space<vmem>>) target(%dma_start3A_278 : memref<16384xf32, #tpu.memory_space<vmem_shared>>) target_semaphore(%run_scoped3A : memref<!tpu.dma_semaphore, #tpu.memory_space<semaphore_mem>>)
      %dma_wait3A = tpu.memref_slice %arg12[%add3A_189] : memref<524544xf32, #tpu.memory_space<vmem_shared>> -> memref<16384xf32, #tpu.memory_space<vmem_shared>>
      %dma_wait3A_279 = tpu.memref_slice %arg12[%add3A_189] : memref<524544xf32, #tpu.memory_space<vmem_shared>> -> memref<16384xf32, #tpu.memory_space<vmem_shared>>
      tpu.wait_dma2 semaphore(%run_scoped3A : memref<!tpu.dma_semaphore, #tpu.memory_space<semaphore_mem>>) src(%arg11 : memref<16384xf32, #tpu.memory_space<vmem>>) dst(%dma_wait3A_279 : memref<16384xf32, #tpu.memory_space<vmem_shared>>)
      tpu.yield
    }) : () -> ()
    %scan3A_190 = arith.constant 0 : i32
    %scan3A_191 = arith.constant 88 : i32
    %scan3A_192 = arith.addi %scan3A_190, %scan3A_191 : i32
    %scan3A_193 = arith.constant 1 : i32
    scf.for %scan3A_278 = %scan3A_190 to %scan3A_192 step %scan3A_193  : i32 {
      %mul3A_279 = arith.constant 1 : i32
      %mul3A_280 = arith.muli %scan3A_278, %mul3A_279 : i32
      %add3A_281 = arith.constant 0 : i32
      %add3A_282 = arith.addi %add3A_281, %mul3A_280 : i32
      %get3A = arith.index_cast %add3A_282 : i32 to index
      %get3A_283 = arith.constant 0 : index
      %get3A_284 = tpu.vector_load %arg9[%get3A, %get3A_283] {strides = array<i32>} : memref<88x128xi32, #tpu.memory_space<vmem>>, vector<1x16xi32>,
      %get3A_285 = vector.shape_cast %get3A_284 : vector<1x16xi32> to vector<16xi32>
      %sub3A = arith.constant 2621440 : i32
      %sub3A_286 = vector.broadcast %sub3A : i32 to vector<16xi32>
      %sub3A_287 = arith.subi %get3A_285, %sub3A_286 : vector<16xi32>
      %lt3A = arith.constant 524288 : i32
      %lt3A_288 = vector.broadcast %lt3A : i32 to vector<16xi32>
      %lt3A_289 = arith.cmpi ult, %sub3A_287, %lt3A_288 : vector<16xi32>
      %select_n3A = arith.select %lt3A_289, %sub3A_287, %add3A_22 : vector<16xi1>, vector<16xi32>
      %swap3A = arith.index_cast %add3A_282 : i32 to index
      %swap3A_290 = arith.constant 0 : index
      %swap3A_291 = tpu.vector_load %arg10[%swap3A, %swap3A_290] {strides = array<i32>} : memref<88x128xi32, #tpu.memory_space<vmem>>, vector<1x16xi32>,
      %swap3A_292 = vector.shape_cast %swap3A_291 : vector<1x16xi32> to vector<16xi32>
      %swap3A_293 = vector.shape_cast %select_n3A : vector<16xi32> to vector<1x16xi32>
      tpu.vector_store %arg10[%swap3A, %swap3A_290], %swap3A_293 {strides = array<i32>} : memref<88x128xi32, #tpu.memory_space<vmem>>, vector<1x16xi32>,
      %get3A_294 = arith.index_cast %add3A_282 : i32 to index
      %get3A_295 = arith.constant 16 : index
      %get3A_296 = tpu.vector_load %arg9[%get3A_294, %get3A_295] {strides = array<i32>} : memref<88x128xi32, #tpu.memory_space<vmem>>, vector<1x16xi32>,
      %get3A_297 = vector.shape_cast %get3A_296 : vector<1x16xi32> to vector<16xi32>
      %sub3A_298 = arith.constant 2621440 : i32
      %sub3A_299 = vector.broadcast %sub3A_298 : i32 to vector<16xi32>
      %sub3A_300 = arith.subi %get3A_297, %sub3A_299 : vector<16xi32>
      %lt3A_301 = arith.constant 524288 : i32
      %lt3A_302 = vector.broadcast %lt3A_301 : i32 to vector<16xi32>
      %lt3A_303 = arith.cmpi ult, %sub3A_300, %lt3A_302 : vector<16xi32>
      %select_n3A_304 = arith.select %lt3A_303, %sub3A_300, %add3A_22 : vector<16xi1>, vector<16xi32>
      %swap3A_305 = arith.index_cast %add3A_282 : i32 to index
      %swap3A_306 = arith.constant 16 : index
      %swap3A_307 = tpu.vector_load %arg10[%swap3A_305, %swap3A_306] {strides = array<i32>} : memref<88x128xi32, #tpu.memory_space<vmem>>, vector<1x16xi32>,
      %swap3A_308 = vector.shape_cast %swap3A_307 : vector<1x16xi32> to vector<16xi32>
      %swap3A_309 = vector.shape_cast %select_n3A_304 : vector<16xi32> to vector<1x16xi32>
      tpu.vector_store %arg10[%swap3A_305, %swap3A_306], %swap3A_309 {strides = array<i32>} : memref<88x128xi32, #tpu.memory_space<vmem>>, vector<1x16xi32>,
      %get3A_310 = arith.index_cast %add3A_282 : i32 to index
      %get3A_311 = arith.constant 32 : index
      %get3A_312 = tpu.vector_load %arg9[%get3A_310, %get3A_311] {strides = array<i32>} : memref<88x128xi32, #tpu.memory_space<vmem>>, vector<1x16xi32>,
      %get3A_313 = vector.shape_cast %get3A_312 : vector<1x16xi32> to vector<16xi32>
      %sub3A_314 = arith.constant 2621440 : i32
      %sub3A_315 = vector.broadcast %sub3A_314 : i32 to vector<16xi32>
      %sub3A_316 = arith.subi %get3A_313, %sub3A_315 : vector<16xi32>
      %lt3A_317 = arith.constant 524288 : i32
      %lt3A_318 = vector.broadcast %lt3A_317 : i32 to vector<16xi32>
      %lt3A_319 = arith.cmpi ult, %sub3A_316, %lt3A_318 : vector<16xi32>
      %select_n3A_320 = arith.select %lt3A_319, %sub3A_316, %add3A_22 : vector<16xi1>, vector<16xi32>
      %swap3A_321 = arith.index_cast %add3A_282 : i32 to index
      %swap3A_322 = arith.constant 32 : index
      %swap3A_323 = tpu.vector_load %arg10[%swap3A_321, %swap3A_322] {strides = array<i32>} : memref<88x128xi32, #tpu.memory_space<vmem>>, vector<1x16xi32>,
      %swap3A_324 = vector.shape_cast %swap3A_323 : vector<1x16xi32> to vector<16xi32>
      %swap3A_325 = vector.shape_cast %select_n3A_320 : vector<16xi32> to vector<1x16xi32>
      tpu.vector_store %arg10[%swap3A_321, %swap3A_322], %swap3A_325 {strides = array<i32>} : memref<88x128xi32, #tpu.memory_space<vmem>>, vector<1x16xi32>,
      %get3A_326 = arith.index_cast %add3A_282 : i32 to index
      %get3A_327 = arith.constant 48 : index
      %get3A_328 = tpu.vector_load %arg9[%get3A_326, %get3A_327] {strides = array<i32>} : memref<88x128xi32, #tpu.memory_space<vmem>>, vector<1x16xi32>,
      %get3A_329 = vector.shape_cast %get3A_328 : vector<1x16xi32> to vector<16xi32>
      %sub3A_330 = arith.constant 2621440 : i32
      %sub3A_331 = vector.broadcast %sub3A_330 : i32 to vector<16xi32>
      %sub3A_332 = arith.subi %get3A_329, %sub3A_331 : vector<16xi32>
      %lt3A_333 = arith.constant 524288 : i32
      %lt3A_334 = vector.broadcast %lt3A_333 : i32 to vector<16xi32>
      %lt3A_335 = arith.cmpi ult, %sub3A_332, %lt3A_334 : vector<16xi32>
      %select_n3A_336 = arith.select %lt3A_335, %sub3A_332, %add3A_22 : vector<16xi1>, vector<16xi32>
      %swap3A_337 = arith.index_cast %add3A_282 : i32 to index
      %swap3A_338 = arith.constant 48 : index
      %swap3A_339 = tpu.vector_load %arg10[%swap3A_337, %swap3A_338] {strides = array<i32>} : memref<88x128xi32, #tpu.memory_space<vmem>>, vector<1x16xi32>,
      %swap3A_340 = vector.shape_cast %swap3A_339 : vector<1x16xi32> to vector<16xi32>
      %swap3A_341 = vector.shape_cast %select_n3A_336 : vector<16xi32> to vector<1x16xi32>
      tpu.vector_store %arg10[%swap3A_337, %swap3A_338], %swap3A_341 {strides = array<i32>} : memref<88x128xi32, #tpu.memory_space<vmem>>, vector<1x16xi32>,
      %get3A_342 = arith.index_cast %add3A_282 : i32 to index
      %get3A_343 = arith.constant 64 : index
      %get3A_344 = tpu.vector_load %arg9[%get3A_342, %get3A_343] {strides = array<i32>} : memref<88x128xi32, #tpu.memory_space<vmem>>, vector<1x16xi32>,
      %get3A_345 = vector.shape_cast %get3A_344 : vector<1x16xi32> to vector<16xi32>
      %sub3A_346 = arith.constant 2621440 : i32
      %sub3A_347 = vector.broadcast %sub3A_346 : i32 to vector<16xi32>
      %sub3A_348 = arith.subi %get3A_345, %sub3A_347 : vector<16xi32>
      %lt3A_349 = arith.constant 524288 : i32
      %lt3A_350 = vector.broadcast %lt3A_349 : i32 to vector<16xi32>
      %lt3A_351 = arith.cmpi ult, %sub3A_348, %lt3A_350 : vector<16xi32>
      %select_n3A_352 = arith.select %lt3A_351, %sub3A_348, %add3A_22 : vector<16xi1>, vector<16xi32>
      %swap3A_353 = arith.index_cast %add3A_282 : i32 to index
      %swap3A_354 = arith.constant 64 : index
      %swap3A_355 = tpu.vector_load %arg10[%swap3A_353, %swap3A_354] {strides = array<i32>} : memref<88x128xi32, #tpu.memory_space<vmem>>, vector<1x16xi32>,
      %swap3A_356 = vector.shape_cast %swap3A_355 : vector<1x16xi32> to vector<16xi32>
      %swap3A_357 = vector.shape_cast %select_n3A_352 : vector<16xi32> to vector<1x16xi32>
      tpu.vector_store %arg10[%swap3A_353, %swap3A_354], %swap3A_357 {strides = array<i32>} : memref<88x128xi32, #tpu.memory_space<vmem>>, vector<1x16xi32>,
      %get3A_358 = arith.index_cast %add3A_282 : i32 to index
      %get3A_359 = arith.constant 80 : index
      %get3A_360 = tpu.vector_load %arg9[%get3A_358, %get3A_359] {strides = array<i32>} : memref<88x128xi32, #tpu.memory_space<vmem>>, vector<1x16xi32>,
      %get3A_361 = vector.shape_cast %get3A_360 : vector<1x16xi32> to vector<16xi32>
      %sub3A_362 = arith.constant 2621440 : i32
      %sub3A_363 = vector.broadcast %sub3A_362 : i32 to vector<16xi32>
      %sub3A_364 = arith.subi %get3A_361, %sub3A_363 : vector<16xi32>
      %lt3A_365 = arith.constant 524288 : i32
      %lt3A_366 = vector.broadcast %lt3A_365 : i32 to vector<16xi32>
      %lt3A_367 = arith.cmpi ult, %sub3A_364, %lt3A_366 : vector<16xi32>
      %select_n3A_368 = arith.select %lt3A_367, %sub3A_364, %add3A_22 : vector<16xi1>, vector<16xi32>
      %swap3A_369 = arith.index_cast %add3A_282 : i32 to index
      %swap3A_370 = arith.constant 80 : index
      %swap3A_371 = tpu.vector_load %arg10[%swap3A_369, %swap3A_370] {strides = array<i32>} : memref<88x128xi32, #tpu.memory_space<vmem>>, vector<1x16xi32>,
      %swap3A_372 = vector.shape_cast %swap3A_371 : vector<1x16xi32> to vector<16xi32>
      %swap3A_373 = vector.shape_cast %select_n3A_368 : vector<16xi32> to vector<1x16xi32>
      tpu.vector_store %arg10[%swap3A_369, %swap3A_370], %swap3A_373 {strides = array<i32>} : memref<88x128xi32, #tpu.memory_space<vmem>>, vector<1x16xi32>,
      %get3A_374 = arith.index_cast %add3A_282 : i32 to index
      %get3A_375 = arith.constant 96 : index
      %get3A_376 = tpu.vector_load %arg9[%get3A_374, %get3A_375] {strides = array<i32>} : memref<88x128xi32, #tpu.memory_space<vmem>>, vector<1x16xi32>,
      %get3A_377 = vector.shape_cast %get3A_376 : vector<1x16xi32> to vector<16xi32>
      %sub3A_378 = arith.constant 2621440 : i32
      %sub3A_379 = vector.broadcast %sub3A_378 : i32 to vector<16xi32>
      %sub3A_380 = arith.subi %get3A_377, %sub3A_379 : vector<16xi32>
      %lt3A_381 = arith.constant 524288 : i32
      %lt3A_382 = vector.broadcast %lt3A_381 : i32 to vector<16xi32>
      %lt3A_383 = arith.cmpi ult, %sub3A_380, %lt3A_382 : vector<16xi32>
      %select_n3A_384 = arith.select %lt3A_383, %sub3A_380, %add3A_22 : vector<16xi1>, vector<16xi32>
      %swap3A_385 = arith.index_cast %add3A_282 : i32 to index
      %swap3A_386 = arith.constant 96 : index
      %swap3A_387 = tpu.vector_load %arg10[%swap3A_385, %swap3A_386] {strides = array<i32>} : memref<88x128xi32, #tpu.memory_space<vmem>>, vector<1x16xi32>,
      %swap3A_388 = vector.shape_cast %swap3A_387 : vector<1x16xi32> to vector<16xi32>
      %swap3A_389 = vector.shape_cast %select_n3A_384 : vector<16xi32> to vector<1x16xi32>
      tpu.vector_store %arg10[%swap3A_385, %swap3A_386], %swap3A_389 {strides = array<i32>} : memref<88x128xi32, #tpu.memory_space<vmem>>, vector<1x16xi32>,
      %get3A_390 = arith.index_cast %add3A_282 : i32 to index
      %get3A_391 = arith.constant 112 : index
      %get3A_392 = tpu.vector_load %arg9[%get3A_390, %get3A_391] {strides = array<i32>} : memref<88x128xi32, #tpu.memory_space<vmem>>, vector<1x16xi32>,
      %get3A_393 = vector.shape_cast %get3A_392 : vector<1x16xi32> to vector<16xi32>
      %sub3A_394 = arith.constant 2621440 : i32
      %sub3A_395 = vector.broadcast %sub3A_394 : i32 to vector<16xi32>
      %sub3A_396 = arith.subi %get3A_393, %sub3A_395 : vector<16xi32>
      %lt3A_397 = arith.constant 524288 : i32
      %lt3A_398 = vector.broadcast %lt3A_397 : i32 to vector<16xi32>
      %lt3A_399 = arith.cmpi ult, %sub3A_396, %lt3A_398 : vector<16xi32>
      %select_n3A_400 = arith.select %lt3A_399, %sub3A_396, %add3A_22 : vector<16xi1>, vector<16xi32>
      %swap3A_401 = arith.index_cast %add3A_282 : i32 to index
      %swap3A_402 = arith.constant 112 : index
      %swap3A_403 = tpu.vector_load %arg10[%swap3A_401, %swap3A_402] {strides = array<i32>} : memref<88x128xi32, #tpu.memory_space<vmem>>, vector<1x16xi32>,
      %swap3A_404 = vector.shape_cast %swap3A_403 : vector<1x16xi32> to vector<16xi32>
      %swap3A_405 = vector.shape_cast %select_n3A_400 : vector<16xi32> to vector<1x16xi32>
      tpu.vector_store %arg10[%swap3A_401, %swap3A_402], %swap3A_405 {strides = array<i32>} : memref<88x128xi32, #tpu.memory_space<vmem>>, vector<1x16xi32>,
    }
    %scan3A_194 = arith.constant 88 : i32
    %barrier3A_195 = arith.constant 0 : index
    tpu.barrier barrier_id(%barrier3A_195)
    %scan3A_196 = arith.constant 0 : i32
    %scan3A_197 = arith.constant 88 : i32
    %scan3A_198 = arith.addi %scan3A_196, %scan3A_197 : i32
    %scan3A_199 = arith.constant 1 : i32
    scf.for %scan3A_278 = %scan3A_196 to %scan3A_198 step %scan3A_199  : i32 {
      %mul3A_279 = arith.constant 1 : i32
      %mul3A_280 = arith.muli %scan3A_278, %mul3A_279 : i32
      %add3A_281 = arith.constant 0 : i32
      %add3A_282 = arith.addi %add3A_281, %mul3A_280 : i32
      %mul3A_283 = arith.constant 128 : i32
      %mul3A_284 = arith.muli %add3A_282, %mul3A_283 : i32
      %dma_start3A = tpu.memref_slice %arg8[%mul3A_284] : memref<11264xf32, #tpu.memory_space<vmem>> -> memref<128xf32, #tpu.memory_space<vmem>>
      %dma_start3A_285 = arith.constant 0 : i32
      %dma_start3A_286 = tpu.memref_slice %arg10[%add3A_282, %dma_start3A_285] : memref<88x128xi32, #tpu.memory_space<vmem>> -> memref<1x128xi32, #tpu.memory_space<vmem>>
      %dma_start3A_287 = tpu.memref_squeeze %dma_start3A_286 : memref<1x128xi32, #tpu.memory_space<vmem>> -> memref<128xi32, #tpu.memory_space<vmem>>
      %dma_start3A_288 = arith.constant 0 : i32
      %dma_start3A_289 = tpu.memref_slice %arg12[%dma_start3A_288] : memref<524544xf32, #tpu.memory_space<vmem_shared>> -> memref<524544xf32, #tpu.memory_space<vmem_shared>>
      tpu.enqueue_indirect_dma source(%dma_start3A : memref<128xf32, #tpu.memory_space<vmem>>) target(%dma_start3A_289 : memref<524544xf32, #tpu.memory_space<vmem_shared>>) offsets(%dma_start3A_287 : memref<128xi32, #tpu.memory_space<vmem>>) semaphore(%arg13 : memref<!tpu.dma_semaphore, #tpu.memory_space<semaphore_mem>>) {add = true}
    }
    %scan3A_200 = arith.constant 88 : i32
    %scan3A_201 = arith.constant 0 : i32
    %scan3A_202 = arith.constant 88 : i32
    %scan3A_203 = arith.addi %scan3A_201, %scan3A_202 : i32
    %scan3A_204 = arith.constant 1 : i32
    scf.for %scan3A_278 = %scan3A_201 to %scan3A_203 step %scan3A_204  : i32 {
      %mul3A_279 = arith.constant 1 : i32
      %mul3A_280 = arith.muli %scan3A_278, %mul3A_279 : i32
      %add3A_281 = arith.constant 0 : i32
      %add3A_282 = arith.addi %add3A_281, %mul3A_280 : i32
      %dma_wait3A = arith.constant 0 : i32
      %dma_wait3A_283 = arith.constant 0 : i32
      %dma_wait3A_284 = tpu.memref_slice %arg8[%dma_wait3A_283] : memref<11264xf32, #tpu.memory_space<vmem>> -> memref<128xf32, #tpu.memory_space<vmem>>
      %dma_wait3A_285 = arith.constant 0 : i32
      %dma_wait3A_286 = tpu.memref_slice %arg10[%dma_wait3A, %dma_wait3A_285] : memref<88x128xi32, #tpu.memory_space<vmem>> -> memref<1x128xi32, #tpu.memory_space<vmem>>
      %dma_wait3A_287 = tpu.memref_squeeze %dma_wait3A_286 : memref<1x128xi32, #tpu.memory_space<vmem>> -> memref<128xi32, #tpu.memory_space<vmem>>
      %dma_wait3A_288 = arith.constant 0 : i32
      %dma_wait3A_289 = tpu.memref_slice %arg12[%dma_wait3A_288] : memref<524544xf32, #tpu.memory_space<vmem_shared>> -> memref<524544xf32, #tpu.memory_space<vmem_shared>>
      tpu.wait_indirect_dma semaphore(%arg13 : memref<!tpu.dma_semaphore, #tpu.memory_space<semaphore_mem>>) src(%dma_wait3A_284 : memref<128xf32, #tpu.memory_space<vmem>>) dst(%dma_wait3A_289 : memref<524544xf32, #tpu.memory_space<vmem_shared>>)
    }
    %scan3A_205 = arith.constant 88 : i32
    %barrier3A_206 = arith.constant 0 : index
    tpu.barrier barrier_id(%barrier3A_206)
    %add3A_207 = arith.constant 2621440 : i32
    %add3A_208 = arith.addi %add3A_1, %add3A_207 : i32
    %mul3A_209 = arith.constant 32768 : i32
    %mul3A_210 = arith.muli %arg1, %mul3A_209 : i32
    %add3A_211 = arith.addi %add3A_208, %mul3A_210 : i32
    %mul3A_212 = arith.constant 32768 : i32
    %mul3A_213 = arith.muli %arg1, %mul3A_212 : i32
    "tpu.region"() ({
      %run_scoped3A = tpu.sem_alloc : memref<!tpu.dma_semaphore, #tpu.memory_space<semaphore_mem>>
      %dma_start3A = tpu.memref_slice %arg5[%add3A_211] : memref<8388608xf32, #tpu.memory_space<hbm>> -> memref<32768xf32, #tpu.memory_space<hbm>>
      %dma_start3A_278 = tpu.memref_slice %arg12[%mul3A_213] : memref<524544xf32, #tpu.memory_space<vmem_shared>> -> memref<32768xf32, #tpu.memory_space<vmem_shared>>
      tpu.enqueue_dma source(%dma_start3A_278 : memref<32768xf32, #tpu.memory_space<vmem_shared>>) target(%dma_start3A : memref<32768xf32, #tpu.memory_space<hbm>>) target_semaphore(%run_scoped3A : memref<!tpu.dma_semaphore, #tpu.memory_space<semaphore_mem>>)
      %dma_wait3A = tpu.memref_slice %arg5[%add3A_211] : memref<8388608xf32, #tpu.memory_space<hbm>> -> memref<32768xf32, #tpu.memory_space<hbm>>
      %dma_wait3A_279 = tpu.memref_slice %arg12[%mul3A_213] : memref<524544xf32, #tpu.memory_space<vmem_shared>> -> memref<32768xf32, #tpu.memory_space<vmem_shared>>
      tpu.wait_dma2 semaphore(%run_scoped3A : memref<!tpu.dma_semaphore, #tpu.memory_space<semaphore_mem>>) src(%dma_wait3A_279 : memref<32768xf32, #tpu.memory_space<vmem_shared>>) dst(%dma_wait3A : memref<32768xf32, #tpu.memory_space<hbm>>)
      tpu.yield
    }) : () -> ()
    %mul3A_214 = arith.constant 32768 : i32
    %mul3A_215 = arith.muli %arg1, %mul3A_214 : i32
    %add3A_216 = arith.constant 0 : i32
    %add3A_217 = arith.addi %mul3A_215, %add3A_216 : i32
    "tpu.region"() ({
      %run_scoped3A = tpu.sem_alloc : memref<!tpu.dma_semaphore, #tpu.memory_space<semaphore_mem>>
      %dma_start3A = tpu.memref_slice %arg12[%add3A_217] : memref<524544xf32, #tpu.memory_space<vmem_shared>> -> memref<16384xf32, #tpu.memory_space<vmem_shared>>
      %dma_start3A_278 = tpu.memref_slice %arg12[%add3A_217] : memref<524544xf32, #tpu.memory_space<vmem_shared>> -> memref<16384xf32, #tpu.memory_space<vmem_shared>>
      tpu.enqueue_dma source(%arg11 : memref<16384xf32, #tpu.memory_space<vmem>>) target(%dma_start3A_278 : memref<16384xf32, #tpu.memory_space<vmem_shared>>) target_semaphore(%run_scoped3A : memref<!tpu.dma_semaphore, #tpu.memory_space<semaphore_mem>>)
      %dma_wait3A = tpu.memref_slice %arg12[%add3A_217] : memref<524544xf32, #tpu.memory_space<vmem_shared>> -> memref<16384xf32, #tpu.memory_space<vmem_shared>>
      %dma_wait3A_279 = tpu.memref_slice %arg12[%add3A_217] : memref<524544xf32, #tpu.memory_space<vmem_shared>> -> memref<16384xf32, #tpu.memory_space<vmem_shared>>
      tpu.wait_dma2 semaphore(%run_scoped3A : memref<!tpu.dma_semaphore, #tpu.memory_space<semaphore_mem>>) src(%arg11 : memref<16384xf32, #tpu.memory_space<vmem>>) dst(%dma_wait3A_279 : memref<16384xf32, #tpu.memory_space<vmem_shared>>)
      tpu.yield
    }) : () -> ()
    %mul3A_218 = arith.constant 32768 : i32
    %mul3A_219 = arith.muli %arg1, %mul3A_218 : i32
    %add3A_220 = arith.constant 16384 : i32
    %add3A_221 = arith.addi %mul3A_219, %add3A_220 : i32
    "tpu.region"() ({
      %run_scoped3A = tpu.sem_alloc : memref<!tpu.dma_semaphore, #tpu.memory_space<semaphore_mem>>
      %dma_start3A = tpu.memref_slice %arg12[%add3A_221] : memref<524544xf32, #tpu.memory_space<vmem_shared>> -> memref<16384xf32, #tpu.memory_space<vmem_shared>>
      %dma_start3A_278 = tpu.memref_slice %arg12[%add3A_221] : memref<524544xf32, #tpu.memory_space<vmem_shared>> -> memref<16384xf32, #tpu.memory_space<vmem_shared>>
      tpu.enqueue_dma source(%arg11 : memref<16384xf32, #tpu.memory_space<vmem>>) target(%dma_start3A_278 : memref<16384xf32, #tpu.memory_space<vmem_shared>>) target_semaphore(%run_scoped3A : memref<!tpu.dma_semaphore, #tpu.memory_space<semaphore_mem>>)
      %dma_wait3A = tpu.memref_slice %arg12[%add3A_221] : memref<524544xf32, #tpu.memory_space<vmem_shared>> -> memref<16384xf32, #tpu.memory_space<vmem_shared>>
      %dma_wait3A_279 = tpu.memref_slice %arg12[%add3A_221] : memref<524544xf32, #tpu.memory_space<vmem_shared>> -> memref<16384xf32, #tpu.memory_space<vmem_shared>>
      tpu.wait_dma2 semaphore(%run_scoped3A : memref<!tpu.dma_semaphore, #tpu.memory_space<semaphore_mem>>) src(%arg11 : memref<16384xf32, #tpu.memory_space<vmem>>) dst(%dma_wait3A_279 : memref<16384xf32, #tpu.memory_space<vmem_shared>>)
      tpu.yield
    }) : () -> ()
    %scan3A_222 = arith.constant 0 : i32
    %scan3A_223 = arith.constant 88 : i32
    %scan3A_224 = arith.addi %scan3A_222, %scan3A_223 : i32
    %scan3A_225 = arith.constant 1 : i32
    scf.for %scan3A_278 = %scan3A_222 to %scan3A_224 step %scan3A_225  : i32 {
      %mul3A_279 = arith.constant 1 : i32
      %mul3A_280 = arith.muli %scan3A_278, %mul3A_279 : i32
      %add3A_281 = arith.constant 0 : i32
      %add3A_282 = arith.addi %add3A_281, %mul3A_280 : i32
      %get3A = arith.index_cast %add3A_282 : i32 to index
      %get3A_283 = arith.constant 0 : index
      %get3A_284 = tpu.vector_load %arg9[%get3A, %get3A_283] {strides = array<i32>} : memref<88x128xi32, #tpu.memory_space<vmem>>, vector<1x16xi32>,
      %get3A_285 = vector.shape_cast %get3A_284 : vector<1x16xi32> to vector<16xi32>
      %sub3A = arith.constant 3145728 : i32
      %sub3A_286 = vector.broadcast %sub3A : i32 to vector<16xi32>
      %sub3A_287 = arith.subi %get3A_285, %sub3A_286 : vector<16xi32>
      %lt3A = arith.constant 524288 : i32
      %lt3A_288 = vector.broadcast %lt3A : i32 to vector<16xi32>
      %lt3A_289 = arith.cmpi ult, %sub3A_287, %lt3A_288 : vector<16xi32>
      %select_n3A = arith.select %lt3A_289, %sub3A_287, %add3A_22 : vector<16xi1>, vector<16xi32>
      %swap3A = arith.index_cast %add3A_282 : i32 to index
      %swap3A_290 = arith.constant 0 : index
      %swap3A_291 = tpu.vector_load %arg10[%swap3A, %swap3A_290] {strides = array<i32>} : memref<88x128xi32, #tpu.memory_space<vmem>>, vector<1x16xi32>,
      %swap3A_292 = vector.shape_cast %swap3A_291 : vector<1x16xi32> to vector<16xi32>
      %swap3A_293 = vector.shape_cast %select_n3A : vector<16xi32> to vector<1x16xi32>
      tpu.vector_store %arg10[%swap3A, %swap3A_290], %swap3A_293 {strides = array<i32>} : memref<88x128xi32, #tpu.memory_space<vmem>>, vector<1x16xi32>,
      %get3A_294 = arith.index_cast %add3A_282 : i32 to index
      %get3A_295 = arith.constant 16 : index
      %get3A_296 = tpu.vector_load %arg9[%get3A_294, %get3A_295] {strides = array<i32>} : memref<88x128xi32, #tpu.memory_space<vmem>>, vector<1x16xi32>,
      %get3A_297 = vector.shape_cast %get3A_296 : vector<1x16xi32> to vector<16xi32>
      %sub3A_298 = arith.constant 3145728 : i32
      %sub3A_299 = vector.broadcast %sub3A_298 : i32 to vector<16xi32>
      %sub3A_300 = arith.subi %get3A_297, %sub3A_299 : vector<16xi32>
      %lt3A_301 = arith.constant 524288 : i32
      %lt3A_302 = vector.broadcast %lt3A_301 : i32 to vector<16xi32>
      %lt3A_303 = arith.cmpi ult, %sub3A_300, %lt3A_302 : vector<16xi32>
      %select_n3A_304 = arith.select %lt3A_303, %sub3A_300, %add3A_22 : vector<16xi1>, vector<16xi32>
      %swap3A_305 = arith.index_cast %add3A_282 : i32 to index
      %swap3A_306 = arith.constant 16 : index
      %swap3A_307 = tpu.vector_load %arg10[%swap3A_305, %swap3A_306] {strides = array<i32>} : memref<88x128xi32, #tpu.memory_space<vmem>>, vector<1x16xi32>,
      %swap3A_308 = vector.shape_cast %swap3A_307 : vector<1x16xi32> to vector<16xi32>
      %swap3A_309 = vector.shape_cast %select_n3A_304 : vector<16xi32> to vector<1x16xi32>
      tpu.vector_store %arg10[%swap3A_305, %swap3A_306], %swap3A_309 {strides = array<i32>} : memref<88x128xi32, #tpu.memory_space<vmem>>, vector<1x16xi32>,
      %get3A_310 = arith.index_cast %add3A_282 : i32 to index
      %get3A_311 = arith.constant 32 : index
      %get3A_312 = tpu.vector_load %arg9[%get3A_310, %get3A_311] {strides = array<i32>} : memref<88x128xi32, #tpu.memory_space<vmem>>, vector<1x16xi32>,
      %get3A_313 = vector.shape_cast %get3A_312 : vector<1x16xi32> to vector<16xi32>
      %sub3A_314 = arith.constant 3145728 : i32
      %sub3A_315 = vector.broadcast %sub3A_314 : i32 to vector<16xi32>
      %sub3A_316 = arith.subi %get3A_313, %sub3A_315 : vector<16xi32>
      %lt3A_317 = arith.constant 524288 : i32
      %lt3A_318 = vector.broadcast %lt3A_317 : i32 to vector<16xi32>
      %lt3A_319 = arith.cmpi ult, %sub3A_316, %lt3A_318 : vector<16xi32>
      %select_n3A_320 = arith.select %lt3A_319, %sub3A_316, %add3A_22 : vector<16xi1>, vector<16xi32>
      %swap3A_321 = arith.index_cast %add3A_282 : i32 to index
      %swap3A_322 = arith.constant 32 : index
      %swap3A_323 = tpu.vector_load %arg10[%swap3A_321, %swap3A_322] {strides = array<i32>} : memref<88x128xi32, #tpu.memory_space<vmem>>, vector<1x16xi32>,
      %swap3A_324 = vector.shape_cast %swap3A_323 : vector<1x16xi32> to vector<16xi32>
      %swap3A_325 = vector.shape_cast %select_n3A_320 : vector<16xi32> to vector<1x16xi32>
      tpu.vector_store %arg10[%swap3A_321, %swap3A_322], %swap3A_325 {strides = array<i32>} : memref<88x128xi32, #tpu.memory_space<vmem>>, vector<1x16xi32>,
      %get3A_326 = arith.index_cast %add3A_282 : i32 to index
      %get3A_327 = arith.constant 48 : index
      %get3A_328 = tpu.vector_load %arg9[%get3A_326, %get3A_327] {strides = array<i32>} : memref<88x128xi32, #tpu.memory_space<vmem>>, vector<1x16xi32>,
      %get3A_329 = vector.shape_cast %get3A_328 : vector<1x16xi32> to vector<16xi32>
      %sub3A_330 = arith.constant 3145728 : i32
      %sub3A_331 = vector.broadcast %sub3A_330 : i32 to vector<16xi32>
      %sub3A_332 = arith.subi %get3A_329, %sub3A_331 : vector<16xi32>
      %lt3A_333 = arith.constant 524288 : i32
      %lt3A_334 = vector.broadcast %lt3A_333 : i32 to vector<16xi32>
      %lt3A_335 = arith.cmpi ult, %sub3A_332, %lt3A_334 : vector<16xi32>
      %select_n3A_336 = arith.select %lt3A_335, %sub3A_332, %add3A_22 : vector<16xi1>, vector<16xi32>
      %swap3A_337 = arith.index_cast %add3A_282 : i32 to index
      %swap3A_338 = arith.constant 48 : index
      %swap3A_339 = tpu.vector_load %arg10[%swap3A_337, %swap3A_338] {strides = array<i32>} : memref<88x128xi32, #tpu.memory_space<vmem>>, vector<1x16xi32>,
      %swap3A_340 = vector.shape_cast %swap3A_339 : vector<1x16xi32> to vector<16xi32>
      %swap3A_341 = vector.shape_cast %select_n3A_336 : vector<16xi32> to vector<1x16xi32>
      tpu.vector_store %arg10[%swap3A_337, %swap3A_338], %swap3A_341 {strides = array<i32>} : memref<88x128xi32, #tpu.memory_space<vmem>>, vector<1x16xi32>,
      %get3A_342 = arith.index_cast %add3A_282 : i32 to index
      %get3A_343 = arith.constant 64 : index
      %get3A_344 = tpu.vector_load %arg9[%get3A_342, %get3A_343] {strides = array<i32>} : memref<88x128xi32, #tpu.memory_space<vmem>>, vector<1x16xi32>,
      %get3A_345 = vector.shape_cast %get3A_344 : vector<1x16xi32> to vector<16xi32>
      %sub3A_346 = arith.constant 3145728 : i32
      %sub3A_347 = vector.broadcast %sub3A_346 : i32 to vector<16xi32>
      %sub3A_348 = arith.subi %get3A_345, %sub3A_347 : vector<16xi32>
      %lt3A_349 = arith.constant 524288 : i32
      %lt3A_350 = vector.broadcast %lt3A_349 : i32 to vector<16xi32>
      %lt3A_351 = arith.cmpi ult, %sub3A_348, %lt3A_350 : vector<16xi32>
      %select_n3A_352 = arith.select %lt3A_351, %sub3A_348, %add3A_22 : vector<16xi1>, vector<16xi32>
      %swap3A_353 = arith.index_cast %add3A_282 : i32 to index
      %swap3A_354 = arith.constant 64 : index
      %swap3A_355 = tpu.vector_load %arg10[%swap3A_353, %swap3A_354] {strides = array<i32>} : memref<88x128xi32, #tpu.memory_space<vmem>>, vector<1x16xi32>,
      %swap3A_356 = vector.shape_cast %swap3A_355 : vector<1x16xi32> to vector<16xi32>
      %swap3A_357 = vector.shape_cast %select_n3A_352 : vector<16xi32> to vector<1x16xi32>
      tpu.vector_store %arg10[%swap3A_353, %swap3A_354], %swap3A_357 {strides = array<i32>} : memref<88x128xi32, #tpu.memory_space<vmem>>, vector<1x16xi32>,
      %get3A_358 = arith.index_cast %add3A_282 : i32 to index
      %get3A_359 = arith.constant 80 : index
      %get3A_360 = tpu.vector_load %arg9[%get3A_358, %get3A_359] {strides = array<i32>} : memref<88x128xi32, #tpu.memory_space<vmem>>, vector<1x16xi32>,
      %get3A_361 = vector.shape_cast %get3A_360 : vector<1x16xi32> to vector<16xi32>
      %sub3A_362 = arith.constant 3145728 : i32
      %sub3A_363 = vector.broadcast %sub3A_362 : i32 to vector<16xi32>
      %sub3A_364 = arith.subi %get3A_361, %sub3A_363 : vector<16xi32>
      %lt3A_365 = arith.constant 524288 : i32
      %lt3A_366 = vector.broadcast %lt3A_365 : i32 to vector<16xi32>
      %lt3A_367 = arith.cmpi ult, %sub3A_364, %lt3A_366 : vector<16xi32>
      %select_n3A_368 = arith.select %lt3A_367, %sub3A_364, %add3A_22 : vector<16xi1>, vector<16xi32>
      %swap3A_369 = arith.index_cast %add3A_282 : i32 to index
      %swap3A_370 = arith.constant 80 : index
      %swap3A_371 = tpu.vector_load %arg10[%swap3A_369, %swap3A_370] {strides = array<i32>} : memref<88x128xi32, #tpu.memory_space<vmem>>, vector<1x16xi32>,
      %swap3A_372 = vector.shape_cast %swap3A_371 : vector<1x16xi32> to vector<16xi32>
      %swap3A_373 = vector.shape_cast %select_n3A_368 : vector<16xi32> to vector<1x16xi32>
      tpu.vector_store %arg10[%swap3A_369, %swap3A_370], %swap3A_373 {strides = array<i32>} : memref<88x128xi32, #tpu.memory_space<vmem>>, vector<1x16xi32>,
      %get3A_374 = arith.index_cast %add3A_282 : i32 to index
      %get3A_375 = arith.constant 96 : index
      %get3A_376 = tpu.vector_load %arg9[%get3A_374, %get3A_375] {strides = array<i32>} : memref<88x128xi32, #tpu.memory_space<vmem>>, vector<1x16xi32>,
      %get3A_377 = vector.shape_cast %get3A_376 : vector<1x16xi32> to vector<16xi32>
      %sub3A_378 = arith.constant 3145728 : i32
      %sub3A_379 = vector.broadcast %sub3A_378 : i32 to vector<16xi32>
      %sub3A_380 = arith.subi %get3A_377, %sub3A_379 : vector<16xi32>
      %lt3A_381 = arith.constant 524288 : i32
      %lt3A_382 = vector.broadcast %lt3A_381 : i32 to vector<16xi32>
      %lt3A_383 = arith.cmpi ult, %sub3A_380, %lt3A_382 : vector<16xi32>
      %select_n3A_384 = arith.select %lt3A_383, %sub3A_380, %add3A_22 : vector<16xi1>, vector<16xi32>
      %swap3A_385 = arith.index_cast %add3A_282 : i32 to index
      %swap3A_386 = arith.constant 96 : index
      %swap3A_387 = tpu.vector_load %arg10[%swap3A_385, %swap3A_386] {strides = array<i32>} : memref<88x128xi32, #tpu.memory_space<vmem>>, vector<1x16xi32>,
      %swap3A_388 = vector.shape_cast %swap3A_387 : vector<1x16xi32> to vector<16xi32>
      %swap3A_389 = vector.shape_cast %select_n3A_384 : vector<16xi32> to vector<1x16xi32>
      tpu.vector_store %arg10[%swap3A_385, %swap3A_386], %swap3A_389 {strides = array<i32>} : memref<88x128xi32, #tpu.memory_space<vmem>>, vector<1x16xi32>,
      %get3A_390 = arith.index_cast %add3A_282 : i32 to index
      %get3A_391 = arith.constant 112 : index
      %get3A_392 = tpu.vector_load %arg9[%get3A_390, %get3A_391] {strides = array<i32>} : memref<88x128xi32, #tpu.memory_space<vmem>>, vector<1x16xi32>,
      %get3A_393 = vector.shape_cast %get3A_392 : vector<1x16xi32> to vector<16xi32>
      %sub3A_394 = arith.constant 3145728 : i32
      %sub3A_395 = vector.broadcast %sub3A_394 : i32 to vector<16xi32>
      %sub3A_396 = arith.subi %get3A_393, %sub3A_395 : vector<16xi32>
      %lt3A_397 = arith.constant 524288 : i32
      %lt3A_398 = vector.broadcast %lt3A_397 : i32 to vector<16xi32>
      %lt3A_399 = arith.cmpi ult, %sub3A_396, %lt3A_398 : vector<16xi32>
      %select_n3A_400 = arith.select %lt3A_399, %sub3A_396, %add3A_22 : vector<16xi1>, vector<16xi32>
      %swap3A_401 = arith.index_cast %add3A_282 : i32 to index
      %swap3A_402 = arith.constant 112 : index
      %swap3A_403 = tpu.vector_load %arg10[%swap3A_401, %swap3A_402] {strides = array<i32>} : memref<88x128xi32, #tpu.memory_space<vmem>>, vector<1x16xi32>,
      %swap3A_404 = vector.shape_cast %swap3A_403 : vector<1x16xi32> to vector<16xi32>
      %swap3A_405 = vector.shape_cast %select_n3A_400 : vector<16xi32> to vector<1x16xi32>
      tpu.vector_store %arg10[%swap3A_401, %swap3A_402], %swap3A_405 {strides = array<i32>} : memref<88x128xi32, #tpu.memory_space<vmem>>, vector<1x16xi32>,
    }
    %scan3A_226 = arith.constant 88 : i32
    %barrier3A_227 = arith.constant 0 : index
    tpu.barrier barrier_id(%barrier3A_227)
    %scan3A_228 = arith.constant 0 : i32
    %scan3A_229 = arith.constant 88 : i32
    %scan3A_230 = arith.addi %scan3A_228, %scan3A_229 : i32
    %scan3A_231 = arith.constant 1 : i32
    scf.for %scan3A_278 = %scan3A_228 to %scan3A_230 step %scan3A_231  : i32 {
      %mul3A_279 = arith.constant 1 : i32
      %mul3A_280 = arith.muli %scan3A_278, %mul3A_279 : i32
      %add3A_281 = arith.constant 0 : i32
      %add3A_282 = arith.addi %add3A_281, %mul3A_280 : i32
      %mul3A_283 = arith.constant 128 : i32
      %mul3A_284 = arith.muli %add3A_282, %mul3A_283 : i32
      %dma_start3A = tpu.memref_slice %arg8[%mul3A_284] : memref<11264xf32, #tpu.memory_space<vmem>> -> memref<128xf32, #tpu.memory_space<vmem>>
      %dma_start3A_285 = arith.constant 0 : i32
      %dma_start3A_286 = tpu.memref_slice %arg10[%add3A_282, %dma_start3A_285] : memref<88x128xi32, #tpu.memory_space<vmem>> -> memref<1x128xi32, #tpu.memory_space<vmem>>
      %dma_start3A_287 = tpu.memref_squeeze %dma_start3A_286 : memref<1x128xi32, #tpu.memory_space<vmem>> -> memref<128xi32, #tpu.memory_space<vmem>>
      %dma_start3A_288 = arith.constant 0 : i32
      %dma_start3A_289 = tpu.memref_slice %arg12[%dma_start3A_288] : memref<524544xf32, #tpu.memory_space<vmem_shared>> -> memref<524544xf32, #tpu.memory_space<vmem_shared>>
      tpu.enqueue_indirect_dma source(%dma_start3A : memref<128xf32, #tpu.memory_space<vmem>>) target(%dma_start3A_289 : memref<524544xf32, #tpu.memory_space<vmem_shared>>) offsets(%dma_start3A_287 : memref<128xi32, #tpu.memory_space<vmem>>) semaphore(%arg13 : memref<!tpu.dma_semaphore, #tpu.memory_space<semaphore_mem>>) {add = true}
    }
    %scan3A_232 = arith.constant 88 : i32
    %scan3A_233 = arith.constant 0 : i32
    %scan3A_234 = arith.constant 88 : i32
    %scan3A_235 = arith.addi %scan3A_233, %scan3A_234 : i32
    %scan3A_236 = arith.constant 1 : i32
    scf.for %scan3A_278 = %scan3A_233 to %scan3A_235 step %scan3A_236  : i32 {
      %mul3A_279 = arith.constant 1 : i32
      %mul3A_280 = arith.muli %scan3A_278, %mul3A_279 : i32
      %add3A_281 = arith.constant 0 : i32
      %add3A_282 = arith.addi %add3A_281, %mul3A_280 : i32
      %dma_wait3A = arith.constant 0 : i32
      %dma_wait3A_283 = arith.constant 0 : i32
      %dma_wait3A_284 = tpu.memref_slice %arg8[%dma_wait3A_283] : memref<11264xf32, #tpu.memory_space<vmem>> -> memref<128xf32, #tpu.memory_space<vmem>>
      %dma_wait3A_285 = arith.constant 0 : i32
      %dma_wait3A_286 = tpu.memref_slice %arg10[%dma_wait3A, %dma_wait3A_285] : memref<88x128xi32, #tpu.memory_space<vmem>> -> memref<1x128xi32, #tpu.memory_space<vmem>>
      %dma_wait3A_287 = tpu.memref_squeeze %dma_wait3A_286 : memref<1x128xi32, #tpu.memory_space<vmem>> -> memref<128xi32, #tpu.memory_space<vmem>>
      %dma_wait3A_288 = arith.constant 0 : i32
      %dma_wait3A_289 = tpu.memref_slice %arg12[%dma_wait3A_288] : memref<524544xf32, #tpu.memory_space<vmem_shared>> -> memref<524544xf32, #tpu.memory_space<vmem_shared>>
      tpu.wait_indirect_dma semaphore(%arg13 : memref<!tpu.dma_semaphore, #tpu.memory_space<semaphore_mem>>) src(%dma_wait3A_284 : memref<128xf32, #tpu.memory_space<vmem>>) dst(%dma_wait3A_289 : memref<524544xf32, #tpu.memory_space<vmem_shared>>)
    }
    %scan3A_237 = arith.constant 88 : i32
    %barrier3A_238 = arith.constant 0 : index
    tpu.barrier barrier_id(%barrier3A_238)
    %add3A_239 = arith.constant 3145728 : i32
    %add3A_240 = arith.addi %add3A_1, %add3A_239 : i32
    %mul3A_241 = arith.constant 32768 : i32
    %mul3A_242 = arith.muli %arg1, %mul3A_241 : i32
    %add3A_243 = arith.addi %add3A_240, %mul3A_242 : i32
    %mul3A_244 = arith.constant 32768 : i32
    %mul3A_245 = arith.muli %arg1, %mul3A_244 : i32
    "tpu.region"() ({
      %run_scoped3A = tpu.sem_alloc : memref<!tpu.dma_semaphore, #tpu.memory_space<semaphore_mem>>
      %dma_start3A = tpu.memref_slice %arg5[%add3A_243] : memref<8388608xf32, #tpu.memory_space<hbm>> -> memref<32768xf32, #tpu.memory_space<hbm>>
      %dma_start3A_278 = tpu.memref_slice %arg12[%mul3A_245] : memref<524544xf32, #tpu.memory_space<vmem_shared>> -> memref<32768xf32, #tpu.memory_space<vmem_shared>>
      tpu.enqueue_dma source(%dma_start3A_278 : memref<32768xf32, #tpu.memory_space<vmem_shared>>) target(%dma_start3A : memref<32768xf32, #tpu.memory_space<hbm>>) target_semaphore(%run_scoped3A : memref<!tpu.dma_semaphore, #tpu.memory_space<semaphore_mem>>)
      %dma_wait3A = tpu.memref_slice %arg5[%add3A_243] : memref<8388608xf32, #tpu.memory_space<hbm>> -> memref<32768xf32, #tpu.memory_space<hbm>>
      %dma_wait3A_279 = tpu.memref_slice %arg12[%mul3A_245] : memref<524544xf32, #tpu.memory_space<vmem_shared>> -> memref<32768xf32, #tpu.memory_space<vmem_shared>>
      tpu.wait_dma2 semaphore(%run_scoped3A : memref<!tpu.dma_semaphore, #tpu.memory_space<semaphore_mem>>) src(%dma_wait3A_279 : memref<32768xf32, #tpu.memory_space<vmem_shared>>) dst(%dma_wait3A : memref<32768xf32, #tpu.memory_space<hbm>>)
      tpu.yield
    }) : () -> ()
    %mul3A_246 = arith.constant 32768 : i32
    %mul3A_247 = arith.muli %arg1, %mul3A_246 : i32
    %add3A_248 = arith.constant 0 : i32
    %add3A_249 = arith.addi %mul3A_247, %add3A_248 : i32
    "tpu.region"() ({
      %run_scoped3A = tpu.sem_alloc : memref<!tpu.dma_semaphore, #tpu.memory_space<semaphore_mem>>
      %dma_start3A = tpu.memref_slice %arg12[%add3A_249] : memref<524544xf32, #tpu.memory_space<vmem_shared>> -> memref<16384xf32, #tpu.memory_space<vmem_shared>>
      %dma_start3A_278 = tpu.memref_slice %arg12[%add3A_249] : memref<524544xf32, #tpu.memory_space<vmem_shared>> -> memref<16384xf32, #tpu.memory_space<vmem_shared>>
      tpu.enqueue_dma source(%arg11 : memref<16384xf32, #tpu.memory_space<vmem>>) target(%dma_start3A_278 : memref<16384xf32, #tpu.memory_space<vmem_shared>>) target_semaphore(%run_scoped3A : memref<!tpu.dma_semaphore, #tpu.memory_space<semaphore_mem>>)
      %dma_wait3A = tpu.memref_slice %arg12[%add3A_249] : memref<524544xf32, #tpu.memory_space<vmem_shared>> -> memref<16384xf32, #tpu.memory_space<vmem_shared>>
      %dma_wait3A_279 = tpu.memref_slice %arg12[%add3A_249] : memref<524544xf32, #tpu.memory_space<vmem_shared>> -> memref<16384xf32, #tpu.memory_space<vmem_shared>>
      tpu.wait_dma2 semaphore(%run_scoped3A : memref<!tpu.dma_semaphore, #tpu.memory_space<semaphore_mem>>) src(%arg11 : memref<16384xf32, #tpu.memory_space<vmem>>) dst(%dma_wait3A_279 : memref<16384xf32, #tpu.memory_space<vmem_shared>>)
      tpu.yield
    }) : () -> ()
    %mul3A_250 = arith.constant 32768 : i32
    %mul3A_251 = arith.muli %arg1, %mul3A_250 : i32
    %add3A_252 = arith.constant 16384 : i32
    %add3A_253 = arith.addi %mul3A_251, %add3A_252 : i32
    "tpu.region"() ({
      %run_scoped3A = tpu.sem_alloc : memref<!tpu.dma_semaphore, #tpu.memory_space<semaphore_mem>>
      %dma_start3A = tpu.memref_slice %arg12[%add3A_253] : memref<524544xf32, #tpu.memory_space<vmem_shared>> -> memref<16384xf32, #tpu.memory_space<vmem_shared>>
      %dma_start3A_278 = tpu.memref_slice %arg12[%add3A_253] : memref<524544xf32, #tpu.memory_space<vmem_shared>> -> memref<16384xf32, #tpu.memory_space<vmem_shared>>
      tpu.enqueue_dma source(%arg11 : memref<16384xf32, #tpu.memory_space<vmem>>) target(%dma_start3A_278 : memref<16384xf32, #tpu.memory_space<vmem_shared>>) target_semaphore(%run_scoped3A : memref<!tpu.dma_semaphore, #tpu.memory_space<semaphore_mem>>)
      %dma_wait3A = tpu.memref_slice %arg12[%add3A_253] : memref<524544xf32, #tpu.memory_space<vmem_shared>> -> memref<16384xf32, #tpu.memory_space<vmem_shared>>
      %dma_wait3A_279 = tpu.memref_slice %arg12[%add3A_253] : memref<524544xf32, #tpu.memory_space<vmem_shared>> -> memref<16384xf32, #tpu.memory_space<vmem_shared>>
      tpu.wait_dma2 semaphore(%run_scoped3A : memref<!tpu.dma_semaphore, #tpu.memory_space<semaphore_mem>>) src(%arg11 : memref<16384xf32, #tpu.memory_space<vmem>>) dst(%dma_wait3A_279 : memref<16384xf32, #tpu.memory_space<vmem_shared>>)
      tpu.yield
    }) : () -> ()
    %scan3A_254 = arith.constant 0 : i32
    %scan3A_255 = arith.constant 88 : i32
    %scan3A_256 = arith.addi %scan3A_254, %scan3A_255 : i32
    %scan3A_257 = arith.constant 1 : i32
    scf.for %scan3A_278 = %scan3A_254 to %scan3A_256 step %scan3A_257  : i32 {
      %mul3A_279 = arith.constant 1 : i32
      %mul3A_280 = arith.muli %scan3A_278, %mul3A_279 : i32
      %add3A_281 = arith.constant 0 : i32
      %add3A_282 = arith.addi %add3A_281, %mul3A_280 : i32
      %get3A = arith.index_cast %add3A_282 : i32 to index
      %get3A_283 = arith.constant 0 : index
      %get3A_284 = tpu.vector_load %arg9[%get3A, %get3A_283] {strides = array<i32>} : memref<88x128xi32, #tpu.memory_space<vmem>>, vector<1x16xi32>,
      %get3A_285 = vector.shape_cast %get3A_284 : vector<1x16xi32> to vector<16xi32>
      %sub3A = arith.constant 3670016 : i32
      %sub3A_286 = vector.broadcast %sub3A : i32 to vector<16xi32>
      %sub3A_287 = arith.subi %get3A_285, %sub3A_286 : vector<16xi32>
      %lt3A = arith.constant 524288 : i32
      %lt3A_288 = vector.broadcast %lt3A : i32 to vector<16xi32>
      %lt3A_289 = arith.cmpi ult, %sub3A_287, %lt3A_288 : vector<16xi32>
      %select_n3A = arith.select %lt3A_289, %sub3A_287, %add3A_22 : vector<16xi1>, vector<16xi32>
      %swap3A = arith.index_cast %add3A_282 : i32 to index
      %swap3A_290 = arith.constant 0 : index
      %swap3A_291 = tpu.vector_load %arg10[%swap3A, %swap3A_290] {strides = array<i32>} : memref<88x128xi32, #tpu.memory_space<vmem>>, vector<1x16xi32>,
      %swap3A_292 = vector.shape_cast %swap3A_291 : vector<1x16xi32> to vector<16xi32>
      %swap3A_293 = vector.shape_cast %select_n3A : vector<16xi32> to vector<1x16xi32>
      tpu.vector_store %arg10[%swap3A, %swap3A_290], %swap3A_293 {strides = array<i32>} : memref<88x128xi32, #tpu.memory_space<vmem>>, vector<1x16xi32>,
      %get3A_294 = arith.index_cast %add3A_282 : i32 to index
      %get3A_295 = arith.constant 16 : index
      %get3A_296 = tpu.vector_load %arg9[%get3A_294, %get3A_295] {strides = array<i32>} : memref<88x128xi32, #tpu.memory_space<vmem>>, vector<1x16xi32>,
      %get3A_297 = vector.shape_cast %get3A_296 : vector<1x16xi32> to vector<16xi32>
      %sub3A_298 = arith.constant 3670016 : i32
      %sub3A_299 = vector.broadcast %sub3A_298 : i32 to vector<16xi32>
      %sub3A_300 = arith.subi %get3A_297, %sub3A_299 : vector<16xi32>
      %lt3A_301 = arith.constant 524288 : i32
      %lt3A_302 = vector.broadcast %lt3A_301 : i32 to vector<16xi32>
      %lt3A_303 = arith.cmpi ult, %sub3A_300, %lt3A_302 : vector<16xi32>
      %select_n3A_304 = arith.select %lt3A_303, %sub3A_300, %add3A_22 : vector<16xi1>, vector<16xi32>
      %swap3A_305 = arith.index_cast %add3A_282 : i32 to index
      %swap3A_306 = arith.constant 16 : index
      %swap3A_307 = tpu.vector_load %arg10[%swap3A_305, %swap3A_306] {strides = array<i32>} : memref<88x128xi32, #tpu.memory_space<vmem>>, vector<1x16xi32>,
      %swap3A_308 = vector.shape_cast %swap3A_307 : vector<1x16xi32> to vector<16xi32>
      %swap3A_309 = vector.shape_cast %select_n3A_304 : vector<16xi32> to vector<1x16xi32>
      tpu.vector_store %arg10[%swap3A_305, %swap3A_306], %swap3A_309 {strides = array<i32>} : memref<88x128xi32, #tpu.memory_space<vmem>>, vector<1x16xi32>,
      %get3A_310 = arith.index_cast %add3A_282 : i32 to index
      %get3A_311 = arith.constant 32 : index
      %get3A_312 = tpu.vector_load %arg9[%get3A_310, %get3A_311] {strides = array<i32>} : memref<88x128xi32, #tpu.memory_space<vmem>>, vector<1x16xi32>,
      %get3A_313 = vector.shape_cast %get3A_312 : vector<1x16xi32> to vector<16xi32>
      %sub3A_314 = arith.constant 3670016 : i32
      %sub3A_315 = vector.broadcast %sub3A_314 : i32 to vector<16xi32>
      %sub3A_316 = arith.subi %get3A_313, %sub3A_315 : vector<16xi32>
      %lt3A_317 = arith.constant 524288 : i32
      %lt3A_318 = vector.broadcast %lt3A_317 : i32 to vector<16xi32>
      %lt3A_319 = arith.cmpi ult, %sub3A_316, %lt3A_318 : vector<16xi32>
      %select_n3A_320 = arith.select %lt3A_319, %sub3A_316, %add3A_22 : vector<16xi1>, vector<16xi32>
      %swap3A_321 = arith.index_cast %add3A_282 : i32 to index
      %swap3A_322 = arith.constant 32 : index
      %swap3A_323 = tpu.vector_load %arg10[%swap3A_321, %swap3A_322] {strides = array<i32>} : memref<88x128xi32, #tpu.memory_space<vmem>>, vector<1x16xi32>,
      %swap3A_324 = vector.shape_cast %swap3A_323 : vector<1x16xi32> to vector<16xi32>
      %swap3A_325 = vector.shape_cast %select_n3A_320 : vector<16xi32> to vector<1x16xi32>
      tpu.vector_store %arg10[%swap3A_321, %swap3A_322], %swap3A_325 {strides = array<i32>} : memref<88x128xi32, #tpu.memory_space<vmem>>, vector<1x16xi32>,
      %get3A_326 = arith.index_cast %add3A_282 : i32 to index
      %get3A_327 = arith.constant 48 : index
      %get3A_328 = tpu.vector_load %arg9[%get3A_326, %get3A_327] {strides = array<i32>} : memref<88x128xi32, #tpu.memory_space<vmem>>, vector<1x16xi32>,
      %get3A_329 = vector.shape_cast %get3A_328 : vector<1x16xi32> to vector<16xi32>
      %sub3A_330 = arith.constant 3670016 : i32
      %sub3A_331 = vector.broadcast %sub3A_330 : i32 to vector<16xi32>
      %sub3A_332 = arith.subi %get3A_329, %sub3A_331 : vector<16xi32>
      %lt3A_333 = arith.constant 524288 : i32
      %lt3A_334 = vector.broadcast %lt3A_333 : i32 to vector<16xi32>
      %lt3A_335 = arith.cmpi ult, %sub3A_332, %lt3A_334 : vector<16xi32>
      %select_n3A_336 = arith.select %lt3A_335, %sub3A_332, %add3A_22 : vector<16xi1>, vector<16xi32>
      %swap3A_337 = arith.index_cast %add3A_282 : i32 to index
      %swap3A_338 = arith.constant 48 : index
      %swap3A_339 = tpu.vector_load %arg10[%swap3A_337, %swap3A_338] {strides = array<i32>} : memref<88x128xi32, #tpu.memory_space<vmem>>, vector<1x16xi32>,
      %swap3A_340 = vector.shape_cast %swap3A_339 : vector<1x16xi32> to vector<16xi32>
      %swap3A_341 = vector.shape_cast %select_n3A_336 : vector<16xi32> to vector<1x16xi32>
      tpu.vector_store %arg10[%swap3A_337, %swap3A_338], %swap3A_341 {strides = array<i32>} : memref<88x128xi32, #tpu.memory_space<vmem>>, vector<1x16xi32>,
      %get3A_342 = arith.index_cast %add3A_282 : i32 to index
      %get3A_343 = arith.constant 64 : index
      %get3A_344 = tpu.vector_load %arg9[%get3A_342, %get3A_343] {strides = array<i32>} : memref<88x128xi32, #tpu.memory_space<vmem>>, vector<1x16xi32>,
      %get3A_345 = vector.shape_cast %get3A_344 : vector<1x16xi32> to vector<16xi32>
      %sub3A_346 = arith.constant 3670016 : i32
      %sub3A_347 = vector.broadcast %sub3A_346 : i32 to vector<16xi32>
      %sub3A_348 = arith.subi %get3A_345, %sub3A_347 : vector<16xi32>
      %lt3A_349 = arith.constant 524288 : i32
      %lt3A_350 = vector.broadcast %lt3A_349 : i32 to vector<16xi32>
      %lt3A_351 = arith.cmpi ult, %sub3A_348, %lt3A_350 : vector<16xi32>
      %select_n3A_352 = arith.select %lt3A_351, %sub3A_348, %add3A_22 : vector<16xi1>, vector<16xi32>
      %swap3A_353 = arith.index_cast %add3A_282 : i32 to index
      %swap3A_354 = arith.constant 64 : index
      %swap3A_355 = tpu.vector_load %arg10[%swap3A_353, %swap3A_354] {strides = array<i32>} : memref<88x128xi32, #tpu.memory_space<vmem>>, vector<1x16xi32>,
      %swap3A_356 = vector.shape_cast %swap3A_355 : vector<1x16xi32> to vector<16xi32>
      %swap3A_357 = vector.shape_cast %select_n3A_352 : vector<16xi32> to vector<1x16xi32>
      tpu.vector_store %arg10[%swap3A_353, %swap3A_354], %swap3A_357 {strides = array<i32>} : memref<88x128xi32, #tpu.memory_space<vmem>>, vector<1x16xi32>,
      %get3A_358 = arith.index_cast %add3A_282 : i32 to index
      %get3A_359 = arith.constant 80 : index
      %get3A_360 = tpu.vector_load %arg9[%get3A_358, %get3A_359] {strides = array<i32>} : memref<88x128xi32, #tpu.memory_space<vmem>>, vector<1x16xi32>,
      %get3A_361 = vector.shape_cast %get3A_360 : vector<1x16xi32> to vector<16xi32>
      %sub3A_362 = arith.constant 3670016 : i32
      %sub3A_363 = vector.broadcast %sub3A_362 : i32 to vector<16xi32>
      %sub3A_364 = arith.subi %get3A_361, %sub3A_363 : vector<16xi32>
      %lt3A_365 = arith.constant 524288 : i32
      %lt3A_366 = vector.broadcast %lt3A_365 : i32 to vector<16xi32>
      %lt3A_367 = arith.cmpi ult, %sub3A_364, %lt3A_366 : vector<16xi32>
      %select_n3A_368 = arith.select %lt3A_367, %sub3A_364, %add3A_22 : vector<16xi1>, vector<16xi32>
      %swap3A_369 = arith.index_cast %add3A_282 : i32 to index
      %swap3A_370 = arith.constant 80 : index
      %swap3A_371 = tpu.vector_load %arg10[%swap3A_369, %swap3A_370] {strides = array<i32>} : memref<88x128xi32, #tpu.memory_space<vmem>>, vector<1x16xi32>,
      %swap3A_372 = vector.shape_cast %swap3A_371 : vector<1x16xi32> to vector<16xi32>
      %swap3A_373 = vector.shape_cast %select_n3A_368 : vector<16xi32> to vector<1x16xi32>
      tpu.vector_store %arg10[%swap3A_369, %swap3A_370], %swap3A_373 {strides = array<i32>} : memref<88x128xi32, #tpu.memory_space<vmem>>, vector<1x16xi32>,
      %get3A_374 = arith.index_cast %add3A_282 : i32 to index
      %get3A_375 = arith.constant 96 : index
      %get3A_376 = tpu.vector_load %arg9[%get3A_374, %get3A_375] {strides = array<i32>} : memref<88x128xi32, #tpu.memory_space<vmem>>, vector<1x16xi32>,
      %get3A_377 = vector.shape_cast %get3A_376 : vector<1x16xi32> to vector<16xi32>
      %sub3A_378 = arith.constant 3670016 : i32
      %sub3A_379 = vector.broadcast %sub3A_378 : i32 to vector<16xi32>
      %sub3A_380 = arith.subi %get3A_377, %sub3A_379 : vector<16xi32>
      %lt3A_381 = arith.constant 524288 : i32
      %lt3A_382 = vector.broadcast %lt3A_381 : i32 to vector<16xi32>
      %lt3A_383 = arith.cmpi ult, %sub3A_380, %lt3A_382 : vector<16xi32>
      %select_n3A_384 = arith.select %lt3A_383, %sub3A_380, %add3A_22 : vector<16xi1>, vector<16xi32>
      %swap3A_385 = arith.index_cast %add3A_282 : i32 to index
      %swap3A_386 = arith.constant 96 : index
      %swap3A_387 = tpu.vector_load %arg10[%swap3A_385, %swap3A_386] {strides = array<i32>} : memref<88x128xi32, #tpu.memory_space<vmem>>, vector<1x16xi32>,
      %swap3A_388 = vector.shape_cast %swap3A_387 : vector<1x16xi32> to vector<16xi32>
      %swap3A_389 = vector.shape_cast %select_n3A_384 : vector<16xi32> to vector<1x16xi32>
      tpu.vector_store %arg10[%swap3A_385, %swap3A_386], %swap3A_389 {strides = array<i32>} : memref<88x128xi32, #tpu.memory_space<vmem>>, vector<1x16xi32>,
      %get3A_390 = arith.index_cast %add3A_282 : i32 to index
      %get3A_391 = arith.constant 112 : index
      %get3A_392 = tpu.vector_load %arg9[%get3A_390, %get3A_391] {strides = array<i32>} : memref<88x128xi32, #tpu.memory_space<vmem>>, vector<1x16xi32>,
      %get3A_393 = vector.shape_cast %get3A_392 : vector<1x16xi32> to vector<16xi32>
      %sub3A_394 = arith.constant 3670016 : i32
      %sub3A_395 = vector.broadcast %sub3A_394 : i32 to vector<16xi32>
      %sub3A_396 = arith.subi %get3A_393, %sub3A_395 : vector<16xi32>
      %lt3A_397 = arith.constant 524288 : i32
      %lt3A_398 = vector.broadcast %lt3A_397 : i32 to vector<16xi32>
      %lt3A_399 = arith.cmpi ult, %sub3A_396, %lt3A_398 : vector<16xi32>
      %select_n3A_400 = arith.select %lt3A_399, %sub3A_396, %add3A_22 : vector<16xi1>, vector<16xi32>
      %swap3A_401 = arith.index_cast %add3A_282 : i32 to index
      %swap3A_402 = arith.constant 112 : index
      %swap3A_403 = tpu.vector_load %arg10[%swap3A_401, %swap3A_402] {strides = array<i32>} : memref<88x128xi32, #tpu.memory_space<vmem>>, vector<1x16xi32>,
      %swap3A_404 = vector.shape_cast %swap3A_403 : vector<1x16xi32> to vector<16xi32>
      %swap3A_405 = vector.shape_cast %select_n3A_400 : vector<16xi32> to vector<1x16xi32>
      tpu.vector_store %arg10[%swap3A_401, %swap3A_402], %swap3A_405 {strides = array<i32>} : memref<88x128xi32, #tpu.memory_space<vmem>>, vector<1x16xi32>,
    }
    %scan3A_258 = arith.constant 88 : i32
    %barrier3A_259 = arith.constant 0 : index
    tpu.barrier barrier_id(%barrier3A_259)
    %scan3A_260 = arith.constant 0 : i32
    %scan3A_261 = arith.constant 88 : i32
    %scan3A_262 = arith.addi %scan3A_260, %scan3A_261 : i32
    %scan3A_263 = arith.constant 1 : i32
    scf.for %scan3A_278 = %scan3A_260 to %scan3A_262 step %scan3A_263  : i32 {
      %mul3A_279 = arith.constant 1 : i32
      %mul3A_280 = arith.muli %scan3A_278, %mul3A_279 : i32
      %add3A_281 = arith.constant 0 : i32
      %add3A_282 = arith.addi %add3A_281, %mul3A_280 : i32
      %mul3A_283 = arith.constant 128 : i32
      %mul3A_284 = arith.muli %add3A_282, %mul3A_283 : i32
      %dma_start3A = tpu.memref_slice %arg8[%mul3A_284] : memref<11264xf32, #tpu.memory_space<vmem>> -> memref<128xf32, #tpu.memory_space<vmem>>
      %dma_start3A_285 = arith.constant 0 : i32
      %dma_start3A_286 = tpu.memref_slice %arg10[%add3A_282, %dma_start3A_285] : memref<88x128xi32, #tpu.memory_space<vmem>> -> memref<1x128xi32, #tpu.memory_space<vmem>>
      %dma_start3A_287 = tpu.memref_squeeze %dma_start3A_286 : memref<1x128xi32, #tpu.memory_space<vmem>> -> memref<128xi32, #tpu.memory_space<vmem>>
      %dma_start3A_288 = arith.constant 0 : i32
      %dma_start3A_289 = tpu.memref_slice %arg12[%dma_start3A_288] : memref<524544xf32, #tpu.memory_space<vmem_shared>> -> memref<524544xf32, #tpu.memory_space<vmem_shared>>
      tpu.enqueue_indirect_dma source(%dma_start3A : memref<128xf32, #tpu.memory_space<vmem>>) target(%dma_start3A_289 : memref<524544xf32, #tpu.memory_space<vmem_shared>>) offsets(%dma_start3A_287 : memref<128xi32, #tpu.memory_space<vmem>>) semaphore(%arg13 : memref<!tpu.dma_semaphore, #tpu.memory_space<semaphore_mem>>) {add = true}
    }
    %scan3A_264 = arith.constant 88 : i32
    %scan3A_265 = arith.constant 0 : i32
    %scan3A_266 = arith.constant 88 : i32
    %scan3A_267 = arith.addi %scan3A_265, %scan3A_266 : i32
    %scan3A_268 = arith.constant 1 : i32
    scf.for %scan3A_278 = %scan3A_265 to %scan3A_267 step %scan3A_268  : i32 {
      %mul3A_279 = arith.constant 1 : i32
      %mul3A_280 = arith.muli %scan3A_278, %mul3A_279 : i32
      %add3A_281 = arith.constant 0 : i32
      %add3A_282 = arith.addi %add3A_281, %mul3A_280 : i32
      %dma_wait3A = arith.constant 0 : i32
      %dma_wait3A_283 = arith.constant 0 : i32
      %dma_wait3A_284 = tpu.memref_slice %arg8[%dma_wait3A_283] : memref<11264xf32, #tpu.memory_space<vmem>> -> memref<128xf32, #tpu.memory_space<vmem>>
      %dma_wait3A_285 = arith.constant 0 : i32
      %dma_wait3A_286 = tpu.memref_slice %arg10[%dma_wait3A, %dma_wait3A_285] : memref<88x128xi32, #tpu.memory_space<vmem>> -> memref<1x128xi32, #tpu.memory_space<vmem>>
      %dma_wait3A_287 = tpu.memref_squeeze %dma_wait3A_286 : memref<1x128xi32, #tpu.memory_space<vmem>> -> memref<128xi32, #tpu.memory_space<vmem>>
      %dma_wait3A_288 = arith.constant 0 : i32
      %dma_wait3A_289 = tpu.memref_slice %arg12[%dma_wait3A_288] : memref<524544xf32, #tpu.memory_space<vmem_shared>> -> memref<524544xf32, #tpu.memory_space<vmem_shared>>
      tpu.wait_indirect_dma semaphore(%arg13 : memref<!tpu.dma_semaphore, #tpu.memory_space<semaphore_mem>>) src(%dma_wait3A_284 : memref<128xf32, #tpu.memory_space<vmem>>) dst(%dma_wait3A_289 : memref<524544xf32, #tpu.memory_space<vmem_shared>>)
    }
    %scan3A_269 = arith.constant 88 : i32
    %barrier3A_270 = arith.constant 0 : index
    tpu.barrier barrier_id(%barrier3A_270)
    %add3A_271 = arith.constant 3670016 : i32
    %add3A_272 = arith.addi %add3A_1, %add3A_271 : i32
    %mul3A_273 = arith.constant 32768 : i32
    %mul3A_274 = arith.muli %arg1, %mul3A_273 : i32
    %add3A_275 = arith.addi %add3A_272, %mul3A_274 : i32
    %mul3A_276 = arith.constant 32768 : i32
    %mul3A_277 = arith.muli %arg1, %mul3A_276 : i32
    "tpu.region"() ({
      %run_scoped3A = tpu.sem_alloc : memref<!tpu.dma_semaphore, #tpu.memory_space<semaphore_mem>>
      %dma_start3A = tpu.memref_slice %arg5[%add3A_275] : memref<8388608xf32, #tpu.memory_space<hbm>> -> memref<32768xf32, #tpu.memory_space<hbm>>
      %dma_start3A_278 = tpu.memref_slice %arg12[%mul3A_277] : memref<524544xf32, #tpu.memory_space<vmem_shared>> -> memref<32768xf32, #tpu.memory_space<vmem_shared>>
      tpu.enqueue_dma source(%dma_start3A_278 : memref<32768xf32, #tpu.memory_space<vmem_shared>>) target(%dma_start3A : memref<32768xf32, #tpu.memory_space<hbm>>) target_semaphore(%run_scoped3A : memref<!tpu.dma_semaphore, #tpu.memory_space<semaphore_mem>>)
      %dma_wait3A = tpu.memref_slice %arg5[%add3A_275] : memref<8388608xf32, #tpu.memory_space<hbm>> -> memref<32768xf32, #tpu.memory_space<hbm>>
      %dma_wait3A_279 = tpu.memref_slice %arg12[%mul3A_277] : memref<524544xf32, #tpu.memory_space<vmem_shared>> -> memref<32768xf32, #tpu.memory_space<vmem_shared>>
      tpu.wait_dma2 semaphore(%run_scoped3A : memref<!tpu.dma_semaphore, #tpu.memory_space<semaphore_mem>>) src(%dma_wait3A_279 : memref<32768xf32, #tpu.memory_space<vmem_shared>>) dst(%dma_wait3A : memref<32768xf32, #tpu.memory_space<hbm>>)
      tpu.yield
    }) : () -> ()
    return
  }
}

#map = affine_map<(d0, d1) -> (0, 0)>
#map1 = affine_map<(d0, d1) -> (0)>
module attributes {stable_mosaic.version = 14 : i64} {
  func.func @sc_scatter_2048(%arg0: i32, %arg1: i32, %arg2: memref<1408x128xi32, #tpu.memory_space<hbm>>, %arg3: memref<1408x128xi32, #tpu.memory_space<hbm>>, %arg4: memref<180224xf32, #tpu.memory_space<hbm>>, %arg5: memref<8388608xf32, #tpu.memory_space<hbm>>, %arg6: memref<88x128xi32, #tpu.memory_space<vmem>>, %arg7: memref<88x128xi32, #tpu.memory_space<vmem>>, %arg8: memref<11264xf32, #tpu.memory_space<vmem>>, %arg9: memref<88x128xi32, #tpu.memory_space<vmem>>, %arg10: memref<88x128xi32, #tpu.memory_space<vmem>>, %arg11: memref<16384xf32, #tpu.memory_space<vmem>>, %arg12: memref<524544xf32, #tpu.memory_space<vmem_shared>>, %arg13: memref<!tpu.dma_semaphore, #tpu.memory_space<semaphore_mem>>) attributes {dimension_semantics = [#tpu.dimension_semantics<core_parallel>, #tpu.dimension_semantics<subcore_parallel>], iteration_bounds = array<i64: 2, 16>, scalar_prefetch = 0 : i64, scratch_operands = 8 : i64, tpu.core_type = #tpu.core_type<sc_vector_subcore>, window_params = [{transform_indices = #map}, {transform_indices = #map}, {transform_indices = #map1}, {transform_indices = #map1}]} {
    %mul3A = arith.constant 4194304 : i32
    %mul3A_0 = arith.muli %arg0, %mul3A : i32
    %add3A = arith.constant 8388608 : i32
    %add3A_1 = arith.addi %add3A, %mul3A_0 : i32
    %iota3A = tpu.iota {dimensions = array<i32: 0>} : vector<16xi32>
    %mul3A_2 = arith.constant 88 : i32
    %mul3A_3 = arith.muli %arg1, %mul3A_2 : i32
    "tpu.region"() ({
      %run_scoped3A = tpu.sem_alloc : memref<!tpu.dma_semaphore, #tpu.memory_space<semaphore_mem>>
      %dma_start3A = arith.constant 0 : i32
      %dma_start3A_278 = tpu.memref_slice %arg2[%mul3A_3, %dma_start3A] : memref<1408x128xi32, #tpu.memory_space<hbm>> -> memref<88x128xi32, #tpu.memory_space<hbm>>
      %dma_start3A_279 = arith.constant 0 : i32
      %dma_start3A_280 = tpu.memref_slice %arg2[%mul3A_3, %dma_start3A_279] : memref<1408x128xi32, #tpu.memory_space<hbm>> -> memref<88x128xi32, #tpu.memory_space<hbm>>
      tpu.enqueue_dma source(%dma_start3A_280 : memref<88x128xi32, #tpu.memory_space<hbm>>) target(%arg6 : memref<88x128xi32, #tpu.memory_space<vmem>>) target_semaphore(%run_scoped3A : memref<!tpu.dma_semaphore, #tpu.memory_space<semaphore_mem>>)
      %dma_wait3A = arith.constant 0 : i32
      %dma_wait3A_281 = tpu.memref_slice %arg2[%mul3A_3, %dma_wait3A] : memref<1408x128xi32, #tpu.memory_space<hbm>> -> memref<88x128xi32, #tpu.memory_space<hbm>>
      %dma_wait3A_282 = arith.constant 0 : i32
      %dma_wait3A_283 = tpu.memref_slice %arg2[%mul3A_3, %dma_wait3A_282] : memref<1408x128xi32, #tpu.memory_space<hbm>> -> memref<88x128xi32, #tpu.memory_space<hbm>>
      tpu.wait_dma2 semaphore(%run_scoped3A : memref<!tpu.dma_semaphore, #tpu.memory_space<semaphore_mem>>) src(%dma_wait3A_283 : memref<88x128xi32, #tpu.memory_space<hbm>>) dst(%arg6 : memref<88x128xi32, #tpu.memory_space<vmem>>)
      tpu.yield
    }) : () -> ()
    %mul3A_4 = arith.constant 88 : i32
    %mul3A_5 = arith.muli %arg1, %mul3A_4 : i32
    "tpu.region"() ({
      %run_scoped3A = tpu.sem_alloc : memref<!tpu.dma_semaphore, #tpu.memory_space<semaphore_mem>>
      %dma_start3A = arith.constant 0 : i32
      %dma_start3A_278 = tpu.memref_slice %arg3[%mul3A_5, %dma_start3A] : memref<1408x128xi32, #tpu.memory_space<hbm>> -> memref<88x128xi32, #tpu.memory_space<hbm>>
      %dma_start3A_279 = arith.constant 0 : i32
      %dma_start3A_280 = tpu.memref_slice %arg3[%mul3A_5, %dma_start3A_279] : memref<1408x128xi32, #tpu.memory_space<hbm>> -> memref<88x128xi32, #tpu.memory_space<hbm>>
      tpu.enqueue_dma source(%dma_start3A_280 : memref<88x128xi32, #tpu.memory_space<hbm>>) target(%arg7 : memref<88x128xi32, #tpu.memory_space<vmem>>) target_semaphore(%run_scoped3A : memref<!tpu.dma_semaphore, #tpu.memory_space<semaphore_mem>>)
      %dma_wait3A = arith.constant 0 : i32
      %dma_wait3A_281 = tpu.memref_slice %arg3[%mul3A_5, %dma_wait3A] : memref<1408x128xi32, #tpu.memory_space<hbm>> -> memref<88x128xi32, #tpu.memory_space<hbm>>
      %dma_wait3A_282 = arith.constant 0 : i32
      %dma_wait3A_283 = tpu.memref_slice %arg3[%mul3A_5, %dma_wait3A_282] : memref<1408x128xi32, #tpu.memory_space<hbm>> -> memref<88x128xi32, #tpu.memory_space<hbm>>
      tpu.wait_dma2 semaphore(%run_scoped3A : memref<!tpu.dma_semaphore, #tpu.memory_space<semaphore_mem>>) src(%dma_wait3A_283 : memref<88x128xi32, #tpu.memory_space<hbm>>) dst(%arg7 : memref<88x128xi32, #tpu.memory_space<vmem>>)
      tpu.yield
    }) : () -> ()
    %mul3A_6 = arith.constant 11264 : i32
    %mul3A_7 = arith.muli %arg1, %mul3A_6 : i32
    "tpu.region"() ({
      %run_scoped3A = tpu.sem_alloc : memref<!tpu.dma_semaphore, #tpu.memory_space<semaphore_mem>>
      %dma_start3A = tpu.memref_slice %arg4[%mul3A_7] : memref<180224xf32, #tpu.memory_space<hbm>> -> memref<11264xf32, #tpu.memory_space<hbm>>
      %dma_start3A_278 = tpu.memref_slice %arg4[%mul3A_7] : memref<180224xf32, #tpu.memory_space<hbm>> -> memref<11264xf32, #tpu.memory_space<hbm>>
      tpu.enqueue_dma source(%dma_start3A_278 : memref<11264xf32, #tpu.memory_space<hbm>>) target(%arg8 : memref<11264xf32, #tpu.memory_space<vmem>>) target_semaphore(%run_scoped3A : memref<!tpu.dma_semaphore, #tpu.memory_space<semaphore_mem>>)
      %dma_wait3A = tpu.memref_slice %arg4[%mul3A_7] : memref<180224xf32, #tpu.memory_space<hbm>> -> memref<11264xf32, #tpu.memory_space<hbm>>
      %dma_wait3A_279 = tpu.memref_slice %arg4[%mul3A_7] : memref<180224xf32, #tpu.memory_space<hbm>> -> memref<11264xf32, #tpu.memory_space<hbm>>
      tpu.wait_dma2 semaphore(%run_scoped3A : memref<!tpu.dma_semaphore, #tpu.memory_space<semaphore_mem>>) src(%dma_wait3A_279 : memref<11264xf32, #tpu.memory_space<hbm>>) dst(%arg8 : memref<11264xf32, #tpu.memory_space<vmem>>)
      tpu.yield
    }) : () -> ()
    %scan3A = arith.constant 0 : i32
    %scan3A_8 = arith.constant 1024 : i32
    %scan3A_9 = arith.addi %scan3A, %scan3A_8 : i32
    %scan3A_10 = arith.constant 1 : i32
    scf.for %scan3A_278 = %scan3A to %scan3A_9 step %scan3A_10  : i32 {
      %mul3A_279 = arith.constant 1 : i32
      %mul3A_280 = arith.muli %scan3A_278, %mul3A_279 : i32
      %add3A_281 = arith.constant 0 : i32
      %add3A_282 = arith.addi %add3A_281, %mul3A_280 : i32
      %broadcast_in_dim3A = arith.constant 0.000000e+00 : f32
      %broadcast_in_dim3A_283 = vector.broadcast %broadcast_in_dim3A : f32 to vector<16xf32>
      %mul3A_284 = arith.constant 16 : i32
      %mul3A_285 = arith.muli %add3A_282, %mul3A_284 : i32
      %swap3A = arith.index_cast %mul3A_285 : i32 to index
      %swap3A_286 = tpu.vector_load %arg11[%swap3A] {strides = array<i32>} : memref<16384xf32, #tpu.memory_space<vmem>>, vector<16xf32>,
      %swap3A_287 = vector.shape_cast %swap3A_286 : vector<16xf32> to vector<16xf32>
      %swap3A_288 = vector.shape_cast %broadcast_in_dim3A_283 : vector<16xf32> to vector<16xf32>
      tpu.vector_store %arg11[%swap3A], %swap3A_288 {strides = array<i32>} : memref<16384xf32, #tpu.memory_space<vmem>>, vector<16xf32>,
    }
    %scan3A_11 = arith.constant 1024 : i32
    %scan3A_12 = arith.constant 0 : i32
    %scan3A_13 = arith.constant 88 : i32
    %scan3A_14 = arith.addi %scan3A_12, %scan3A_13 : i32
    %scan3A_15 = arith.constant 1 : i32
    scf.for %scan3A_278 = %scan3A_12 to %scan3A_14 step %scan3A_15  : i32 {
      %mul3A_279 = arith.constant 1 : i32
      %mul3A_280 = arith.muli %scan3A_278, %mul3A_279 : i32
      %add3A_281 = arith.constant 0 : i32
      %add3A_282 = arith.addi %add3A_281, %mul3A_280 : i32
      %get3A = arith.index_cast %add3A_282 : i32 to index
      %get3A_283 = arith.constant 0 : index
      %get3A_284 = tpu.vector_load %arg6[%get3A, %get3A_283] {strides = array<i32>} : memref<88x128xi32, #tpu.memory_space<vmem>>, vector<1x16xi32>,
      %get3A_285 = vector.shape_cast %get3A_284 : vector<1x16xi32> to vector<16xi32>
      %shift_left3A = arith.constant 12 : i32
      %shift_left3A_286 = vector.broadcast %shift_left3A : i32 to vector<16xi32>
      %shift_left3A_287 = arith.shli %get3A_285, %shift_left3A_286 : vector<16xi32>
      %get3A_288 = arith.index_cast %add3A_282 : i32 to index
      %get3A_289 = arith.constant 0 : index
      %get3A_290 = tpu.vector_load %arg7[%get3A_288, %get3A_289] {strides = array<i32>} : memref<88x128xi32, #tpu.memory_space<vmem>>, vector<1x16xi32>,
      %get3A_291 = vector.shape_cast %get3A_290 : vector<1x16xi32> to vector<16xi32>
      %add3A_292 = arith.addi %shift_left3A_287, %get3A_291 : vector<16xi32>
      %sub3A = vector.broadcast %add3A_1 : i32 to vector<16xi32>
      %sub3A_293 = arith.subi %add3A_292, %sub3A : vector<16xi32>
      %swap3A = arith.index_cast %add3A_282 : i32 to index
      %swap3A_294 = arith.constant 0 : index
      %swap3A_295 = tpu.vector_load %arg9[%swap3A, %swap3A_294] {strides = array<i32>} : memref<88x128xi32, #tpu.memory_space<vmem>>, vector<1x16xi32>,
      %swap3A_296 = vector.shape_cast %swap3A_295 : vector<1x16xi32> to vector<16xi32>
      %swap3A_297 = vector.shape_cast %sub3A_293 : vector<16xi32> to vector<1x16xi32>
      tpu.vector_store %arg9[%swap3A, %swap3A_294], %swap3A_297 {strides = array<i32>} : memref<88x128xi32, #tpu.memory_space<vmem>>, vector<1x16xi32>,
      %get3A_298 = arith.index_cast %add3A_282 : i32 to index
      %get3A_299 = arith.constant 16 : index
      %get3A_300 = tpu.vector_load %arg6[%get3A_298, %get3A_299] {strides = array<i32>} : memref<88x128xi32, #tpu.memory_space<vmem>>, vector<1x16xi32>,
      %get3A_301 = vector.shape_cast %get3A_300 : vector<1x16xi32> to vector<16xi32>
      %shift_left3A_302 = arith.constant 12 : i32
      %shift_left3A_303 = vector.broadcast %shift_left3A_302 : i32 to vector<16xi32>
      %shift_left3A_304 = arith.shli %get3A_301, %shift_left3A_303 : vector<16xi32>
      %get3A_305 = arith.index_cast %add3A_282 : i32 to index
      %get3A_306 = arith.constant 16 : index
      %get3A_307 = tpu.vector_load %arg7[%get3A_305, %get3A_306] {strides = array<i32>} : memref<88x128xi32, #tpu.memory_space<vmem>>, vector<1x16xi32>,
      %get3A_308 = vector.shape_cast %get3A_307 : vector<1x16xi32> to vector<16xi32>
      %add3A_309 = arith.addi %shift_left3A_304, %get3A_308 : vector<16xi32>
      %sub3A_310 = vector.broadcast %add3A_1 : i32 to vector<16xi32>
      %sub3A_311 = arith.subi %add3A_309, %sub3A_310 : vector<16xi32>
      %swap3A_312 = arith.index_cast %add3A_282 : i32 to index
      %swap3A_313 = arith.constant 16 : index
      %swap3A_314 = tpu.vector_load %arg9[%swap3A_312, %swap3A_313] {strides = array<i32>} : memref<88x128xi32, #tpu.memory_space<vmem>>, vector<1x16xi32>,
      %swap3A_315 = vector.shape_cast %swap3A_314 : vector<1x16xi32> to vector<16xi32>
      %swap3A_316 = vector.shape_cast %sub3A_311 : vector<16xi32> to vector<1x16xi32>
      tpu.vector_store %arg9[%swap3A_312, %swap3A_313], %swap3A_316 {strides = array<i32>} : memref<88x128xi32, #tpu.memory_space<vmem>>, vector<1x16xi32>,
      %get3A_317 = arith.index_cast %add3A_282 : i32 to index
      %get3A_318 = arith.constant 32 : index
      %get3A_319 = tpu.vector_load %arg6[%get3A_317, %get3A_318] {strides = array<i32>} : memref<88x128xi32, #tpu.memory_space<vmem>>, vector<1x16xi32>,
      %get3A_320 = vector.shape_cast %get3A_319 : vector<1x16xi32> to vector<16xi32>
      %shift_left3A_321 = arith.constant 12 : i32
      %shift_left3A_322 = vector.broadcast %shift_left3A_321 : i32 to vector<16xi32>
      %shift_left3A_323 = arith.shli %get3A_320, %shift_left3A_322 : vector<16xi32>
      %get3A_324 = arith.index_cast %add3A_282 : i32 to index
      %get3A_325 = arith.constant 32 : index
      %get3A_326 = tpu.vector_load %arg7[%get3A_324, %get3A_325] {strides = array<i32>} : memref<88x128xi32, #tpu.memory_space<vmem>>, vector<1x16xi32>,
      %get3A_327 = vector.shape_cast %get3A_326 : vector<1x16xi32> to vector<16xi32>
      %add3A_328 = arith.addi %shift_left3A_323, %get3A_327 : vector<16xi32>
      %sub3A_329 = vector.broadcast %add3A_1 : i32 to vector<16xi32>
      %sub3A_330 = arith.subi %add3A_328, %sub3A_329 : vector<16xi32>
      %swap3A_331 = arith.index_cast %add3A_282 : i32 to index
      %swap3A_332 = arith.constant 32 : index
      %swap3A_333 = tpu.vector_load %arg9[%swap3A_331, %swap3A_332] {strides = array<i32>} : memref<88x128xi32, #tpu.memory_space<vmem>>, vector<1x16xi32>,
      %swap3A_334 = vector.shape_cast %swap3A_333 : vector<1x16xi32> to vector<16xi32>
      %swap3A_335 = vector.shape_cast %sub3A_330 : vector<16xi32> to vector<1x16xi32>
      tpu.vector_store %arg9[%swap3A_331, %swap3A_332], %swap3A_335 {strides = array<i32>} : memref<88x128xi32, #tpu.memory_space<vmem>>, vector<1x16xi32>,
      %get3A_336 = arith.index_cast %add3A_282 : i32 to index
      %get3A_337 = arith.constant 48 : index
      %get3A_338 = tpu.vector_load %arg6[%get3A_336, %get3A_337] {strides = array<i32>} : memref<88x128xi32, #tpu.memory_space<vmem>>, vector<1x16xi32>,
      %get3A_339 = vector.shape_cast %get3A_338 : vector<1x16xi32> to vector<16xi32>
      %shift_left3A_340 = arith.constant 12 : i32
      %shift_left3A_341 = vector.broadcast %shift_left3A_340 : i32 to vector<16xi32>
      %shift_left3A_342 = arith.shli %get3A_339, %shift_left3A_341 : vector<16xi32>
      %get3A_343 = arith.index_cast %add3A_282 : i32 to index
      %get3A_344 = arith.constant 48 : index
      %get3A_345 = tpu.vector_load %arg7[%get3A_343, %get3A_344] {strides = array<i32>} : memref<88x128xi32, #tpu.memory_space<vmem>>, vector<1x16xi32>,
      %get3A_346 = vector.shape_cast %get3A_345 : vector<1x16xi32> to vector<16xi32>
      %add3A_347 = arith.addi %shift_left3A_342, %get3A_346 : vector<16xi32>
      %sub3A_348 = vector.broadcast %add3A_1 : i32 to vector<16xi32>
      %sub3A_349 = arith.subi %add3A_347, %sub3A_348 : vector<16xi32>
      %swap3A_350 = arith.index_cast %add3A_282 : i32 to index
      %swap3A_351 = arith.constant 48 : index
      %swap3A_352 = tpu.vector_load %arg9[%swap3A_350, %swap3A_351] {strides = array<i32>} : memref<88x128xi32, #tpu.memory_space<vmem>>, vector<1x16xi32>,
      %swap3A_353 = vector.shape_cast %swap3A_352 : vector<1x16xi32> to vector<16xi32>
      %swap3A_354 = vector.shape_cast %sub3A_349 : vector<16xi32> to vector<1x16xi32>
      tpu.vector_store %arg9[%swap3A_350, %swap3A_351], %swap3A_354 {strides = array<i32>} : memref<88x128xi32, #tpu.memory_space<vmem>>, vector<1x16xi32>,
      %get3A_355 = arith.index_cast %add3A_282 : i32 to index
      %get3A_356 = arith.constant 64 : index
      %get3A_357 = tpu.vector_load %arg6[%get3A_355, %get3A_356] {strides = array<i32>} : memref<88x128xi32, #tpu.memory_space<vmem>>, vector<1x16xi32>,
      %get3A_358 = vector.shape_cast %get3A_357 : vector<1x16xi32> to vector<16xi32>
      %shift_left3A_359 = arith.constant 12 : i32
      %shift_left3A_360 = vector.broadcast %shift_left3A_359 : i32 to vector<16xi32>
      %shift_left3A_361 = arith.shli %get3A_358, %shift_left3A_360 : vector<16xi32>
      %get3A_362 = arith.index_cast %add3A_282 : i32 to index
      %get3A_363 = arith.constant 64 : index
      %get3A_364 = tpu.vector_load %arg7[%get3A_362, %get3A_363] {strides = array<i32>} : memref<88x128xi32, #tpu.memory_space<vmem>>, vector<1x16xi32>,
      %get3A_365 = vector.shape_cast %get3A_364 : vector<1x16xi32> to vector<16xi32>
      %add3A_366 = arith.addi %shift_left3A_361, %get3A_365 : vector<16xi32>
      %sub3A_367 = vector.broadcast %add3A_1 : i32 to vector<16xi32>
      %sub3A_368 = arith.subi %add3A_366, %sub3A_367 : vector<16xi32>
      %swap3A_369 = arith.index_cast %add3A_282 : i32 to index
      %swap3A_370 = arith.constant 64 : index
      %swap3A_371 = tpu.vector_load %arg9[%swap3A_369, %swap3A_370] {strides = array<i32>} : memref<88x128xi32, #tpu.memory_space<vmem>>, vector<1x16xi32>,
      %swap3A_372 = vector.shape_cast %swap3A_371 : vector<1x16xi32> to vector<16xi32>
      %swap3A_373 = vector.shape_cast %sub3A_368 : vector<16xi32> to vector<1x16xi32>
      tpu.vector_store %arg9[%swap3A_369, %swap3A_370], %swap3A_373 {strides = array<i32>} : memref<88x128xi32, #tpu.memory_space<vmem>>, vector<1x16xi32>,
      %get3A_374 = arith.index_cast %add3A_282 : i32 to index
      %get3A_375 = arith.constant 80 : index
      %get3A_376 = tpu.vector_load %arg6[%get3A_374, %get3A_375] {strides = array<i32>} : memref<88x128xi32, #tpu.memory_space<vmem>>, vector<1x16xi32>,
      %get3A_377 = vector.shape_cast %get3A_376 : vector<1x16xi32> to vector<16xi32>
      %shift_left3A_378 = arith.constant 12 : i32
      %shift_left3A_379 = vector.broadcast %shift_left3A_378 : i32 to vector<16xi32>
      %shift_left3A_380 = arith.shli %get3A_377, %shift_left3A_379 : vector<16xi32>
      %get3A_381 = arith.index_cast %add3A_282 : i32 to index
      %get3A_382 = arith.constant 80 : index
      %get3A_383 = tpu.vector_load %arg7[%get3A_381, %get3A_382] {strides = array<i32>} : memref<88x128xi32, #tpu.memory_space<vmem>>, vector<1x16xi32>,
      %get3A_384 = vector.shape_cast %get3A_383 : vector<1x16xi32> to vector<16xi32>
      %add3A_385 = arith.addi %shift_left3A_380, %get3A_384 : vector<16xi32>
      %sub3A_386 = vector.broadcast %add3A_1 : i32 to vector<16xi32>
      %sub3A_387 = arith.subi %add3A_385, %sub3A_386 : vector<16xi32>
      %swap3A_388 = arith.index_cast %add3A_282 : i32 to index
      %swap3A_389 = arith.constant 80 : index
      %swap3A_390 = tpu.vector_load %arg9[%swap3A_388, %swap3A_389] {strides = array<i32>} : memref<88x128xi32, #tpu.memory_space<vmem>>, vector<1x16xi32>,
      %swap3A_391 = vector.shape_cast %swap3A_390 : vector<1x16xi32> to vector<16xi32>
      %swap3A_392 = vector.shape_cast %sub3A_387 : vector<16xi32> to vector<1x16xi32>
      tpu.vector_store %arg9[%swap3A_388, %swap3A_389], %swap3A_392 {strides = array<i32>} : memref<88x128xi32, #tpu.memory_space<vmem>>, vector<1x16xi32>,
      %get3A_393 = arith.index_cast %add3A_282 : i32 to index
      %get3A_394 = arith.constant 96 : index
      %get3A_395 = tpu.vector_load %arg6[%get3A_393, %get3A_394] {strides = array<i32>} : memref<88x128xi32, #tpu.memory_space<vmem>>, vector<1x16xi32>,
      %get3A_396 = vector.shape_cast %get3A_395 : vector<1x16xi32> to vector<16xi32>
      %shift_left3A_397 = arith.constant 12 : i32
      %shift_left3A_398 = vector.broadcast %shift_left3A_397 : i32 to vector<16xi32>
      %shift_left3A_399 = arith.shli %get3A_396, %shift_left3A_398 : vector<16xi32>
      %get3A_400 = arith.index_cast %add3A_282 : i32 to index
      %get3A_401 = arith.constant 96 : index
      %get3A_402 = tpu.vector_load %arg7[%get3A_400, %get3A_401] {strides = array<i32>} : memref<88x128xi32, #tpu.memory_space<vmem>>, vector<1x16xi32>,
      %get3A_403 = vector.shape_cast %get3A_402 : vector<1x16xi32> to vector<16xi32>
      %add3A_404 = arith.addi %shift_left3A_399, %get3A_403 : vector<16xi32>
      %sub3A_405 = vector.broadcast %add3A_1 : i32 to vector<16xi32>
      %sub3A_406 = arith.subi %add3A_404, %sub3A_405 : vector<16xi32>
      %swap3A_407 = arith.index_cast %add3A_282 : i32 to index
      %swap3A_408 = arith.constant 96 : index
      %swap3A_409 = tpu.vector_load %arg9[%swap3A_407, %swap3A_408] {strides = array<i32>} : memref<88x128xi32, #tpu.memory_space<vmem>>, vector<1x16xi32>,
      %swap3A_410 = vector.shape_cast %swap3A_409 : vector<1x16xi32> to vector<16xi32>
      %swap3A_411 = vector.shape_cast %sub3A_406 : vector<16xi32> to vector<1x16xi32>
      tpu.vector_store %arg9[%swap3A_407, %swap3A_408], %swap3A_411 {strides = array<i32>} : memref<88x128xi32, #tpu.memory_space<vmem>>, vector<1x16xi32>,
      %get3A_412 = arith.index_cast %add3A_282 : i32 to index
      %get3A_413 = arith.constant 112 : index
      %get3A_414 = tpu.vector_load %arg6[%get3A_412, %get3A_413] {strides = array<i32>} : memref<88x128xi32, #tpu.memory_space<vmem>>, vector<1x16xi32>,
      %get3A_415 = vector.shape_cast %get3A_414 : vector<1x16xi32> to vector<16xi32>
      %shift_left3A_416 = arith.constant 12 : i32
      %shift_left3A_417 = vector.broadcast %shift_left3A_416 : i32 to vector<16xi32>
      %shift_left3A_418 = arith.shli %get3A_415, %shift_left3A_417 : vector<16xi32>
      %get3A_419 = arith.index_cast %add3A_282 : i32 to index
      %get3A_420 = arith.constant 112 : index
      %get3A_421 = tpu.vector_load %arg7[%get3A_419, %get3A_420] {strides = array<i32>} : memref<88x128xi32, #tpu.memory_space<vmem>>, vector<1x16xi32>,
      %get3A_422 = vector.shape_cast %get3A_421 : vector<1x16xi32> to vector<16xi32>
      %add3A_423 = arith.addi %shift_left3A_418, %get3A_422 : vector<16xi32>
      %sub3A_424 = vector.broadcast %add3A_1 : i32 to vector<16xi32>
      %sub3A_425 = arith.subi %add3A_423, %sub3A_424 : vector<16xi32>
      %swap3A_426 = arith.index_cast %add3A_282 : i32 to index
      %swap3A_427 = arith.constant 112 : index
      %swap3A_428 = tpu.vector_load %arg9[%swap3A_426, %swap3A_427] {strides = array<i32>} : memref<88x128xi32, #tpu.memory_space<vmem>>, vector<1x16xi32>,
      %swap3A_429 = vector.shape_cast %swap3A_428 : vector<1x16xi32> to vector<16xi32>
      %swap3A_430 = vector.shape_cast %sub3A_425 : vector<16xi32> to vector<1x16xi32>
      tpu.vector_store %arg9[%swap3A_426, %swap3A_427], %swap3A_430 {strides = array<i32>} : memref<88x128xi32, #tpu.memory_space<vmem>>, vector<1x16xi32>,
    }
    %scan3A_16 = arith.constant 88 : i32
    %mul3A_17 = arith.constant 16 : i32
    %mul3A_18 = arith.muli %arg1, %mul3A_17 : i32
    %add3A_19 = arith.constant 524288 : i32
    %add3A_20 = arith.addi %add3A_19, %mul3A_18 : i32
    %add3A_21 = vector.broadcast %add3A_20 : i32 to vector<16xi32>
    %add3A_22 = arith.addi %add3A_21, %iota3A : vector<16xi32>
    %mul3A_23 = arith.constant 32768 : i32
    %mul3A_24 = arith.muli %arg1, %mul3A_23 : i32
    %add3A_25 = arith.constant 0 : i32
    %add3A_26 = arith.addi %mul3A_24, %add3A_25 : i32
    "tpu.region"() ({
      %run_scoped3A = tpu.sem_alloc : memref<!tpu.dma_semaphore, #tpu.memory_space<semaphore_mem>>
      %dma_start3A = tpu.memref_slice %arg12[%add3A_26] : memref<524544xf32, #tpu.memory_space<vmem_shared>> -> memref<16384xf32, #tpu.memory_space<vmem_shared>>
      %dma_start3A_278 = tpu.memref_slice %arg12[%add3A_26] : memref<524544xf32, #tpu.memory_space<vmem_shared>> -> memref<16384xf32, #tpu.memory_space<vmem_shared>>
      tpu.enqueue_dma source(%arg11 : memref<16384xf32, #tpu.memory_space<vmem>>) target(%dma_start3A_278 : memref<16384xf32, #tpu.memory_space<vmem_shared>>) target_semaphore(%run_scoped3A : memref<!tpu.dma_semaphore, #tpu.memory_space<semaphore_mem>>)
      %dma_wait3A = tpu.memref_slice %arg12[%add3A_26] : memref<524544xf32, #tpu.memory_space<vmem_shared>> -> memref<16384xf32, #tpu.memory_space<vmem_shared>>
      %dma_wait3A_279 = tpu.memref_slice %arg12[%add3A_26] : memref<524544xf32, #tpu.memory_space<vmem_shared>> -> memref<16384xf32, #tpu.memory_space<vmem_shared>>
      tpu.wait_dma2 semaphore(%run_scoped3A : memref<!tpu.dma_semaphore, #tpu.memory_space<semaphore_mem>>) src(%arg11 : memref<16384xf32, #tpu.memory_space<vmem>>) dst(%dma_wait3A_279 : memref<16384xf32, #tpu.memory_space<vmem_shared>>)
      tpu.yield
    }) : () -> ()
    %mul3A_27 = arith.constant 32768 : i32
    %mul3A_28 = arith.muli %arg1, %mul3A_27 : i32
    %add3A_29 = arith.constant 16384 : i32
    %add3A_30 = arith.addi %mul3A_28, %add3A_29 : i32
    "tpu.region"() ({
      %run_scoped3A = tpu.sem_alloc : memref<!tpu.dma_semaphore, #tpu.memory_space<semaphore_mem>>
      %dma_start3A = tpu.memref_slice %arg12[%add3A_30] : memref<524544xf32, #tpu.memory_space<vmem_shared>> -> memref<16384xf32, #tpu.memory_space<vmem_shared>>
      %dma_start3A_278 = tpu.memref_slice %arg12[%add3A_30] : memref<524544xf32, #tpu.memory_space<vmem_shared>> -> memref<16384xf32, #tpu.memory_space<vmem_shared>>
      tpu.enqueue_dma source(%arg11 : memref<16384xf32, #tpu.memory_space<vmem>>) target(%dma_start3A_278 : memref<16384xf32, #tpu.memory_space<vmem_shared>>) target_semaphore(%run_scoped3A : memref<!tpu.dma_semaphore, #tpu.memory_space<semaphore_mem>>)
      %dma_wait3A = tpu.memref_slice %arg12[%add3A_30] : memref<524544xf32, #tpu.memory_space<vmem_shared>> -> memref<16384xf32, #tpu.memory_space<vmem_shared>>
      %dma_wait3A_279 = tpu.memref_slice %arg12[%add3A_30] : memref<524544xf32, #tpu.memory_space<vmem_shared>> -> memref<16384xf32, #tpu.memory_space<vmem_shared>>
      tpu.wait_dma2 semaphore(%run_scoped3A : memref<!tpu.dma_semaphore, #tpu.memory_space<semaphore_mem>>) src(%arg11 : memref<16384xf32, #tpu.memory_space<vmem>>) dst(%dma_wait3A_279 : memref<16384xf32, #tpu.memory_space<vmem_shared>>)
      tpu.yield
    }) : () -> ()
    %scan3A_31 = arith.constant 0 : i32
    %scan3A_32 = arith.constant 88 : i32
    %scan3A_33 = arith.addi %scan3A_31, %scan3A_32 : i32
    %scan3A_34 = arith.constant 1 : i32
    scf.for %scan3A_278 = %scan3A_31 to %scan3A_33 step %scan3A_34  : i32 {
      %mul3A_279 = arith.constant 1 : i32
      %mul3A_280 = arith.muli %scan3A_278, %mul3A_279 : i32
      %add3A_281 = arith.constant 0 : i32
      %add3A_282 = arith.addi %add3A_281, %mul3A_280 : i32
      %get3A = arith.index_cast %add3A_282 : i32 to index
      %get3A_283 = arith.constant 0 : index
      %get3A_284 = tpu.vector_load %arg9[%get3A, %get3A_283] {strides = array<i32>} : memref<88x128xi32, #tpu.memory_space<vmem>>, vector<1x16xi32>,
      %get3A_285 = vector.shape_cast %get3A_284 : vector<1x16xi32> to vector<16xi32>
      %sub3A = arith.constant 0 : i32
      %sub3A_286 = vector.broadcast %sub3A : i32 to vector<16xi32>
      %sub3A_287 = arith.subi %get3A_285, %sub3A_286 : vector<16xi32>
      %lt3A = arith.constant 524288 : i32
      %lt3A_288 = vector.broadcast %lt3A : i32 to vector<16xi32>
      %lt3A_289 = arith.cmpi ult, %sub3A_287, %lt3A_288 : vector<16xi32>
      %select_n3A = arith.select %lt3A_289, %sub3A_287, %add3A_22 : vector<16xi1>, vector<16xi32>
      %swap3A = arith.index_cast %add3A_282 : i32 to index
      %swap3A_290 = arith.constant 0 : index
      %swap3A_291 = tpu.vector_load %arg10[%swap3A, %swap3A_290] {strides = array<i32>} : memref<88x128xi32, #tpu.memory_space<vmem>>, vector<1x16xi32>,
      %swap3A_292 = vector.shape_cast %swap3A_291 : vector<1x16xi32> to vector<16xi32>
      %swap3A_293 = vector.shape_cast %select_n3A : vector<16xi32> to vector<1x16xi32>
      tpu.vector_store %arg10[%swap3A, %swap3A_290], %swap3A_293 {strides = array<i32>} : memref<88x128xi32, #tpu.memory_space<vmem>>, vector<1x16xi32>,
      %get3A_294 = arith.index_cast %add3A_282 : i32 to index
      %get3A_295 = arith.constant 16 : index
      %get3A_296 = tpu.vector_load %arg9[%get3A_294, %get3A_295] {strides = array<i32>} : memref<88x128xi32, #tpu.memory_space<vmem>>, vector<1x16xi32>,
      %get3A_297 = vector.shape_cast %get3A_296 : vector<1x16xi32> to vector<16xi32>
      %sub3A_298 = arith.constant 0 : i32
      %sub3A_299 = vector.broadcast %sub3A_298 : i32 to vector<16xi32>
      %sub3A_300 = arith.subi %get3A_297, %sub3A_299 : vector<16xi32>
      %lt3A_301 = arith.constant 524288 : i32
      %lt3A_302 = vector.broadcast %lt3A_301 : i32 to vector<16xi32>
      %lt3A_303 = arith.cmpi ult, %sub3A_300, %lt3A_302 : vector<16xi32>
      %select_n3A_304 = arith.select %lt3A_303, %sub3A_300, %add3A_22 : vector<16xi1>, vector<16xi32>
      %swap3A_305 = arith.index_cast %add3A_282 : i32 to index
      %swap3A_306 = arith.constant 16 : index
      %swap3A_307 = tpu.vector_load %arg10[%swap3A_305, %swap3A_306] {strides = array<i32>} : memref<88x128xi32, #tpu.memory_space<vmem>>, vector<1x16xi32>,
      %swap3A_308 = vector.shape_cast %swap3A_307 : vector<1x16xi32> to vector<16xi32>
      %swap3A_309 = vector.shape_cast %select_n3A_304 : vector<16xi32> to vector<1x16xi32>
      tpu.vector_store %arg10[%swap3A_305, %swap3A_306], %swap3A_309 {strides = array<i32>} : memref<88x128xi32, #tpu.memory_space<vmem>>, vector<1x16xi32>,
      %get3A_310 = arith.index_cast %add3A_282 : i32 to index
      %get3A_311 = arith.constant 32 : index
      %get3A_312 = tpu.vector_load %arg9[%get3A_310, %get3A_311] {strides = array<i32>} : memref<88x128xi32, #tpu.memory_space<vmem>>, vector<1x16xi32>,
      %get3A_313 = vector.shape_cast %get3A_312 : vector<1x16xi32> to vector<16xi32>
      %sub3A_314 = arith.constant 0 : i32
      %sub3A_315 = vector.broadcast %sub3A_314 : i32 to vector<16xi32>
      %sub3A_316 = arith.subi %get3A_313, %sub3A_315 : vector<16xi32>
      %lt3A_317 = arith.constant 524288 : i32
      %lt3A_318 = vector.broadcast %lt3A_317 : i32 to vector<16xi32>
      %lt3A_319 = arith.cmpi ult, %sub3A_316, %lt3A_318 : vector<16xi32>
      %select_n3A_320 = arith.select %lt3A_319, %sub3A_316, %add3A_22 : vector<16xi1>, vector<16xi32>
      %swap3A_321 = arith.index_cast %add3A_282 : i32 to index
      %swap3A_322 = arith.constant 32 : index
      %swap3A_323 = tpu.vector_load %arg10[%swap3A_321, %swap3A_322] {strides = array<i32>} : memref<88x128xi32, #tpu.memory_space<vmem>>, vector<1x16xi32>,
      %swap3A_324 = vector.shape_cast %swap3A_323 : vector<1x16xi32> to vector<16xi32>
      %swap3A_325 = vector.shape_cast %select_n3A_320 : vector<16xi32> to vector<1x16xi32>
      tpu.vector_store %arg10[%swap3A_321, %swap3A_322], %swap3A_325 {strides = array<i32>} : memref<88x128xi32, #tpu.memory_space<vmem>>, vector<1x16xi32>,
      %get3A_326 = arith.index_cast %add3A_282 : i32 to index
      %get3A_327 = arith.constant 48 : index
      %get3A_328 = tpu.vector_load %arg9[%get3A_326, %get3A_327] {strides = array<i32>} : memref<88x128xi32, #tpu.memory_space<vmem>>, vector<1x16xi32>,
      %get3A_329 = vector.shape_cast %get3A_328 : vector<1x16xi32> to vector<16xi32>
      %sub3A_330 = arith.constant 0 : i32
      %sub3A_331 = vector.broadcast %sub3A_330 : i32 to vector<16xi32>
      %sub3A_332 = arith.subi %get3A_329, %sub3A_331 : vector<16xi32>
      %lt3A_333 = arith.constant 524288 : i32
      %lt3A_334 = vector.broadcast %lt3A_333 : i32 to vector<16xi32>
      %lt3A_335 = arith.cmpi ult, %sub3A_332, %lt3A_334 : vector<16xi32>
      %select_n3A_336 = arith.select %lt3A_335, %sub3A_332, %add3A_22 : vector<16xi1>, vector<16xi32>
      %swap3A_337 = arith.index_cast %add3A_282 : i32 to index
      %swap3A_338 = arith.constant 48 : index
      %swap3A_339 = tpu.vector_load %arg10[%swap3A_337, %swap3A_338] {strides = array<i32>} : memref<88x128xi32, #tpu.memory_space<vmem>>, vector<1x16xi32>,
      %swap3A_340 = vector.shape_cast %swap3A_339 : vector<1x16xi32> to vector<16xi32>
      %swap3A_341 = vector.shape_cast %select_n3A_336 : vector<16xi32> to vector<1x16xi32>
      tpu.vector_store %arg10[%swap3A_337, %swap3A_338], %swap3A_341 {strides = array<i32>} : memref<88x128xi32, #tpu.memory_space<vmem>>, vector<1x16xi32>,
      %get3A_342 = arith.index_cast %add3A_282 : i32 to index
      %get3A_343 = arith.constant 64 : index
      %get3A_344 = tpu.vector_load %arg9[%get3A_342, %get3A_343] {strides = array<i32>} : memref<88x128xi32, #tpu.memory_space<vmem>>, vector<1x16xi32>,
      %get3A_345 = vector.shape_cast %get3A_344 : vector<1x16xi32> to vector<16xi32>
      %sub3A_346 = arith.constant 0 : i32
      %sub3A_347 = vector.broadcast %sub3A_346 : i32 to vector<16xi32>
      %sub3A_348 = arith.subi %get3A_345, %sub3A_347 : vector<16xi32>
      %lt3A_349 = arith.constant 524288 : i32
      %lt3A_350 = vector.broadcast %lt3A_349 : i32 to vector<16xi32>
      %lt3A_351 = arith.cmpi ult, %sub3A_348, %lt3A_350 : vector<16xi32>
      %select_n3A_352 = arith.select %lt3A_351, %sub3A_348, %add3A_22 : vector<16xi1>, vector<16xi32>
      %swap3A_353 = arith.index_cast %add3A_282 : i32 to index
      %swap3A_354 = arith.constant 64 : index
      %swap3A_355 = tpu.vector_load %arg10[%swap3A_353, %swap3A_354] {strides = array<i32>} : memref<88x128xi32, #tpu.memory_space<vmem>>, vector<1x16xi32>,
      %swap3A_356 = vector.shape_cast %swap3A_355 : vector<1x16xi32> to vector<16xi32>
      %swap3A_357 = vector.shape_cast %select_n3A_352 : vector<16xi32> to vector<1x16xi32>
      tpu.vector_store %arg10[%swap3A_353, %swap3A_354], %swap3A_357 {strides = array<i32>} : memref<88x128xi32, #tpu.memory_space<vmem>>, vector<1x16xi32>,
      %get3A_358 = arith.index_cast %add3A_282 : i32 to index
      %get3A_359 = arith.constant 80 : index
      %get3A_360 = tpu.vector_load %arg9[%get3A_358, %get3A_359] {strides = array<i32>} : memref<88x128xi32, #tpu.memory_space<vmem>>, vector<1x16xi32>,
      %get3A_361 = vector.shape_cast %get3A_360 : vector<1x16xi32> to vector<16xi32>
      %sub3A_362 = arith.constant 0 : i32
      %sub3A_363 = vector.broadcast %sub3A_362 : i32 to vector<16xi32>
      %sub3A_364 = arith.subi %get3A_361, %sub3A_363 : vector<16xi32>
      %lt3A_365 = arith.constant 524288 : i32
      %lt3A_366 = vector.broadcast %lt3A_365 : i32 to vector<16xi32>
      %lt3A_367 = arith.cmpi ult, %sub3A_364, %lt3A_366 : vector<16xi32>
      %select_n3A_368 = arith.select %lt3A_367, %sub3A_364, %add3A_22 : vector<16xi1>, vector<16xi32>
      %swap3A_369 = arith.index_cast %add3A_282 : i32 to index
      %swap3A_370 = arith.constant 80 : index
      %swap3A_371 = tpu.vector_load %arg10[%swap3A_369, %swap3A_370] {strides = array<i32>} : memref<88x128xi32, #tpu.memory_space<vmem>>, vector<1x16xi32>,
      %swap3A_372 = vector.shape_cast %swap3A_371 : vector<1x16xi32> to vector<16xi32>
      %swap3A_373 = vector.shape_cast %select_n3A_368 : vector<16xi32> to vector<1x16xi32>
      tpu.vector_store %arg10[%swap3A_369, %swap3A_370], %swap3A_373 {strides = array<i32>} : memref<88x128xi32, #tpu.memory_space<vmem>>, vector<1x16xi32>,
      %get3A_374 = arith.index_cast %add3A_282 : i32 to index
      %get3A_375 = arith.constant 96 : index
      %get3A_376 = tpu.vector_load %arg9[%get3A_374, %get3A_375] {strides = array<i32>} : memref<88x128xi32, #tpu.memory_space<vmem>>, vector<1x16xi32>,
      %get3A_377 = vector.shape_cast %get3A_376 : vector<1x16xi32> to vector<16xi32>
      %sub3A_378 = arith.constant 0 : i32
      %sub3A_379 = vector.broadcast %sub3A_378 : i32 to vector<16xi32>
      %sub3A_380 = arith.subi %get3A_377, %sub3A_379 : vector<16xi32>
      %lt3A_381 = arith.constant 524288 : i32
      %lt3A_382 = vector.broadcast %lt3A_381 : i32 to vector<16xi32>
      %lt3A_383 = arith.cmpi ult, %sub3A_380, %lt3A_382 : vector<16xi32>
      %select_n3A_384 = arith.select %lt3A_383, %sub3A_380, %add3A_22 : vector<16xi1>, vector<16xi32>
      %swap3A_385 = arith.index_cast %add3A_282 : i32 to index
      %swap3A_386 = arith.constant 96 : index
      %swap3A_387 = tpu.vector_load %arg10[%swap3A_385, %swap3A_386] {strides = array<i32>} : memref<88x128xi32, #tpu.memory_space<vmem>>, vector<1x16xi32>,
      %swap3A_388 = vector.shape_cast %swap3A_387 : vector<1x16xi32> to vector<16xi32>
      %swap3A_389 = vector.shape_cast %select_n3A_384 : vector<16xi32> to vector<1x16xi32>
      tpu.vector_store %arg10[%swap3A_385, %swap3A_386], %swap3A_389 {strides = array<i32>} : memref<88x128xi32, #tpu.memory_space<vmem>>, vector<1x16xi32>,
      %get3A_390 = arith.index_cast %add3A_282 : i32 to index
      %get3A_391 = arith.constant 112 : index
      %get3A_392 = tpu.vector_load %arg9[%get3A_390, %get3A_391] {strides = array<i32>} : memref<88x128xi32, #tpu.memory_space<vmem>>, vector<1x16xi32>,
      %get3A_393 = vector.shape_cast %get3A_392 : vector<1x16xi32> to vector<16xi32>
      %sub3A_394 = arith.constant 0 : i32
      %sub3A_395 = vector.broadcast %sub3A_394 : i32 to vector<16xi32>
      %sub3A_396 = arith.subi %get3A_393, %sub3A_395 : vector<16xi32>
      %lt3A_397 = arith.constant 524288 : i32
      %lt3A_398 = vector.broadcast %lt3A_397 : i32 to vector<16xi32>
      %lt3A_399 = arith.cmpi ult, %sub3A_396, %lt3A_398 : vector<16xi32>
      %select_n3A_400 = arith.select %lt3A_399, %sub3A_396, %add3A_22 : vector<16xi1>, vector<16xi32>
      %swap3A_401 = arith.index_cast %add3A_282 : i32 to index
      %swap3A_402 = arith.constant 112 : index
      %swap3A_403 = tpu.vector_load %arg10[%swap3A_401, %swap3A_402] {strides = array<i32>} : memref<88x128xi32, #tpu.memory_space<vmem>>, vector<1x16xi32>,
      %swap3A_404 = vector.shape_cast %swap3A_403 : vector<1x16xi32> to vector<16xi32>
      %swap3A_405 = vector.shape_cast %select_n3A_400 : vector<16xi32> to vector<1x16xi32>
      tpu.vector_store %arg10[%swap3A_401, %swap3A_402], %swap3A_405 {strides = array<i32>} : memref<88x128xi32, #tpu.memory_space<vmem>>, vector<1x16xi32>,
    }
    %scan3A_35 = arith.constant 88 : i32
    %barrier3A = arith.constant 0 : index
    tpu.barrier barrier_id(%barrier3A)
    %scan3A_36 = arith.constant 0 : i32
    %scan3A_37 = arith.constant 88 : i32
    %scan3A_38 = arith.addi %scan3A_36, %scan3A_37 : i32
    %scan3A_39 = arith.constant 1 : i32
    scf.for %scan3A_278 = %scan3A_36 to %scan3A_38 step %scan3A_39  : i32 {
      %mul3A_279 = arith.constant 1 : i32
      %mul3A_280 = arith.muli %scan3A_278, %mul3A_279 : i32
      %add3A_281 = arith.constant 0 : i32
      %add3A_282 = arith.addi %add3A_281, %mul3A_280 : i32
      %mul3A_283 = arith.constant 128 : i32
      %mul3A_284 = arith.muli %add3A_282, %mul3A_283 : i32
      %dma_start3A = tpu.memref_slice %arg8[%mul3A_284] : memref<11264xf32, #tpu.memory_space<vmem>> -> memref<128xf32, #tpu.memory_space<vmem>>
      %dma_start3A_285 = arith.constant 0 : i32
      %dma_start3A_286 = tpu.memref_slice %arg10[%add3A_282, %dma_start3A_285] : memref<88x128xi32, #tpu.memory_space<vmem>> -> memref<1x128xi32, #tpu.memory_space<vmem>>
      %dma_start3A_287 = tpu.memref_squeeze %dma_start3A_286 : memref<1x128xi32, #tpu.memory_space<vmem>> -> memref<128xi32, #tpu.memory_space<vmem>>
      %dma_start3A_288 = arith.constant 0 : i32
      %dma_start3A_289 = tpu.memref_slice %arg12[%dma_start3A_288] : memref<524544xf32, #tpu.memory_space<vmem_shared>> -> memref<524544xf32, #tpu.memory_space<vmem_shared>>
      tpu.enqueue_indirect_dma source(%dma_start3A : memref<128xf32, #tpu.memory_space<vmem>>) target(%dma_start3A_289 : memref<524544xf32, #tpu.memory_space<vmem_shared>>) offsets(%dma_start3A_287 : memref<128xi32, #tpu.memory_space<vmem>>) semaphore(%arg13 : memref<!tpu.dma_semaphore, #tpu.memory_space<semaphore_mem>>) {add = true}
    }
    %scan3A_40 = arith.constant 88 : i32
    %scan3A_41 = arith.constant 0 : i32
    %scan3A_42 = arith.constant 88 : i32
    %scan3A_43 = arith.addi %scan3A_41, %scan3A_42 : i32
    %scan3A_44 = arith.constant 1 : i32
    scf.for %scan3A_278 = %scan3A_41 to %scan3A_43 step %scan3A_44  : i32 {
      %mul3A_279 = arith.constant 1 : i32
      %mul3A_280 = arith.muli %scan3A_278, %mul3A_279 : i32
      %add3A_281 = arith.constant 0 : i32
      %add3A_282 = arith.addi %add3A_281, %mul3A_280 : i32
      %dma_wait3A = arith.constant 0 : i32
      %dma_wait3A_283 = arith.constant 0 : i32
      %dma_wait3A_284 = tpu.memref_slice %arg8[%dma_wait3A_283] : memref<11264xf32, #tpu.memory_space<vmem>> -> memref<128xf32, #tpu.memory_space<vmem>>
      %dma_wait3A_285 = arith.constant 0 : i32
      %dma_wait3A_286 = tpu.memref_slice %arg10[%dma_wait3A, %dma_wait3A_285] : memref<88x128xi32, #tpu.memory_space<vmem>> -> memref<1x128xi32, #tpu.memory_space<vmem>>
      %dma_wait3A_287 = tpu.memref_squeeze %dma_wait3A_286 : memref<1x128xi32, #tpu.memory_space<vmem>> -> memref<128xi32, #tpu.memory_space<vmem>>
      %dma_wait3A_288 = arith.constant 0 : i32
      %dma_wait3A_289 = tpu.memref_slice %arg12[%dma_wait3A_288] : memref<524544xf32, #tpu.memory_space<vmem_shared>> -> memref<524544xf32, #tpu.memory_space<vmem_shared>>
      tpu.wait_indirect_dma semaphore(%arg13 : memref<!tpu.dma_semaphore, #tpu.memory_space<semaphore_mem>>) src(%dma_wait3A_284 : memref<128xf32, #tpu.memory_space<vmem>>) dst(%dma_wait3A_289 : memref<524544xf32, #tpu.memory_space<vmem_shared>>)
    }
    %scan3A_45 = arith.constant 88 : i32
    %barrier3A_46 = arith.constant 0 : index
    tpu.barrier barrier_id(%barrier3A_46)
    %add3A_47 = arith.constant 0 : i32
    %add3A_48 = arith.addi %add3A_1, %add3A_47 : i32
    %mul3A_49 = arith.constant 32768 : i32
    %mul3A_50 = arith.muli %arg1, %mul3A_49 : i32
    %add3A_51 = arith.addi %add3A_48, %mul3A_50 : i32
    %mul3A_52 = arith.constant 32768 : i32
    %mul3A_53 = arith.muli %arg1, %mul3A_52 : i32
    "tpu.region"() ({
      %run_scoped3A = tpu.sem_alloc : memref<!tpu.dma_semaphore, #tpu.memory_space<semaphore_mem>>
      %dma_start3A = tpu.memref_slice %arg5[%add3A_51] : memref<8388608xf32, #tpu.memory_space<hbm>> -> memref<32768xf32, #tpu.memory_space<hbm>>
      %dma_start3A_278 = tpu.memref_slice %arg12[%mul3A_53] : memref<524544xf32, #tpu.memory_space<vmem_shared>> -> memref<32768xf32, #tpu.memory_space<vmem_shared>>
      tpu.enqueue_dma source(%dma_start3A_278 : memref<32768xf32, #tpu.memory_space<vmem_shared>>) target(%dma_start3A : memref<32768xf32, #tpu.memory_space<hbm>>) target_semaphore(%run_scoped3A : memref<!tpu.dma_semaphore, #tpu.memory_space<semaphore_mem>>)
      %dma_wait3A = tpu.memref_slice %arg5[%add3A_51] : memref<8388608xf32, #tpu.memory_space<hbm>> -> memref<32768xf32, #tpu.memory_space<hbm>>
      %dma_wait3A_279 = tpu.memref_slice %arg12[%mul3A_53] : memref<524544xf32, #tpu.memory_space<vmem_shared>> -> memref<32768xf32, #tpu.memory_space<vmem_shared>>
      tpu.wait_dma2 semaphore(%run_scoped3A : memref<!tpu.dma_semaphore, #tpu.memory_space<semaphore_mem>>) src(%dma_wait3A_279 : memref<32768xf32, #tpu.memory_space<vmem_shared>>) dst(%dma_wait3A : memref<32768xf32, #tpu.memory_space<hbm>>)
      tpu.yield
    }) : () -> ()
    %mul3A_54 = arith.constant 32768 : i32
    %mul3A_55 = arith.muli %arg1, %mul3A_54 : i32
    %add3A_56 = arith.constant 0 : i32
    %add3A_57 = arith.addi %mul3A_55, %add3A_56 : i32
    "tpu.region"() ({
      %run_scoped3A = tpu.sem_alloc : memref<!tpu.dma_semaphore, #tpu.memory_space<semaphore_mem>>
      %dma_start3A = tpu.memref_slice %arg12[%add3A_57] : memref<524544xf32, #tpu.memory_space<vmem_shared>> -> memref<16384xf32, #tpu.memory_space<vmem_shared>>
      %dma_start3A_278 = tpu.memref_slice %arg12[%add3A_57] : memref<524544xf32, #tpu.memory_space<vmem_shared>> -> memref<16384xf32, #tpu.memory_space<vmem_shared>>
      tpu.enqueue_dma source(%arg11 : memref<16384xf32, #tpu.memory_space<vmem>>) target(%dma_start3A_278 : memref<16384xf32, #tpu.memory_space<vmem_shared>>) target_semaphore(%run_scoped3A : memref<!tpu.dma_semaphore, #tpu.memory_space<semaphore_mem>>)
      %dma_wait3A = tpu.memref_slice %arg12[%add3A_57] : memref<524544xf32, #tpu.memory_space<vmem_shared>> -> memref<16384xf32, #tpu.memory_space<vmem_shared>>
      %dma_wait3A_279 = tpu.memref_slice %arg12[%add3A_57] : memref<524544xf32, #tpu.memory_space<vmem_shared>> -> memref<16384xf32, #tpu.memory_space<vmem_shared>>
      tpu.wait_dma2 semaphore(%run_scoped3A : memref<!tpu.dma_semaphore, #tpu.memory_space<semaphore_mem>>) src(%arg11 : memref<16384xf32, #tpu.memory_space<vmem>>) dst(%dma_wait3A_279 : memref<16384xf32, #tpu.memory_space<vmem_shared>>)
      tpu.yield
    }) : () -> ()
    %mul3A_58 = arith.constant 32768 : i32
    %mul3A_59 = arith.muli %arg1, %mul3A_58 : i32
    %add3A_60 = arith.constant 16384 : i32
    %add3A_61 = arith.addi %mul3A_59, %add3A_60 : i32
    "tpu.region"() ({
      %run_scoped3A = tpu.sem_alloc : memref<!tpu.dma_semaphore, #tpu.memory_space<semaphore_mem>>
      %dma_start3A = tpu.memref_slice %arg12[%add3A_61] : memref<524544xf32, #tpu.memory_space<vmem_shared>> -> memref<16384xf32, #tpu.memory_space<vmem_shared>>
      %dma_start3A_278 = tpu.memref_slice %arg12[%add3A_61] : memref<524544xf32, #tpu.memory_space<vmem_shared>> -> memref<16384xf32, #tpu.memory_space<vmem_shared>>
      tpu.enqueue_dma source(%arg11 : memref<16384xf32, #tpu.memory_space<vmem>>) target(%dma_start3A_278 : memref<16384xf32, #tpu.memory_space<vmem_shared>>) target_semaphore(%run_scoped3A : memref<!tpu.dma_semaphore, #tpu.memory_space<semaphore_mem>>)
      %dma_wait3A = tpu.memref_slice %arg12[%add3A_61] : memref<524544xf32, #tpu.memory_space<vmem_shared>> -> memref<16384xf32, #tpu.memory_space<vmem_shared>>
      %dma_wait3A_279 = tpu.memref_slice %arg12[%add3A_61] : memref<524544xf32, #tpu.memory_space<vmem_shared>> -> memref<16384xf32, #tpu.memory_space<vmem_shared>>
      tpu.wait_dma2 semaphore(%run_scoped3A : memref<!tpu.dma_semaphore, #tpu.memory_space<semaphore_mem>>) src(%arg11 : memref<16384xf32, #tpu.memory_space<vmem>>) dst(%dma_wait3A_279 : memref<16384xf32, #tpu.memory_space<vmem_shared>>)
      tpu.yield
    }) : () -> ()
    %scan3A_62 = arith.constant 0 : i32
    %scan3A_63 = arith.constant 88 : i32
    %scan3A_64 = arith.addi %scan3A_62, %scan3A_63 : i32
    %scan3A_65 = arith.constant 1 : i32
    scf.for %scan3A_278 = %scan3A_62 to %scan3A_64 step %scan3A_65  : i32 {
      %mul3A_279 = arith.constant 1 : i32
      %mul3A_280 = arith.muli %scan3A_278, %mul3A_279 : i32
      %add3A_281 = arith.constant 0 : i32
      %add3A_282 = arith.addi %add3A_281, %mul3A_280 : i32
      %get3A = arith.index_cast %add3A_282 : i32 to index
      %get3A_283 = arith.constant 0 : index
      %get3A_284 = tpu.vector_load %arg9[%get3A, %get3A_283] {strides = array<i32>} : memref<88x128xi32, #tpu.memory_space<vmem>>, vector<1x16xi32>,
      %get3A_285 = vector.shape_cast %get3A_284 : vector<1x16xi32> to vector<16xi32>
      %sub3A = arith.constant 524288 : i32
      %sub3A_286 = vector.broadcast %sub3A : i32 to vector<16xi32>
      %sub3A_287 = arith.subi %get3A_285, %sub3A_286 : vector<16xi32>
      %lt3A = arith.constant 524288 : i32
      %lt3A_288 = vector.broadcast %lt3A : i32 to vector<16xi32>
      %lt3A_289 = arith.cmpi ult, %sub3A_287, %lt3A_288 : vector<16xi32>
      %select_n3A = arith.select %lt3A_289, %sub3A_287, %add3A_22 : vector<16xi1>, vector<16xi32>
      %swap3A = arith.index_cast %add3A_282 : i32 to index
      %swap3A_290 = arith.constant 0 : index
      %swap3A_291 = tpu.vector_load %arg10[%swap3A, %swap3A_290] {strides = array<i32>} : memref<88x128xi32, #tpu.memory_space<vmem>>, vector<1x16xi32>,
      %swap3A_292 = vector.shape_cast %swap3A_291 : vector<1x16xi32> to vector<16xi32>
      %swap3A_293 = vector.shape_cast %select_n3A : vector<16xi32> to vector<1x16xi32>
      tpu.vector_store %arg10[%swap3A, %swap3A_290], %swap3A_293 {strides = array<i32>} : memref<88x128xi32, #tpu.memory_space<vmem>>, vector<1x16xi32>,
      %get3A_294 = arith.index_cast %add3A_282 : i32 to index
      %get3A_295 = arith.constant 16 : index
      %get3A_296 = tpu.vector_load %arg9[%get3A_294, %get3A_295] {strides = array<i32>} : memref<88x128xi32, #tpu.memory_space<vmem>>, vector<1x16xi32>,
      %get3A_297 = vector.shape_cast %get3A_296 : vector<1x16xi32> to vector<16xi32>
      %sub3A_298 = arith.constant 524288 : i32
      %sub3A_299 = vector.broadcast %sub3A_298 : i32 to vector<16xi32>
      %sub3A_300 = arith.subi %get3A_297, %sub3A_299 : vector<16xi32>
      %lt3A_301 = arith.constant 524288 : i32
      %lt3A_302 = vector.broadcast %lt3A_301 : i32 to vector<16xi32>
      %lt3A_303 = arith.cmpi ult, %sub3A_300, %lt3A_302 : vector<16xi32>
      %select_n3A_304 = arith.select %lt3A_303, %sub3A_300, %add3A_22 : vector<16xi1>, vector<16xi32>
      %swap3A_305 = arith.index_cast %add3A_282 : i32 to index
      %swap3A_306 = arith.constant 16 : index
      %swap3A_307 = tpu.vector_load %arg10[%swap3A_305, %swap3A_306] {strides = array<i32>} : memref<88x128xi32, #tpu.memory_space<vmem>>, vector<1x16xi32>,
      %swap3A_308 = vector.shape_cast %swap3A_307 : vector<1x16xi32> to vector<16xi32>
      %swap3A_309 = vector.shape_cast %select_n3A_304 : vector<16xi32> to vector<1x16xi32>
      tpu.vector_store %arg10[%swap3A_305, %swap3A_306], %swap3A_309 {strides = array<i32>} : memref<88x128xi32, #tpu.memory_space<vmem>>, vector<1x16xi32>,
      %get3A_310 = arith.index_cast %add3A_282 : i32 to index
      %get3A_311 = arith.constant 32 : index
      %get3A_312 = tpu.vector_load %arg9[%get3A_310, %get3A_311] {strides = array<i32>} : memref<88x128xi32, #tpu.memory_space<vmem>>, vector<1x16xi32>,
      %get3A_313 = vector.shape_cast %get3A_312 : vector<1x16xi32> to vector<16xi32>
      %sub3A_314 = arith.constant 524288 : i32
      %sub3A_315 = vector.broadcast %sub3A_314 : i32 to vector<16xi32>
      %sub3A_316 = arith.subi %get3A_313, %sub3A_315 : vector<16xi32>
      %lt3A_317 = arith.constant 524288 : i32
      %lt3A_318 = vector.broadcast %lt3A_317 : i32 to vector<16xi32>
      %lt3A_319 = arith.cmpi ult, %sub3A_316, %lt3A_318 : vector<16xi32>
      %select_n3A_320 = arith.select %lt3A_319, %sub3A_316, %add3A_22 : vector<16xi1>, vector<16xi32>
      %swap3A_321 = arith.index_cast %add3A_282 : i32 to index
      %swap3A_322 = arith.constant 32 : index
      %swap3A_323 = tpu.vector_load %arg10[%swap3A_321, %swap3A_322] {strides = array<i32>} : memref<88x128xi32, #tpu.memory_space<vmem>>, vector<1x16xi32>,
      %swap3A_324 = vector.shape_cast %swap3A_323 : vector<1x16xi32> to vector<16xi32>
      %swap3A_325 = vector.shape_cast %select_n3A_320 : vector<16xi32> to vector<1x16xi32>
      tpu.vector_store %arg10[%swap3A_321, %swap3A_322], %swap3A_325 {strides = array<i32>} : memref<88x128xi32, #tpu.memory_space<vmem>>, vector<1x16xi32>,
      %get3A_326 = arith.index_cast %add3A_282 : i32 to index
      %get3A_327 = arith.constant 48 : index
      %get3A_328 = tpu.vector_load %arg9[%get3A_326, %get3A_327] {strides = array<i32>} : memref<88x128xi32, #tpu.memory_space<vmem>>, vector<1x16xi32>,
      %get3A_329 = vector.shape_cast %get3A_328 : vector<1x16xi32> to vector<16xi32>
      %sub3A_330 = arith.constant 524288 : i32
      %sub3A_331 = vector.broadcast %sub3A_330 : i32 to vector<16xi32>
      %sub3A_332 = arith.subi %get3A_329, %sub3A_331 : vector<16xi32>
      %lt3A_333 = arith.constant 524288 : i32
      %lt3A_334 = vector.broadcast %lt3A_333 : i32 to vector<16xi32>
      %lt3A_335 = arith.cmpi ult, %sub3A_332, %lt3A_334 : vector<16xi32>
      %select_n3A_336 = arith.select %lt3A_335, %sub3A_332, %add3A_22 : vector<16xi1>, vector<16xi32>
      %swap3A_337 = arith.index_cast %add3A_282 : i32 to index
      %swap3A_338 = arith.constant 48 : index
      %swap3A_339 = tpu.vector_load %arg10[%swap3A_337, %swap3A_338] {strides = array<i32>} : memref<88x128xi32, #tpu.memory_space<vmem>>, vector<1x16xi32>,
      %swap3A_340 = vector.shape_cast %swap3A_339 : vector<1x16xi32> to vector<16xi32>
      %swap3A_341 = vector.shape_cast %select_n3A_336 : vector<16xi32> to vector<1x16xi32>
      tpu.vector_store %arg10[%swap3A_337, %swap3A_338], %swap3A_341 {strides = array<i32>} : memref<88x128xi32, #tpu.memory_space<vmem>>, vector<1x16xi32>,
      %get3A_342 = arith.index_cast %add3A_282 : i32 to index
      %get3A_343 = arith.constant 64 : index
      %get3A_344 = tpu.vector_load %arg9[%get3A_342, %get3A_343] {strides = array<i32>} : memref<88x128xi32, #tpu.memory_space<vmem>>, vector<1x16xi32>,
      %get3A_345 = vector.shape_cast %get3A_344 : vector<1x16xi32> to vector<16xi32>
      %sub3A_346 = arith.constant 524288 : i32
      %sub3A_347 = vector.broadcast %sub3A_346 : i32 to vector<16xi32>
      %sub3A_348 = arith.subi %get3A_345, %sub3A_347 : vector<16xi32>
      %lt3A_349 = arith.constant 524288 : i32
      %lt3A_350 = vector.broadcast %lt3A_349 : i32 to vector<16xi32>
      %lt3A_351 = arith.cmpi ult, %sub3A_348, %lt3A_350 : vector<16xi32>
      %select_n3A_352 = arith.select %lt3A_351, %sub3A_348, %add3A_22 : vector<16xi1>, vector<16xi32>
      %swap3A_353 = arith.index_cast %add3A_282 : i32 to index
      %swap3A_354 = arith.constant 64 : index
      %swap3A_355 = tpu.vector_load %arg10[%swap3A_353, %swap3A_354] {strides = array<i32>} : memref<88x128xi32, #tpu.memory_space<vmem>>, vector<1x16xi32>,
      %swap3A_356 = vector.shape_cast %swap3A_355 : vector<1x16xi32> to vector<16xi32>
      %swap3A_357 = vector.shape_cast %select_n3A_352 : vector<16xi32> to vector<1x16xi32>
      tpu.vector_store %arg10[%swap3A_353, %swap3A_354], %swap3A_357 {strides = array<i32>} : memref<88x128xi32, #tpu.memory_space<vmem>>, vector<1x16xi32>,
      %get3A_358 = arith.index_cast %add3A_282 : i32 to index
      %get3A_359 = arith.constant 80 : index
      %get3A_360 = tpu.vector_load %arg9[%get3A_358, %get3A_359] {strides = array<i32>} : memref<88x128xi32, #tpu.memory_space<vmem>>, vector<1x16xi32>,
      %get3A_361 = vector.shape_cast %get3A_360 : vector<1x16xi32> to vector<16xi32>
      %sub3A_362 = arith.constant 524288 : i32
      %sub3A_363 = vector.broadcast %sub3A_362 : i32 to vector<16xi32>
      %sub3A_364 = arith.subi %get3A_361, %sub3A_363 : vector<16xi32>
      %lt3A_365 = arith.constant 524288 : i32
      %lt3A_366 = vector.broadcast %lt3A_365 : i32 to vector<16xi32>
      %lt3A_367 = arith.cmpi ult, %sub3A_364, %lt3A_366 : vector<16xi32>
      %select_n3A_368 = arith.select %lt3A_367, %sub3A_364, %add3A_22 : vector<16xi1>, vector<16xi32>
      %swap3A_369 = arith.index_cast %add3A_282 : i32 to index
      %swap3A_370 = arith.constant 80 : index
      %swap3A_371 = tpu.vector_load %arg10[%swap3A_369, %swap3A_370] {strides = array<i32>} : memref<88x128xi32, #tpu.memory_space<vmem>>, vector<1x16xi32>,
      %swap3A_372 = vector.shape_cast %swap3A_371 : vector<1x16xi32> to vector<16xi32>
      %swap3A_373 = vector.shape_cast %select_n3A_368 : vector<16xi32> to vector<1x16xi32>
      tpu.vector_store %arg10[%swap3A_369, %swap3A_370], %swap3A_373 {strides = array<i32>} : memref<88x128xi32, #tpu.memory_space<vmem>>, vector<1x16xi32>,
      %get3A_374 = arith.index_cast %add3A_282 : i32 to index
      %get3A_375 = arith.constant 96 : index
      %get3A_376 = tpu.vector_load %arg9[%get3A_374, %get3A_375] {strides = array<i32>} : memref<88x128xi32, #tpu.memory_space<vmem>>, vector<1x16xi32>,
      %get3A_377 = vector.shape_cast %get3A_376 : vector<1x16xi32> to vector<16xi32>
      %sub3A_378 = arith.constant 524288 : i32
      %sub3A_379 = vector.broadcast %sub3A_378 : i32 to vector<16xi32>
      %sub3A_380 = arith.subi %get3A_377, %sub3A_379 : vector<16xi32>
      %lt3A_381 = arith.constant 524288 : i32
      %lt3A_382 = vector.broadcast %lt3A_381 : i32 to vector<16xi32>
      %lt3A_383 = arith.cmpi ult, %sub3A_380, %lt3A_382 : vector<16xi32>
      %select_n3A_384 = arith.select %lt3A_383, %sub3A_380, %add3A_22 : vector<16xi1>, vector<16xi32>
      %swap3A_385 = arith.index_cast %add3A_282 : i32 to index
      %swap3A_386 = arith.constant 96 : index
      %swap3A_387 = tpu.vector_load %arg10[%swap3A_385, %swap3A_386] {strides = array<i32>} : memref<88x128xi32, #tpu.memory_space<vmem>>, vector<1x16xi32>,
      %swap3A_388 = vector.shape_cast %swap3A_387 : vector<1x16xi32> to vector<16xi32>
      %swap3A_389 = vector.shape_cast %select_n3A_384 : vector<16xi32> to vector<1x16xi32>
      tpu.vector_store %arg10[%swap3A_385, %swap3A_386], %swap3A_389 {strides = array<i32>} : memref<88x128xi32, #tpu.memory_space<vmem>>, vector<1x16xi32>,
      %get3A_390 = arith.index_cast %add3A_282 : i32 to index
      %get3A_391 = arith.constant 112 : index
      %get3A_392 = tpu.vector_load %arg9[%get3A_390, %get3A_391] {strides = array<i32>} : memref<88x128xi32, #tpu.memory_space<vmem>>, vector<1x16xi32>,
      %get3A_393 = vector.shape_cast %get3A_392 : vector<1x16xi32> to vector<16xi32>
      %sub3A_394 = arith.constant 524288 : i32
      %sub3A_395 = vector.broadcast %sub3A_394 : i32 to vector<16xi32>
      %sub3A_396 = arith.subi %get3A_393, %sub3A_395 : vector<16xi32>
      %lt3A_397 = arith.constant 524288 : i32
      %lt3A_398 = vector.broadcast %lt3A_397 : i32 to vector<16xi32>
      %lt3A_399 = arith.cmpi ult, %sub3A_396, %lt3A_398 : vector<16xi32>
      %select_n3A_400 = arith.select %lt3A_399, %sub3A_396, %add3A_22 : vector<16xi1>, vector<16xi32>
      %swap3A_401 = arith.index_cast %add3A_282 : i32 to index
      %swap3A_402 = arith.constant 112 : index
      %swap3A_403 = tpu.vector_load %arg10[%swap3A_401, %swap3A_402] {strides = array<i32>} : memref<88x128xi32, #tpu.memory_space<vmem>>, vector<1x16xi32>,
      %swap3A_404 = vector.shape_cast %swap3A_403 : vector<1x16xi32> to vector<16xi32>
      %swap3A_405 = vector.shape_cast %select_n3A_400 : vector<16xi32> to vector<1x16xi32>
      tpu.vector_store %arg10[%swap3A_401, %swap3A_402], %swap3A_405 {strides = array<i32>} : memref<88x128xi32, #tpu.memory_space<vmem>>, vector<1x16xi32>,
    }
    %scan3A_66 = arith.constant 88 : i32
    %barrier3A_67 = arith.constant 0 : index
    tpu.barrier barrier_id(%barrier3A_67)
    %scan3A_68 = arith.constant 0 : i32
    %scan3A_69 = arith.constant 88 : i32
    %scan3A_70 = arith.addi %scan3A_68, %scan3A_69 : i32
    %scan3A_71 = arith.constant 1 : i32
    scf.for %scan3A_278 = %scan3A_68 to %scan3A_70 step %scan3A_71  : i32 {
      %mul3A_279 = arith.constant 1 : i32
      %mul3A_280 = arith.muli %scan3A_278, %mul3A_279 : i32
      %add3A_281 = arith.constant 0 : i32
      %add3A_282 = arith.addi %add3A_281, %mul3A_280 : i32
      %mul3A_283 = arith.constant 128 : i32
      %mul3A_284 = arith.muli %add3A_282, %mul3A_283 : i32
      %dma_start3A = tpu.memref_slice %arg8[%mul3A_284] : memref<11264xf32, #tpu.memory_space<vmem>> -> memref<128xf32, #tpu.memory_space<vmem>>
      %dma_start3A_285 = arith.constant 0 : i32
      %dma_start3A_286 = tpu.memref_slice %arg10[%add3A_282, %dma_start3A_285] : memref<88x128xi32, #tpu.memory_space<vmem>> -> memref<1x128xi32, #tpu.memory_space<vmem>>
      %dma_start3A_287 = tpu.memref_squeeze %dma_start3A_286 : memref<1x128xi32, #tpu.memory_space<vmem>> -> memref<128xi32, #tpu.memory_space<vmem>>
      %dma_start3A_288 = arith.constant 0 : i32
      %dma_start3A_289 = tpu.memref_slice %arg12[%dma_start3A_288] : memref<524544xf32, #tpu.memory_space<vmem_shared>> -> memref<524544xf32, #tpu.memory_space<vmem_shared>>
      tpu.enqueue_indirect_dma source(%dma_start3A : memref<128xf32, #tpu.memory_space<vmem>>) target(%dma_start3A_289 : memref<524544xf32, #tpu.memory_space<vmem_shared>>) offsets(%dma_start3A_287 : memref<128xi32, #tpu.memory_space<vmem>>) semaphore(%arg13 : memref<!tpu.dma_semaphore, #tpu.memory_space<semaphore_mem>>) {add = true}
    }
    %scan3A_72 = arith.constant 88 : i32
    %scan3A_73 = arith.constant 0 : i32
    %scan3A_74 = arith.constant 88 : i32
    %scan3A_75 = arith.addi %scan3A_73, %scan3A_74 : i32
    %scan3A_76 = arith.constant 1 : i32
    scf.for %scan3A_278 = %scan3A_73 to %scan3A_75 step %scan3A_76  : i32 {
      %mul3A_279 = arith.constant 1 : i32
      %mul3A_280 = arith.muli %scan3A_278, %mul3A_279 : i32
      %add3A_281 = arith.constant 0 : i32
      %add3A_282 = arith.addi %add3A_281, %mul3A_280 : i32
      %dma_wait3A = arith.constant 0 : i32
      %dma_wait3A_283 = arith.constant 0 : i32
      %dma_wait3A_284 = tpu.memref_slice %arg8[%dma_wait3A_283] : memref<11264xf32, #tpu.memory_space<vmem>> -> memref<128xf32, #tpu.memory_space<vmem>>
      %dma_wait3A_285 = arith.constant 0 : i32
      %dma_wait3A_286 = tpu.memref_slice %arg10[%dma_wait3A, %dma_wait3A_285] : memref<88x128xi32, #tpu.memory_space<vmem>> -> memref<1x128xi32, #tpu.memory_space<vmem>>
      %dma_wait3A_287 = tpu.memref_squeeze %dma_wait3A_286 : memref<1x128xi32, #tpu.memory_space<vmem>> -> memref<128xi32, #tpu.memory_space<vmem>>
      %dma_wait3A_288 = arith.constant 0 : i32
      %dma_wait3A_289 = tpu.memref_slice %arg12[%dma_wait3A_288] : memref<524544xf32, #tpu.memory_space<vmem_shared>> -> memref<524544xf32, #tpu.memory_space<vmem_shared>>
      tpu.wait_indirect_dma semaphore(%arg13 : memref<!tpu.dma_semaphore, #tpu.memory_space<semaphore_mem>>) src(%dma_wait3A_284 : memref<128xf32, #tpu.memory_space<vmem>>) dst(%dma_wait3A_289 : memref<524544xf32, #tpu.memory_space<vmem_shared>>)
    }
    %scan3A_77 = arith.constant 88 : i32
    %barrier3A_78 = arith.constant 0 : index
    tpu.barrier barrier_id(%barrier3A_78)
    %add3A_79 = arith.constant 524288 : i32
    %add3A_80 = arith.addi %add3A_1, %add3A_79 : i32
    %mul3A_81 = arith.constant 32768 : i32
    %mul3A_82 = arith.muli %arg1, %mul3A_81 : i32
    %add3A_83 = arith.addi %add3A_80, %mul3A_82 : i32
    %mul3A_84 = arith.constant 32768 : i32
    %mul3A_85 = arith.muli %arg1, %mul3A_84 : i32
    "tpu.region"() ({
      %run_scoped3A = tpu.sem_alloc : memref<!tpu.dma_semaphore, #tpu.memory_space<semaphore_mem>>
      %dma_start3A = tpu.memref_slice %arg5[%add3A_83] : memref<8388608xf32, #tpu.memory_space<hbm>> -> memref<32768xf32, #tpu.memory_space<hbm>>
      %dma_start3A_278 = tpu.memref_slice %arg12[%mul3A_85] : memref<524544xf32, #tpu.memory_space<vmem_shared>> -> memref<32768xf32, #tpu.memory_space<vmem_shared>>
      tpu.enqueue_dma source(%dma_start3A_278 : memref<32768xf32, #tpu.memory_space<vmem_shared>>) target(%dma_start3A : memref<32768xf32, #tpu.memory_space<hbm>>) target_semaphore(%run_scoped3A : memref<!tpu.dma_semaphore, #tpu.memory_space<semaphore_mem>>)
      %dma_wait3A = tpu.memref_slice %arg5[%add3A_83] : memref<8388608xf32, #tpu.memory_space<hbm>> -> memref<32768xf32, #tpu.memory_space<hbm>>
      %dma_wait3A_279 = tpu.memref_slice %arg12[%mul3A_85] : memref<524544xf32, #tpu.memory_space<vmem_shared>> -> memref<32768xf32, #tpu.memory_space<vmem_shared>>
      tpu.wait_dma2 semaphore(%run_scoped3A : memref<!tpu.dma_semaphore, #tpu.memory_space<semaphore_mem>>) src(%dma_wait3A_279 : memref<32768xf32, #tpu.memory_space<vmem_shared>>) dst(%dma_wait3A : memref<32768xf32, #tpu.memory_space<hbm>>)
      tpu.yield
    }) : () -> ()
    %mul3A_86 = arith.constant 32768 : i32
    %mul3A_87 = arith.muli %arg1, %mul3A_86 : i32
    %add3A_88 = arith.constant 0 : i32
    %add3A_89 = arith.addi %mul3A_87, %add3A_88 : i32
    "tpu.region"() ({
      %run_scoped3A = tpu.sem_alloc : memref<!tpu.dma_semaphore, #tpu.memory_space<semaphore_mem>>
      %dma_start3A = tpu.memref_slice %arg12[%add3A_89] : memref<524544xf32, #tpu.memory_space<vmem_shared>> -> memref<16384xf32, #tpu.memory_space<vmem_shared>>
      %dma_start3A_278 = tpu.memref_slice %arg12[%add3A_89] : memref<524544xf32, #tpu.memory_space<vmem_shared>> -> memref<16384xf32, #tpu.memory_space<vmem_shared>>
      tpu.enqueue_dma source(%arg11 : memref<16384xf32, #tpu.memory_space<vmem>>) target(%dma_start3A_278 : memref<16384xf32, #tpu.memory_space<vmem_shared>>) target_semaphore(%run_scoped3A : memref<!tpu.dma_semaphore, #tpu.memory_space<semaphore_mem>>)
      %dma_wait3A = tpu.memref_slice %arg12[%add3A_89] : memref<524544xf32, #tpu.memory_space<vmem_shared>> -> memref<16384xf32, #tpu.memory_space<vmem_shared>>
      %dma_wait3A_279 = tpu.memref_slice %arg12[%add3A_89] : memref<524544xf32, #tpu.memory_space<vmem_shared>> -> memref<16384xf32, #tpu.memory_space<vmem_shared>>
      tpu.wait_dma2 semaphore(%run_scoped3A : memref<!tpu.dma_semaphore, #tpu.memory_space<semaphore_mem>>) src(%arg11 : memref<16384xf32, #tpu.memory_space<vmem>>) dst(%dma_wait3A_279 : memref<16384xf32, #tpu.memory_space<vmem_shared>>)
      tpu.yield
    }) : () -> ()
    %mul3A_90 = arith.constant 32768 : i32
    %mul3A_91 = arith.muli %arg1, %mul3A_90 : i32
    %add3A_92 = arith.constant 16384 : i32
    %add3A_93 = arith.addi %mul3A_91, %add3A_92 : i32
    "tpu.region"() ({
      %run_scoped3A = tpu.sem_alloc : memref<!tpu.dma_semaphore, #tpu.memory_space<semaphore_mem>>
      %dma_start3A = tpu.memref_slice %arg12[%add3A_93] : memref<524544xf32, #tpu.memory_space<vmem_shared>> -> memref<16384xf32, #tpu.memory_space<vmem_shared>>
      %dma_start3A_278 = tpu.memref_slice %arg12[%add3A_93] : memref<524544xf32, #tpu.memory_space<vmem_shared>> -> memref<16384xf32, #tpu.memory_space<vmem_shared>>
      tpu.enqueue_dma source(%arg11 : memref<16384xf32, #tpu.memory_space<vmem>>) target(%dma_start3A_278 : memref<16384xf32, #tpu.memory_space<vmem_shared>>) target_semaphore(%run_scoped3A : memref<!tpu.dma_semaphore, #tpu.memory_space<semaphore_mem>>)
      %dma_wait3A = tpu.memref_slice %arg12[%add3A_93] : memref<524544xf32, #tpu.memory_space<vmem_shared>> -> memref<16384xf32, #tpu.memory_space<vmem_shared>>
      %dma_wait3A_279 = tpu.memref_slice %arg12[%add3A_93] : memref<524544xf32, #tpu.memory_space<vmem_shared>> -> memref<16384xf32, #tpu.memory_space<vmem_shared>>
      tpu.wait_dma2 semaphore(%run_scoped3A : memref<!tpu.dma_semaphore, #tpu.memory_space<semaphore_mem>>) src(%arg11 : memref<16384xf32, #tpu.memory_space<vmem>>) dst(%dma_wait3A_279 : memref<16384xf32, #tpu.memory_space<vmem_shared>>)
      tpu.yield
    }) : () -> ()
    %scan3A_94 = arith.constant 0 : i32
    %scan3A_95 = arith.constant 88 : i32
    %scan3A_96 = arith.addi %scan3A_94, %scan3A_95 : i32
    %scan3A_97 = arith.constant 1 : i32
    scf.for %scan3A_278 = %scan3A_94 to %scan3A_96 step %scan3A_97  : i32 {
      %mul3A_279 = arith.constant 1 : i32
      %mul3A_280 = arith.muli %scan3A_278, %mul3A_279 : i32
      %add3A_281 = arith.constant 0 : i32
      %add3A_282 = arith.addi %add3A_281, %mul3A_280 : i32
      %get3A = arith.index_cast %add3A_282 : i32 to index
      %get3A_283 = arith.constant 0 : index
      %get3A_284 = tpu.vector_load %arg9[%get3A, %get3A_283] {strides = array<i32>} : memref<88x128xi32, #tpu.memory_space<vmem>>, vector<1x16xi32>,
      %get3A_285 = vector.shape_cast %get3A_284 : vector<1x16xi32> to vector<16xi32>
      %sub3A = arith.constant 1048576 : i32
      %sub3A_286 = vector.broadcast %sub3A : i32 to vector<16xi32>
      %sub3A_287 = arith.subi %get3A_285, %sub3A_286 : vector<16xi32>
      %lt3A = arith.constant 524288 : i32
      %lt3A_288 = vector.broadcast %lt3A : i32 to vector<16xi32>
      %lt3A_289 = arith.cmpi ult, %sub3A_287, %lt3A_288 : vector<16xi32>
      %select_n3A = arith.select %lt3A_289, %sub3A_287, %add3A_22 : vector<16xi1>, vector<16xi32>
      %swap3A = arith.index_cast %add3A_282 : i32 to index
      %swap3A_290 = arith.constant 0 : index
      %swap3A_291 = tpu.vector_load %arg10[%swap3A, %swap3A_290] {strides = array<i32>} : memref<88x128xi32, #tpu.memory_space<vmem>>, vector<1x16xi32>,
      %swap3A_292 = vector.shape_cast %swap3A_291 : vector<1x16xi32> to vector<16xi32>
      %swap3A_293 = vector.shape_cast %select_n3A : vector<16xi32> to vector<1x16xi32>
      tpu.vector_store %arg10[%swap3A, %swap3A_290], %swap3A_293 {strides = array<i32>} : memref<88x128xi32, #tpu.memory_space<vmem>>, vector<1x16xi32>,
      %get3A_294 = arith.index_cast %add3A_282 : i32 to index
      %get3A_295 = arith.constant 16 : index
      %get3A_296 = tpu.vector_load %arg9[%get3A_294, %get3A_295] {strides = array<i32>} : memref<88x128xi32, #tpu.memory_space<vmem>>, vector<1x16xi32>,
      %get3A_297 = vector.shape_cast %get3A_296 : vector<1x16xi32> to vector<16xi32>
      %sub3A_298 = arith.constant 1048576 : i32
      %sub3A_299 = vector.broadcast %sub3A_298 : i32 to vector<16xi32>
      %sub3A_300 = arith.subi %get3A_297, %sub3A_299 : vector<16xi32>
      %lt3A_301 = arith.constant 524288 : i32
      %lt3A_302 = vector.broadcast %lt3A_301 : i32 to vector<16xi32>
      %lt3A_303 = arith.cmpi ult, %sub3A_300, %lt3A_302 : vector<16xi32>
      %select_n3A_304 = arith.select %lt3A_303, %sub3A_300, %add3A_22 : vector<16xi1>, vector<16xi32>
      %swap3A_305 = arith.index_cast %add3A_282 : i32 to index
      %swap3A_306 = arith.constant 16 : index
      %swap3A_307 = tpu.vector_load %arg10[%swap3A_305, %swap3A_306] {strides = array<i32>} : memref<88x128xi32, #tpu.memory_space<vmem>>, vector<1x16xi32>,
      %swap3A_308 = vector.shape_cast %swap3A_307 : vector<1x16xi32> to vector<16xi32>
      %swap3A_309 = vector.shape_cast %select_n3A_304 : vector<16xi32> to vector<1x16xi32>
      tpu.vector_store %arg10[%swap3A_305, %swap3A_306], %swap3A_309 {strides = array<i32>} : memref<88x128xi32, #tpu.memory_space<vmem>>, vector<1x16xi32>,
      %get3A_310 = arith.index_cast %add3A_282 : i32 to index
      %get3A_311 = arith.constant 32 : index
      %get3A_312 = tpu.vector_load %arg9[%get3A_310, %get3A_311] {strides = array<i32>} : memref<88x128xi32, #tpu.memory_space<vmem>>, vector<1x16xi32>,
      %get3A_313 = vector.shape_cast %get3A_312 : vector<1x16xi32> to vector<16xi32>
      %sub3A_314 = arith.constant 1048576 : i32
      %sub3A_315 = vector.broadcast %sub3A_314 : i32 to vector<16xi32>
      %sub3A_316 = arith.subi %get3A_313, %sub3A_315 : vector<16xi32>
      %lt3A_317 = arith.constant 524288 : i32
      %lt3A_318 = vector.broadcast %lt3A_317 : i32 to vector<16xi32>
      %lt3A_319 = arith.cmpi ult, %sub3A_316, %lt3A_318 : vector<16xi32>
      %select_n3A_320 = arith.select %lt3A_319, %sub3A_316, %add3A_22 : vector<16xi1>, vector<16xi32>
      %swap3A_321 = arith.index_cast %add3A_282 : i32 to index
      %swap3A_322 = arith.constant 32 : index
      %swap3A_323 = tpu.vector_load %arg10[%swap3A_321, %swap3A_322] {strides = array<i32>} : memref<88x128xi32, #tpu.memory_space<vmem>>, vector<1x16xi32>,
      %swap3A_324 = vector.shape_cast %swap3A_323 : vector<1x16xi32> to vector<16xi32>
      %swap3A_325 = vector.shape_cast %select_n3A_320 : vector<16xi32> to vector<1x16xi32>
      tpu.vector_store %arg10[%swap3A_321, %swap3A_322], %swap3A_325 {strides = array<i32>} : memref<88x128xi32, #tpu.memory_space<vmem>>, vector<1x16xi32>,
      %get3A_326 = arith.index_cast %add3A_282 : i32 to index
      %get3A_327 = arith.constant 48 : index
      %get3A_328 = tpu.vector_load %arg9[%get3A_326, %get3A_327] {strides = array<i32>} : memref<88x128xi32, #tpu.memory_space<vmem>>, vector<1x16xi32>,
      %get3A_329 = vector.shape_cast %get3A_328 : vector<1x16xi32> to vector<16xi32>
      %sub3A_330 = arith.constant 1048576 : i32
      %sub3A_331 = vector.broadcast %sub3A_330 : i32 to vector<16xi32>
      %sub3A_332 = arith.subi %get3A_329, %sub3A_331 : vector<16xi32>
      %lt3A_333 = arith.constant 524288 : i32
      %lt3A_334 = vector.broadcast %lt3A_333 : i32 to vector<16xi32>
      %lt3A_335 = arith.cmpi ult, %sub3A_332, %lt3A_334 : vector<16xi32>
      %select_n3A_336 = arith.select %lt3A_335, %sub3A_332, %add3A_22 : vector<16xi1>, vector<16xi32>
      %swap3A_337 = arith.index_cast %add3A_282 : i32 to index
      %swap3A_338 = arith.constant 48 : index
      %swap3A_339 = tpu.vector_load %arg10[%swap3A_337, %swap3A_338] {strides = array<i32>} : memref<88x128xi32, #tpu.memory_space<vmem>>, vector<1x16xi32>,
      %swap3A_340 = vector.shape_cast %swap3A_339 : vector<1x16xi32> to vector<16xi32>
      %swap3A_341 = vector.shape_cast %select_n3A_336 : vector<16xi32> to vector<1x16xi32>
      tpu.vector_store %arg10[%swap3A_337, %swap3A_338], %swap3A_341 {strides = array<i32>} : memref<88x128xi32, #tpu.memory_space<vmem>>, vector<1x16xi32>,
      %get3A_342 = arith.index_cast %add3A_282 : i32 to index
      %get3A_343 = arith.constant 64 : index
      %get3A_344 = tpu.vector_load %arg9[%get3A_342, %get3A_343] {strides = array<i32>} : memref<88x128xi32, #tpu.memory_space<vmem>>, vector<1x16xi32>,
      %get3A_345 = vector.shape_cast %get3A_344 : vector<1x16xi32> to vector<16xi32>
      %sub3A_346 = arith.constant 1048576 : i32
      %sub3A_347 = vector.broadcast %sub3A_346 : i32 to vector<16xi32>
      %sub3A_348 = arith.subi %get3A_345, %sub3A_347 : vector<16xi32>
      %lt3A_349 = arith.constant 524288 : i32
      %lt3A_350 = vector.broadcast %lt3A_349 : i32 to vector<16xi32>
      %lt3A_351 = arith.cmpi ult, %sub3A_348, %lt3A_350 : vector<16xi32>
      %select_n3A_352 = arith.select %lt3A_351, %sub3A_348, %add3A_22 : vector<16xi1>, vector<16xi32>
      %swap3A_353 = arith.index_cast %add3A_282 : i32 to index
      %swap3A_354 = arith.constant 64 : index
      %swap3A_355 = tpu.vector_load %arg10[%swap3A_353, %swap3A_354] {strides = array<i32>} : memref<88x128xi32, #tpu.memory_space<vmem>>, vector<1x16xi32>,
      %swap3A_356 = vector.shape_cast %swap3A_355 : vector<1x16xi32> to vector<16xi32>
      %swap3A_357 = vector.shape_cast %select_n3A_352 : vector<16xi32> to vector<1x16xi32>
      tpu.vector_store %arg10[%swap3A_353, %swap3A_354], %swap3A_357 {strides = array<i32>} : memref<88x128xi32, #tpu.memory_space<vmem>>, vector<1x16xi32>,
      %get3A_358 = arith.index_cast %add3A_282 : i32 to index
      %get3A_359 = arith.constant 80 : index
      %get3A_360 = tpu.vector_load %arg9[%get3A_358, %get3A_359] {strides = array<i32>} : memref<88x128xi32, #tpu.memory_space<vmem>>, vector<1x16xi32>,
      %get3A_361 = vector.shape_cast %get3A_360 : vector<1x16xi32> to vector<16xi32>
      %sub3A_362 = arith.constant 1048576 : i32
      %sub3A_363 = vector.broadcast %sub3A_362 : i32 to vector<16xi32>
      %sub3A_364 = arith.subi %get3A_361, %sub3A_363 : vector<16xi32>
      %lt3A_365 = arith.constant 524288 : i32
      %lt3A_366 = vector.broadcast %lt3A_365 : i32 to vector<16xi32>
      %lt3A_367 = arith.cmpi ult, %sub3A_364, %lt3A_366 : vector<16xi32>
      %select_n3A_368 = arith.select %lt3A_367, %sub3A_364, %add3A_22 : vector<16xi1>, vector<16xi32>
      %swap3A_369 = arith.index_cast %add3A_282 : i32 to index
      %swap3A_370 = arith.constant 80 : index
      %swap3A_371 = tpu.vector_load %arg10[%swap3A_369, %swap3A_370] {strides = array<i32>} : memref<88x128xi32, #tpu.memory_space<vmem>>, vector<1x16xi32>,
      %swap3A_372 = vector.shape_cast %swap3A_371 : vector<1x16xi32> to vector<16xi32>
      %swap3A_373 = vector.shape_cast %select_n3A_368 : vector<16xi32> to vector<1x16xi32>
      tpu.vector_store %arg10[%swap3A_369, %swap3A_370], %swap3A_373 {strides = array<i32>} : memref<88x128xi32, #tpu.memory_space<vmem>>, vector<1x16xi32>,
      %get3A_374 = arith.index_cast %add3A_282 : i32 to index
      %get3A_375 = arith.constant 96 : index
      %get3A_376 = tpu.vector_load %arg9[%get3A_374, %get3A_375] {strides = array<i32>} : memref<88x128xi32, #tpu.memory_space<vmem>>, vector<1x16xi32>,
      %get3A_377 = vector.shape_cast %get3A_376 : vector<1x16xi32> to vector<16xi32>
      %sub3A_378 = arith.constant 1048576 : i32
      %sub3A_379 = vector.broadcast %sub3A_378 : i32 to vector<16xi32>
      %sub3A_380 = arith.subi %get3A_377, %sub3A_379 : vector<16xi32>
      %lt3A_381 = arith.constant 524288 : i32
      %lt3A_382 = vector.broadcast %lt3A_381 : i32 to vector<16xi32>
      %lt3A_383 = arith.cmpi ult, %sub3A_380, %lt3A_382 : vector<16xi32>
      %select_n3A_384 = arith.select %lt3A_383, %sub3A_380, %add3A_22 : vector<16xi1>, vector<16xi32>
      %swap3A_385 = arith.index_cast %add3A_282 : i32 to index
      %swap3A_386 = arith.constant 96 : index
      %swap3A_387 = tpu.vector_load %arg10[%swap3A_385, %swap3A_386] {strides = array<i32>} : memref<88x128xi32, #tpu.memory_space<vmem>>, vector<1x16xi32>,
      %swap3A_388 = vector.shape_cast %swap3A_387 : vector<1x16xi32> to vector<16xi32>
      %swap3A_389 = vector.shape_cast %select_n3A_384 : vector<16xi32> to vector<1x16xi32>
      tpu.vector_store %arg10[%swap3A_385, %swap3A_386], %swap3A_389 {strides = array<i32>} : memref<88x128xi32, #tpu.memory_space<vmem>>, vector<1x16xi32>,
      %get3A_390 = arith.index_cast %add3A_282 : i32 to index
      %get3A_391 = arith.constant 112 : index
      %get3A_392 = tpu.vector_load %arg9[%get3A_390, %get3A_391] {strides = array<i32>} : memref<88x128xi32, #tpu.memory_space<vmem>>, vector<1x16xi32>,
      %get3A_393 = vector.shape_cast %get3A_392 : vector<1x16xi32> to vector<16xi32>
      %sub3A_394 = arith.constant 1048576 : i32
      %sub3A_395 = vector.broadcast %sub3A_394 : i32 to vector<16xi32>
      %sub3A_396 = arith.subi %get3A_393, %sub3A_395 : vector<16xi32>
      %lt3A_397 = arith.constant 524288 : i32
      %lt3A_398 = vector.broadcast %lt3A_397 : i32 to vector<16xi32>
      %lt3A_399 = arith.cmpi ult, %sub3A_396, %lt3A_398 : vector<16xi32>
      %select_n3A_400 = arith.select %lt3A_399, %sub3A_396, %add3A_22 : vector<16xi1>, vector<16xi32>
      %swap3A_401 = arith.index_cast %add3A_282 : i32 to index
      %swap3A_402 = arith.constant 112 : index
      %swap3A_403 = tpu.vector_load %arg10[%swap3A_401, %swap3A_402] {strides = array<i32>} : memref<88x128xi32, #tpu.memory_space<vmem>>, vector<1x16xi32>,
      %swap3A_404 = vector.shape_cast %swap3A_403 : vector<1x16xi32> to vector<16xi32>
      %swap3A_405 = vector.shape_cast %select_n3A_400 : vector<16xi32> to vector<1x16xi32>
      tpu.vector_store %arg10[%swap3A_401, %swap3A_402], %swap3A_405 {strides = array<i32>} : memref<88x128xi32, #tpu.memory_space<vmem>>, vector<1x16xi32>,
    }
    %scan3A_98 = arith.constant 88 : i32
    %barrier3A_99 = arith.constant 0 : index
    tpu.barrier barrier_id(%barrier3A_99)
    %scan3A_100 = arith.constant 0 : i32
    %scan3A_101 = arith.constant 88 : i32
    %scan3A_102 = arith.addi %scan3A_100, %scan3A_101 : i32
    %scan3A_103 = arith.constant 1 : i32
    scf.for %scan3A_278 = %scan3A_100 to %scan3A_102 step %scan3A_103  : i32 {
      %mul3A_279 = arith.constant 1 : i32
      %mul3A_280 = arith.muli %scan3A_278, %mul3A_279 : i32
      %add3A_281 = arith.constant 0 : i32
      %add3A_282 = arith.addi %add3A_281, %mul3A_280 : i32
      %mul3A_283 = arith.constant 128 : i32
      %mul3A_284 = arith.muli %add3A_282, %mul3A_283 : i32
      %dma_start3A = tpu.memref_slice %arg8[%mul3A_284] : memref<11264xf32, #tpu.memory_space<vmem>> -> memref<128xf32, #tpu.memory_space<vmem>>
      %dma_start3A_285 = arith.constant 0 : i32
      %dma_start3A_286 = tpu.memref_slice %arg10[%add3A_282, %dma_start3A_285] : memref<88x128xi32, #tpu.memory_space<vmem>> -> memref<1x128xi32, #tpu.memory_space<vmem>>
      %dma_start3A_287 = tpu.memref_squeeze %dma_start3A_286 : memref<1x128xi32, #tpu.memory_space<vmem>> -> memref<128xi32, #tpu.memory_space<vmem>>
      %dma_start3A_288 = arith.constant 0 : i32
      %dma_start3A_289 = tpu.memref_slice %arg12[%dma_start3A_288] : memref<524544xf32, #tpu.memory_space<vmem_shared>> -> memref<524544xf32, #tpu.memory_space<vmem_shared>>
      tpu.enqueue_indirect_dma source(%dma_start3A : memref<128xf32, #tpu.memory_space<vmem>>) target(%dma_start3A_289 : memref<524544xf32, #tpu.memory_space<vmem_shared>>) offsets(%dma_start3A_287 : memref<128xi32, #tpu.memory_space<vmem>>) semaphore(%arg13 : memref<!tpu.dma_semaphore, #tpu.memory_space<semaphore_mem>>) {add = true}
    }
    %scan3A_104 = arith.constant 88 : i32
    %scan3A_105 = arith.constant 0 : i32
    %scan3A_106 = arith.constant 88 : i32
    %scan3A_107 = arith.addi %scan3A_105, %scan3A_106 : i32
    %scan3A_108 = arith.constant 1 : i32
    scf.for %scan3A_278 = %scan3A_105 to %scan3A_107 step %scan3A_108  : i32 {
      %mul3A_279 = arith.constant 1 : i32
      %mul3A_280 = arith.muli %scan3A_278, %mul3A_279 : i32
      %add3A_281 = arith.constant 0 : i32
      %add3A_282 = arith.addi %add3A_281, %mul3A_280 : i32
      %dma_wait3A = arith.constant 0 : i32
      %dma_wait3A_283 = arith.constant 0 : i32
      %dma_wait3A_284 = tpu.memref_slice %arg8[%dma_wait3A_283] : memref<11264xf32, #tpu.memory_space<vmem>> -> memref<128xf32, #tpu.memory_space<vmem>>
      %dma_wait3A_285 = arith.constant 0 : i32
      %dma_wait3A_286 = tpu.memref_slice %arg10[%dma_wait3A, %dma_wait3A_285] : memref<88x128xi32, #tpu.memory_space<vmem>> -> memref<1x128xi32, #tpu.memory_space<vmem>>
      %dma_wait3A_287 = tpu.memref_squeeze %dma_wait3A_286 : memref<1x128xi32, #tpu.memory_space<vmem>> -> memref<128xi32, #tpu.memory_space<vmem>>
      %dma_wait3A_288 = arith.constant 0 : i32
      %dma_wait3A_289 = tpu.memref_slice %arg12[%dma_wait3A_288] : memref<524544xf32, #tpu.memory_space<vmem_shared>> -> memref<524544xf32, #tpu.memory_space<vmem_shared>>
      tpu.wait_indirect_dma semaphore(%arg13 : memref<!tpu.dma_semaphore, #tpu.memory_space<semaphore_mem>>) src(%dma_wait3A_284 : memref<128xf32, #tpu.memory_space<vmem>>) dst(%dma_wait3A_289 : memref<524544xf32, #tpu.memory_space<vmem_shared>>)
    }
    %scan3A_109 = arith.constant 88 : i32
    %barrier3A_110 = arith.constant 0 : index
    tpu.barrier barrier_id(%barrier3A_110)
    %add3A_111 = arith.constant 1048576 : i32
    %add3A_112 = arith.addi %add3A_1, %add3A_111 : i32
    %mul3A_113 = arith.constant 32768 : i32
    %mul3A_114 = arith.muli %arg1, %mul3A_113 : i32
    %add3A_115 = arith.addi %add3A_112, %mul3A_114 : i32
    %mul3A_116 = arith.constant 32768 : i32
    %mul3A_117 = arith.muli %arg1, %mul3A_116 : i32
    "tpu.region"() ({
      %run_scoped3A = tpu.sem_alloc : memref<!tpu.dma_semaphore, #tpu.memory_space<semaphore_mem>>
      %dma_start3A = tpu.memref_slice %arg5[%add3A_115] : memref<8388608xf32, #tpu.memory_space<hbm>> -> memref<32768xf32, #tpu.memory_space<hbm>>
      %dma_start3A_278 = tpu.memref_slice %arg12[%mul3A_117] : memref<524544xf32, #tpu.memory_space<vmem_shared>> -> memref<32768xf32, #tpu.memory_space<vmem_shared>>
      tpu.enqueue_dma source(%dma_start3A_278 : memref<32768xf32, #tpu.memory_space<vmem_shared>>) target(%dma_start3A : memref<32768xf32, #tpu.memory_space<hbm>>) target_semaphore(%run_scoped3A : memref<!tpu.dma_semaphore, #tpu.memory_space<semaphore_mem>>)
      %dma_wait3A = tpu.memref_slice %arg5[%add3A_115] : memref<8388608xf32, #tpu.memory_space<hbm>> -> memref<32768xf32, #tpu.memory_space<hbm>>
      %dma_wait3A_279 = tpu.memref_slice %arg12[%mul3A_117] : memref<524544xf32, #tpu.memory_space<vmem_shared>> -> memref<32768xf32, #tpu.memory_space<vmem_shared>>
      tpu.wait_dma2 semaphore(%run_scoped3A : memref<!tpu.dma_semaphore, #tpu.memory_space<semaphore_mem>>) src(%dma_wait3A_279 : memref<32768xf32, #tpu.memory_space<vmem_shared>>) dst(%dma_wait3A : memref<32768xf32, #tpu.memory_space<hbm>>)
      tpu.yield
    }) : () -> ()
    %mul3A_118 = arith.constant 32768 : i32
    %mul3A_119 = arith.muli %arg1, %mul3A_118 : i32
    %add3A_120 = arith.constant 0 : i32
    %add3A_121 = arith.addi %mul3A_119, %add3A_120 : i32
    "tpu.region"() ({
      %run_scoped3A = tpu.sem_alloc : memref<!tpu.dma_semaphore, #tpu.memory_space<semaphore_mem>>
      %dma_start3A = tpu.memref_slice %arg12[%add3A_121] : memref<524544xf32, #tpu.memory_space<vmem_shared>> -> memref<16384xf32, #tpu.memory_space<vmem_shared>>
      %dma_start3A_278 = tpu.memref_slice %arg12[%add3A_121] : memref<524544xf32, #tpu.memory_space<vmem_shared>> -> memref<16384xf32, #tpu.memory_space<vmem_shared>>
      tpu.enqueue_dma source(%arg11 : memref<16384xf32, #tpu.memory_space<vmem>>) target(%dma_start3A_278 : memref<16384xf32, #tpu.memory_space<vmem_shared>>) target_semaphore(%run_scoped3A : memref<!tpu.dma_semaphore, #tpu.memory_space<semaphore_mem>>)
      %dma_wait3A = tpu.memref_slice %arg12[%add3A_121] : memref<524544xf32, #tpu.memory_space<vmem_shared>> -> memref<16384xf32, #tpu.memory_space<vmem_shared>>
      %dma_wait3A_279 = tpu.memref_slice %arg12[%add3A_121] : memref<524544xf32, #tpu.memory_space<vmem_shared>> -> memref<16384xf32, #tpu.memory_space<vmem_shared>>
      tpu.wait_dma2 semaphore(%run_scoped3A : memref<!tpu.dma_semaphore, #tpu.memory_space<semaphore_mem>>) src(%arg11 : memref<16384xf32, #tpu.memory_space<vmem>>) dst(%dma_wait3A_279 : memref<16384xf32, #tpu.memory_space<vmem_shared>>)
      tpu.yield
    }) : () -> ()
    %mul3A_122 = arith.constant 32768 : i32
    %mul3A_123 = arith.muli %arg1, %mul3A_122 : i32
    %add3A_124 = arith.constant 16384 : i32
    %add3A_125 = arith.addi %mul3A_123, %add3A_124 : i32
    "tpu.region"() ({
      %run_scoped3A = tpu.sem_alloc : memref<!tpu.dma_semaphore, #tpu.memory_space<semaphore_mem>>
      %dma_start3A = tpu.memref_slice %arg12[%add3A_125] : memref<524544xf32, #tpu.memory_space<vmem_shared>> -> memref<16384xf32, #tpu.memory_space<vmem_shared>>
      %dma_start3A_278 = tpu.memref_slice %arg12[%add3A_125] : memref<524544xf32, #tpu.memory_space<vmem_shared>> -> memref<16384xf32, #tpu.memory_space<vmem_shared>>
      tpu.enqueue_dma source(%arg11 : memref<16384xf32, #tpu.memory_space<vmem>>) target(%dma_start3A_278 : memref<16384xf32, #tpu.memory_space<vmem_shared>>) target_semaphore(%run_scoped3A : memref<!tpu.dma_semaphore, #tpu.memory_space<semaphore_mem>>)
      %dma_wait3A = tpu.memref_slice %arg12[%add3A_125] : memref<524544xf32, #tpu.memory_space<vmem_shared>> -> memref<16384xf32, #tpu.memory_space<vmem_shared>>
      %dma_wait3A_279 = tpu.memref_slice %arg12[%add3A_125] : memref<524544xf32, #tpu.memory_space<vmem_shared>> -> memref<16384xf32, #tpu.memory_space<vmem_shared>>
      tpu.wait_dma2 semaphore(%run_scoped3A : memref<!tpu.dma_semaphore, #tpu.memory_space<semaphore_mem>>) src(%arg11 : memref<16384xf32, #tpu.memory_space<vmem>>) dst(%dma_wait3A_279 : memref<16384xf32, #tpu.memory_space<vmem_shared>>)
      tpu.yield
    }) : () -> ()
    %scan3A_126 = arith.constant 0 : i32
    %scan3A_127 = arith.constant 88 : i32
    %scan3A_128 = arith.addi %scan3A_126, %scan3A_127 : i32
    %scan3A_129 = arith.constant 1 : i32
    scf.for %scan3A_278 = %scan3A_126 to %scan3A_128 step %scan3A_129  : i32 {
      %mul3A_279 = arith.constant 1 : i32
      %mul3A_280 = arith.muli %scan3A_278, %mul3A_279 : i32
      %add3A_281 = arith.constant 0 : i32
      %add3A_282 = arith.addi %add3A_281, %mul3A_280 : i32
      %get3A = arith.index_cast %add3A_282 : i32 to index
      %get3A_283 = arith.constant 0 : index
      %get3A_284 = tpu.vector_load %arg9[%get3A, %get3A_283] {strides = array<i32>} : memref<88x128xi32, #tpu.memory_space<vmem>>, vector<1x16xi32>,
      %get3A_285 = vector.shape_cast %get3A_284 : vector<1x16xi32> to vector<16xi32>
      %sub3A = arith.constant 1572864 : i32
      %sub3A_286 = vector.broadcast %sub3A : i32 to vector<16xi32>
      %sub3A_287 = arith.subi %get3A_285, %sub3A_286 : vector<16xi32>
      %lt3A = arith.constant 524288 : i32
      %lt3A_288 = vector.broadcast %lt3A : i32 to vector<16xi32>
      %lt3A_289 = arith.cmpi ult, %sub3A_287, %lt3A_288 : vector<16xi32>
      %select_n3A = arith.select %lt3A_289, %sub3A_287, %add3A_22 : vector<16xi1>, vector<16xi32>
      %swap3A = arith.index_cast %add3A_282 : i32 to index
      %swap3A_290 = arith.constant 0 : index
      %swap3A_291 = tpu.vector_load %arg10[%swap3A, %swap3A_290] {strides = array<i32>} : memref<88x128xi32, #tpu.memory_space<vmem>>, vector<1x16xi32>,
      %swap3A_292 = vector.shape_cast %swap3A_291 : vector<1x16xi32> to vector<16xi32>
      %swap3A_293 = vector.shape_cast %select_n3A : vector<16xi32> to vector<1x16xi32>
      tpu.vector_store %arg10[%swap3A, %swap3A_290], %swap3A_293 {strides = array<i32>} : memref<88x128xi32, #tpu.memory_space<vmem>>, vector<1x16xi32>,
      %get3A_294 = arith.index_cast %add3A_282 : i32 to index
      %get3A_295 = arith.constant 16 : index
      %get3A_296 = tpu.vector_load %arg9[%get3A_294, %get3A_295] {strides = array<i32>} : memref<88x128xi32, #tpu.memory_space<vmem>>, vector<1x16xi32>,
      %get3A_297 = vector.shape_cast %get3A_296 : vector<1x16xi32> to vector<16xi32>
      %sub3A_298 = arith.constant 1572864 : i32
      %sub3A_299 = vector.broadcast %sub3A_298 : i32 to vector<16xi32>
      %sub3A_300 = arith.subi %get3A_297, %sub3A_299 : vector<16xi32>
      %lt3A_301 = arith.constant 524288 : i32
      %lt3A_302 = vector.broadcast %lt3A_301 : i32 to vector<16xi32>
      %lt3A_303 = arith.cmpi ult, %sub3A_300, %lt3A_302 : vector<16xi32>
      %select_n3A_304 = arith.select %lt3A_303, %sub3A_300, %add3A_22 : vector<16xi1>, vector<16xi32>
      %swap3A_305 = arith.index_cast %add3A_282 : i32 to index
      %swap3A_306 = arith.constant 16 : index
      %swap3A_307 = tpu.vector_load %arg10[%swap3A_305, %swap3A_306] {strides = array<i32>} : memref<88x128xi32, #tpu.memory_space<vmem>>, vector<1x16xi32>,
      %swap3A_308 = vector.shape_cast %swap3A_307 : vector<1x16xi32> to vector<16xi32>
      %swap3A_309 = vector.shape_cast %select_n3A_304 : vector<16xi32> to vector<1x16xi32>
      tpu.vector_store %arg10[%swap3A_305, %swap3A_306], %swap3A_309 {strides = array<i32>} : memref<88x128xi32, #tpu.memory_space<vmem>>, vector<1x16xi32>,
      %get3A_310 = arith.index_cast %add3A_282 : i32 to index
      %get3A_311 = arith.constant 32 : index
      %get3A_312 = tpu.vector_load %arg9[%get3A_310, %get3A_311] {strides = array<i32>} : memref<88x128xi32, #tpu.memory_space<vmem>>, vector<1x16xi32>,
      %get3A_313 = vector.shape_cast %get3A_312 : vector<1x16xi32> to vector<16xi32>
      %sub3A_314 = arith.constant 1572864 : i32
      %sub3A_315 = vector.broadcast %sub3A_314 : i32 to vector<16xi32>
      %sub3A_316 = arith.subi %get3A_313, %sub3A_315 : vector<16xi32>
      %lt3A_317 = arith.constant 524288 : i32
      %lt3A_318 = vector.broadcast %lt3A_317 : i32 to vector<16xi32>
      %lt3A_319 = arith.cmpi ult, %sub3A_316, %lt3A_318 : vector<16xi32>
      %select_n3A_320 = arith.select %lt3A_319, %sub3A_316, %add3A_22 : vector<16xi1>, vector<16xi32>
      %swap3A_321 = arith.index_cast %add3A_282 : i32 to index
      %swap3A_322 = arith.constant 32 : index
      %swap3A_323 = tpu.vector_load %arg10[%swap3A_321, %swap3A_322] {strides = array<i32>} : memref<88x128xi32, #tpu.memory_space<vmem>>, vector<1x16xi32>,
      %swap3A_324 = vector.shape_cast %swap3A_323 : vector<1x16xi32> to vector<16xi32>
      %swap3A_325 = vector.shape_cast %select_n3A_320 : vector<16xi32> to vector<1x16xi32>
      tpu.vector_store %arg10[%swap3A_321, %swap3A_322], %swap3A_325 {strides = array<i32>} : memref<88x128xi32, #tpu.memory_space<vmem>>, vector<1x16xi32>,
      %get3A_326 = arith.index_cast %add3A_282 : i32 to index
      %get3A_327 = arith.constant 48 : index
      %get3A_328 = tpu.vector_load %arg9[%get3A_326, %get3A_327] {strides = array<i32>} : memref<88x128xi32, #tpu.memory_space<vmem>>, vector<1x16xi32>,
      %get3A_329 = vector.shape_cast %get3A_328 : vector<1x16xi32> to vector<16xi32>
      %sub3A_330 = arith.constant 1572864 : i32
      %sub3A_331 = vector.broadcast %sub3A_330 : i32 to vector<16xi32>
      %sub3A_332 = arith.subi %get3A_329, %sub3A_331 : vector<16xi32>
      %lt3A_333 = arith.constant 524288 : i32
      %lt3A_334 = vector.broadcast %lt3A_333 : i32 to vector<16xi32>
      %lt3A_335 = arith.cmpi ult, %sub3A_332, %lt3A_334 : vector<16xi32>
      %select_n3A_336 = arith.select %lt3A_335, %sub3A_332, %add3A_22 : vector<16xi1>, vector<16xi32>
      %swap3A_337 = arith.index_cast %add3A_282 : i32 to index
      %swap3A_338 = arith.constant 48 : index
      %swap3A_339 = tpu.vector_load %arg10[%swap3A_337, %swap3A_338] {strides = array<i32>} : memref<88x128xi32, #tpu.memory_space<vmem>>, vector<1x16xi32>,
      %swap3A_340 = vector.shape_cast %swap3A_339 : vector<1x16xi32> to vector<16xi32>
      %swap3A_341 = vector.shape_cast %select_n3A_336 : vector<16xi32> to vector<1x16xi32>
      tpu.vector_store %arg10[%swap3A_337, %swap3A_338], %swap3A_341 {strides = array<i32>} : memref<88x128xi32, #tpu.memory_space<vmem>>, vector<1x16xi32>,
      %get3A_342 = arith.index_cast %add3A_282 : i32 to index
      %get3A_343 = arith.constant 64 : index
      %get3A_344 = tpu.vector_load %arg9[%get3A_342, %get3A_343] {strides = array<i32>} : memref<88x128xi32, #tpu.memory_space<vmem>>, vector<1x16xi32>,
      %get3A_345 = vector.shape_cast %get3A_344 : vector<1x16xi32> to vector<16xi32>
      %sub3A_346 = arith.constant 1572864 : i32
      %sub3A_347 = vector.broadcast %sub3A_346 : i32 to vector<16xi32>
      %sub3A_348 = arith.subi %get3A_345, %sub3A_347 : vector<16xi32>
      %lt3A_349 = arith.constant 524288 : i32
      %lt3A_350 = vector.broadcast %lt3A_349 : i32 to vector<16xi32>
      %lt3A_351 = arith.cmpi ult, %sub3A_348, %lt3A_350 : vector<16xi32>
      %select_n3A_352 = arith.select %lt3A_351, %sub3A_348, %add3A_22 : vector<16xi1>, vector<16xi32>
      %swap3A_353 = arith.index_cast %add3A_282 : i32 to index
      %swap3A_354 = arith.constant 64 : index
      %swap3A_355 = tpu.vector_load %arg10[%swap3A_353, %swap3A_354] {strides = array<i32>} : memref<88x128xi32, #tpu.memory_space<vmem>>, vector<1x16xi32>,
      %swap3A_356 = vector.shape_cast %swap3A_355 : vector<1x16xi32> to vector<16xi32>
      %swap3A_357 = vector.shape_cast %select_n3A_352 : vector<16xi32> to vector<1x16xi32>
      tpu.vector_store %arg10[%swap3A_353, %swap3A_354], %swap3A_357 {strides = array<i32>} : memref<88x128xi32, #tpu.memory_space<vmem>>, vector<1x16xi32>,
      %get3A_358 = arith.index_cast %add3A_282 : i32 to index
      %get3A_359 = arith.constant 80 : index
      %get3A_360 = tpu.vector_load %arg9[%get3A_358, %get3A_359] {strides = array<i32>} : memref<88x128xi32, #tpu.memory_space<vmem>>, vector<1x16xi32>,
      %get3A_361 = vector.shape_cast %get3A_360 : vector<1x16xi32> to vector<16xi32>
      %sub3A_362 = arith.constant 1572864 : i32
      %sub3A_363 = vector.broadcast %sub3A_362 : i32 to vector<16xi32>
      %sub3A_364 = arith.subi %get3A_361, %sub3A_363 : vector<16xi32>
      %lt3A_365 = arith.constant 524288 : i32
      %lt3A_366 = vector.broadcast %lt3A_365 : i32 to vector<16xi32>
      %lt3A_367 = arith.cmpi ult, %sub3A_364, %lt3A_366 : vector<16xi32>
      %select_n3A_368 = arith.select %lt3A_367, %sub3A_364, %add3A_22 : vector<16xi1>, vector<16xi32>
      %swap3A_369 = arith.index_cast %add3A_282 : i32 to index
      %swap3A_370 = arith.constant 80 : index
      %swap3A_371 = tpu.vector_load %arg10[%swap3A_369, %swap3A_370] {strides = array<i32>} : memref<88x128xi32, #tpu.memory_space<vmem>>, vector<1x16xi32>,
      %swap3A_372 = vector.shape_cast %swap3A_371 : vector<1x16xi32> to vector<16xi32>
      %swap3A_373 = vector.shape_cast %select_n3A_368 : vector<16xi32> to vector<1x16xi32>
      tpu.vector_store %arg10[%swap3A_369, %swap3A_370], %swap3A_373 {strides = array<i32>} : memref<88x128xi32, #tpu.memory_space<vmem>>, vector<1x16xi32>,
      %get3A_374 = arith.index_cast %add3A_282 : i32 to index
      %get3A_375 = arith.constant 96 : index
      %get3A_376 = tpu.vector_load %arg9[%get3A_374, %get3A_375] {strides = array<i32>} : memref<88x128xi32, #tpu.memory_space<vmem>>, vector<1x16xi32>,
      %get3A_377 = vector.shape_cast %get3A_376 : vector<1x16xi32> to vector<16xi32>
      %sub3A_378 = arith.constant 1572864 : i32
      %sub3A_379 = vector.broadcast %sub3A_378 : i32 to vector<16xi32>
      %sub3A_380 = arith.subi %get3A_377, %sub3A_379 : vector<16xi32>
      %lt3A_381 = arith.constant 524288 : i32
      %lt3A_382 = vector.broadcast %lt3A_381 : i32 to vector<16xi32>
      %lt3A_383 = arith.cmpi ult, %sub3A_380, %lt3A_382 : vector<16xi32>
      %select_n3A_384 = arith.select %lt3A_383, %sub3A_380, %add3A_22 : vector<16xi1>, vector<16xi32>
      %swap3A_385 = arith.index_cast %add3A_282 : i32 to index
      %swap3A_386 = arith.constant 96 : index
      %swap3A_387 = tpu.vector_load %arg10[%swap3A_385, %swap3A_386] {strides = array<i32>} : memref<88x128xi32, #tpu.memory_space<vmem>>, vector<1x16xi32>,
      %swap3A_388 = vector.shape_cast %swap3A_387 : vector<1x16xi32> to vector<16xi32>
      %swap3A_389 = vector.shape_cast %select_n3A_384 : vector<16xi32> to vector<1x16xi32>
      tpu.vector_store %arg10[%swap3A_385, %swap3A_386], %swap3A_389 {strides = array<i32>} : memref<88x128xi32, #tpu.memory_space<vmem>>, vector<1x16xi32>,
      %get3A_390 = arith.index_cast %add3A_282 : i32 to index
      %get3A_391 = arith.constant 112 : index
      %get3A_392 = tpu.vector_load %arg9[%get3A_390, %get3A_391] {strides = array<i32>} : memref<88x128xi32, #tpu.memory_space<vmem>>, vector<1x16xi32>,
      %get3A_393 = vector.shape_cast %get3A_392 : vector<1x16xi32> to vector<16xi32>
      %sub3A_394 = arith.constant 1572864 : i32
      %sub3A_395 = vector.broadcast %sub3A_394 : i32 to vector<16xi32>
      %sub3A_396 = arith.subi %get3A_393, %sub3A_395 : vector<16xi32>
      %lt3A_397 = arith.constant 524288 : i32
      %lt3A_398 = vector.broadcast %lt3A_397 : i32 to vector<16xi32>
      %lt3A_399 = arith.cmpi ult, %sub3A_396, %lt3A_398 : vector<16xi32>
      %select_n3A_400 = arith.select %lt3A_399, %sub3A_396, %add3A_22 : vector<16xi1>, vector<16xi32>
      %swap3A_401 = arith.index_cast %add3A_282 : i32 to index
      %swap3A_402 = arith.constant 112 : index
      %swap3A_403 = tpu.vector_load %arg10[%swap3A_401, %swap3A_402] {strides = array<i32>} : memref<88x128xi32, #tpu.memory_space<vmem>>, vector<1x16xi32>,
      %swap3A_404 = vector.shape_cast %swap3A_403 : vector<1x16xi32> to vector<16xi32>
      %swap3A_405 = vector.shape_cast %select_n3A_400 : vector<16xi32> to vector<1x16xi32>
      tpu.vector_store %arg10[%swap3A_401, %swap3A_402], %swap3A_405 {strides = array<i32>} : memref<88x128xi32, #tpu.memory_space<vmem>>, vector<1x16xi32>,
    }
    %scan3A_130 = arith.constant 88 : i32
    %barrier3A_131 = arith.constant 0 : index
    tpu.barrier barrier_id(%barrier3A_131)
    %scan3A_132 = arith.constant 0 : i32
    %scan3A_133 = arith.constant 88 : i32
    %scan3A_134 = arith.addi %scan3A_132, %scan3A_133 : i32
    %scan3A_135 = arith.constant 1 : i32
    scf.for %scan3A_278 = %scan3A_132 to %scan3A_134 step %scan3A_135  : i32 {
      %mul3A_279 = arith.constant 1 : i32
      %mul3A_280 = arith.muli %scan3A_278, %mul3A_279 : i32
      %add3A_281 = arith.constant 0 : i32
      %add3A_282 = arith.addi %add3A_281, %mul3A_280 : i32
      %mul3A_283 = arith.constant 128 : i32
      %mul3A_284 = arith.muli %add3A_282, %mul3A_283 : i32
      %dma_start3A = tpu.memref_slice %arg8[%mul3A_284] : memref<11264xf32, #tpu.memory_space<vmem>> -> memref<128xf32, #tpu.memory_space<vmem>>
      %dma_start3A_285 = arith.constant 0 : i32
      %dma_start3A_286 = tpu.memref_slice %arg10[%add3A_282, %dma_start3A_285] : memref<88x128xi32, #tpu.memory_space<vmem>> -> memref<1x128xi32, #tpu.memory_space<vmem>>
      %dma_start3A_287 = tpu.memref_squeeze %dma_start3A_286 : memref<1x128xi32, #tpu.memory_space<vmem>> -> memref<128xi32, #tpu.memory_space<vmem>>
      %dma_start3A_288 = arith.constant 0 : i32
      %dma_start3A_289 = tpu.memref_slice %arg12[%dma_start3A_288] : memref<524544xf32, #tpu.memory_space<vmem_shared>> -> memref<524544xf32, #tpu.memory_space<vmem_shared>>
      tpu.enqueue_indirect_dma source(%dma_start3A : memref<128xf32, #tpu.memory_space<vmem>>) target(%dma_start3A_289 : memref<524544xf32, #tpu.memory_space<vmem_shared>>) offsets(%dma_start3A_287 : memref<128xi32, #tpu.memory_space<vmem>>) semaphore(%arg13 : memref<!tpu.dma_semaphore, #tpu.memory_space<semaphore_mem>>) {add = true}
    }
    %scan3A_136 = arith.constant 88 : i32
    %scan3A_137 = arith.constant 0 : i32
    %scan3A_138 = arith.constant 88 : i32
    %scan3A_139 = arith.addi %scan3A_137, %scan3A_138 : i32
    %scan3A_140 = arith.constant 1 : i32
    scf.for %scan3A_278 = %scan3A_137 to %scan3A_139 step %scan3A_140  : i32 {
      %mul3A_279 = arith.constant 1 : i32
      %mul3A_280 = arith.muli %scan3A_278, %mul3A_279 : i32
      %add3A_281 = arith.constant 0 : i32
      %add3A_282 = arith.addi %add3A_281, %mul3A_280 : i32
      %dma_wait3A = arith.constant 0 : i32
      %dma_wait3A_283 = arith.constant 0 : i32
      %dma_wait3A_284 = tpu.memref_slice %arg8[%dma_wait3A_283] : memref<11264xf32, #tpu.memory_space<vmem>> -> memref<128xf32, #tpu.memory_space<vmem>>
      %dma_wait3A_285 = arith.constant 0 : i32
      %dma_wait3A_286 = tpu.memref_slice %arg10[%dma_wait3A, %dma_wait3A_285] : memref<88x128xi32, #tpu.memory_space<vmem>> -> memref<1x128xi32, #tpu.memory_space<vmem>>
      %dma_wait3A_287 = tpu.memref_squeeze %dma_wait3A_286 : memref<1x128xi32, #tpu.memory_space<vmem>> -> memref<128xi32, #tpu.memory_space<vmem>>
      %dma_wait3A_288 = arith.constant 0 : i32
      %dma_wait3A_289 = tpu.memref_slice %arg12[%dma_wait3A_288] : memref<524544xf32, #tpu.memory_space<vmem_shared>> -> memref<524544xf32, #tpu.memory_space<vmem_shared>>
      tpu.wait_indirect_dma semaphore(%arg13 : memref<!tpu.dma_semaphore, #tpu.memory_space<semaphore_mem>>) src(%dma_wait3A_284 : memref<128xf32, #tpu.memory_space<vmem>>) dst(%dma_wait3A_289 : memref<524544xf32, #tpu.memory_space<vmem_shared>>)
    }
    %scan3A_141 = arith.constant 88 : i32
    %barrier3A_142 = arith.constant 0 : index
    tpu.barrier barrier_id(%barrier3A_142)
    %add3A_143 = arith.constant 1572864 : i32
    %add3A_144 = arith.addi %add3A_1, %add3A_143 : i32
    %mul3A_145 = arith.constant 32768 : i32
    %mul3A_146 = arith.muli %arg1, %mul3A_145 : i32
    %add3A_147 = arith.addi %add3A_144, %mul3A_146 : i32
    %mul3A_148 = arith.constant 32768 : i32
    %mul3A_149 = arith.muli %arg1, %mul3A_148 : i32
    "tpu.region"() ({
      %run_scoped3A = tpu.sem_alloc : memref<!tpu.dma_semaphore, #tpu.memory_space<semaphore_mem>>
      %dma_start3A = tpu.memref_slice %arg5[%add3A_147] : memref<8388608xf32, #tpu.memory_space<hbm>> -> memref<32768xf32, #tpu.memory_space<hbm>>
      %dma_start3A_278 = tpu.memref_slice %arg12[%mul3A_149] : memref<524544xf32, #tpu.memory_space<vmem_shared>> -> memref<32768xf32, #tpu.memory_space<vmem_shared>>
      tpu.enqueue_dma source(%dma_start3A_278 : memref<32768xf32, #tpu.memory_space<vmem_shared>>) target(%dma_start3A : memref<32768xf32, #tpu.memory_space<hbm>>) target_semaphore(%run_scoped3A : memref<!tpu.dma_semaphore, #tpu.memory_space<semaphore_mem>>)
      %dma_wait3A = tpu.memref_slice %arg5[%add3A_147] : memref<8388608xf32, #tpu.memory_space<hbm>> -> memref<32768xf32, #tpu.memory_space<hbm>>
      %dma_wait3A_279 = tpu.memref_slice %arg12[%mul3A_149] : memref<524544xf32, #tpu.memory_space<vmem_shared>> -> memref<32768xf32, #tpu.memory_space<vmem_shared>>
      tpu.wait_dma2 semaphore(%run_scoped3A : memref<!tpu.dma_semaphore, #tpu.memory_space<semaphore_mem>>) src(%dma_wait3A_279 : memref<32768xf32, #tpu.memory_space<vmem_shared>>) dst(%dma_wait3A : memref<32768xf32, #tpu.memory_space<hbm>>)
      tpu.yield
    }) : () -> ()
    %mul3A_150 = arith.constant 32768 : i32
    %mul3A_151 = arith.muli %arg1, %mul3A_150 : i32
    %add3A_152 = arith.constant 0 : i32
    %add3A_153 = arith.addi %mul3A_151, %add3A_152 : i32
    "tpu.region"() ({
      %run_scoped3A = tpu.sem_alloc : memref<!tpu.dma_semaphore, #tpu.memory_space<semaphore_mem>>
      %dma_start3A = tpu.memref_slice %arg12[%add3A_153] : memref<524544xf32, #tpu.memory_space<vmem_shared>> -> memref<16384xf32, #tpu.memory_space<vmem_shared>>
      %dma_start3A_278 = tpu.memref_slice %arg12[%add3A_153] : memref<524544xf32, #tpu.memory_space<vmem_shared>> -> memref<16384xf32, #tpu.memory_space<vmem_shared>>
      tpu.enqueue_dma source(%arg11 : memref<16384xf32, #tpu.memory_space<vmem>>) target(%dma_start3A_278 : memref<16384xf32, #tpu.memory_space<vmem_shared>>) target_semaphore(%run_scoped3A : memref<!tpu.dma_semaphore, #tpu.memory_space<semaphore_mem>>)
      %dma_wait3A = tpu.memref_slice %arg12[%add3A_153] : memref<524544xf32, #tpu.memory_space<vmem_shared>> -> memref<16384xf32, #tpu.memory_space<vmem_shared>>
      %dma_wait3A_279 = tpu.memref_slice %arg12[%add3A_153] : memref<524544xf32, #tpu.memory_space<vmem_shared>> -> memref<16384xf32, #tpu.memory_space<vmem_shared>>
      tpu.wait_dma2 semaphore(%run_scoped3A : memref<!tpu.dma_semaphore, #tpu.memory_space<semaphore_mem>>) src(%arg11 : memref<16384xf32, #tpu.memory_space<vmem>>) dst(%dma_wait3A_279 : memref<16384xf32, #tpu.memory_space<vmem_shared>>)
      tpu.yield
    }) : () -> ()
    %mul3A_154 = arith.constant 32768 : i32
    %mul3A_155 = arith.muli %arg1, %mul3A_154 : i32
    %add3A_156 = arith.constant 16384 : i32
    %add3A_157 = arith.addi %mul3A_155, %add3A_156 : i32
    "tpu.region"() ({
      %run_scoped3A = tpu.sem_alloc : memref<!tpu.dma_semaphore, #tpu.memory_space<semaphore_mem>>
      %dma_start3A = tpu.memref_slice %arg12[%add3A_157] : memref<524544xf32, #tpu.memory_space<vmem_shared>> -> memref<16384xf32, #tpu.memory_space<vmem_shared>>
      %dma_start3A_278 = tpu.memref_slice %arg12[%add3A_157] : memref<524544xf32, #tpu.memory_space<vmem_shared>> -> memref<16384xf32, #tpu.memory_space<vmem_shared>>
      tpu.enqueue_dma source(%arg11 : memref<16384xf32, #tpu.memory_space<vmem>>) target(%dma_start3A_278 : memref<16384xf32, #tpu.memory_space<vmem_shared>>) target_semaphore(%run_scoped3A : memref<!tpu.dma_semaphore, #tpu.memory_space<semaphore_mem>>)
      %dma_wait3A = tpu.memref_slice %arg12[%add3A_157] : memref<524544xf32, #tpu.memory_space<vmem_shared>> -> memref<16384xf32, #tpu.memory_space<vmem_shared>>
      %dma_wait3A_279 = tpu.memref_slice %arg12[%add3A_157] : memref<524544xf32, #tpu.memory_space<vmem_shared>> -> memref<16384xf32, #tpu.memory_space<vmem_shared>>
      tpu.wait_dma2 semaphore(%run_scoped3A : memref<!tpu.dma_semaphore, #tpu.memory_space<semaphore_mem>>) src(%arg11 : memref<16384xf32, #tpu.memory_space<vmem>>) dst(%dma_wait3A_279 : memref<16384xf32, #tpu.memory_space<vmem_shared>>)
      tpu.yield
    }) : () -> ()
    %scan3A_158 = arith.constant 0 : i32
    %scan3A_159 = arith.constant 88 : i32
    %scan3A_160 = arith.addi %scan3A_158, %scan3A_159 : i32
    %scan3A_161 = arith.constant 1 : i32
    scf.for %scan3A_278 = %scan3A_158 to %scan3A_160 step %scan3A_161  : i32 {
      %mul3A_279 = arith.constant 1 : i32
      %mul3A_280 = arith.muli %scan3A_278, %mul3A_279 : i32
      %add3A_281 = arith.constant 0 : i32
      %add3A_282 = arith.addi %add3A_281, %mul3A_280 : i32
      %get3A = arith.index_cast %add3A_282 : i32 to index
      %get3A_283 = arith.constant 0 : index
      %get3A_284 = tpu.vector_load %arg9[%get3A, %get3A_283] {strides = array<i32>} : memref<88x128xi32, #tpu.memory_space<vmem>>, vector<1x16xi32>,
      %get3A_285 = vector.shape_cast %get3A_284 : vector<1x16xi32> to vector<16xi32>
      %sub3A = arith.constant 2097152 : i32
      %sub3A_286 = vector.broadcast %sub3A : i32 to vector<16xi32>
      %sub3A_287 = arith.subi %get3A_285, %sub3A_286 : vector<16xi32>
      %lt3A = arith.constant 524288 : i32
      %lt3A_288 = vector.broadcast %lt3A : i32 to vector<16xi32>
      %lt3A_289 = arith.cmpi ult, %sub3A_287, %lt3A_288 : vector<16xi32>
      %select_n3A = arith.select %lt3A_289, %sub3A_287, %add3A_22 : vector<16xi1>, vector<16xi32>
      %swap3A = arith.index_cast %add3A_282 : i32 to index
      %swap3A_290 = arith.constant 0 : index
      %swap3A_291 = tpu.vector_load %arg10[%swap3A, %swap3A_290] {strides = array<i32>} : memref<88x128xi32, #tpu.memory_space<vmem>>, vector<1x16xi32>,
      %swap3A_292 = vector.shape_cast %swap3A_291 : vector<1x16xi32> to vector<16xi32>
      %swap3A_293 = vector.shape_cast %select_n3A : vector<16xi32> to vector<1x16xi32>
      tpu.vector_store %arg10[%swap3A, %swap3A_290], %swap3A_293 {strides = array<i32>} : memref<88x128xi32, #tpu.memory_space<vmem>>, vector<1x16xi32>,
      %get3A_294 = arith.index_cast %add3A_282 : i32 to index
      %get3A_295 = arith.constant 16 : index
      %get3A_296 = tpu.vector_load %arg9[%get3A_294, %get3A_295] {strides = array<i32>} : memref<88x128xi32, #tpu.memory_space<vmem>>, vector<1x16xi32>,
      %get3A_297 = vector.shape_cast %get3A_296 : vector<1x16xi32> to vector<16xi32>
      %sub3A_298 = arith.constant 2097152 : i32
      %sub3A_299 = vector.broadcast %sub3A_298 : i32 to vector<16xi32>
      %sub3A_300 = arith.subi %get3A_297, %sub3A_299 : vector<16xi32>
      %lt3A_301 = arith.constant 524288 : i32
      %lt3A_302 = vector.broadcast %lt3A_301 : i32 to vector<16xi32>
      %lt3A_303 = arith.cmpi ult, %sub3A_300, %lt3A_302 : vector<16xi32>
      %select_n3A_304 = arith.select %lt3A_303, %sub3A_300, %add3A_22 : vector<16xi1>, vector<16xi32>
      %swap3A_305 = arith.index_cast %add3A_282 : i32 to index
      %swap3A_306 = arith.constant 16 : index
      %swap3A_307 = tpu.vector_load %arg10[%swap3A_305, %swap3A_306] {strides = array<i32>} : memref<88x128xi32, #tpu.memory_space<vmem>>, vector<1x16xi32>,
      %swap3A_308 = vector.shape_cast %swap3A_307 : vector<1x16xi32> to vector<16xi32>
      %swap3A_309 = vector.shape_cast %select_n3A_304 : vector<16xi32> to vector<1x16xi32>
      tpu.vector_store %arg10[%swap3A_305, %swap3A_306], %swap3A_309 {strides = array<i32>} : memref<88x128xi32, #tpu.memory_space<vmem>>, vector<1x16xi32>,
      %get3A_310 = arith.index_cast %add3A_282 : i32 to index
      %get3A_311 = arith.constant 32 : index
      %get3A_312 = tpu.vector_load %arg9[%get3A_310, %get3A_311] {strides = array<i32>} : memref<88x128xi32, #tpu.memory_space<vmem>>, vector<1x16xi32>,
      %get3A_313 = vector.shape_cast %get3A_312 : vector<1x16xi32> to vector<16xi32>
      %sub3A_314 = arith.constant 2097152 : i32
      %sub3A_315 = vector.broadcast %sub3A_314 : i32 to vector<16xi32>
      %sub3A_316 = arith.subi %get3A_313, %sub3A_315 : vector<16xi32>
      %lt3A_317 = arith.constant 524288 : i32
      %lt3A_318 = vector.broadcast %lt3A_317 : i32 to vector<16xi32>
      %lt3A_319 = arith.cmpi ult, %sub3A_316, %lt3A_318 : vector<16xi32>
      %select_n3A_320 = arith.select %lt3A_319, %sub3A_316, %add3A_22 : vector<16xi1>, vector<16xi32>
      %swap3A_321 = arith.index_cast %add3A_282 : i32 to index
      %swap3A_322 = arith.constant 32 : index
      %swap3A_323 = tpu.vector_load %arg10[%swap3A_321, %swap3A_322] {strides = array<i32>} : memref<88x128xi32, #tpu.memory_space<vmem>>, vector<1x16xi32>,
      %swap3A_324 = vector.shape_cast %swap3A_323 : vector<1x16xi32> to vector<16xi32>
      %swap3A_325 = vector.shape_cast %select_n3A_320 : vector<16xi32> to vector<1x16xi32>
      tpu.vector_store %arg10[%swap3A_321, %swap3A_322], %swap3A_325 {strides = array<i32>} : memref<88x128xi32, #tpu.memory_space<vmem>>, vector<1x16xi32>,
      %get3A_326 = arith.index_cast %add3A_282 : i32 to index
      %get3A_327 = arith.constant 48 : index
      %get3A_328 = tpu.vector_load %arg9[%get3A_326, %get3A_327] {strides = array<i32>} : memref<88x128xi32, #tpu.memory_space<vmem>>, vector<1x16xi32>,
      %get3A_329 = vector.shape_cast %get3A_328 : vector<1x16xi32> to vector<16xi32>
      %sub3A_330 = arith.constant 2097152 : i32
      %sub3A_331 = vector.broadcast %sub3A_330 : i32 to vector<16xi32>
      %sub3A_332 = arith.subi %get3A_329, %sub3A_331 : vector<16xi32>
      %lt3A_333 = arith.constant 524288 : i32
      %lt3A_334 = vector.broadcast %lt3A_333 : i32 to vector<16xi32>
      %lt3A_335 = arith.cmpi ult, %sub3A_332, %lt3A_334 : vector<16xi32>
      %select_n3A_336 = arith.select %lt3A_335, %sub3A_332, %add3A_22 : vector<16xi1>, vector<16xi32>
      %swap3A_337 = arith.index_cast %add3A_282 : i32 to index
      %swap3A_338 = arith.constant 48 : index
      %swap3A_339 = tpu.vector_load %arg10[%swap3A_337, %swap3A_338] {strides = array<i32>} : memref<88x128xi32, #tpu.memory_space<vmem>>, vector<1x16xi32>,
      %swap3A_340 = vector.shape_cast %swap3A_339 : vector<1x16xi32> to vector<16xi32>
      %swap3A_341 = vector.shape_cast %select_n3A_336 : vector<16xi32> to vector<1x16xi32>
      tpu.vector_store %arg10[%swap3A_337, %swap3A_338], %swap3A_341 {strides = array<i32>} : memref<88x128xi32, #tpu.memory_space<vmem>>, vector<1x16xi32>,
      %get3A_342 = arith.index_cast %add3A_282 : i32 to index
      %get3A_343 = arith.constant 64 : index
      %get3A_344 = tpu.vector_load %arg9[%get3A_342, %get3A_343] {strides = array<i32>} : memref<88x128xi32, #tpu.memory_space<vmem>>, vector<1x16xi32>,
      %get3A_345 = vector.shape_cast %get3A_344 : vector<1x16xi32> to vector<16xi32>
      %sub3A_346 = arith.constant 2097152 : i32
      %sub3A_347 = vector.broadcast %sub3A_346 : i32 to vector<16xi32>
      %sub3A_348 = arith.subi %get3A_345, %sub3A_347 : vector<16xi32>
      %lt3A_349 = arith.constant 524288 : i32
      %lt3A_350 = vector.broadcast %lt3A_349 : i32 to vector<16xi32>
      %lt3A_351 = arith.cmpi ult, %sub3A_348, %lt3A_350 : vector<16xi32>
      %select_n3A_352 = arith.select %lt3A_351, %sub3A_348, %add3A_22 : vector<16xi1>, vector<16xi32>
      %swap3A_353 = arith.index_cast %add3A_282 : i32 to index
      %swap3A_354 = arith.constant 64 : index
      %swap3A_355 = tpu.vector_load %arg10[%swap3A_353, %swap3A_354] {strides = array<i32>} : memref<88x128xi32, #tpu.memory_space<vmem>>, vector<1x16xi32>,
      %swap3A_356 = vector.shape_cast %swap3A_355 : vector<1x16xi32> to vector<16xi32>
      %swap3A_357 = vector.shape_cast %select_n3A_352 : vector<16xi32> to vector<1x16xi32>
      tpu.vector_store %arg10[%swap3A_353, %swap3A_354], %swap3A_357 {strides = array<i32>} : memref<88x128xi32, #tpu.memory_space<vmem>>, vector<1x16xi32>,
      %get3A_358 = arith.index_cast %add3A_282 : i32 to index
      %get3A_359 = arith.constant 80 : index
      %get3A_360 = tpu.vector_load %arg9[%get3A_358, %get3A_359] {strides = array<i32>} : memref<88x128xi32, #tpu.memory_space<vmem>>, vector<1x16xi32>,
      %get3A_361 = vector.shape_cast %get3A_360 : vector<1x16xi32> to vector<16xi32>
      %sub3A_362 = arith.constant 2097152 : i32
      %sub3A_363 = vector.broadcast %sub3A_362 : i32 to vector<16xi32>
      %sub3A_364 = arith.subi %get3A_361, %sub3A_363 : vector<16xi32>
      %lt3A_365 = arith.constant 524288 : i32
      %lt3A_366 = vector.broadcast %lt3A_365 : i32 to vector<16xi32>
      %lt3A_367 = arith.cmpi ult, %sub3A_364, %lt3A_366 : vector<16xi32>
      %select_n3A_368 = arith.select %lt3A_367, %sub3A_364, %add3A_22 : vector<16xi1>, vector<16xi32>
      %swap3A_369 = arith.index_cast %add3A_282 : i32 to index
      %swap3A_370 = arith.constant 80 : index
      %swap3A_371 = tpu.vector_load %arg10[%swap3A_369, %swap3A_370] {strides = array<i32>} : memref<88x128xi32, #tpu.memory_space<vmem>>, vector<1x16xi32>,
      %swap3A_372 = vector.shape_cast %swap3A_371 : vector<1x16xi32> to vector<16xi32>
      %swap3A_373 = vector.shape_cast %select_n3A_368 : vector<16xi32> to vector<1x16xi32>
      tpu.vector_store %arg10[%swap3A_369, %swap3A_370], %swap3A_373 {strides = array<i32>} : memref<88x128xi32, #tpu.memory_space<vmem>>, vector<1x16xi32>,
      %get3A_374 = arith.index_cast %add3A_282 : i32 to index
      %get3A_375 = arith.constant 96 : index
      %get3A_376 = tpu.vector_load %arg9[%get3A_374, %get3A_375] {strides = array<i32>} : memref<88x128xi32, #tpu.memory_space<vmem>>, vector<1x16xi32>,
      %get3A_377 = vector.shape_cast %get3A_376 : vector<1x16xi32> to vector<16xi32>
      %sub3A_378 = arith.constant 2097152 : i32
      %sub3A_379 = vector.broadcast %sub3A_378 : i32 to vector<16xi32>
      %sub3A_380 = arith.subi %get3A_377, %sub3A_379 : vector<16xi32>
      %lt3A_381 = arith.constant 524288 : i32
      %lt3A_382 = vector.broadcast %lt3A_381 : i32 to vector<16xi32>
      %lt3A_383 = arith.cmpi ult, %sub3A_380, %lt3A_382 : vector<16xi32>
      %select_n3A_384 = arith.select %lt3A_383, %sub3A_380, %add3A_22 : vector<16xi1>, vector<16xi32>
      %swap3A_385 = arith.index_cast %add3A_282 : i32 to index
      %swap3A_386 = arith.constant 96 : index
      %swap3A_387 = tpu.vector_load %arg10[%swap3A_385, %swap3A_386] {strides = array<i32>} : memref<88x128xi32, #tpu.memory_space<vmem>>, vector<1x16xi32>,
      %swap3A_388 = vector.shape_cast %swap3A_387 : vector<1x16xi32> to vector<16xi32>
      %swap3A_389 = vector.shape_cast %select_n3A_384 : vector<16xi32> to vector<1x16xi32>
      tpu.vector_store %arg10[%swap3A_385, %swap3A_386], %swap3A_389 {strides = array<i32>} : memref<88x128xi32, #tpu.memory_space<vmem>>, vector<1x16xi32>,
      %get3A_390 = arith.index_cast %add3A_282 : i32 to index
      %get3A_391 = arith.constant 112 : index
      %get3A_392 = tpu.vector_load %arg9[%get3A_390, %get3A_391] {strides = array<i32>} : memref<88x128xi32, #tpu.memory_space<vmem>>, vector<1x16xi32>,
      %get3A_393 = vector.shape_cast %get3A_392 : vector<1x16xi32> to vector<16xi32>
      %sub3A_394 = arith.constant 2097152 : i32
      %sub3A_395 = vector.broadcast %sub3A_394 : i32 to vector<16xi32>
      %sub3A_396 = arith.subi %get3A_393, %sub3A_395 : vector<16xi32>
      %lt3A_397 = arith.constant 524288 : i32
      %lt3A_398 = vector.broadcast %lt3A_397 : i32 to vector<16xi32>
      %lt3A_399 = arith.cmpi ult, %sub3A_396, %lt3A_398 : vector<16xi32>
      %select_n3A_400 = arith.select %lt3A_399, %sub3A_396, %add3A_22 : vector<16xi1>, vector<16xi32>
      %swap3A_401 = arith.index_cast %add3A_282 : i32 to index
      %swap3A_402 = arith.constant 112 : index
      %swap3A_403 = tpu.vector_load %arg10[%swap3A_401, %swap3A_402] {strides = array<i32>} : memref<88x128xi32, #tpu.memory_space<vmem>>, vector<1x16xi32>,
      %swap3A_404 = vector.shape_cast %swap3A_403 : vector<1x16xi32> to vector<16xi32>
      %swap3A_405 = vector.shape_cast %select_n3A_400 : vector<16xi32> to vector<1x16xi32>
      tpu.vector_store %arg10[%swap3A_401, %swap3A_402], %swap3A_405 {strides = array<i32>} : memref<88x128xi32, #tpu.memory_space<vmem>>, vector<1x16xi32>,
    }
    %scan3A_162 = arith.constant 88 : i32
    %barrier3A_163 = arith.constant 0 : index
    tpu.barrier barrier_id(%barrier3A_163)
    %scan3A_164 = arith.constant 0 : i32
    %scan3A_165 = arith.constant 88 : i32
    %scan3A_166 = arith.addi %scan3A_164, %scan3A_165 : i32
    %scan3A_167 = arith.constant 1 : i32
    scf.for %scan3A_278 = %scan3A_164 to %scan3A_166 step %scan3A_167  : i32 {
      %mul3A_279 = arith.constant 1 : i32
      %mul3A_280 = arith.muli %scan3A_278, %mul3A_279 : i32
      %add3A_281 = arith.constant 0 : i32
      %add3A_282 = arith.addi %add3A_281, %mul3A_280 : i32
      %mul3A_283 = arith.constant 128 : i32
      %mul3A_284 = arith.muli %add3A_282, %mul3A_283 : i32
      %dma_start3A = tpu.memref_slice %arg8[%mul3A_284] : memref<11264xf32, #tpu.memory_space<vmem>> -> memref<128xf32, #tpu.memory_space<vmem>>
      %dma_start3A_285 = arith.constant 0 : i32
      %dma_start3A_286 = tpu.memref_slice %arg10[%add3A_282, %dma_start3A_285] : memref<88x128xi32, #tpu.memory_space<vmem>> -> memref<1x128xi32, #tpu.memory_space<vmem>>
      %dma_start3A_287 = tpu.memref_squeeze %dma_start3A_286 : memref<1x128xi32, #tpu.memory_space<vmem>> -> memref<128xi32, #tpu.memory_space<vmem>>
      %dma_start3A_288 = arith.constant 0 : i32
      %dma_start3A_289 = tpu.memref_slice %arg12[%dma_start3A_288] : memref<524544xf32, #tpu.memory_space<vmem_shared>> -> memref<524544xf32, #tpu.memory_space<vmem_shared>>
      tpu.enqueue_indirect_dma source(%dma_start3A : memref<128xf32, #tpu.memory_space<vmem>>) target(%dma_start3A_289 : memref<524544xf32, #tpu.memory_space<vmem_shared>>) offsets(%dma_start3A_287 : memref<128xi32, #tpu.memory_space<vmem>>) semaphore(%arg13 : memref<!tpu.dma_semaphore, #tpu.memory_space<semaphore_mem>>) {add = true}
    }
    %scan3A_168 = arith.constant 88 : i32
    %scan3A_169 = arith.constant 0 : i32
    %scan3A_170 = arith.constant 88 : i32
    %scan3A_171 = arith.addi %scan3A_169, %scan3A_170 : i32
    %scan3A_172 = arith.constant 1 : i32
    scf.for %scan3A_278 = %scan3A_169 to %scan3A_171 step %scan3A_172  : i32 {
      %mul3A_279 = arith.constant 1 : i32
      %mul3A_280 = arith.muli %scan3A_278, %mul3A_279 : i32
      %add3A_281 = arith.constant 0 : i32
      %add3A_282 = arith.addi %add3A_281, %mul3A_280 : i32
      %dma_wait3A = arith.constant 0 : i32
      %dma_wait3A_283 = arith.constant 0 : i32
      %dma_wait3A_284 = tpu.memref_slice %arg8[%dma_wait3A_283] : memref<11264xf32, #tpu.memory_space<vmem>> -> memref<128xf32, #tpu.memory_space<vmem>>
      %dma_wait3A_285 = arith.constant 0 : i32
      %dma_wait3A_286 = tpu.memref_slice %arg10[%dma_wait3A, %dma_wait3A_285] : memref<88x128xi32, #tpu.memory_space<vmem>> -> memref<1x128xi32, #tpu.memory_space<vmem>>
      %dma_wait3A_287 = tpu.memref_squeeze %dma_wait3A_286 : memref<1x128xi32, #tpu.memory_space<vmem>> -> memref<128xi32, #tpu.memory_space<vmem>>
      %dma_wait3A_288 = arith.constant 0 : i32
      %dma_wait3A_289 = tpu.memref_slice %arg12[%dma_wait3A_288] : memref<524544xf32, #tpu.memory_space<vmem_shared>> -> memref<524544xf32, #tpu.memory_space<vmem_shared>>
      tpu.wait_indirect_dma semaphore(%arg13 : memref<!tpu.dma_semaphore, #tpu.memory_space<semaphore_mem>>) src(%dma_wait3A_284 : memref<128xf32, #tpu.memory_space<vmem>>) dst(%dma_wait3A_289 : memref<524544xf32, #tpu.memory_space<vmem_shared>>)
    }
    %scan3A_173 = arith.constant 88 : i32
    %barrier3A_174 = arith.constant 0 : index
    tpu.barrier barrier_id(%barrier3A_174)
    %add3A_175 = arith.constant 2097152 : i32
    %add3A_176 = arith.addi %add3A_1, %add3A_175 : i32
    %mul3A_177 = arith.constant 32768 : i32
    %mul3A_178 = arith.muli %arg1, %mul3A_177 : i32
    %add3A_179 = arith.addi %add3A_176, %mul3A_178 : i32
    %mul3A_180 = arith.constant 32768 : i32
    %mul3A_181 = arith.muli %arg1, %mul3A_180 : i32
    "tpu.region"() ({
      %run_scoped3A = tpu.sem_alloc : memref<!tpu.dma_semaphore, #tpu.memory_space<semaphore_mem>>
      %dma_start3A = tpu.memref_slice %arg5[%add3A_179] : memref<8388608xf32, #tpu.memory_space<hbm>> -> memref<32768xf32, #tpu.memory_space<hbm>>
      %dma_start3A_278 = tpu.memref_slice %arg12[%mul3A_181] : memref<524544xf32, #tpu.memory_space<vmem_shared>> -> memref<32768xf32, #tpu.memory_space<vmem_shared>>
      tpu.enqueue_dma source(%dma_start3A_278 : memref<32768xf32, #tpu.memory_space<vmem_shared>>) target(%dma_start3A : memref<32768xf32, #tpu.memory_space<hbm>>) target_semaphore(%run_scoped3A : memref<!tpu.dma_semaphore, #tpu.memory_space<semaphore_mem>>)
      %dma_wait3A = tpu.memref_slice %arg5[%add3A_179] : memref<8388608xf32, #tpu.memory_space<hbm>> -> memref<32768xf32, #tpu.memory_space<hbm>>
      %dma_wait3A_279 = tpu.memref_slice %arg12[%mul3A_181] : memref<524544xf32, #tpu.memory_space<vmem_shared>> -> memref<32768xf32, #tpu.memory_space<vmem_shared>>
      tpu.wait_dma2 semaphore(%run_scoped3A : memref<!tpu.dma_semaphore, #tpu.memory_space<semaphore_mem>>) src(%dma_wait3A_279 : memref<32768xf32, #tpu.memory_space<vmem_shared>>) dst(%dma_wait3A : memref<32768xf32, #tpu.memory_space<hbm>>)
      tpu.yield
    }) : () -> ()
    %mul3A_182 = arith.constant 32768 : i32
    %mul3A_183 = arith.muli %arg1, %mul3A_182 : i32
    %add3A_184 = arith.constant 0 : i32
    %add3A_185 = arith.addi %mul3A_183, %add3A_184 : i32
    "tpu.region"() ({
      %run_scoped3A = tpu.sem_alloc : memref<!tpu.dma_semaphore, #tpu.memory_space<semaphore_mem>>
      %dma_start3A = tpu.memref_slice %arg12[%add3A_185] : memref<524544xf32, #tpu.memory_space<vmem_shared>> -> memref<16384xf32, #tpu.memory_space<vmem_shared>>
      %dma_start3A_278 = tpu.memref_slice %arg12[%add3A_185] : memref<524544xf32, #tpu.memory_space<vmem_shared>> -> memref<16384xf32, #tpu.memory_space<vmem_shared>>
      tpu.enqueue_dma source(%arg11 : memref<16384xf32, #tpu.memory_space<vmem>>) target(%dma_start3A_278 : memref<16384xf32, #tpu.memory_space<vmem_shared>>) target_semaphore(%run_scoped3A : memref<!tpu.dma_semaphore, #tpu.memory_space<semaphore_mem>>)
      %dma_wait3A = tpu.memref_slice %arg12[%add3A_185] : memref<524544xf32, #tpu.memory_space<vmem_shared>> -> memref<16384xf32, #tpu.memory_space<vmem_shared>>
      %dma_wait3A_279 = tpu.memref_slice %arg12[%add3A_185] : memref<524544xf32, #tpu.memory_space<vmem_shared>> -> memref<16384xf32, #tpu.memory_space<vmem_shared>>
      tpu.wait_dma2 semaphore(%run_scoped3A : memref<!tpu.dma_semaphore, #tpu.memory_space<semaphore_mem>>) src(%arg11 : memref<16384xf32, #tpu.memory_space<vmem>>) dst(%dma_wait3A_279 : memref<16384xf32, #tpu.memory_space<vmem_shared>>)
      tpu.yield
    }) : () -> ()
    %mul3A_186 = arith.constant 32768 : i32
    %mul3A_187 = arith.muli %arg1, %mul3A_186 : i32
    %add3A_188 = arith.constant 16384 : i32
    %add3A_189 = arith.addi %mul3A_187, %add3A_188 : i32
    "tpu.region"() ({
      %run_scoped3A = tpu.sem_alloc : memref<!tpu.dma_semaphore, #tpu.memory_space<semaphore_mem>>
      %dma_start3A = tpu.memref_slice %arg12[%add3A_189] : memref<524544xf32, #tpu.memory_space<vmem_shared>> -> memref<16384xf32, #tpu.memory_space<vmem_shared>>
      %dma_start3A_278 = tpu.memref_slice %arg12[%add3A_189] : memref<524544xf32, #tpu.memory_space<vmem_shared>> -> memref<16384xf32, #tpu.memory_space<vmem_shared>>
      tpu.enqueue_dma source(%arg11 : memref<16384xf32, #tpu.memory_space<vmem>>) target(%dma_start3A_278 : memref<16384xf32, #tpu.memory_space<vmem_shared>>) target_semaphore(%run_scoped3A : memref<!tpu.dma_semaphore, #tpu.memory_space<semaphore_mem>>)
      %dma_wait3A = tpu.memref_slice %arg12[%add3A_189] : memref<524544xf32, #tpu.memory_space<vmem_shared>> -> memref<16384xf32, #tpu.memory_space<vmem_shared>>
      %dma_wait3A_279 = tpu.memref_slice %arg12[%add3A_189] : memref<524544xf32, #tpu.memory_space<vmem_shared>> -> memref<16384xf32, #tpu.memory_space<vmem_shared>>
      tpu.wait_dma2 semaphore(%run_scoped3A : memref<!tpu.dma_semaphore, #tpu.memory_space<semaphore_mem>>) src(%arg11 : memref<16384xf32, #tpu.memory_space<vmem>>) dst(%dma_wait3A_279 : memref<16384xf32, #tpu.memory_space<vmem_shared>>)
      tpu.yield
    }) : () -> ()
    %scan3A_190 = arith.constant 0 : i32
    %scan3A_191 = arith.constant 88 : i32
    %scan3A_192 = arith.addi %scan3A_190, %scan3A_191 : i32
    %scan3A_193 = arith.constant 1 : i32
    scf.for %scan3A_278 = %scan3A_190 to %scan3A_192 step %scan3A_193  : i32 {
      %mul3A_279 = arith.constant 1 : i32
      %mul3A_280 = arith.muli %scan3A_278, %mul3A_279 : i32
      %add3A_281 = arith.constant 0 : i32
      %add3A_282 = arith.addi %add3A_281, %mul3A_280 : i32
      %get3A = arith.index_cast %add3A_282 : i32 to index
      %get3A_283 = arith.constant 0 : index
      %get3A_284 = tpu.vector_load %arg9[%get3A, %get3A_283] {strides = array<i32>} : memref<88x128xi32, #tpu.memory_space<vmem>>, vector<1x16xi32>,
      %get3A_285 = vector.shape_cast %get3A_284 : vector<1x16xi32> to vector<16xi32>
      %sub3A = arith.constant 2621440 : i32
      %sub3A_286 = vector.broadcast %sub3A : i32 to vector<16xi32>
      %sub3A_287 = arith.subi %get3A_285, %sub3A_286 : vector<16xi32>
      %lt3A = arith.constant 524288 : i32
      %lt3A_288 = vector.broadcast %lt3A : i32 to vector<16xi32>
      %lt3A_289 = arith.cmpi ult, %sub3A_287, %lt3A_288 : vector<16xi32>
      %select_n3A = arith.select %lt3A_289, %sub3A_287, %add3A_22 : vector<16xi1>, vector<16xi32>
      %swap3A = arith.index_cast %add3A_282 : i32 to index
      %swap3A_290 = arith.constant 0 : index
      %swap3A_291 = tpu.vector_load %arg10[%swap3A, %swap3A_290] {strides = array<i32>} : memref<88x128xi32, #tpu.memory_space<vmem>>, vector<1x16xi32>,
      %swap3A_292 = vector.shape_cast %swap3A_291 : vector<1x16xi32> to vector<16xi32>
      %swap3A_293 = vector.shape_cast %select_n3A : vector<16xi32> to vector<1x16xi32>
      tpu.vector_store %arg10[%swap3A, %swap3A_290], %swap3A_293 {strides = array<i32>} : memref<88x128xi32, #tpu.memory_space<vmem>>, vector<1x16xi32>,
      %get3A_294 = arith.index_cast %add3A_282 : i32 to index
      %get3A_295 = arith.constant 16 : index
      %get3A_296 = tpu.vector_load %arg9[%get3A_294, %get3A_295] {strides = array<i32>} : memref<88x128xi32, #tpu.memory_space<vmem>>, vector<1x16xi32>,
      %get3A_297 = vector.shape_cast %get3A_296 : vector<1x16xi32> to vector<16xi32>
      %sub3A_298 = arith.constant 2621440 : i32
      %sub3A_299 = vector.broadcast %sub3A_298 : i32 to vector<16xi32>
      %sub3A_300 = arith.subi %get3A_297, %sub3A_299 : vector<16xi32>
      %lt3A_301 = arith.constant 524288 : i32
      %lt3A_302 = vector.broadcast %lt3A_301 : i32 to vector<16xi32>
      %lt3A_303 = arith.cmpi ult, %sub3A_300, %lt3A_302 : vector<16xi32>
      %select_n3A_304 = arith.select %lt3A_303, %sub3A_300, %add3A_22 : vector<16xi1>, vector<16xi32>
      %swap3A_305 = arith.index_cast %add3A_282 : i32 to index
      %swap3A_306 = arith.constant 16 : index
      %swap3A_307 = tpu.vector_load %arg10[%swap3A_305, %swap3A_306] {strides = array<i32>} : memref<88x128xi32, #tpu.memory_space<vmem>>, vector<1x16xi32>,
      %swap3A_308 = vector.shape_cast %swap3A_307 : vector<1x16xi32> to vector<16xi32>
      %swap3A_309 = vector.shape_cast %select_n3A_304 : vector<16xi32> to vector<1x16xi32>
      tpu.vector_store %arg10[%swap3A_305, %swap3A_306], %swap3A_309 {strides = array<i32>} : memref<88x128xi32, #tpu.memory_space<vmem>>, vector<1x16xi32>,
      %get3A_310 = arith.index_cast %add3A_282 : i32 to index
      %get3A_311 = arith.constant 32 : index
      %get3A_312 = tpu.vector_load %arg9[%get3A_310, %get3A_311] {strides = array<i32>} : memref<88x128xi32, #tpu.memory_space<vmem>>, vector<1x16xi32>,
      %get3A_313 = vector.shape_cast %get3A_312 : vector<1x16xi32> to vector<16xi32>
      %sub3A_314 = arith.constant 2621440 : i32
      %sub3A_315 = vector.broadcast %sub3A_314 : i32 to vector<16xi32>
      %sub3A_316 = arith.subi %get3A_313, %sub3A_315 : vector<16xi32>
      %lt3A_317 = arith.constant 524288 : i32
      %lt3A_318 = vector.broadcast %lt3A_317 : i32 to vector<16xi32>
      %lt3A_319 = arith.cmpi ult, %sub3A_316, %lt3A_318 : vector<16xi32>
      %select_n3A_320 = arith.select %lt3A_319, %sub3A_316, %add3A_22 : vector<16xi1>, vector<16xi32>
      %swap3A_321 = arith.index_cast %add3A_282 : i32 to index
      %swap3A_322 = arith.constant 32 : index
      %swap3A_323 = tpu.vector_load %arg10[%swap3A_321, %swap3A_322] {strides = array<i32>} : memref<88x128xi32, #tpu.memory_space<vmem>>, vector<1x16xi32>,
      %swap3A_324 = vector.shape_cast %swap3A_323 : vector<1x16xi32> to vector<16xi32>
      %swap3A_325 = vector.shape_cast %select_n3A_320 : vector<16xi32> to vector<1x16xi32>
      tpu.vector_store %arg10[%swap3A_321, %swap3A_322], %swap3A_325 {strides = array<i32>} : memref<88x128xi32, #tpu.memory_space<vmem>>, vector<1x16xi32>,
      %get3A_326 = arith.index_cast %add3A_282 : i32 to index
      %get3A_327 = arith.constant 48 : index
      %get3A_328 = tpu.vector_load %arg9[%get3A_326, %get3A_327] {strides = array<i32>} : memref<88x128xi32, #tpu.memory_space<vmem>>, vector<1x16xi32>,
      %get3A_329 = vector.shape_cast %get3A_328 : vector<1x16xi32> to vector<16xi32>
      %sub3A_330 = arith.constant 2621440 : i32
      %sub3A_331 = vector.broadcast %sub3A_330 : i32 to vector<16xi32>
      %sub3A_332 = arith.subi %get3A_329, %sub3A_331 : vector<16xi32>
      %lt3A_333 = arith.constant 524288 : i32
      %lt3A_334 = vector.broadcast %lt3A_333 : i32 to vector<16xi32>
      %lt3A_335 = arith.cmpi ult, %sub3A_332, %lt3A_334 : vector<16xi32>
      %select_n3A_336 = arith.select %lt3A_335, %sub3A_332, %add3A_22 : vector<16xi1>, vector<16xi32>
      %swap3A_337 = arith.index_cast %add3A_282 : i32 to index
      %swap3A_338 = arith.constant 48 : index
      %swap3A_339 = tpu.vector_load %arg10[%swap3A_337, %swap3A_338] {strides = array<i32>} : memref<88x128xi32, #tpu.memory_space<vmem>>, vector<1x16xi32>,
      %swap3A_340 = vector.shape_cast %swap3A_339 : vector<1x16xi32> to vector<16xi32>
      %swap3A_341 = vector.shape_cast %select_n3A_336 : vector<16xi32> to vector<1x16xi32>
      tpu.vector_store %arg10[%swap3A_337, %swap3A_338], %swap3A_341 {strides = array<i32>} : memref<88x128xi32, #tpu.memory_space<vmem>>, vector<1x16xi32>,
      %get3A_342 = arith.index_cast %add3A_282 : i32 to index
      %get3A_343 = arith.constant 64 : index
      %get3A_344 = tpu.vector_load %arg9[%get3A_342, %get3A_343] {strides = array<i32>} : memref<88x128xi32, #tpu.memory_space<vmem>>, vector<1x16xi32>,
      %get3A_345 = vector.shape_cast %get3A_344 : vector<1x16xi32> to vector<16xi32>
      %sub3A_346 = arith.constant 2621440 : i32
      %sub3A_347 = vector.broadcast %sub3A_346 : i32 to vector<16xi32>
      %sub3A_348 = arith.subi %get3A_345, %sub3A_347 : vector<16xi32>
      %lt3A_349 = arith.constant 524288 : i32
      %lt3A_350 = vector.broadcast %lt3A_349 : i32 to vector<16xi32>
      %lt3A_351 = arith.cmpi ult, %sub3A_348, %lt3A_350 : vector<16xi32>
      %select_n3A_352 = arith.select %lt3A_351, %sub3A_348, %add3A_22 : vector<16xi1>, vector<16xi32>
      %swap3A_353 = arith.index_cast %add3A_282 : i32 to index
      %swap3A_354 = arith.constant 64 : index
      %swap3A_355 = tpu.vector_load %arg10[%swap3A_353, %swap3A_354] {strides = array<i32>} : memref<88x128xi32, #tpu.memory_space<vmem>>, vector<1x16xi32>,
      %swap3A_356 = vector.shape_cast %swap3A_355 : vector<1x16xi32> to vector<16xi32>
      %swap3A_357 = vector.shape_cast %select_n3A_352 : vector<16xi32> to vector<1x16xi32>
      tpu.vector_store %arg10[%swap3A_353, %swap3A_354], %swap3A_357 {strides = array<i32>} : memref<88x128xi32, #tpu.memory_space<vmem>>, vector<1x16xi32>,
      %get3A_358 = arith.index_cast %add3A_282 : i32 to index
      %get3A_359 = arith.constant 80 : index
      %get3A_360 = tpu.vector_load %arg9[%get3A_358, %get3A_359] {strides = array<i32>} : memref<88x128xi32, #tpu.memory_space<vmem>>, vector<1x16xi32>,
      %get3A_361 = vector.shape_cast %get3A_360 : vector<1x16xi32> to vector<16xi32>
      %sub3A_362 = arith.constant 2621440 : i32
      %sub3A_363 = vector.broadcast %sub3A_362 : i32 to vector<16xi32>
      %sub3A_364 = arith.subi %get3A_361, %sub3A_363 : vector<16xi32>
      %lt3A_365 = arith.constant 524288 : i32
      %lt3A_366 = vector.broadcast %lt3A_365 : i32 to vector<16xi32>
      %lt3A_367 = arith.cmpi ult, %sub3A_364, %lt3A_366 : vector<16xi32>
      %select_n3A_368 = arith.select %lt3A_367, %sub3A_364, %add3A_22 : vector<16xi1>, vector<16xi32>
      %swap3A_369 = arith.index_cast %add3A_282 : i32 to index
      %swap3A_370 = arith.constant 80 : index
      %swap3A_371 = tpu.vector_load %arg10[%swap3A_369, %swap3A_370] {strides = array<i32>} : memref<88x128xi32, #tpu.memory_space<vmem>>, vector<1x16xi32>,
      %swap3A_372 = vector.shape_cast %swap3A_371 : vector<1x16xi32> to vector<16xi32>
      %swap3A_373 = vector.shape_cast %select_n3A_368 : vector<16xi32> to vector<1x16xi32>
      tpu.vector_store %arg10[%swap3A_369, %swap3A_370], %swap3A_373 {strides = array<i32>} : memref<88x128xi32, #tpu.memory_space<vmem>>, vector<1x16xi32>,
      %get3A_374 = arith.index_cast %add3A_282 : i32 to index
      %get3A_375 = arith.constant 96 : index
      %get3A_376 = tpu.vector_load %arg9[%get3A_374, %get3A_375] {strides = array<i32>} : memref<88x128xi32, #tpu.memory_space<vmem>>, vector<1x16xi32>,
      %get3A_377 = vector.shape_cast %get3A_376 : vector<1x16xi32> to vector<16xi32>
      %sub3A_378 = arith.constant 2621440 : i32
      %sub3A_379 = vector.broadcast %sub3A_378 : i32 to vector<16xi32>
      %sub3A_380 = arith.subi %get3A_377, %sub3A_379 : vector<16xi32>
      %lt3A_381 = arith.constant 524288 : i32
      %lt3A_382 = vector.broadcast %lt3A_381 : i32 to vector<16xi32>
      %lt3A_383 = arith.cmpi ult, %sub3A_380, %lt3A_382 : vector<16xi32>
      %select_n3A_384 = arith.select %lt3A_383, %sub3A_380, %add3A_22 : vector<16xi1>, vector<16xi32>
      %swap3A_385 = arith.index_cast %add3A_282 : i32 to index
      %swap3A_386 = arith.constant 96 : index
      %swap3A_387 = tpu.vector_load %arg10[%swap3A_385, %swap3A_386] {strides = array<i32>} : memref<88x128xi32, #tpu.memory_space<vmem>>, vector<1x16xi32>,
      %swap3A_388 = vector.shape_cast %swap3A_387 : vector<1x16xi32> to vector<16xi32>
      %swap3A_389 = vector.shape_cast %select_n3A_384 : vector<16xi32> to vector<1x16xi32>
      tpu.vector_store %arg10[%swap3A_385, %swap3A_386], %swap3A_389 {strides = array<i32>} : memref<88x128xi32, #tpu.memory_space<vmem>>, vector<1x16xi32>,
      %get3A_390 = arith.index_cast %add3A_282 : i32 to index
      %get3A_391 = arith.constant 112 : index
      %get3A_392 = tpu.vector_load %arg9[%get3A_390, %get3A_391] {strides = array<i32>} : memref<88x128xi32, #tpu.memory_space<vmem>>, vector<1x16xi32>,
      %get3A_393 = vector.shape_cast %get3A_392 : vector<1x16xi32> to vector<16xi32>
      %sub3A_394 = arith.constant 2621440 : i32
      %sub3A_395 = vector.broadcast %sub3A_394 : i32 to vector<16xi32>
      %sub3A_396 = arith.subi %get3A_393, %sub3A_395 : vector<16xi32>
      %lt3A_397 = arith.constant 524288 : i32
      %lt3A_398 = vector.broadcast %lt3A_397 : i32 to vector<16xi32>
      %lt3A_399 = arith.cmpi ult, %sub3A_396, %lt3A_398 : vector<16xi32>
      %select_n3A_400 = arith.select %lt3A_399, %sub3A_396, %add3A_22 : vector<16xi1>, vector<16xi32>
      %swap3A_401 = arith.index_cast %add3A_282 : i32 to index
      %swap3A_402 = arith.constant 112 : index
      %swap3A_403 = tpu.vector_load %arg10[%swap3A_401, %swap3A_402] {strides = array<i32>} : memref<88x128xi32, #tpu.memory_space<vmem>>, vector<1x16xi32>,
      %swap3A_404 = vector.shape_cast %swap3A_403 : vector<1x16xi32> to vector<16xi32>
      %swap3A_405 = vector.shape_cast %select_n3A_400 : vector<16xi32> to vector<1x16xi32>
      tpu.vector_store %arg10[%swap3A_401, %swap3A_402], %swap3A_405 {strides = array<i32>} : memref<88x128xi32, #tpu.memory_space<vmem>>, vector<1x16xi32>,
    }
    %scan3A_194 = arith.constant 88 : i32
    %barrier3A_195 = arith.constant 0 : index
    tpu.barrier barrier_id(%barrier3A_195)
    %scan3A_196 = arith.constant 0 : i32
    %scan3A_197 = arith.constant 88 : i32
    %scan3A_198 = arith.addi %scan3A_196, %scan3A_197 : i32
    %scan3A_199 = arith.constant 1 : i32
    scf.for %scan3A_278 = %scan3A_196 to %scan3A_198 step %scan3A_199  : i32 {
      %mul3A_279 = arith.constant 1 : i32
      %mul3A_280 = arith.muli %scan3A_278, %mul3A_279 : i32
      %add3A_281 = arith.constant 0 : i32
      %add3A_282 = arith.addi %add3A_281, %mul3A_280 : i32
      %mul3A_283 = arith.constant 128 : i32
      %mul3A_284 = arith.muli %add3A_282, %mul3A_283 : i32
      %dma_start3A = tpu.memref_slice %arg8[%mul3A_284] : memref<11264xf32, #tpu.memory_space<vmem>> -> memref<128xf32, #tpu.memory_space<vmem>>
      %dma_start3A_285 = arith.constant 0 : i32
      %dma_start3A_286 = tpu.memref_slice %arg10[%add3A_282, %dma_start3A_285] : memref<88x128xi32, #tpu.memory_space<vmem>> -> memref<1x128xi32, #tpu.memory_space<vmem>>
      %dma_start3A_287 = tpu.memref_squeeze %dma_start3A_286 : memref<1x128xi32, #tpu.memory_space<vmem>> -> memref<128xi32, #tpu.memory_space<vmem>>
      %dma_start3A_288 = arith.constant 0 : i32
      %dma_start3A_289 = tpu.memref_slice %arg12[%dma_start3A_288] : memref<524544xf32, #tpu.memory_space<vmem_shared>> -> memref<524544xf32, #tpu.memory_space<vmem_shared>>
      tpu.enqueue_indirect_dma source(%dma_start3A : memref<128xf32, #tpu.memory_space<vmem>>) target(%dma_start3A_289 : memref<524544xf32, #tpu.memory_space<vmem_shared>>) offsets(%dma_start3A_287 : memref<128xi32, #tpu.memory_space<vmem>>) semaphore(%arg13 : memref<!tpu.dma_semaphore, #tpu.memory_space<semaphore_mem>>) {add = true}
    }
    %scan3A_200 = arith.constant 88 : i32
    %scan3A_201 = arith.constant 0 : i32
    %scan3A_202 = arith.constant 88 : i32
    %scan3A_203 = arith.addi %scan3A_201, %scan3A_202 : i32
    %scan3A_204 = arith.constant 1 : i32
    scf.for %scan3A_278 = %scan3A_201 to %scan3A_203 step %scan3A_204  : i32 {
      %mul3A_279 = arith.constant 1 : i32
      %mul3A_280 = arith.muli %scan3A_278, %mul3A_279 : i32
      %add3A_281 = arith.constant 0 : i32
      %add3A_282 = arith.addi %add3A_281, %mul3A_280 : i32
      %dma_wait3A = arith.constant 0 : i32
      %dma_wait3A_283 = arith.constant 0 : i32
      %dma_wait3A_284 = tpu.memref_slice %arg8[%dma_wait3A_283] : memref<11264xf32, #tpu.memory_space<vmem>> -> memref<128xf32, #tpu.memory_space<vmem>>
      %dma_wait3A_285 = arith.constant 0 : i32
      %dma_wait3A_286 = tpu.memref_slice %arg10[%dma_wait3A, %dma_wait3A_285] : memref<88x128xi32, #tpu.memory_space<vmem>> -> memref<1x128xi32, #tpu.memory_space<vmem>>
      %dma_wait3A_287 = tpu.memref_squeeze %dma_wait3A_286 : memref<1x128xi32, #tpu.memory_space<vmem>> -> memref<128xi32, #tpu.memory_space<vmem>>
      %dma_wait3A_288 = arith.constant 0 : i32
      %dma_wait3A_289 = tpu.memref_slice %arg12[%dma_wait3A_288] : memref<524544xf32, #tpu.memory_space<vmem_shared>> -> memref<524544xf32, #tpu.memory_space<vmem_shared>>
      tpu.wait_indirect_dma semaphore(%arg13 : memref<!tpu.dma_semaphore, #tpu.memory_space<semaphore_mem>>) src(%dma_wait3A_284 : memref<128xf32, #tpu.memory_space<vmem>>) dst(%dma_wait3A_289 : memref<524544xf32, #tpu.memory_space<vmem_shared>>)
    }
    %scan3A_205 = arith.constant 88 : i32
    %barrier3A_206 = arith.constant 0 : index
    tpu.barrier barrier_id(%barrier3A_206)
    %add3A_207 = arith.constant 2621440 : i32
    %add3A_208 = arith.addi %add3A_1, %add3A_207 : i32
    %mul3A_209 = arith.constant 32768 : i32
    %mul3A_210 = arith.muli %arg1, %mul3A_209 : i32
    %add3A_211 = arith.addi %add3A_208, %mul3A_210 : i32
    %mul3A_212 = arith.constant 32768 : i32
    %mul3A_213 = arith.muli %arg1, %mul3A_212 : i32
    "tpu.region"() ({
      %run_scoped3A = tpu.sem_alloc : memref<!tpu.dma_semaphore, #tpu.memory_space<semaphore_mem>>
      %dma_start3A = tpu.memref_slice %arg5[%add3A_211] : memref<8388608xf32, #tpu.memory_space<hbm>> -> memref<32768xf32, #tpu.memory_space<hbm>>
      %dma_start3A_278 = tpu.memref_slice %arg12[%mul3A_213] : memref<524544xf32, #tpu.memory_space<vmem_shared>> -> memref<32768xf32, #tpu.memory_space<vmem_shared>>
      tpu.enqueue_dma source(%dma_start3A_278 : memref<32768xf32, #tpu.memory_space<vmem_shared>>) target(%dma_start3A : memref<32768xf32, #tpu.memory_space<hbm>>) target_semaphore(%run_scoped3A : memref<!tpu.dma_semaphore, #tpu.memory_space<semaphore_mem>>)
      %dma_wait3A = tpu.memref_slice %arg5[%add3A_211] : memref<8388608xf32, #tpu.memory_space<hbm>> -> memref<32768xf32, #tpu.memory_space<hbm>>
      %dma_wait3A_279 = tpu.memref_slice %arg12[%mul3A_213] : memref<524544xf32, #tpu.memory_space<vmem_shared>> -> memref<32768xf32, #tpu.memory_space<vmem_shared>>
      tpu.wait_dma2 semaphore(%run_scoped3A : memref<!tpu.dma_semaphore, #tpu.memory_space<semaphore_mem>>) src(%dma_wait3A_279 : memref<32768xf32, #tpu.memory_space<vmem_shared>>) dst(%dma_wait3A : memref<32768xf32, #tpu.memory_space<hbm>>)
      tpu.yield
    }) : () -> ()
    %mul3A_214 = arith.constant 32768 : i32
    %mul3A_215 = arith.muli %arg1, %mul3A_214 : i32
    %add3A_216 = arith.constant 0 : i32
    %add3A_217 = arith.addi %mul3A_215, %add3A_216 : i32
    "tpu.region"() ({
      %run_scoped3A = tpu.sem_alloc : memref<!tpu.dma_semaphore, #tpu.memory_space<semaphore_mem>>
      %dma_start3A = tpu.memref_slice %arg12[%add3A_217] : memref<524544xf32, #tpu.memory_space<vmem_shared>> -> memref<16384xf32, #tpu.memory_space<vmem_shared>>
      %dma_start3A_278 = tpu.memref_slice %arg12[%add3A_217] : memref<524544xf32, #tpu.memory_space<vmem_shared>> -> memref<16384xf32, #tpu.memory_space<vmem_shared>>
      tpu.enqueue_dma source(%arg11 : memref<16384xf32, #tpu.memory_space<vmem>>) target(%dma_start3A_278 : memref<16384xf32, #tpu.memory_space<vmem_shared>>) target_semaphore(%run_scoped3A : memref<!tpu.dma_semaphore, #tpu.memory_space<semaphore_mem>>)
      %dma_wait3A = tpu.memref_slice %arg12[%add3A_217] : memref<524544xf32, #tpu.memory_space<vmem_shared>> -> memref<16384xf32, #tpu.memory_space<vmem_shared>>
      %dma_wait3A_279 = tpu.memref_slice %arg12[%add3A_217] : memref<524544xf32, #tpu.memory_space<vmem_shared>> -> memref<16384xf32, #tpu.memory_space<vmem_shared>>
      tpu.wait_dma2 semaphore(%run_scoped3A : memref<!tpu.dma_semaphore, #tpu.memory_space<semaphore_mem>>) src(%arg11 : memref<16384xf32, #tpu.memory_space<vmem>>) dst(%dma_wait3A_279 : memref<16384xf32, #tpu.memory_space<vmem_shared>>)
      tpu.yield
    }) : () -> ()
    %mul3A_218 = arith.constant 32768 : i32
    %mul3A_219 = arith.muli %arg1, %mul3A_218 : i32
    %add3A_220 = arith.constant 16384 : i32
    %add3A_221 = arith.addi %mul3A_219, %add3A_220 : i32
    "tpu.region"() ({
      %run_scoped3A = tpu.sem_alloc : memref<!tpu.dma_semaphore, #tpu.memory_space<semaphore_mem>>
      %dma_start3A = tpu.memref_slice %arg12[%add3A_221] : memref<524544xf32, #tpu.memory_space<vmem_shared>> -> memref<16384xf32, #tpu.memory_space<vmem_shared>>
      %dma_start3A_278 = tpu.memref_slice %arg12[%add3A_221] : memref<524544xf32, #tpu.memory_space<vmem_shared>> -> memref<16384xf32, #tpu.memory_space<vmem_shared>>
      tpu.enqueue_dma source(%arg11 : memref<16384xf32, #tpu.memory_space<vmem>>) target(%dma_start3A_278 : memref<16384xf32, #tpu.memory_space<vmem_shared>>) target_semaphore(%run_scoped3A : memref<!tpu.dma_semaphore, #tpu.memory_space<semaphore_mem>>)
      %dma_wait3A = tpu.memref_slice %arg12[%add3A_221] : memref<524544xf32, #tpu.memory_space<vmem_shared>> -> memref<16384xf32, #tpu.memory_space<vmem_shared>>
      %dma_wait3A_279 = tpu.memref_slice %arg12[%add3A_221] : memref<524544xf32, #tpu.memory_space<vmem_shared>> -> memref<16384xf32, #tpu.memory_space<vmem_shared>>
      tpu.wait_dma2 semaphore(%run_scoped3A : memref<!tpu.dma_semaphore, #tpu.memory_space<semaphore_mem>>) src(%arg11 : memref<16384xf32, #tpu.memory_space<vmem>>) dst(%dma_wait3A_279 : memref<16384xf32, #tpu.memory_space<vmem_shared>>)
      tpu.yield
    }) : () -> ()
    %scan3A_222 = arith.constant 0 : i32
    %scan3A_223 = arith.constant 88 : i32
    %scan3A_224 = arith.addi %scan3A_222, %scan3A_223 : i32
    %scan3A_225 = arith.constant 1 : i32
    scf.for %scan3A_278 = %scan3A_222 to %scan3A_224 step %scan3A_225  : i32 {
      %mul3A_279 = arith.constant 1 : i32
      %mul3A_280 = arith.muli %scan3A_278, %mul3A_279 : i32
      %add3A_281 = arith.constant 0 : i32
      %add3A_282 = arith.addi %add3A_281, %mul3A_280 : i32
      %get3A = arith.index_cast %add3A_282 : i32 to index
      %get3A_283 = arith.constant 0 : index
      %get3A_284 = tpu.vector_load %arg9[%get3A, %get3A_283] {strides = array<i32>} : memref<88x128xi32, #tpu.memory_space<vmem>>, vector<1x16xi32>,
      %get3A_285 = vector.shape_cast %get3A_284 : vector<1x16xi32> to vector<16xi32>
      %sub3A = arith.constant 3145728 : i32
      %sub3A_286 = vector.broadcast %sub3A : i32 to vector<16xi32>
      %sub3A_287 = arith.subi %get3A_285, %sub3A_286 : vector<16xi32>
      %lt3A = arith.constant 524288 : i32
      %lt3A_288 = vector.broadcast %lt3A : i32 to vector<16xi32>
      %lt3A_289 = arith.cmpi ult, %sub3A_287, %lt3A_288 : vector<16xi32>
      %select_n3A = arith.select %lt3A_289, %sub3A_287, %add3A_22 : vector<16xi1>, vector<16xi32>
      %swap3A = arith.index_cast %add3A_282 : i32 to index
      %swap3A_290 = arith.constant 0 : index
      %swap3A_291 = tpu.vector_load %arg10[%swap3A, %swap3A_290] {strides = array<i32>} : memref<88x128xi32, #tpu.memory_space<vmem>>, vector<1x16xi32>,
      %swap3A_292 = vector.shape_cast %swap3A_291 : vector<1x16xi32> to vector<16xi32>
      %swap3A_293 = vector.shape_cast %select_n3A : vector<16xi32> to vector<1x16xi32>
      tpu.vector_store %arg10[%swap3A, %swap3A_290], %swap3A_293 {strides = array<i32>} : memref<88x128xi32, #tpu.memory_space<vmem>>, vector<1x16xi32>,
      %get3A_294 = arith.index_cast %add3A_282 : i32 to index
      %get3A_295 = arith.constant 16 : index
      %get3A_296 = tpu.vector_load %arg9[%get3A_294, %get3A_295] {strides = array<i32>} : memref<88x128xi32, #tpu.memory_space<vmem>>, vector<1x16xi32>,
      %get3A_297 = vector.shape_cast %get3A_296 : vector<1x16xi32> to vector<16xi32>
      %sub3A_298 = arith.constant 3145728 : i32
      %sub3A_299 = vector.broadcast %sub3A_298 : i32 to vector<16xi32>
      %sub3A_300 = arith.subi %get3A_297, %sub3A_299 : vector<16xi32>
      %lt3A_301 = arith.constant 524288 : i32
      %lt3A_302 = vector.broadcast %lt3A_301 : i32 to vector<16xi32>
      %lt3A_303 = arith.cmpi ult, %sub3A_300, %lt3A_302 : vector<16xi32>
      %select_n3A_304 = arith.select %lt3A_303, %sub3A_300, %add3A_22 : vector<16xi1>, vector<16xi32>
      %swap3A_305 = arith.index_cast %add3A_282 : i32 to index
      %swap3A_306 = arith.constant 16 : index
      %swap3A_307 = tpu.vector_load %arg10[%swap3A_305, %swap3A_306] {strides = array<i32>} : memref<88x128xi32, #tpu.memory_space<vmem>>, vector<1x16xi32>,
      %swap3A_308 = vector.shape_cast %swap3A_307 : vector<1x16xi32> to vector<16xi32>
      %swap3A_309 = vector.shape_cast %select_n3A_304 : vector<16xi32> to vector<1x16xi32>
      tpu.vector_store %arg10[%swap3A_305, %swap3A_306], %swap3A_309 {strides = array<i32>} : memref<88x128xi32, #tpu.memory_space<vmem>>, vector<1x16xi32>,
      %get3A_310 = arith.index_cast %add3A_282 : i32 to index
      %get3A_311 = arith.constant 32 : index
      %get3A_312 = tpu.vector_load %arg9[%get3A_310, %get3A_311] {strides = array<i32>} : memref<88x128xi32, #tpu.memory_space<vmem>>, vector<1x16xi32>,
      %get3A_313 = vector.shape_cast %get3A_312 : vector<1x16xi32> to vector<16xi32>
      %sub3A_314 = arith.constant 3145728 : i32
      %sub3A_315 = vector.broadcast %sub3A_314 : i32 to vector<16xi32>
      %sub3A_316 = arith.subi %get3A_313, %sub3A_315 : vector<16xi32>
      %lt3A_317 = arith.constant 524288 : i32
      %lt3A_318 = vector.broadcast %lt3A_317 : i32 to vector<16xi32>
      %lt3A_319 = arith.cmpi ult, %sub3A_316, %lt3A_318 : vector<16xi32>
      %select_n3A_320 = arith.select %lt3A_319, %sub3A_316, %add3A_22 : vector<16xi1>, vector<16xi32>
      %swap3A_321 = arith.index_cast %add3A_282 : i32 to index
      %swap3A_322 = arith.constant 32 : index
      %swap3A_323 = tpu.vector_load %arg10[%swap3A_321, %swap3A_322] {strides = array<i32>} : memref<88x128xi32, #tpu.memory_space<vmem>>, vector<1x16xi32>,
      %swap3A_324 = vector.shape_cast %swap3A_323 : vector<1x16xi32> to vector<16xi32>
      %swap3A_325 = vector.shape_cast %select_n3A_320 : vector<16xi32> to vector<1x16xi32>
      tpu.vector_store %arg10[%swap3A_321, %swap3A_322], %swap3A_325 {strides = array<i32>} : memref<88x128xi32, #tpu.memory_space<vmem>>, vector<1x16xi32>,
      %get3A_326 = arith.index_cast %add3A_282 : i32 to index
      %get3A_327 = arith.constant 48 : index
      %get3A_328 = tpu.vector_load %arg9[%get3A_326, %get3A_327] {strides = array<i32>} : memref<88x128xi32, #tpu.memory_space<vmem>>, vector<1x16xi32>,
      %get3A_329 = vector.shape_cast %get3A_328 : vector<1x16xi32> to vector<16xi32>
      %sub3A_330 = arith.constant 3145728 : i32
      %sub3A_331 = vector.broadcast %sub3A_330 : i32 to vector<16xi32>
      %sub3A_332 = arith.subi %get3A_329, %sub3A_331 : vector<16xi32>
      %lt3A_333 = arith.constant 524288 : i32
      %lt3A_334 = vector.broadcast %lt3A_333 : i32 to vector<16xi32>
      %lt3A_335 = arith.cmpi ult, %sub3A_332, %lt3A_334 : vector<16xi32>
      %select_n3A_336 = arith.select %lt3A_335, %sub3A_332, %add3A_22 : vector<16xi1>, vector<16xi32>
      %swap3A_337 = arith.index_cast %add3A_282 : i32 to index
      %swap3A_338 = arith.constant 48 : index
      %swap3A_339 = tpu.vector_load %arg10[%swap3A_337, %swap3A_338] {strides = array<i32>} : memref<88x128xi32, #tpu.memory_space<vmem>>, vector<1x16xi32>,
      %swap3A_340 = vector.shape_cast %swap3A_339 : vector<1x16xi32> to vector<16xi32>
      %swap3A_341 = vector.shape_cast %select_n3A_336 : vector<16xi32> to vector<1x16xi32>
      tpu.vector_store %arg10[%swap3A_337, %swap3A_338], %swap3A_341 {strides = array<i32>} : memref<88x128xi32, #tpu.memory_space<vmem>>, vector<1x16xi32>,
      %get3A_342 = arith.index_cast %add3A_282 : i32 to index
      %get3A_343 = arith.constant 64 : index
      %get3A_344 = tpu.vector_load %arg9[%get3A_342, %get3A_343] {strides = array<i32>} : memref<88x128xi32, #tpu.memory_space<vmem>>, vector<1x16xi32>,
      %get3A_345 = vector.shape_cast %get3A_344 : vector<1x16xi32> to vector<16xi32>
      %sub3A_346 = arith.constant 3145728 : i32
      %sub3A_347 = vector.broadcast %sub3A_346 : i32 to vector<16xi32>
      %sub3A_348 = arith.subi %get3A_345, %sub3A_347 : vector<16xi32>
      %lt3A_349 = arith.constant 524288 : i32
      %lt3A_350 = vector.broadcast %lt3A_349 : i32 to vector<16xi32>
      %lt3A_351 = arith.cmpi ult, %sub3A_348, %lt3A_350 : vector<16xi32>
      %select_n3A_352 = arith.select %lt3A_351, %sub3A_348, %add3A_22 : vector<16xi1>, vector<16xi32>
      %swap3A_353 = arith.index_cast %add3A_282 : i32 to index
      %swap3A_354 = arith.constant 64 : index
      %swap3A_355 = tpu.vector_load %arg10[%swap3A_353, %swap3A_354] {strides = array<i32>} : memref<88x128xi32, #tpu.memory_space<vmem>>, vector<1x16xi32>,
      %swap3A_356 = vector.shape_cast %swap3A_355 : vector<1x16xi32> to vector<16xi32>
      %swap3A_357 = vector.shape_cast %select_n3A_352 : vector<16xi32> to vector<1x16xi32>
      tpu.vector_store %arg10[%swap3A_353, %swap3A_354], %swap3A_357 {strides = array<i32>} : memref<88x128xi32, #tpu.memory_space<vmem>>, vector<1x16xi32>,
      %get3A_358 = arith.index_cast %add3A_282 : i32 to index
      %get3A_359 = arith.constant 80 : index
      %get3A_360 = tpu.vector_load %arg9[%get3A_358, %get3A_359] {strides = array<i32>} : memref<88x128xi32, #tpu.memory_space<vmem>>, vector<1x16xi32>,
      %get3A_361 = vector.shape_cast %get3A_360 : vector<1x16xi32> to vector<16xi32>
      %sub3A_362 = arith.constant 3145728 : i32
      %sub3A_363 = vector.broadcast %sub3A_362 : i32 to vector<16xi32>
      %sub3A_364 = arith.subi %get3A_361, %sub3A_363 : vector<16xi32>
      %lt3A_365 = arith.constant 524288 : i32
      %lt3A_366 = vector.broadcast %lt3A_365 : i32 to vector<16xi32>
      %lt3A_367 = arith.cmpi ult, %sub3A_364, %lt3A_366 : vector<16xi32>
      %select_n3A_368 = arith.select %lt3A_367, %sub3A_364, %add3A_22 : vector<16xi1>, vector<16xi32>
      %swap3A_369 = arith.index_cast %add3A_282 : i32 to index
      %swap3A_370 = arith.constant 80 : index
      %swap3A_371 = tpu.vector_load %arg10[%swap3A_369, %swap3A_370] {strides = array<i32>} : memref<88x128xi32, #tpu.memory_space<vmem>>, vector<1x16xi32>,
      %swap3A_372 = vector.shape_cast %swap3A_371 : vector<1x16xi32> to vector<16xi32>
      %swap3A_373 = vector.shape_cast %select_n3A_368 : vector<16xi32> to vector<1x16xi32>
      tpu.vector_store %arg10[%swap3A_369, %swap3A_370], %swap3A_373 {strides = array<i32>} : memref<88x128xi32, #tpu.memory_space<vmem>>, vector<1x16xi32>,
      %get3A_374 = arith.index_cast %add3A_282 : i32 to index
      %get3A_375 = arith.constant 96 : index
      %get3A_376 = tpu.vector_load %arg9[%get3A_374, %get3A_375] {strides = array<i32>} : memref<88x128xi32, #tpu.memory_space<vmem>>, vector<1x16xi32>,
      %get3A_377 = vector.shape_cast %get3A_376 : vector<1x16xi32> to vector<16xi32>
      %sub3A_378 = arith.constant 3145728 : i32
      %sub3A_379 = vector.broadcast %sub3A_378 : i32 to vector<16xi32>
      %sub3A_380 = arith.subi %get3A_377, %sub3A_379 : vector<16xi32>
      %lt3A_381 = arith.constant 524288 : i32
      %lt3A_382 = vector.broadcast %lt3A_381 : i32 to vector<16xi32>
      %lt3A_383 = arith.cmpi ult, %sub3A_380, %lt3A_382 : vector<16xi32>
      %select_n3A_384 = arith.select %lt3A_383, %sub3A_380, %add3A_22 : vector<16xi1>, vector<16xi32>
      %swap3A_385 = arith.index_cast %add3A_282 : i32 to index
      %swap3A_386 = arith.constant 96 : index
      %swap3A_387 = tpu.vector_load %arg10[%swap3A_385, %swap3A_386] {strides = array<i32>} : memref<88x128xi32, #tpu.memory_space<vmem>>, vector<1x16xi32>,
      %swap3A_388 = vector.shape_cast %swap3A_387 : vector<1x16xi32> to vector<16xi32>
      %swap3A_389 = vector.shape_cast %select_n3A_384 : vector<16xi32> to vector<1x16xi32>
      tpu.vector_store %arg10[%swap3A_385, %swap3A_386], %swap3A_389 {strides = array<i32>} : memref<88x128xi32, #tpu.memory_space<vmem>>, vector<1x16xi32>,
      %get3A_390 = arith.index_cast %add3A_282 : i32 to index
      %get3A_391 = arith.constant 112 : index
      %get3A_392 = tpu.vector_load %arg9[%get3A_390, %get3A_391] {strides = array<i32>} : memref<88x128xi32, #tpu.memory_space<vmem>>, vector<1x16xi32>,
      %get3A_393 = vector.shape_cast %get3A_392 : vector<1x16xi32> to vector<16xi32>
      %sub3A_394 = arith.constant 3145728 : i32
      %sub3A_395 = vector.broadcast %sub3A_394 : i32 to vector<16xi32>
      %sub3A_396 = arith.subi %get3A_393, %sub3A_395 : vector<16xi32>
      %lt3A_397 = arith.constant 524288 : i32
      %lt3A_398 = vector.broadcast %lt3A_397 : i32 to vector<16xi32>
      %lt3A_399 = arith.cmpi ult, %sub3A_396, %lt3A_398 : vector<16xi32>
      %select_n3A_400 = arith.select %lt3A_399, %sub3A_396, %add3A_22 : vector<16xi1>, vector<16xi32>
      %swap3A_401 = arith.index_cast %add3A_282 : i32 to index
      %swap3A_402 = arith.constant 112 : index
      %swap3A_403 = tpu.vector_load %arg10[%swap3A_401, %swap3A_402] {strides = array<i32>} : memref<88x128xi32, #tpu.memory_space<vmem>>, vector<1x16xi32>,
      %swap3A_404 = vector.shape_cast %swap3A_403 : vector<1x16xi32> to vector<16xi32>
      %swap3A_405 = vector.shape_cast %select_n3A_400 : vector<16xi32> to vector<1x16xi32>
      tpu.vector_store %arg10[%swap3A_401, %swap3A_402], %swap3A_405 {strides = array<i32>} : memref<88x128xi32, #tpu.memory_space<vmem>>, vector<1x16xi32>,
    }
    %scan3A_226 = arith.constant 88 : i32
    %barrier3A_227 = arith.constant 0 : index
    tpu.barrier barrier_id(%barrier3A_227)
    %scan3A_228 = arith.constant 0 : i32
    %scan3A_229 = arith.constant 88 : i32
    %scan3A_230 = arith.addi %scan3A_228, %scan3A_229 : i32
    %scan3A_231 = arith.constant 1 : i32
    scf.for %scan3A_278 = %scan3A_228 to %scan3A_230 step %scan3A_231  : i32 {
      %mul3A_279 = arith.constant 1 : i32
      %mul3A_280 = arith.muli %scan3A_278, %mul3A_279 : i32
      %add3A_281 = arith.constant 0 : i32
      %add3A_282 = arith.addi %add3A_281, %mul3A_280 : i32
      %mul3A_283 = arith.constant 128 : i32
      %mul3A_284 = arith.muli %add3A_282, %mul3A_283 : i32
      %dma_start3A = tpu.memref_slice %arg8[%mul3A_284] : memref<11264xf32, #tpu.memory_space<vmem>> -> memref<128xf32, #tpu.memory_space<vmem>>
      %dma_start3A_285 = arith.constant 0 : i32
      %dma_start3A_286 = tpu.memref_slice %arg10[%add3A_282, %dma_start3A_285] : memref<88x128xi32, #tpu.memory_space<vmem>> -> memref<1x128xi32, #tpu.memory_space<vmem>>
      %dma_start3A_287 = tpu.memref_squeeze %dma_start3A_286 : memref<1x128xi32, #tpu.memory_space<vmem>> -> memref<128xi32, #tpu.memory_space<vmem>>
      %dma_start3A_288 = arith.constant 0 : i32
      %dma_start3A_289 = tpu.memref_slice %arg12[%dma_start3A_288] : memref<524544xf32, #tpu.memory_space<vmem_shared>> -> memref<524544xf32, #tpu.memory_space<vmem_shared>>
      tpu.enqueue_indirect_dma source(%dma_start3A : memref<128xf32, #tpu.memory_space<vmem>>) target(%dma_start3A_289 : memref<524544xf32, #tpu.memory_space<vmem_shared>>) offsets(%dma_start3A_287 : memref<128xi32, #tpu.memory_space<vmem>>) semaphore(%arg13 : memref<!tpu.dma_semaphore, #tpu.memory_space<semaphore_mem>>) {add = true}
    }
    %scan3A_232 = arith.constant 88 : i32
    %scan3A_233 = arith.constant 0 : i32
    %scan3A_234 = arith.constant 88 : i32
    %scan3A_235 = arith.addi %scan3A_233, %scan3A_234 : i32
    %scan3A_236 = arith.constant 1 : i32
    scf.for %scan3A_278 = %scan3A_233 to %scan3A_235 step %scan3A_236  : i32 {
      %mul3A_279 = arith.constant 1 : i32
      %mul3A_280 = arith.muli %scan3A_278, %mul3A_279 : i32
      %add3A_281 = arith.constant 0 : i32
      %add3A_282 = arith.addi %add3A_281, %mul3A_280 : i32
      %dma_wait3A = arith.constant 0 : i32
      %dma_wait3A_283 = arith.constant 0 : i32
      %dma_wait3A_284 = tpu.memref_slice %arg8[%dma_wait3A_283] : memref<11264xf32, #tpu.memory_space<vmem>> -> memref<128xf32, #tpu.memory_space<vmem>>
      %dma_wait3A_285 = arith.constant 0 : i32
      %dma_wait3A_286 = tpu.memref_slice %arg10[%dma_wait3A, %dma_wait3A_285] : memref<88x128xi32, #tpu.memory_space<vmem>> -> memref<1x128xi32, #tpu.memory_space<vmem>>
      %dma_wait3A_287 = tpu.memref_squeeze %dma_wait3A_286 : memref<1x128xi32, #tpu.memory_space<vmem>> -> memref<128xi32, #tpu.memory_space<vmem>>
      %dma_wait3A_288 = arith.constant 0 : i32
      %dma_wait3A_289 = tpu.memref_slice %arg12[%dma_wait3A_288] : memref<524544xf32, #tpu.memory_space<vmem_shared>> -> memref<524544xf32, #tpu.memory_space<vmem_shared>>
      tpu.wait_indirect_dma semaphore(%arg13 : memref<!tpu.dma_semaphore, #tpu.memory_space<semaphore_mem>>) src(%dma_wait3A_284 : memref<128xf32, #tpu.memory_space<vmem>>) dst(%dma_wait3A_289 : memref<524544xf32, #tpu.memory_space<vmem_shared>>)
    }
    %scan3A_237 = arith.constant 88 : i32
    %barrier3A_238 = arith.constant 0 : index
    tpu.barrier barrier_id(%barrier3A_238)
    %add3A_239 = arith.constant 3145728 : i32
    %add3A_240 = arith.addi %add3A_1, %add3A_239 : i32
    %mul3A_241 = arith.constant 32768 : i32
    %mul3A_242 = arith.muli %arg1, %mul3A_241 : i32
    %add3A_243 = arith.addi %add3A_240, %mul3A_242 : i32
    %mul3A_244 = arith.constant 32768 : i32
    %mul3A_245 = arith.muli %arg1, %mul3A_244 : i32
    "tpu.region"() ({
      %run_scoped3A = tpu.sem_alloc : memref<!tpu.dma_semaphore, #tpu.memory_space<semaphore_mem>>
      %dma_start3A = tpu.memref_slice %arg5[%add3A_243] : memref<8388608xf32, #tpu.memory_space<hbm>> -> memref<32768xf32, #tpu.memory_space<hbm>>
      %dma_start3A_278 = tpu.memref_slice %arg12[%mul3A_245] : memref<524544xf32, #tpu.memory_space<vmem_shared>> -> memref<32768xf32, #tpu.memory_space<vmem_shared>>
      tpu.enqueue_dma source(%dma_start3A_278 : memref<32768xf32, #tpu.memory_space<vmem_shared>>) target(%dma_start3A : memref<32768xf32, #tpu.memory_space<hbm>>) target_semaphore(%run_scoped3A : memref<!tpu.dma_semaphore, #tpu.memory_space<semaphore_mem>>)
      %dma_wait3A = tpu.memref_slice %arg5[%add3A_243] : memref<8388608xf32, #tpu.memory_space<hbm>> -> memref<32768xf32, #tpu.memory_space<hbm>>
      %dma_wait3A_279 = tpu.memref_slice %arg12[%mul3A_245] : memref<524544xf32, #tpu.memory_space<vmem_shared>> -> memref<32768xf32, #tpu.memory_space<vmem_shared>>
      tpu.wait_dma2 semaphore(%run_scoped3A : memref<!tpu.dma_semaphore, #tpu.memory_space<semaphore_mem>>) src(%dma_wait3A_279 : memref<32768xf32, #tpu.memory_space<vmem_shared>>) dst(%dma_wait3A : memref<32768xf32, #tpu.memory_space<hbm>>)
      tpu.yield
    }) : () -> ()
    %mul3A_246 = arith.constant 32768 : i32
    %mul3A_247 = arith.muli %arg1, %mul3A_246 : i32
    %add3A_248 = arith.constant 0 : i32
    %add3A_249 = arith.addi %mul3A_247, %add3A_248 : i32
    "tpu.region"() ({
      %run_scoped3A = tpu.sem_alloc : memref<!tpu.dma_semaphore, #tpu.memory_space<semaphore_mem>>
      %dma_start3A = tpu.memref_slice %arg12[%add3A_249] : memref<524544xf32, #tpu.memory_space<vmem_shared>> -> memref<16384xf32, #tpu.memory_space<vmem_shared>>
      %dma_start3A_278 = tpu.memref_slice %arg12[%add3A_249] : memref<524544xf32, #tpu.memory_space<vmem_shared>> -> memref<16384xf32, #tpu.memory_space<vmem_shared>>
      tpu.enqueue_dma source(%arg11 : memref<16384xf32, #tpu.memory_space<vmem>>) target(%dma_start3A_278 : memref<16384xf32, #tpu.memory_space<vmem_shared>>) target_semaphore(%run_scoped3A : memref<!tpu.dma_semaphore, #tpu.memory_space<semaphore_mem>>)
      %dma_wait3A = tpu.memref_slice %arg12[%add3A_249] : memref<524544xf32, #tpu.memory_space<vmem_shared>> -> memref<16384xf32, #tpu.memory_space<vmem_shared>>
      %dma_wait3A_279 = tpu.memref_slice %arg12[%add3A_249] : memref<524544xf32, #tpu.memory_space<vmem_shared>> -> memref<16384xf32, #tpu.memory_space<vmem_shared>>
      tpu.wait_dma2 semaphore(%run_scoped3A : memref<!tpu.dma_semaphore, #tpu.memory_space<semaphore_mem>>) src(%arg11 : memref<16384xf32, #tpu.memory_space<vmem>>) dst(%dma_wait3A_279 : memref<16384xf32, #tpu.memory_space<vmem_shared>>)
      tpu.yield
    }) : () -> ()
    %mul3A_250 = arith.constant 32768 : i32
    %mul3A_251 = arith.muli %arg1, %mul3A_250 : i32
    %add3A_252 = arith.constant 16384 : i32
    %add3A_253 = arith.addi %mul3A_251, %add3A_252 : i32
    "tpu.region"() ({
      %run_scoped3A = tpu.sem_alloc : memref<!tpu.dma_semaphore, #tpu.memory_space<semaphore_mem>>
      %dma_start3A = tpu.memref_slice %arg12[%add3A_253] : memref<524544xf32, #tpu.memory_space<vmem_shared>> -> memref<16384xf32, #tpu.memory_space<vmem_shared>>
      %dma_start3A_278 = tpu.memref_slice %arg12[%add3A_253] : memref<524544xf32, #tpu.memory_space<vmem_shared>> -> memref<16384xf32, #tpu.memory_space<vmem_shared>>
      tpu.enqueue_dma source(%arg11 : memref<16384xf32, #tpu.memory_space<vmem>>) target(%dma_start3A_278 : memref<16384xf32, #tpu.memory_space<vmem_shared>>) target_semaphore(%run_scoped3A : memref<!tpu.dma_semaphore, #tpu.memory_space<semaphore_mem>>)
      %dma_wait3A = tpu.memref_slice %arg12[%add3A_253] : memref<524544xf32, #tpu.memory_space<vmem_shared>> -> memref<16384xf32, #tpu.memory_space<vmem_shared>>
      %dma_wait3A_279 = tpu.memref_slice %arg12[%add3A_253] : memref<524544xf32, #tpu.memory_space<vmem_shared>> -> memref<16384xf32, #tpu.memory_space<vmem_shared>>
      tpu.wait_dma2 semaphore(%run_scoped3A : memref<!tpu.dma_semaphore, #tpu.memory_space<semaphore_mem>>) src(%arg11 : memref<16384xf32, #tpu.memory_space<vmem>>) dst(%dma_wait3A_279 : memref<16384xf32, #tpu.memory_space<vmem_shared>>)
      tpu.yield
    }) : () -> ()
    %scan3A_254 = arith.constant 0 : i32
    %scan3A_255 = arith.constant 88 : i32
    %scan3A_256 = arith.addi %scan3A_254, %scan3A_255 : i32
    %scan3A_257 = arith.constant 1 : i32
    scf.for %scan3A_278 = %scan3A_254 to %scan3A_256 step %scan3A_257  : i32 {
      %mul3A_279 = arith.constant 1 : i32
      %mul3A_280 = arith.muli %scan3A_278, %mul3A_279 : i32
      %add3A_281 = arith.constant 0 : i32
      %add3A_282 = arith.addi %add3A_281, %mul3A_280 : i32
      %get3A = arith.index_cast %add3A_282 : i32 to index
      %get3A_283 = arith.constant 0 : index
      %get3A_284 = tpu.vector_load %arg9[%get3A, %get3A_283] {strides = array<i32>} : memref<88x128xi32, #tpu.memory_space<vmem>>, vector<1x16xi32>,
      %get3A_285 = vector.shape_cast %get3A_284 : vector<1x16xi32> to vector<16xi32>
      %sub3A = arith.constant 3670016 : i32
      %sub3A_286 = vector.broadcast %sub3A : i32 to vector<16xi32>
      %sub3A_287 = arith.subi %get3A_285, %sub3A_286 : vector<16xi32>
      %lt3A = arith.constant 524288 : i32
      %lt3A_288 = vector.broadcast %lt3A : i32 to vector<16xi32>
      %lt3A_289 = arith.cmpi ult, %sub3A_287, %lt3A_288 : vector<16xi32>
      %select_n3A = arith.select %lt3A_289, %sub3A_287, %add3A_22 : vector<16xi1>, vector<16xi32>
      %swap3A = arith.index_cast %add3A_282 : i32 to index
      %swap3A_290 = arith.constant 0 : index
      %swap3A_291 = tpu.vector_load %arg10[%swap3A, %swap3A_290] {strides = array<i32>} : memref<88x128xi32, #tpu.memory_space<vmem>>, vector<1x16xi32>,
      %swap3A_292 = vector.shape_cast %swap3A_291 : vector<1x16xi32> to vector<16xi32>
      %swap3A_293 = vector.shape_cast %select_n3A : vector<16xi32> to vector<1x16xi32>
      tpu.vector_store %arg10[%swap3A, %swap3A_290], %swap3A_293 {strides = array<i32>} : memref<88x128xi32, #tpu.memory_space<vmem>>, vector<1x16xi32>,
      %get3A_294 = arith.index_cast %add3A_282 : i32 to index
      %get3A_295 = arith.constant 16 : index
      %get3A_296 = tpu.vector_load %arg9[%get3A_294, %get3A_295] {strides = array<i32>} : memref<88x128xi32, #tpu.memory_space<vmem>>, vector<1x16xi32>,
      %get3A_297 = vector.shape_cast %get3A_296 : vector<1x16xi32> to vector<16xi32>
      %sub3A_298 = arith.constant 3670016 : i32
      %sub3A_299 = vector.broadcast %sub3A_298 : i32 to vector<16xi32>
      %sub3A_300 = arith.subi %get3A_297, %sub3A_299 : vector<16xi32>
      %lt3A_301 = arith.constant 524288 : i32
      %lt3A_302 = vector.broadcast %lt3A_301 : i32 to vector<16xi32>
      %lt3A_303 = arith.cmpi ult, %sub3A_300, %lt3A_302 : vector<16xi32>
      %select_n3A_304 = arith.select %lt3A_303, %sub3A_300, %add3A_22 : vector<16xi1>, vector<16xi32>
      %swap3A_305 = arith.index_cast %add3A_282 : i32 to index
      %swap3A_306 = arith.constant 16 : index
      %swap3A_307 = tpu.vector_load %arg10[%swap3A_305, %swap3A_306] {strides = array<i32>} : memref<88x128xi32, #tpu.memory_space<vmem>>, vector<1x16xi32>,
      %swap3A_308 = vector.shape_cast %swap3A_307 : vector<1x16xi32> to vector<16xi32>
      %swap3A_309 = vector.shape_cast %select_n3A_304 : vector<16xi32> to vector<1x16xi32>
      tpu.vector_store %arg10[%swap3A_305, %swap3A_306], %swap3A_309 {strides = array<i32>} : memref<88x128xi32, #tpu.memory_space<vmem>>, vector<1x16xi32>,
      %get3A_310 = arith.index_cast %add3A_282 : i32 to index
      %get3A_311 = arith.constant 32 : index
      %get3A_312 = tpu.vector_load %arg9[%get3A_310, %get3A_311] {strides = array<i32>} : memref<88x128xi32, #tpu.memory_space<vmem>>, vector<1x16xi32>,
      %get3A_313 = vector.shape_cast %get3A_312 : vector<1x16xi32> to vector<16xi32>
      %sub3A_314 = arith.constant 3670016 : i32
      %sub3A_315 = vector.broadcast %sub3A_314 : i32 to vector<16xi32>
      %sub3A_316 = arith.subi %get3A_313, %sub3A_315 : vector<16xi32>
      %lt3A_317 = arith.constant 524288 : i32
      %lt3A_318 = vector.broadcast %lt3A_317 : i32 to vector<16xi32>
      %lt3A_319 = arith.cmpi ult, %sub3A_316, %lt3A_318 : vector<16xi32>
      %select_n3A_320 = arith.select %lt3A_319, %sub3A_316, %add3A_22 : vector<16xi1>, vector<16xi32>
      %swap3A_321 = arith.index_cast %add3A_282 : i32 to index
      %swap3A_322 = arith.constant 32 : index
      %swap3A_323 = tpu.vector_load %arg10[%swap3A_321, %swap3A_322] {strides = array<i32>} : memref<88x128xi32, #tpu.memory_space<vmem>>, vector<1x16xi32>,
      %swap3A_324 = vector.shape_cast %swap3A_323 : vector<1x16xi32> to vector<16xi32>
      %swap3A_325 = vector.shape_cast %select_n3A_320 : vector<16xi32> to vector<1x16xi32>
      tpu.vector_store %arg10[%swap3A_321, %swap3A_322], %swap3A_325 {strides = array<i32>} : memref<88x128xi32, #tpu.memory_space<vmem>>, vector<1x16xi32>,
      %get3A_326 = arith.index_cast %add3A_282 : i32 to index
      %get3A_327 = arith.constant 48 : index
      %get3A_328 = tpu.vector_load %arg9[%get3A_326, %get3A_327] {strides = array<i32>} : memref<88x128xi32, #tpu.memory_space<vmem>>, vector<1x16xi32>,
      %get3A_329 = vector.shape_cast %get3A_328 : vector<1x16xi32> to vector<16xi32>
      %sub3A_330 = arith.constant 3670016 : i32
      %sub3A_331 = vector.broadcast %sub3A_330 : i32 to vector<16xi32>
      %sub3A_332 = arith.subi %get3A_329, %sub3A_331 : vector<16xi32>
      %lt3A_333 = arith.constant 524288 : i32
      %lt3A_334 = vector.broadcast %lt3A_333 : i32 to vector<16xi32>
      %lt3A_335 = arith.cmpi ult, %sub3A_332, %lt3A_334 : vector<16xi32>
      %select_n3A_336 = arith.select %lt3A_335, %sub3A_332, %add3A_22 : vector<16xi1>, vector<16xi32>
      %swap3A_337 = arith.index_cast %add3A_282 : i32 to index
      %swap3A_338 = arith.constant 48 : index
      %swap3A_339 = tpu.vector_load %arg10[%swap3A_337, %swap3A_338] {strides = array<i32>} : memref<88x128xi32, #tpu.memory_space<vmem>>, vector<1x16xi32>,
      %swap3A_340 = vector.shape_cast %swap3A_339 : vector<1x16xi32> to vector<16xi32>
      %swap3A_341 = vector.shape_cast %select_n3A_336 : vector<16xi32> to vector<1x16xi32>
      tpu.vector_store %arg10[%swap3A_337, %swap3A_338], %swap3A_341 {strides = array<i32>} : memref<88x128xi32, #tpu.memory_space<vmem>>, vector<1x16xi32>,
      %get3A_342 = arith.index_cast %add3A_282 : i32 to index
      %get3A_343 = arith.constant 64 : index
      %get3A_344 = tpu.vector_load %arg9[%get3A_342, %get3A_343] {strides = array<i32>} : memref<88x128xi32, #tpu.memory_space<vmem>>, vector<1x16xi32>,
      %get3A_345 = vector.shape_cast %get3A_344 : vector<1x16xi32> to vector<16xi32>
      %sub3A_346 = arith.constant 3670016 : i32
      %sub3A_347 = vector.broadcast %sub3A_346 : i32 to vector<16xi32>
      %sub3A_348 = arith.subi %get3A_345, %sub3A_347 : vector<16xi32>
      %lt3A_349 = arith.constant 524288 : i32
      %lt3A_350 = vector.broadcast %lt3A_349 : i32 to vector<16xi32>
      %lt3A_351 = arith.cmpi ult, %sub3A_348, %lt3A_350 : vector<16xi32>
      %select_n3A_352 = arith.select %lt3A_351, %sub3A_348, %add3A_22 : vector<16xi1>, vector<16xi32>
      %swap3A_353 = arith.index_cast %add3A_282 : i32 to index
      %swap3A_354 = arith.constant 64 : index
      %swap3A_355 = tpu.vector_load %arg10[%swap3A_353, %swap3A_354] {strides = array<i32>} : memref<88x128xi32, #tpu.memory_space<vmem>>, vector<1x16xi32>,
      %swap3A_356 = vector.shape_cast %swap3A_355 : vector<1x16xi32> to vector<16xi32>
      %swap3A_357 = vector.shape_cast %select_n3A_352 : vector<16xi32> to vector<1x16xi32>
      tpu.vector_store %arg10[%swap3A_353, %swap3A_354], %swap3A_357 {strides = array<i32>} : memref<88x128xi32, #tpu.memory_space<vmem>>, vector<1x16xi32>,
      %get3A_358 = arith.index_cast %add3A_282 : i32 to index
      %get3A_359 = arith.constant 80 : index
      %get3A_360 = tpu.vector_load %arg9[%get3A_358, %get3A_359] {strides = array<i32>} : memref<88x128xi32, #tpu.memory_space<vmem>>, vector<1x16xi32>,
      %get3A_361 = vector.shape_cast %get3A_360 : vector<1x16xi32> to vector<16xi32>
      %sub3A_362 = arith.constant 3670016 : i32
      %sub3A_363 = vector.broadcast %sub3A_362 : i32 to vector<16xi32>
      %sub3A_364 = arith.subi %get3A_361, %sub3A_363 : vector<16xi32>
      %lt3A_365 = arith.constant 524288 : i32
      %lt3A_366 = vector.broadcast %lt3A_365 : i32 to vector<16xi32>
      %lt3A_367 = arith.cmpi ult, %sub3A_364, %lt3A_366 : vector<16xi32>
      %select_n3A_368 = arith.select %lt3A_367, %sub3A_364, %add3A_22 : vector<16xi1>, vector<16xi32>
      %swap3A_369 = arith.index_cast %add3A_282 : i32 to index
      %swap3A_370 = arith.constant 80 : index
      %swap3A_371 = tpu.vector_load %arg10[%swap3A_369, %swap3A_370] {strides = array<i32>} : memref<88x128xi32, #tpu.memory_space<vmem>>, vector<1x16xi32>,
      %swap3A_372 = vector.shape_cast %swap3A_371 : vector<1x16xi32> to vector<16xi32>
      %swap3A_373 = vector.shape_cast %select_n3A_368 : vector<16xi32> to vector<1x16xi32>
      tpu.vector_store %arg10[%swap3A_369, %swap3A_370], %swap3A_373 {strides = array<i32>} : memref<88x128xi32, #tpu.memory_space<vmem>>, vector<1x16xi32>,
      %get3A_374 = arith.index_cast %add3A_282 : i32 to index
      %get3A_375 = arith.constant 96 : index
      %get3A_376 = tpu.vector_load %arg9[%get3A_374, %get3A_375] {strides = array<i32>} : memref<88x128xi32, #tpu.memory_space<vmem>>, vector<1x16xi32>,
      %get3A_377 = vector.shape_cast %get3A_376 : vector<1x16xi32> to vector<16xi32>
      %sub3A_378 = arith.constant 3670016 : i32
      %sub3A_379 = vector.broadcast %sub3A_378 : i32 to vector<16xi32>
      %sub3A_380 = arith.subi %get3A_377, %sub3A_379 : vector<16xi32>
      %lt3A_381 = arith.constant 524288 : i32
      %lt3A_382 = vector.broadcast %lt3A_381 : i32 to vector<16xi32>
      %lt3A_383 = arith.cmpi ult, %sub3A_380, %lt3A_382 : vector<16xi32>
      %select_n3A_384 = arith.select %lt3A_383, %sub3A_380, %add3A_22 : vector<16xi1>, vector<16xi32>
      %swap3A_385 = arith.index_cast %add3A_282 : i32 to index
      %swap3A_386 = arith.constant 96 : index
      %swap3A_387 = tpu.vector_load %arg10[%swap3A_385, %swap3A_386] {strides = array<i32>} : memref<88x128xi32, #tpu.memory_space<vmem>>, vector<1x16xi32>,
      %swap3A_388 = vector.shape_cast %swap3A_387 : vector<1x16xi32> to vector<16xi32>
      %swap3A_389 = vector.shape_cast %select_n3A_384 : vector<16xi32> to vector<1x16xi32>
      tpu.vector_store %arg10[%swap3A_385, %swap3A_386], %swap3A_389 {strides = array<i32>} : memref<88x128xi32, #tpu.memory_space<vmem>>, vector<1x16xi32>,
      %get3A_390 = arith.index_cast %add3A_282 : i32 to index
      %get3A_391 = arith.constant 112 : index
      %get3A_392 = tpu.vector_load %arg9[%get3A_390, %get3A_391] {strides = array<i32>} : memref<88x128xi32, #tpu.memory_space<vmem>>, vector<1x16xi32>,
      %get3A_393 = vector.shape_cast %get3A_392 : vector<1x16xi32> to vector<16xi32>
      %sub3A_394 = arith.constant 3670016 : i32
      %sub3A_395 = vector.broadcast %sub3A_394 : i32 to vector<16xi32>
      %sub3A_396 = arith.subi %get3A_393, %sub3A_395 : vector<16xi32>
      %lt3A_397 = arith.constant 524288 : i32
      %lt3A_398 = vector.broadcast %lt3A_397 : i32 to vector<16xi32>
      %lt3A_399 = arith.cmpi ult, %sub3A_396, %lt3A_398 : vector<16xi32>
      %select_n3A_400 = arith.select %lt3A_399, %sub3A_396, %add3A_22 : vector<16xi1>, vector<16xi32>
      %swap3A_401 = arith.index_cast %add3A_282 : i32 to index
      %swap3A_402 = arith.constant 112 : index
      %swap3A_403 = tpu.vector_load %arg10[%swap3A_401, %swap3A_402] {strides = array<i32>} : memref<88x128xi32, #tpu.memory_space<vmem>>, vector<1x16xi32>,
      %swap3A_404 = vector.shape_cast %swap3A_403 : vector<1x16xi32> to vector<16xi32>
      %swap3A_405 = vector.shape_cast %select_n3A_400 : vector<16xi32> to vector<1x16xi32>
      tpu.vector_store %arg10[%swap3A_401, %swap3A_402], %swap3A_405 {strides = array<i32>} : memref<88x128xi32, #tpu.memory_space<vmem>>, vector<1x16xi32>,
    }
    %scan3A_258 = arith.constant 88 : i32
    %barrier3A_259 = arith.constant 0 : index
    tpu.barrier barrier_id(%barrier3A_259)
    %scan3A_260 = arith.constant 0 : i32
    %scan3A_261 = arith.constant 88 : i32
    %scan3A_262 = arith.addi %scan3A_260, %scan3A_261 : i32
    %scan3A_263 = arith.constant 1 : i32
    scf.for %scan3A_278 = %scan3A_260 to %scan3A_262 step %scan3A_263  : i32 {
      %mul3A_279 = arith.constant 1 : i32
      %mul3A_280 = arith.muli %scan3A_278, %mul3A_279 : i32
      %add3A_281 = arith.constant 0 : i32
      %add3A_282 = arith.addi %add3A_281, %mul3A_280 : i32
      %mul3A_283 = arith.constant 128 : i32
      %mul3A_284 = arith.muli %add3A_282, %mul3A_283 : i32
      %dma_start3A = tpu.memref_slice %arg8[%mul3A_284] : memref<11264xf32, #tpu.memory_space<vmem>> -> memref<128xf32, #tpu.memory_space<vmem>>
      %dma_start3A_285 = arith.constant 0 : i32
      %dma_start3A_286 = tpu.memref_slice %arg10[%add3A_282, %dma_start3A_285] : memref<88x128xi32, #tpu.memory_space<vmem>> -> memref<1x128xi32, #tpu.memory_space<vmem>>
      %dma_start3A_287 = tpu.memref_squeeze %dma_start3A_286 : memref<1x128xi32, #tpu.memory_space<vmem>> -> memref<128xi32, #tpu.memory_space<vmem>>
      %dma_start3A_288 = arith.constant 0 : i32
      %dma_start3A_289 = tpu.memref_slice %arg12[%dma_start3A_288] : memref<524544xf32, #tpu.memory_space<vmem_shared>> -> memref<524544xf32, #tpu.memory_space<vmem_shared>>
      tpu.enqueue_indirect_dma source(%dma_start3A : memref<128xf32, #tpu.memory_space<vmem>>) target(%dma_start3A_289 : memref<524544xf32, #tpu.memory_space<vmem_shared>>) offsets(%dma_start3A_287 : memref<128xi32, #tpu.memory_space<vmem>>) semaphore(%arg13 : memref<!tpu.dma_semaphore, #tpu.memory_space<semaphore_mem>>) {add = true}
    }
    %scan3A_264 = arith.constant 88 : i32
    %scan3A_265 = arith.constant 0 : i32
    %scan3A_266 = arith.constant 88 : i32
    %scan3A_267 = arith.addi %scan3A_265, %scan3A_266 : i32
    %scan3A_268 = arith.constant 1 : i32
    scf.for %scan3A_278 = %scan3A_265 to %scan3A_267 step %scan3A_268  : i32 {
      %mul3A_279 = arith.constant 1 : i32
      %mul3A_280 = arith.muli %scan3A_278, %mul3A_279 : i32
      %add3A_281 = arith.constant 0 : i32
      %add3A_282 = arith.addi %add3A_281, %mul3A_280 : i32
      %dma_wait3A = arith.constant 0 : i32
      %dma_wait3A_283 = arith.constant 0 : i32
      %dma_wait3A_284 = tpu.memref_slice %arg8[%dma_wait3A_283] : memref<11264xf32, #tpu.memory_space<vmem>> -> memref<128xf32, #tpu.memory_space<vmem>>
      %dma_wait3A_285 = arith.constant 0 : i32
      %dma_wait3A_286 = tpu.memref_slice %arg10[%dma_wait3A, %dma_wait3A_285] : memref<88x128xi32, #tpu.memory_space<vmem>> -> memref<1x128xi32, #tpu.memory_space<vmem>>
      %dma_wait3A_287 = tpu.memref_squeeze %dma_wait3A_286 : memref<1x128xi32, #tpu.memory_space<vmem>> -> memref<128xi32, #tpu.memory_space<vmem>>
      %dma_wait3A_288 = arith.constant 0 : i32
      %dma_wait3A_289 = tpu.memref_slice %arg12[%dma_wait3A_288] : memref<524544xf32, #tpu.memory_space<vmem_shared>> -> memref<524544xf32, #tpu.memory_space<vmem_shared>>
      tpu.wait_indirect_dma semaphore(%arg13 : memref<!tpu.dma_semaphore, #tpu.memory_space<semaphore_mem>>) src(%dma_wait3A_284 : memref<128xf32, #tpu.memory_space<vmem>>) dst(%dma_wait3A_289 : memref<524544xf32, #tpu.memory_space<vmem_shared>>)
    }
    %scan3A_269 = arith.constant 88 : i32
    %barrier3A_270 = arith.constant 0 : index
    tpu.barrier barrier_id(%barrier3A_270)
    %add3A_271 = arith.constant 3670016 : i32
    %add3A_272 = arith.addi %add3A_1, %add3A_271 : i32
    %mul3A_273 = arith.constant 32768 : i32
    %mul3A_274 = arith.muli %arg1, %mul3A_273 : i32
    %add3A_275 = arith.addi %add3A_272, %mul3A_274 : i32
    %mul3A_276 = arith.constant 32768 : i32
    %mul3A_277 = arith.muli %arg1, %mul3A_276 : i32
    "tpu.region"() ({
      %run_scoped3A = tpu.sem_alloc : memref<!tpu.dma_semaphore, #tpu.memory_space<semaphore_mem>>
      %dma_start3A = tpu.memref_slice %arg5[%add3A_275] : memref<8388608xf32, #tpu.memory_space<hbm>> -> memref<32768xf32, #tpu.memory_space<hbm>>
      %dma_start3A_278 = tpu.memref_slice %arg12[%mul3A_277] : memref<524544xf32, #tpu.memory_space<vmem_shared>> -> memref<32768xf32, #tpu.memory_space<vmem_shared>>
      tpu.enqueue_dma source(%dma_start3A_278 : memref<32768xf32, #tpu.memory_space<vmem_shared>>) target(%dma_start3A : memref<32768xf32, #tpu.memory_space<hbm>>) target_semaphore(%run_scoped3A : memref<!tpu.dma_semaphore, #tpu.memory_space<semaphore_mem>>)
      %dma_wait3A = tpu.memref_slice %arg5[%add3A_275] : memref<8388608xf32, #tpu.memory_space<hbm>> -> memref<32768xf32, #tpu.memory_space<hbm>>
      %dma_wait3A_279 = tpu.memref_slice %arg12[%mul3A_277] : memref<524544xf32, #tpu.memory_space<vmem_shared>> -> memref<32768xf32, #tpu.memory_space<vmem_shared>>
      tpu.wait_dma2 semaphore(%run_scoped3A : memref<!tpu.dma_semaphore, #tpu.memory_space<semaphore_mem>>) src(%dma_wait3A_279 : memref<32768xf32, #tpu.memory_space<vmem_shared>>) dst(%dma_wait3A : memref<32768xf32, #tpu.memory_space<hbm>>)
      tpu.yield
    }) : () -> ()
    return
  }
}

module attributes {stable_mosaic.version = 14 : i64} {
  func.func @_matmul_body(%arg0: i32, %arg1: memref<1024x4096xbf16, #tpu.memory_space<vmem>>, %arg2: memref<1048576xf32, #tpu.memory_space<vmem>>, %arg3: memref<1x256xf32, #tpu.memory_space<vmem>>, %arg4: memref<1024x256xf32, #tpu.memory_space<vmem>>) attributes {dimension_semantics = [#tpu.dimension_semantics<arbitrary>], iteration_bounds = array<i64: 8>, scalar_prefetch = 0 : i64, scratch_operands = 0 : i64, tpu.core_type = #tpu.core_type<tc>, window_params = [{pipeline_mode = #tpu.pipeline_mode<synchronous>, transform_indices = @transform_0, window_bounds = array<i64: 1024, 4096>}, {transform_indices = @transform_1, window_bounds = array<i64: 1048576>}, {transform_indices = @transform_2, window_bounds = array<i64: 1, 256>}, {transform_indices = @transform_3, window_bounds = array<i64: 1024, 256>}]} {
    %get3A = arith.constant 0 : index
    %get3A_0 = arith.constant 0 : index
    %get3A_1 = vector.load %arg1[%get3A, %get3A_0] : memref<1024x4096xbf16, #tpu.memory_space<vmem>>, vector<1024x4096xbf16>
    %get3A_2 = arith.constant 0 : index
    %get3A_3 = vector.load %arg2[%get3A_2] : memref<1048576xf32, #tpu.memory_space<vmem>>, vector<1048576xf32>
    %reshape3A = vector.shape_cast %get3A_3 : vector<1048576xf32> to vector<256x4096xf32>
    %convert_element_type3A = arith.truncf %reshape3A : vector<256x4096xf32> to vector<256x4096xbf16>
    %dot_general3A = arith.constant dense<0.000000e+00> : vector<1024x256xf32>
    %dot_general3A_4 = tpu.matmul %get3A_1, %convert_element_type3A, %dot_general3A {dimension_numbers = #tpu.dot_dimension_numbers<[1], [1], [0], [0], [0, 0, 1, 0], [], []>, transpose_lhs_hint = false} : vector<1024x4096xbf16>, vector<256x4096xbf16>, vector<1024x256xf32> -> vector<1024x256xf32>
    %get3A_5 = arith.constant 0 : index
    %get3A_6 = arith.constant 0 : index
    %get3A_7 = vector.load %arg3[%get3A_5, %get3A_6] : memref<1x256xf32, #tpu.memory_space<vmem>>, vector<1x256xf32>
    %add3A = vector.broadcast %get3A_7 : vector<1x256xf32> to vector<1024x256xf32>
    %add3A_8 = arith.addf %dot_general3A_4, %add3A : vector<1024x256xf32>
    %swap3A = arith.constant 0 : index
    %swap3A_9 = arith.constant 0 : index
    %swap3A_10 = vector.load %arg4[%swap3A, %swap3A_9] : memref<1024x256xf32, #tpu.memory_space<vmem>>, vector<1024x256xf32>
    tpu.vector_store %arg4[%swap3A, %swap3A_9], %add3A_8 {strides = array<i32>} : memref<1024x256xf32, #tpu.memory_space<vmem>>, vector<1024x256xf32>,
    return
  }
  func.func @transform_0(%arg0: i32) -> (i32, i32) {
    %c0_i32 = arith.constant 0 : i32
    %c0_i32_0 = arith.constant 0 : i32
    %c0_i32_1 = arith.constant 0 : i32
    return %c0_i32, %c0_i32_0 : i32, i32
  }
  func.func @transform_1(%arg0: i32) -> i32 {
    %c0_i32 = arith.constant 0 : i32
    return %arg0 : i32
  }
  func.func @transform_2(%arg0: i32) -> (i32, i32) {
    %c0_i32 = arith.constant 0 : i32
    %c0_i32_0 = arith.constant 0 : i32
    return %c0_i32, %arg0 : i32, i32
  }
  func.func @transform_3(%arg0: i32) -> (i32, i32) {
    %c0_i32 = arith.constant 0 : i32
    %c0_i32_0 = arith.constant 0 : i32
    return %c0_i32, %arg0 : i32, i32
  }
}

module attributes {stable_mosaic.version = 14 : i64} {
  func.func @_matmul_body_alias(%arg0: i32, %arg1: memref<1024x4096xbf16, #tpu.memory_space<vmem>>, %arg2: memref<1048576xf32, #tpu.memory_space<vmem>>, %arg3: memref<1x256xf32, #tpu.memory_space<vmem>>, %arg4: memref<8x128xf32, #tpu.memory_space<vmem>>, %arg5: memref<1024x256xf32, #tpu.memory_space<vmem>>) attributes {dimension_semantics = [#tpu.dimension_semantics<arbitrary>], iteration_bounds = array<i64: 8>, scalar_prefetch = 0 : i64, scratch_operands = 0 : i64, tpu.core_type = #tpu.core_type<tc>, window_params = [{pipeline_mode = #tpu.pipeline_mode<synchronous>, transform_indices = @transform_0, window_bounds = array<i64: 1024, 4096>}, {transform_indices = @transform_1, window_bounds = array<i64: 1048576>}, {transform_indices = @transform_2, window_bounds = array<i64: 1, 256>}, {transform_indices = @transform_3, window_bounds = array<i64: 8, 128>}, {transform_indices = @transform_4, window_bounds = array<i64: 1024, 256>}]} {
    %get3A = arith.constant 0 : index
    %get3A_0 = arith.constant 0 : index
    %get3A_1 = vector.load %arg1[%get3A, %get3A_0] : memref<1024x4096xbf16, #tpu.memory_space<vmem>>, vector<1024x4096xbf16>
    %get3A_2 = arith.constant 0 : index
    %get3A_3 = vector.load %arg2[%get3A_2] : memref<1048576xf32, #tpu.memory_space<vmem>>, vector<1048576xf32>
    %reshape3A = vector.shape_cast %get3A_3 : vector<1048576xf32> to vector<256x4096xf32>
    %convert_element_type3A = arith.truncf %reshape3A : vector<256x4096xf32> to vector<256x4096xbf16>
    %dot_general3A = arith.constant dense<0.000000e+00> : vector<1024x256xf32>
    %dot_general3A_4 = tpu.matmul %get3A_1, %convert_element_type3A, %dot_general3A {dimension_numbers = #tpu.dot_dimension_numbers<[1], [1], [0], [0], [0, 0, 1, 0], [], []>, transpose_lhs_hint = false} : vector<1024x4096xbf16>, vector<256x4096xbf16>, vector<1024x256xf32> -> vector<1024x256xf32>
    %get3A_5 = arith.constant 0 : index
    %get3A_6 = arith.constant 0 : index
    %get3A_7 = vector.load %arg3[%get3A_5, %get3A_6] : memref<1x256xf32, #tpu.memory_space<vmem>>, vector<1x256xf32>
    %add3A = vector.broadcast %get3A_7 : vector<1x256xf32> to vector<1024x256xf32>
    %add3A_8 = arith.addf %dot_general3A_4, %add3A : vector<1024x256xf32>
    %swap3A = arith.constant 0 : index
    %swap3A_9 = arith.constant 0 : index
    %swap3A_10 = vector.load %arg5[%swap3A, %swap3A_9] : memref<1024x256xf32, #tpu.memory_space<vmem>>, vector<1024x256xf32>
    tpu.vector_store %arg5[%swap3A, %swap3A_9], %add3A_8 {strides = array<i32>} : memref<1024x256xf32, #tpu.memory_space<vmem>>, vector<1024x256xf32>,
    return
  }
  func.func @transform_0(%arg0: i32) -> (i32, i32) {
    %c0_i32 = arith.constant 0 : i32
    %c0_i32_0 = arith.constant 0 : i32
    %c0_i32_1 = arith.constant 0 : i32
    return %c0_i32, %c0_i32_0 : i32, i32
  }
  func.func @transform_1(%arg0: i32) -> i32 {
    %c0_i32 = arith.constant 0 : i32
    return %arg0 : i32
  }
  func.func @transform_2(%arg0: i32) -> (i32, i32) {
    %add3A = arith.constant 8 : i32
    %add3A_0 = arith.addi %arg0, %add3A : i32
    %c0_i32 = arith.constant 0 : i32
    %c0_i32_1 = arith.constant 0 : i32
    return %c0_i32, %add3A_0 : i32, i32
  }
  func.func @transform_3(%arg0: i32) -> (i32, i32) {
    %c0_i32 = arith.constant 0 : i32
    %c0_i32_0 = arith.constant 0 : i32
    %c0_i32_1 = arith.constant 0 : i32
    return %c0_i32, %c0_i32_0 : i32, i32
  }
  func.func @transform_4(%arg0: i32) -> (i32, i32) {
    %add3A = arith.constant 8 : i32
    %add3A_0 = arith.addi %arg0, %add3A : i32
    %c0_i32 = arith.constant 0 : i32
    %c0_i32_1 = arith.constant 0 : i32
    return %c0_i32, %add3A_0 : i32, i32
  }
}

</mosaic_0001>

<sc_bundles>
// kernel: sc_scatter_0.3.cloned.1.call-start
scs
__scs_entry_jumppad:
0x0: {  	(pc) =	sbr.rel $0x88, $3  }
0x1: {  	(tag) =	ssettag $0x0;
	lr =	simm.s32 $0x1  }
0x2: {  	[smem:$0x3F9D] =	sst lr;
	_ =	strace $0xD0000000  }
0x3: {  	_ = 	snop  }
0x4: {  	_ = 	snop  }
0x5: {  	_ = 	snop  }
0x6: {  	_ = 	snop  }
0x7: {  	_ = 	snop  }
__scs_overlays_trampoline_lowered:
0x8: {  	[smem:$0x3FAC] =	sst s0  }
0x9: {  	[smem:$0x3FAD] =	sst s1  }
0xa: {  	[smem:$0x3FAE] =	sst s2  }
0xb: {  	[smem:$0x3FAF] =	sst s3  }
0xc: {  	[smem:$0x3FB0] =	sst s4  }
0xd: {  	[smem:$0x3FB1] =	sst s5  }
0xe: {  	[smem:$0x3FB2] =	sst s6  }
0xf: {  	[smem:$0x3FB3] =	sst s7  }
0x10: {  	[smem:$0x3FB4] =	sst s8  }
0x11: {  	[smem:$0x3FB5] =	sst s9;
	s0 =	simm.s32 @!p0 $0x0  }
0x12: {  	s1 =	sld [smem:$0x3F9B];
	s0 =	simm.s32 @p0 $0x1  }
0x13: {  	[smem:$0x3FB6] =	sst s0;
	s0 =	simm.s32 @!p1 $0x0  }
0x14: {  	s2 =	sld [smem:$0x3F9A];
	s0 =	simm.s32 @p1 $0x1  }
0x15: {  	[smem:$0x3FB7] =	sst s0;
	s0 =	simm.s32 @!p2 $0x0  }
0x16: {  	s3 =	sld [smem:$0x3FDB];
	s0 =	simm.s32 @p2 $0x1  }
0x17: {  	s4 =	simm.s32 $0x1BF5;
	[smem:$0x3FB9] =	sst s0  }
0x18: {  	s0 =	sld [smem:$0x3F9C];
	_ =	swait.ge [sflag:s4], $0x0  }
0x19: {  	s7 =	sld [smem:$0x3F9D]  }
0x1a: {  	s8 =	sadd.s32 $0xFFFFE003, lr  }
0x1b: {  	s9 =	sadd.s32 $0xFFFFFEF7, lr;
	s5 =	simm.s32 $0xFFFFFFFF;
	p2 =	slt.u32 s8, $0xFFFFF086  }
0x1c: {  	p1 =	slt.u32 s9, $0xF7A;
	s5 =	simm.s32 @!p2 $0x0  }
0x1d: {  	s5 =	simm.s32 @p1 $0x1;
	p0 =	seq.s32 s7, s2  }
0x1e: {  	s7 =	smul.u32 @!p0 $0xF7A, s2;
	p2 =	seq.s32 @!p0 s5, $0x0  }
0x1f: {  	s9 =	smul.u32 $0xF7A, s1;
	s8 =	simm.s32 @!p0 $0x1BF5;
	p2 =	por !p2, p0  }
0x20: {  	[sflag:s8] =	ssyncset.s32 @!p0 $0xFFFFF086;
	s6 =	sadd.s32 @!p0 s3, s7;
	s7 =	simm.s32 @!p0 $0x108  }
0x21: {  	s3 =	sadd.s32 s3, s9;
	s6 =	sadd.s32 @!p0 $0x88, s6;
	s7 =	simm.s32 @p2 $0x1082  }
0x22: {  	[simem:s7], [sflag:s8] =	dma.local @!p0 [hbm:s6], $0xF7A  }
0x23: {  	s9 =	sor.u32 $0xD0000000, s2;
	s6 =	simm.s32 $0x108;
	_ =	swait.ge @!p0 [sflag:s8], $0x0  }
0x24: {  	s3 =	sadd.s32 $0x88, s3;
	s6 =	simm.s32 @!p1 $0x1082;
	[sflag:s4] =	ssyncset.s32 $0xFFFFF086  }
0x25: {  	[simem:s6], [sflag:s4] =	dma.local [hbm:s3], $0xF7A  }
0x26: {  	[smem:$0x3F9D] =	sst s1;
	(tag) =	ssettag s2;
	_ =	strace s9  }
0x27: {  	s1 =	sld [smem:$0x3FAD]  }
0x28: {  	s2 =	sld [smem:$0x3FAE]  }
0x29: {  	s4 =	sld [smem:$0x3FB0]  }
0x2a: {  	p0 =	seq.s32 s5, $0x0;
	s5 =	sld [smem:$0x3FB1]  }
0x2b: {  	s6 =	sld [smem:$0x3FB2]  }
0x2c: {  	s7 =	sld [smem:$0x3FB3]  }
0x2d: {  	s3 =	simm.s32 $0x108;
	s8 =	sld [smem:$0x3FB4]  }
0x2e: {  	s3 =	simm.s32 @!p0 $0x1082;
	s9 =	sld [smem:$0x3FB5]  }
0x2f: {  	lr =	sadd.s32 s0, s3;
	s0 =	sld [smem:$0x3FAC]  }
0x30: {  	s3 =	sld [smem:$0x3FAF]  }
0x31: {  	[smem:$0x3FB8] =	sst s10  }
0x32: {  	s10 =	sld [smem:$0x3FB6];
	_ =	sdelay $0x3  }
0x33: {  	p0 =	seq.s32 s10, $0x1;
	s10 =	sld [smem:$0x3FB8];
	_ =	sdelay $0x3  }
0x34: {  	[smem:$0x3FB8] =	sst s10  }
0x35: {  	s10 =	sld [smem:$0x3FB7];
	_ =	sdelay $0x3  }
0x36: {  	p1 =	seq.s32 s10, $0x1;
	s10 =	sld [smem:$0x3FB8];
	_ =	sdelay $0x3  }
0x37: {  	[smem:$0x3FB8] =	sst s10  }
0x38: {  	s10 =	sld [smem:$0x3FB9]  }
0x39: {  	_ = 	snop;
	(pc) =	sbr.ind lr, $3  }
0x3a: {  	_ = 	snop  }
0x3b: {  	_ = 	snop  }
0x3c: {  	p2 =	seq.s32 s10, $0x1;
	s10 =	sld [smem:$0x3FB8]  }
0x3d: {  	_ =	shalt  }
0x3e: {  	_ =	shalt  }
0x3f: {  	_ =	shalt  }
0x40: {  	_ =	shalt  }
0x41: {  	_ =	shalt  }
0x42: {  	_ =	shalt  }
0x43: {  	_ =	shalt  }
0x44: {  	_ =	shalt  }
0x45: {  	_ =	shalt  }
0x46: {  	_ =	shalt  }
0x47: {  	_ =	shalt  }
0x48: {  	_ =	shalt  }
0x49: {  	_ =	shalt  }
0x4a: {  	_ =	shalt  }
0x4b: {  	_ =	shalt  }
0x4c: {  	_ =	shalt  }
0x4d: {  	_ =	shalt  }
0x4e: {  	_ =	shalt  }
0x4f: {  	_ =	shalt  }
0x50: {  	_ =	shalt  }
0x51: {  	_ =	shalt  }
0x52: {  	_ =	shalt  }
0x53: {  	_ =	shalt  }
0x54: {  	_ =	shalt  }
0x55: {  	_ =	shalt  }
0x56: {  	_ =	shalt  }
0x57: {  	_ =	shalt  }
0x58: {  	_ =	shalt  }
0x59: {  	_ =	shalt  }
0x5a: {  	_ =	shalt  }
0x5b: {  	_ =	shalt  }
0x5c: {  	_ =	shalt  }
0x5d: {  	_ =	shalt  }
0x5e: {  	_ =	shalt  }
0x5f: {  	_ =	shalt  }
0x60: {  	_ =	shalt  }
0x61: {  	_ =	shalt  }
0x62: {  	_ =	shalt  }
0x63: {  	_ =	shalt  }
0x64: {  	_ =	shalt  }
0x65: {  	_ =	shalt  }
0x66: {  	_ =	shalt  }
0x67: {  	_ =	shalt  }
0x68: {  	_ =	shalt  }
0x69: {  	_ =	shalt  }
0x6a: {  	_ =	shalt  }
0x6b: {  	_ =	shalt  }
0x6c: {  	_ =	shalt  }
0x6d: {  	_ =	shalt  }
0x6e: {  	_ =	shalt  }
0x6f: {  	_ =	shalt  }
0x70: {  	_ =	shalt  }
0x71: {  	_ =	shalt  }
0x72: {  	_ =	shalt  }
0x73: {  	_ =	shalt  }
0x74: {  	_ =	shalt  }
0x75: {  	_ =	shalt  }
0x76: {  	_ =	shalt  }
0x77: {  	_ =	shalt  }
0x78: {  	_ =	shalt  }
0x79: {  	_ =	shalt  }
0x7a: {  	_ =	shalt  }
0x7b: {  	_ =	shalt  }
0x7c: {  	_ =	shalt  }
0x7d: {  	_ =	shalt  }
0x7e: {  	_ =	shalt  }
0x7f: {  	_ =	shalt  }
0x80: {  	_ =	shalt  }
0x81: {  	_ =	shalt  }
0x82: {  	_ =	shalt  }
0x83: {  	_ =	shalt  }
0x84: {  	_ =	shalt  }
0x85: {  	_ =	shalt  }
0x86: {  	_ =	shalt  }
0x87: {  	_ =	shalt  }
.Lfunc_end0:
.L_simem_size_0:
called_computation_lowered:
.L_overlay_start_0:
0x88: {  	s2 =	sld [smem:$0x3FD9]  }
0x89: {  	s3 =	sld [smem:$0x3FFE];
	_ =	sdelay $0x1  }
0x8a: {  	s1 =	srdreg.scid  }
0x8b: {  	s0 =	sand.u32 $0x1, s1  }
0x8c: {  	s16 =	sshll.u32 s0, $0xA;
	s2 =	sadd.s32 s3, s2  }
0x8d: {  	s2 =	sadd.s32 s2, s16  }
0x8e: {  	[smem:$0x3FC4] =	sst s2  }
0x8f: {  	_ = 	snop  }
0x90: {  	(tm) =	ssettm $0x1  }
0x91: {  	s17 =	sld [smem:$0x3FFB];
	_ =	sdelay $0x3  }
0x92: {  	_ =	strace s17  }
0x93: {  	s2 =	sld [smem:$0x3FFC];
	_ =	sdelay $0x3  }
0x94: {  	_ =	strace s2  }
0x95: {  	s2 =	sld [smem:$0x3FFD];
	_ =	sdelay $0x3  }
0x96: {  	_ =	strace s2  }
0x97: {  	_ =	strace $0x8FFFFFFF  }
0x98: {  	s18 =	sld [smem:$0x3FDB];
	_ =	sdelay $0x1  }
0x99: {  	s19 =	simm.s32 $_scs_section_size  }
0x9a: {  	s4 =	simm.s32 $_size__tile_overlayer_lowered;
	s5 =	simm.s32 $_tile_overlayer_lowered  }
0x9b: {  	s22 =	simm.s32 $0x1BFF;
	s21 =	sshll.u32 s5, $0x1;
	s2 =	sadd.s32 s19, s18  }
0x9c: {  	s6 =	simm.s32 $0x0;
	s20 =	sshll.u32 s4, $0x1;
	s4 =	sadd.s32 s21, s2  }
0x9d: {  	[timem:s6], [sflag:s22] =	dma.local [hbm:s4], s20  }
0x9e: {  	_ =	swait.ge [sflag:s22], s20  }
0x9f: {  	s3 =	ssub.s32 $0x0, s20;
	[sflag:s22] =	ssyncset.done $0x0  }
0xa0: {  	[sflag:s22] =	ssyncadd.s32 s3;
	_ =	sdelay $0x1  }
0xa1: {  	s23 =	simm.s32 $0x1B8B  }
0xa2: {  	_ =	swait.ge [sflag:s23], $0x1  }
0xa3: {  	[sflag:s23] =	ssyncset.done $0x0  }
0xa4: {  	s25 =	simm.s32 $0x1B8E;
	s24 =	sld [smem:$0x3FFE];
	[sflag:s23] =	ssyncadd.s32 $0xFFFFFFFF  }
0xa5: {  	s26 =	simm.s32 $execute0_lowered;
	[smem:$0x3FD2] =	sst s25  }
0xa6: {  	s4 =	sshll.u32 s26, $0x1;
	_ =	strace $0x80000046;
	[dreg:$0x1] =	wrdreg $0xFFFFFFFF  }
0xa7: {  	s28 =	simm.s32 $_size_execute0_lowered;
	s2 =	sadd.s32 s2, s4;
	[dreg:$0x0] =	wrdreg $0x0  }
0xa8: {  	s4 =	sshll.u32 s28, $0x1;
	[dreg:$0x2] =	wrdreg s2  }
0xa9: {  	[dreg:$0x3] =	wrdreg s4  }
0xaa: {  	[dreg:$0x4] =	wrdreg $0xC0  }
0xab: {  	_ =	task [dreg:s6], $0x5FFFF  }
0xac: {  	[dreg:$0x1] =	wrdreg $0xFFFFFFFF  }
0xad: {  	[dreg:$0x0] =	wrdreg $0x60  }
0xae: {  	[dreg:$0x2] =	wrdreg s24  }
0xaf: {  	[dreg:$0x3] =	wrdreg $0x11C000  }
0xb0: {  	[dreg:$0x4] =	wrdreg $0x9  }
0xb1: {  	_ =	task.clear_ibuf [dreg:s6], $0x5FFFF;
	_ =	strace $0x90000046  }
0xb2: {  	s29 =	simm.s32 $0x9;
	_ =	strace $0x80000048  }
0xb3: {  	_ =	swait.ge [sflag:s29], $0x1  }
0xb4: {  	[sflag:s29] =	ssyncadd.s32 $0xFFFFFFFF  }
0xb5: {  	_ =	strace $0x90000048  }
0xb6: {  	_ =	sfence  }
0xb7: {  	s30 =	sld [smem:$0x0];
	_ =	sdelay $0x2  }
0xb8: {  	s31 =	sshll.u32 s1, $0xD;
	s1 =	sshrl.u32 s1, $0x2  }
0xb9: {  	s3 =	sand.u32 $0x4000, s31;
	s1 =	sadd.s32 s1, s30  }
0xba: {  	s0 =	sor.u32 s3, s0;
	s1 =	sshll.u32 s1, $0x11  }
0xbb: {  	s0 =	sor.u32 s1, s0  }
0xbc: {  	s0 =	sadd.s32 $0x8F2B, s0  }
0xbd: {  	[sflag:s0] =	ssyncadd.remote.s32 $0x1  }
0xbe: {  	_ =	sfence.sel $0xFFFF  }
0xbf: {  	[dreg:$0x0] =	wrdreg $0xFFFFFFFF;
	(pc) =	sbr.abs _section_cstart, $3  }
0xc0: {  	[dreg:$0x1] =	wrdreg $0xFFFFFFFF  }
0xc1: {  	_ =	task.clear_ibuf [dreg:s6], $0x2FFFF;
	_ =	strace $0x9FFFFFFF  }
0xc2: {  	(tm) =	ssettm $0x7FFFFFFF  }
0xc3: {  	_ =	shalt  }
tec
execute0_lowered:
.L_overlay_start_1:
0x0: {  	(tag) =	ssettag $0x1  }
0x1: {  	s4 =	rddreg [dreg:$0x0]  }
0x2: {  	s2 =	rddreg [dreg:$0x1];
	s3 =	srdreg.scid  }
0x3: {  	s0 =	rddreg [dreg:$0x2];
	s1 =	stileid.u32;
	s19 =	simm.s32 $0x2C00  }
0x4: {  	s20 =	simm.s32 $0x5800;
	s21 =	simm.s32 $0xDC00;
	s23 =	simm.s32 $0x1  }
0x5: {  	s24 =	simm.s32 $0x0;
	s5 =	sand.u32 $0x1, s3;
	s3 =	simm.s32 $0x0  }
0x6: {  	s7 =	sshll.u32 s1, $0xF;
	s6 =	smul.u32 $0x580, s1;
	s31 =	sshll.u32 s1, $0x4  }
0x7: {  	s16 =	sshll.u32 s5, $0x16;
	[smem:$0x7FF] =	sst s3;
	s5 =	ssub.s32 $0x2, s5  }
0x8: {  	s22 =	sor.u32 $0x80000, s31;
	s8 =	sor.u32 s7, s16;
	_ =	strace $0x80000047  }
0x9: {  	v1 =	vlaneseq.u32;
	s6 =	sadd.s32 s6, s4;
	s30 =	sshrl.u32 s5, $0x1;
	s7 =	sadd.s32 s7, s2  }
0xa: {  	v1 =	vor.u32 s22, v1;
	s22 =	simm.s32 $0x80;
	s8 =	sshrl.u32 s8, $0x3;
	s18 =	ssub.s32 s5, s30  }
0xb: {  	s5 =	sadd.s32 $0x6C00, s6;
	s17 =	sadd.s32 s8, s4;
	s4 =	sadd.s32 $0xC400, s6  }
0xc: {  	s6 =	sadd.s32 $0x1400, s6;
	s8 =	sadd.s32 $0x4000, s7;
	s9 =	sadd.s32 $0x11C00, s17  }
0xd: {  	v0 =	vmov s16;
	s10 =	sadd.s32 $0x21C00, s17;
	s11 =	sadd.s32 $0x31C00, s17;
	s12 =	sadd.s32 $0x41C00, s17  }
0xe: {  	v0 =	vsub.s32 $0x0, v0;
	s13 =	sadd.s32 $0x51C00, s17;
	s14 =	sadd.s32 $0x61C00, s17;
	s15 =	sadd.s32 $0x71C00, s17  }
0xf: {  	v2 =	vimm.f32 $0.0e+00;
	v0 =	vbroadcast v0, $0x0;
	s16 =	sadd.s32 $0x81C00, s17;
	s17 =	smax.u32 s18, $0x1;
	s18 =	simm.s32 $0x2  }
.LBB2_1:
0x10: {  	[tilespmem:s3], [sflag:$0x2] =	stream.linear.gather [hbm4b:s4+s3], $0x2C00, $0x38;
	[tilespmem:$0x19C10] =	vst v63  }
0x11: {  	_ =	swait.ge [sflag:s18], $0x2C00  }
0x12: {  	[sflag:s18] =	ssyncset.done $0x0  }
0x13: {  	[sflag:s18] =	ssyncadd.s32 $0xFFFFD400  }
0x14: {  	[tilespmem:s19], [sflag:$0x2] =	stream.linear.gather [hbm4b:s5+s3], $0x2C00, $0x38;
	[tilespmem:$0x19C10] =	vst v63  }
0x15: {  	_ =	swait.ge [sflag:s18], $0x2C00  }
0x16: {  	[sflag:s18] =	ssyncset.done $0x0  }
0x17: {  	[sflag:s18] =	ssyncadd.s32 $0xFFFFD400  }
0x18: {  	[tilespmem:s20], [sflag:$0x2] =	stream.linear.gather [hbm4b:s6+s3], $0x2C00, $0x38;
	[tilespmem:$0x19C10] =	vst v63  }
0x19: {  	_ =	swait.ge [sflag:s18], $0x2C00  }
0x1a: {  	[sflag:s18] =	ssyncset.done $0x0  }
0x1b: {  	s25 =	simm.s32 $0x0;
	[sflag:s18] =	ssyncadd.s32 $0xFFFFD400  }
.LBB2_2:
0x1c: {  	p0 =	sne.s32 s25, $0xFFC0  }
.Ltmp0:
0x1d: {  	_ = 	snop;
	(pc) =	sbr.rel @p0 .LBB2_2-.Ltmp0, $3  }
0x1e: {  	_ =	sdelay $0x1  }
0x1f: {  	s26 =	sshra.s32 s25, $0x2  }
0x20: {  	s25 =	sadd.s32 $0x40, s25;
	[tilespmem:s26+$0xDC00] =	vst v2  }
0x21: {  	s25 =	simm.s32 $0x0  }
0x22: {  	v3 =	vld [tilespmem:s25+$0x70]  }
0x23: {  	v4 =	vld [tilespmem:s25+$0x2C70]  }
0x24: {  	v5 =	vld [tilespmem:s25+$0x0]  }
0x25: {  	v6 =	vld [tilespmem:s25+$0x2C00]  }
0x26: {  	v7 =	vld [tilespmem:s25+$0x10]  }
0x27: {  	v8 =	vld [tilespmem:s25+$0x2C10]  }
0x28: {  	v9 =	vld [tilespmem:s25+$0x20]  }
0x29: {  	v10 =	vld [tilespmem:s25+$0x2C20];
	v3 =	vshll.u32 v3, $0xC;
	v4 =	vadd.s32 v0, v4  }
0x2a: {  	v11 =	vld [tilespmem:s25+$0x30];
	v3 =	vadd.s32 v3, v4;
	v4 =	vshll.u32 v5, $0xC;
	v5 =	vadd.s32 v0, v6  }
0x2b: {  	v12 =	vld [tilespmem:s25+$0x2C30];
	[tilespmem:s25+$0x8470] =	vst v3;
	v3 =	vadd.s32 v4, v5  }
0x2c: {  	v13 =	vld [tilespmem:s25+$0x2C40];
	v4 =	vadd.s32 v0, v8;
	[tilespmem:s25+$0x8400] =	vst v3;
	v3 =	vshll.u32 v7, $0xC  }
0x2d: {  	v8 =	vld [tilespmem:s25+$0x40];
	v3 =	vadd.s32 v3, v4  }
0x2e: {  	v5 =	vld [tilespmem:s25+$0x50];
	v4 =	vadd.s32 v0, v10;
	[tilespmem:s25+$0x8410] =	vst v3;
	v3 =	vshll.u32 v9, $0xC  }
0x2f: {  	v6 =	vld [tilespmem:s25+$0x2C50];
	v3 =	vadd.s32 v3, v4  }
0x30: {  	v9 =	vadd.s32 v0, v12;
	v4 =	vld [tilespmem:s25+$0x60];
	[tilespmem:s25+$0x8420] =	vst v3;
	v3 =	vshll.u32 v11, $0xC  }
0x31: {  	s26 =	simm.s32 $0x80;
	v7 =	vld [tilespmem:s25+$0x2C60];
	v9 =	vadd.s32 v3, v9  }
0x32: {  	s28 =	simm.s32 $0x400;
	v8 =	vshll.u32 v8, $0xC;
	v3 =	vld [tilespmem:s26+$0x70];
	[tilespmem:s25+$0x8430] =	vst v9;
	v9 =	vadd.s32 v0, v13  }
.LBB2_4:
0x33: {  	p0 =	sne.s32 s28, $0xAE00;
	v10 =	vld [tilespmem:s26+$0x2C70];
	v8 =	vadd.s32 v8, v9;
	v5 =	vshll.u32 v5, $0xC  }
0x34: {  	v9 =	vld [tilespmem:s26+$0x0];
	[tilespmem:s25+$0x8440] =	vst v8;
	v6 =	vadd.s32 v0, v6  }
0x35: {  	v8 =	vld [tilespmem:s26+$0x2C00];
	v5 =	vadd.s32 v5, v6;
	v4 =	vshll.u32 v4, $0xC  }
0x36: {  	v6 =	vld [tilespmem:s26+$0x10];
	[tilespmem:s25+$0x8450] =	vst v5;
	v5 =	vadd.s32 v0, v7  }
0x37: {  	v7 =	vld [tilespmem:s26+$0x2C10];
	v4 =	vadd.s32 v4, v5  }
0x38: {  	v3 =	vshll.u32 v3, $0xC;
	v5 =	vld [tilespmem:s26+$0x20];
	v10 =	vadd.s32 v0, v10;
	[tilespmem:s25+$0x8460] =	vst v4;
	s25 =	smov.u32 s26  }
0x39: {  	v4 =	vshll.u32 v9, $0xC;
	v9 =	vld [tilespmem:s25+$0x2C20];
	v3 =	vadd.s32 v3, v10  }
0x3a: {  	v8 =	vadd.s32 v0, v8;
	v10 =	vld [tilespmem:s25+$0x30];
	[tilespmem:s25+$0x8470] =	vst v3  }
0x3b: {  	v3 =	vadd.s32 v4, v8;
	v4 =	vshll.u32 v6, $0xC;
	v8 =	vld [tilespmem:s25+$0x2C30]  }
0x3c: {  	[tilespmem:s25+$0x8400] =	vst v3;
	v3 =	vadd.s32 v0, v7;
	v7 =	vld [tilespmem:s25+$0x40]  }
0x3d: {  	v3 =	vadd.s32 v4, v3;
	v4 =	vshll.u32 v5, $0xC;
	v11 =	vld [tilespmem:s25+$0x2C40]  }
.Ltmp1:
0x3e: {  	[tilespmem:s25+$0x8410] =	vst v3;
	v3 =	vadd.s32 v0, v9;
	v5 =	vld [tilespmem:s25+$0x50];
	(pc) =	sbr.rel @p0 .LBB2_4-.Ltmp1, $4  }
0x3f: {  	v3 =	vadd.s32 v4, v3;
	v9 =	vshll.u32 v10, $0xC;
	v6 =	vld [tilespmem:s25+$0x2C50]  }
0x40: {  	[tilespmem:s25+$0x8420] =	vst v3;
	v3 =	vadd.s32 v0, v8;
	v4 =	vld [tilespmem:s25+$0x60]  }
0x41: {  	s26 =	sshra.s32 s28, $0x2;
	v9 =	vadd.s32 v9, v3;
	v8 =	vshll.u32 v7, $0xC;
	v7 =	vld [tilespmem:s25+$0x2C60]  }
0x42: {  	s28 =	sadd.s32 $0x200, s28;
	v3 =	vld [tilespmem:s26+$0x70];
	[tilespmem:s25+$0x8430] =	vst v9;
	v9 =	vadd.s32 v0, v11  }
0x43: {  	v10 =	vld [tilespmem:s26+$0x2C70];
	v8 =	vadd.s32 v8, v9  }
0x44: {  	v9 =	vld [tilespmem:s26+$0x0];
	v5 =	vshll.u32 v5, $0xC;
	[tilespmem:s25+$0x8440] =	vst v8;
	v6 =	vadd.s32 v0, v6  }
0x45: {  	v8 =	vld [tilespmem:s26+$0x2C00];
	v5 =	vadd.s32 v5, v6  }
0x46: {  	v6 =	vld [tilespmem:s26+$0x10];
	v4 =	vshll.u32 v4, $0xC;
	[tilespmem:s25+$0x8450] =	vst v5;
	v5 =	vadd.s32 v0, v7  }
0x47: {  	v7 =	vld [tilespmem:s26+$0x2C10];
	v4 =	vadd.s32 v4, v5  }
0x48: {  	v5 =	vld [tilespmem:s26+$0x20];
	[tilespmem:s25+$0x8460] =	vst v4  }
0x49: {  	v3 =	vshll.u32 v3, $0xC;
	v4 =	vadd.s32 v0, v10;
	v10 =	vld [tilespmem:s26+$0x2C20]  }
0x4a: {  	v9 =	vshll.u32 v9, $0xC;
	v3 =	vadd.s32 v3, v4;
	v4 =	vld [tilespmem:s26+$0x30];
	v8 =	vadd.s32 v0, v8  }
0x4b: {  	[tilespmem:s26+$0x8470] =	vst v3;
	v3 =	vadd.s32 v9, v8;
	v8 =	vld [tilespmem:s26+$0x2C30]  }
0x4c: {  	v9 =	vld [tilespmem:s26+$0x50]  }
0x4d: {  	[tilespmem:s26+$0x8400] =	vst v3;
	v3 =	vshll.u32 v6, $0xC;
	v6 =	vadd.s32 v0, v7;
	v7 =	vld [tilespmem:s26+$0x40]  }
0x4e: {  	v3 =	vadd.s32 v3, v6;
	v6 =	vld [tilespmem:s26+$0x2C40]  }
0x4f: {  	[tilespmem:s26+$0x8410] =	vst v3;
	v3 =	vshll.u32 v5, $0xC;
	v5 =	vadd.s32 v0, v10;
	v10 =	vld [tilespmem:s26+$0x2C60]  }
0x50: {  	v3 =	vadd.s32 v3, v5;
	v5 =	vld [tilespmem:s26+$0x2C50]  }
0x51: {  	[tilespmem:s26+$0x8420] =	vst v3;
	v3 =	vld [tilespmem:s26+$0x60];
	_ =	sdelay $0x1  }
0x52: {  	v4 =	vshll.u32 v4, $0xC;
	v8 =	vadd.s32 v0, v8  }
0x53: {  	v4 =	vadd.s32 v4, v8;
	v7 =	vshll.u32 v7, $0xC;
	v6 =	vadd.s32 v0, v6  }
0x54: {  	[tilespmem:s26+$0x8430] =	vst v4;
	v4 =	vadd.s32 v7, v6;
	v6 =	vshll.u32 v9, $0xC;
	v5 =	vadd.s32 v0, v5  }
0x55: {  	[tilespmem:s26+$0x8440] =	vst v4;
	v4 =	vadd.s32 v6, v5;
	v3 =	vshll.u32 v3, $0xC;
	v5 =	vadd.s32 v0, v10  }
0x56: {  	[tilespmem:s26+$0x8450] =	vst v4;
	v3 =	vadd.s32 v3, v5  }
0x57: {  	[tilespmem:s26+$0x8460] =	vst v3  }
0x58: {  	[spmem:s7] =	stream.linear.scatter [tilespmem:s21], [sflag:$0x2], $0x4000, $0x38;
	[tilespmem:$0x19C10] =	vst v63  }
0x59: {  	_ =	swait.ge [sflag:s18], $0x4000  }
0x5a: {  	[sflag:s18] =	ssyncset.done $0x0  }
0x5b: {  	[sflag:s18] =	ssyncadd.s32 $0xFFFFC000  }
0x5c: {  	[spmem:s8] =	stream.linear.scatter [tilespmem:s21], [sflag:$0x2], $0x4000, $0x38;
	[tilespmem:$0x19C10] =	vst v63  }
0x5d: {  	_ =	swait.ge [sflag:s18], $0x4000  }
0x5e: {  	[sflag:s18] =	ssyncset.done $0x0  }
0x5f: {  	s26 =	simm.s32 $0x0;
	[sflag:s18] =	ssyncadd.s32 $0xFFFFC000  }
0x60: {  	v5 =	vld [tilespmem:s26+$0x8470]  }
0x61: {  	v9 =	vld [tilespmem:s26+$0x8400]  }
0x62: {  	v8 =	vld [tilespmem:s26+$0x8410]  }
0x63: {  	v7 =	vld [tilespmem:s26+$0x8420]  }
0x64: {  	v6 =	vld [tilespmem:s26+$0x8430]  }
0x65: {  	v4 =	vld [tilespmem:s26+$0x8440];
	vm0 =	vlt.u32 v5, $0x80000  }
0x66: {  	v3 =	vld [tilespmem:s26+$0x8450];
	vm1 =	vlt.u32 v9, $0x80000;
	v10 =	vsel vm0, v5, v1  }
0x67: {  	s28 =	simm.s32 $0x400;
	s25 =	simm.s32 $0x80;
	v5 =	vld [tilespmem:s26+$0x8460];
	v9 =	vsel vm1, v9, v1;
	vm0 =	vlt.u32 v8, $0x80000;
	[tilespmem:s26+$0xB070] =	vst v10  }
.LBB2_6:
0x68: {  	p0 =	sne.s32 s28, $0xAE00;
	v10 =	vld [tilespmem:s25+$0x8470];
	[tilespmem:s26+$0xB000] =	vst v9;
	v8 =	vsel vm0, v8, v1;
	vm0 =	vlt.u32 v7, $0x80000  }
0x69: {  	v9 =	vld [tilespmem:s25+$0x8400];
	[tilespmem:s26+$0xB010] =	vst v8;
	v7 =	vsel vm0, v7, v1;
	vm0 =	vlt.u32 v6, $0x80000  }
0x6a: {  	v8 =	vld [tilespmem:s25+$0x8410];
	[tilespmem:s26+$0xB020] =	vst v7;
	v6 =	vsel vm0, v6, v1;
	vm0 =	vlt.u32 v4, $0x80000  }
.Ltmp2:
0x6b: {  	v7 =	vld [tilespmem:s25+$0x8420];
	[tilespmem:s26+$0xB030] =	vst v6;
	v4 =	vsel vm0, v4, v1;
	vm0 =	vlt.u32 v3, $0x80000;
	(pc) =	sbr.rel @p0 .LBB2_6-.Ltmp2, $4  }
0x6c: {  	v6 =	vld [tilespmem:s25+$0x8430];
	[tilespmem:s26+$0xB040] =	vst v4;
	v3 =	vsel vm0, v3, v1;
	vm0 =	vlt.u32 v5, $0x80000  }
0x6d: {  	v4 =	vld [tilespmem:s25+$0x8440];
	vm1 =	vlt.u32 v10, $0x80000;
	[tilespmem:s26+$0xB050] =	vst v3;
	v5 =	vsel vm0, v5, v1  }
0x6e: {  	vm0 =	vlt.u32 v9, $0x80000;
	v3 =	vld [tilespmem:s25+$0x8450];
	v10 =	vsel vm1, v10, v1;
	[tilespmem:s26+$0xB060] =	vst v5;
	s26 =	smov.u32 s25  }
0x6f: {  	s25 =	sshra.s32 s28, $0x2;
	s28 =	sadd.s32 $0x200, s28;
	v9 =	vsel vm0, v9, v1;
	vm0 =	vlt.u32 v8, $0x80000;
	v5 =	vld [tilespmem:s26+$0x8460];
	[tilespmem:s26+$0xB070] =	vst v10  }
0x70: {  	v10 =	vld [tilespmem:s25+$0x8470];
	[tilespmem:s26+$0xB000] =	vst v9;
	v8 =	vsel vm0, v8, v1;
	vm4 =	vlt.u32 v7, $0x80000  }
0x71: {  	v9 =	vld [tilespmem:s25+$0x8400];
	[tilespmem:s26+$0xB010] =	vst v8;
	v7 =	vsel vm4, v7, v1;
	vm5 =	vlt.u32 v6, $0x80000  }
0x72: {  	v8 =	vld [tilespmem:s25+$0x8410];
	[tilespmem:s26+$0xB020] =	vst v7;
	v6 =	vsel vm5, v6, v1;
	vm6 =	vlt.u32 v4, $0x80000  }
0x73: {  	v7 =	vld [tilespmem:s25+$0x8420];
	[tilespmem:s26+$0xB030] =	vst v6;
	v4 =	vsel vm6, v4, v1;
	vm7 =	vlt.u32 v3, $0x80000  }
0x74: {  	v6 =	vld [tilespmem:s25+$0x8430];
	[tilespmem:s26+$0xB040] =	vst v4;
	v3 =	vsel vm7, v3, v1;
	vm8 =	vlt.u32 v5, $0x80000  }
0x75: {  	v4 =	vld [tilespmem:s25+$0x8440];
	[tilespmem:s26+$0xB050] =	vst v3;
	v3 =	vsel vm8, v5, v1;
	vm9 =	vlt.u32 v10, $0x80000  }
0x76: {  	v62 =	vld [tilespmem:s25+$0x8450];
	[tilespmem:s26+$0xB060] =	vst v3;
	vm1 =	vlt.u32 v9, $0x80000;
	v3 =	vsel vm9, v10, v1  }
0x77: {  	v63 =	vld [tilespmem:s25+$0x8460];
	v9 =	vsel vm1, v9, v1;
	vm10 =	vlt.u32 v8, $0x80000;
	[tilespmem:s25+$0xB070] =	vst v3  }
0x78: {  	[tilespmem:s25+$0xB000] =	vst v9;
	v3 =	vsel vm10, v8, v1;
	vm11 =	vlt.u32 v7, $0x80000  }
0x79: {  	[tilespmem:s25+$0xB010] =	vst v3;
	v3 =	vsel vm11, v7, v1;
	vm12 =	vlt.u32 v6, $0x80000  }
0x7a: {  	[tilespmem:s25+$0xB020] =	vst v3;
	v3 =	vsel vm12, v6, v1;
	vm13 =	vlt.u32 v4, $0x80000  }
0x7b: {  	[tilespmem:s25+$0xB030] =	vst v3;
	v3 =	vsel vm13, v4, v1;
	vm14 =	vlt.u32 v62, $0x80000  }
0x7c: {  	[tilespmem:s25+$0xB040] =	vst v3;
	v3 =	vsel vm14, v62, v1;
	vm15 =	vlt.u32 v63, $0x80000  }
0x7d: {  	[tilespmem:s25+$0xB050] =	vst v3;
	v3 =	vsel vm15, v63, v1  }
0x7e: {  	[tilespmem:s25+$0xB060] =	vst v3  }
0x7f: {  	s25 =	simm.s32 $0x0;
	[bflag:$0x0] =	sbarrier.arrive $0xFFFF  }
.LBB2_8:
0x80: {  	p0 =	sne.s32 s25, $0xAE00  }
.Ltmp3:
0x81: {  	_ = 	snop;
	(pc) =	sbr.rel @p0 .LBB2_8-.Ltmp3, $4  }
0x82: {  	_ = 	snop  }
0x83: {  	s26 =	sshra.s32 s25, $0x2  }
0x84: {  	s25 =	sadd.s32 $0x200, s25;
	s28 =	sadd.s32 $0x5800, s26;
	s26 =	sadd.s32 $0xB000, s26  }
0x85: {  	[spmem:s2] =	stream.indirect.scatter.add.f32 [tilespmem:s28], [sflag:$0x1], $0x1, s26, s22, $0xb8;
	[tilespmem:$0x19C10] =	vst v63  }
0x86: {  	_ =	swait.ge [sflag:s23], $0x80  }
0x87: {  	s25 =	simm.s32 $0x57;
	[sflag:s23] =	ssyncset.done $0x0  }
.LBB2_10:
0x88: {  	p0 =	sne.s32 s25, $0x1;
	s25 =	sadd.s32 $0xFFFFFFFF, s25;
	[sflag:s23] =	ssyncadd.s32 $0xFFFFFF80  }
.Ltmp4:
0x89: {  	(pc) =	sbr.rel @p0 .LBB2_10-.Ltmp4, $3  }
0x8a: {  	_ =	sdelay $0x1  }
0x8b: {  	_ =	swait.ge [sflag:s23], $0x80  }
0x8c: {  	[sflag:s23] =	ssyncset.done $0x0  }
0x8d: {  	[sflag:s23] =	ssyncadd.s32 $0xFFFFFF80;
	s25 =	sshll.u32 s1, $0x6  }
0x8e: {  	s26 =	sshrl.u32 s7, $0x3;
	[bflag:$0x0] =	sbarrier.arrive $0xFFFF;
	s25 =	sor.u32 $0x1C02, s25  }
0x8f: {  	[hbm:s9], [sflag:s25] =	dma.local [spmem:s26], $0x1000  }
0x90: {  	_ =	swait.ge [sflag:s18], $0x1000  }
0x91: {  	[sflag:s18] =	ssyncset.done $0x0  }
0x92: {  	[sflag:s18] =	ssyncadd.s32 $0xFFFFF000  }
0x93: {  	[spmem:s7] =	stream.linear.scatter [tilespmem:s21], [sflag:$0x2], $0x4000, $0x38;
	[tilespmem:$0x19C10] =	vst v63  }
0x94: {  	_ =	swait.ge [sflag:s18], $0x4000  }
0x95: {  	[sflag:s18] =	ssyncset.done $0x0  }
0x96: {  	[sflag:s18] =	ssyncadd.s32 $0xFFFFC000  }
0x97: {  	[spmem:s8] =	stream.linear.scatter [tilespmem:s21], [sflag:$0x2], $0x4000, $0x38;
	[tilespmem:$0x19C10] =	vst v63  }
0x98: {  	_ =	swait.ge [sflag:s18], $0x4000  }
0x99: {  	[sflag:s18] =	ssyncset.done $0x0  }
0x9a: {  	s29 =	simm.s32 $0x0;
	[sflag:s18] =	ssyncadd.s32 $0xFFFFC000  }
0x9b: {  	v3 =	vld [tilespmem:s29+$0x8470]  }
0x9c: {  	v5 =	vld [tilespmem:s29+$0x8400]  }
0x9d: {  	v9 =	vld [tilespmem:s29+$0x8410]  }
0x9e: {  	v7 =	vld [tilespmem:s29+$0x8420]  }
0x9f: {  	v6 =	vld [tilespmem:s29+$0x8430]  }
0xa0: {  	v4 =	vld [tilespmem:s29+$0x8440];
	v10 =	vadd.s32 $0xFFF80000, v3  }
0xa1: {  	v8 =	vadd.s32 $0xFFF80000, v5;
	v3 =	vld [tilespmem:s29+$0x8450];
	vm1 =	vlt.u32 v10, $0x80000  }
0xa2: {  	s28 =	simm.s32 $0x80;
	s30 =	simm.s32 $0x400;
	v9 =	vadd.s32 $0xFFF80000, v9;
	v5 =	vld [tilespmem:s29+$0x8460];
	vm0 =	vlt.u32 v8, $0x80000;
	v10 =	vsel vm1, v10, v1  }
.LBB2_12:
0xa3: {  	p0 =	sne.s32 s30, $0xAE00;
	v11 =	vld [tilespmem:s28+$0x8470];
	v8 =	vsel vm0, v8, v1;
	vm0 =	vlt.u32 v9, $0x80000;
	v7 =	vadd.s32 $0xFFF80000, v7;
	[tilespmem:s29+$0xB070] =	vst v10  }
0xa4: {  	v10 =	vld [tilespmem:s28+$0x8400];
	[tilespmem:s29+$0xB000] =	vst v8;
	v8 =	vsel vm0, v9, v1;
	vm0 =	vlt.u32 v7, $0x80000;
	v6 =	vadd.s32 $0xFFF80000, v6  }
0xa5: {  	v9 =	vld [tilespmem:s28+$0x8410];
	[tilespmem:s29+$0xB010] =	vst v8;
	v8 =	vsel vm0, v7, v1;
	vm0 =	vlt.u32 v6, $0x80000;
	v4 =	vadd.s32 $0xFFF80000, v4  }
.Ltmp5:
0xa6: {  	v7 =	vld [tilespmem:s28+$0x8420];
	[tilespmem:s29+$0xB020] =	vst v8;
	v8 =	vsel vm0, v6, v1;
	vm0 =	vlt.u32 v4, $0x80000;
	v3 =	vadd.s32 $0xFFF80000, v3;
	(pc) =	sbr.rel @p0 .LBB2_12-.Ltmp5, $4  }
0xa7: {  	v6 =	vld [tilespmem:s28+$0x8430];
	[tilespmem:s29+$0xB030] =	vst v8;
	v8 =	vsel vm0, v4, v1;
	vm0 =	vlt.u32 v3, $0x80000;
	v5 =	vadd.s32 $0xFFF80000, v5  }
0xa8: {  	v4 =	vld [tilespmem:s28+$0x8440];
	v11 =	vadd.s32 $0xFFF80000, v11;
	[tilespmem:s29+$0xB040] =	vst v8;
	v12 =	vsel vm0, v3, v1;
	vm0 =	vlt.u32 v5, $0x80000  }
0xa9: {  	v8 =	vadd.s32 $0xFFF80000, v10;
	v3 =	vld [tilespmem:s28+$0x8450];
	vm1 =	vlt.u32 v11, $0x80000;
	[tilespmem:s29+$0xB050] =	vst v12;
	v12 =	vsel vm0, v5, v1  }
0xaa: {  	vm0 =	vlt.u32 v8, $0x80000;
	v9 =	vadd.s32 $0xFFF80000, v9;
	v5 =	vld [tilespmem:s28+$0x8460];
	v10 =	vsel vm1, v11, v1;
	[tilespmem:s29+$0xB060] =	vst v12;
	s29 =	smov.u32 s28;
	s28 =	sshra.s32 s30, $0x2;
	s30 =	sadd.s32 $0x200, s30  }
0xab: {  	v11 =	vld [tilespmem:s28+$0x8470];
	[tilespmem:s29+$0xB070] =	vst v10;
	v8 =	vsel vm0, v8, v1;
	vm15 =	vlt.u32 v9, $0x80000;
	v7 =	vadd.s32 $0xFFF80000, v7  }
0xac: {  	v10 =	vld [tilespmem:s28+$0x8400];
	[tilespmem:s29+$0xB000] =	vst v8;
	v56 =	vsel vm15, v9, v1;
	vm4 =	vlt.u32 v7, $0x80000;
	v6 =	vadd.s32 $0xFFF80000, v6  }
0xad: {  	v57 =	vld [tilespmem:s28+$0x8410];
	[tilespmem:s29+$0xB010] =	vst v56;
	v7 =	vsel vm4, v7, v1;
	vm5 =	vlt.u32 v6, $0x80000;
	v4 =	vadd.s32 $0xFFF80000, v4  }
0xae: {  	v8 =	vld [tilespmem:s28+$0x8420];
	[tilespmem:s29+$0xB020] =	vst v7;
	v6 =	vsel vm5, v6, v1;
	vm6 =	vlt.u32 v4, $0x80000;
	v3 =	vadd.s32 $0xFFF80000, v3  }
0xaf: {  	v7 =	vld [tilespmem:s28+$0x8430];
	[tilespmem:s29+$0xB030] =	vst v6;
	v4 =	vsel vm6, v4, v1;
	vm7 =	vlt.u32 v3, $0x80000;
	v58 =	vadd.s32 $0xFFF80000, v5  }
0xb0: {  	v6 =	vld [tilespmem:s28+$0x8440];
	[tilespmem:s29+$0xB040] =	vst v4;
	v3 =	vsel vm7, v3, v1;
	v11 =	vadd.s32 $0xFFF80000, v11;
	vm8 =	vlt.u32 v58, $0x80000  }
0xb1: {  	v59 =	vld [tilespmem:s28+$0x8450];
	[tilespmem:s29+$0xB050] =	vst v3;
	v3 =	vadd.s32 $0xFFF80000, v10;
	vm1 =	vlt.u32 v11, $0x80000;
	v4 =	vsel vm8, v58, v1  }
0xb2: {  	v60 =	vld [tilespmem:s28+$0x8460];
	vm9 =	vlt.u32 v3, $0x80000;
	v9 =	vadd.s32 $0xFFF80000, v57;
	v11 =	vsel vm1, v11, v1;
	[tilespmem:s29+$0xB060] =	vst v4  }
0xb3: {  	v3 =	vsel vm9, v3, v1;
	vm10 =	vlt.u32 v9, $0x80000;
	v61 =	vadd.s32 $0xFFF80000, v8;
	[tilespmem:s28+$0xB070] =	vst v11  }
0xb4: {  	[tilespmem:s28+$0xB000] =	vst v3;
	v3 =	vsel vm10, v9, v1;
	vm11 =	vlt.u32 v61, $0x80000;
	v7 =	vadd.s32 $0xFFF80000, v7  }
0xb5: {  	[tilespmem:s28+$0xB010] =	vst v3;
	v3 =	vsel vm11, v61, v1;
	vm12 =	vlt.u32 v7, $0x80000;
	v62 =	vadd.s32 $0xFFF80000, v6  }
0xb6: {  	[tilespmem:s28+$0xB020] =	vst v3;
	v3 =	vsel vm12, v7, v1;
	vm13 =	vlt.u32 v62, $0x80000;
	v5 =	vadd.s32 $0xFFF80000, v59  }
0xb7: {  	[tilespmem:s28+$0xB030] =	vst v3;
	v3 =	vsel vm13, v62, v1;
	vm14 =	vlt.u32 v5, $0x80000;
	v63 =	vadd.s32 $0xFFF80000, v60  }
0xb8: {  	[tilespmem:s28+$0xB040] =	vst v3;
	v3 =	vsel vm14, v5, v1;
	vm15 =	vlt.u32 v63, $0x80000  }
0xb9: {  	[tilespmem:s28+$0xB050] =	vst v3;
	v3 =	vsel vm15, v63, v1  }
0xba: {  	[tilespmem:s28+$0xB060] =	vst v3  }
0xbb: {  	s28 =	simm.s32 $0x0;
	[bflag:$0x0] =	sbarrier.arrive $0xFFFF  }
.LBB2_14:
0xbc: {  	p0 =	sne.s32 s28, $0xAE00  }
.Ltmp6:
0xbd: {  	_ = 	snop;
	(pc) =	sbr.rel @p0 .LBB2_14-.Ltmp6, $4  }
0xbe: {  	_ = 	snop  }
0xbf: {  	s29 =	sshra.s32 s28, $0x2  }
0xc0: {  	s28 =	sadd.s32 $0x200, s28;
	s30 =	sadd.s32 $0x5800, s29;
	s29 =	sadd.s32 $0xB000, s29  }
0xc1: {  	[spmem:s2] =	stream.indirect.scatter.add.f32 [tilespmem:s30], [sflag:$0x1], $0x1, s29, s22, $0xb8;
	[tilespmem:$0x19C10] =	vst v63  }
0xc2: {  	_ =	swait.ge [sflag:s23], $0x80  }
0xc3: {  	s28 =	simm.s32 $0x57;
	[sflag:s23] =	ssyncset.done $0x0  }
.LBB2_16:
0xc4: {  	p0 =	sne.s32 s28, $0x1;
	s28 =	sadd.s32 $0xFFFFFFFF, s28;
	[sflag:s23] =	ssyncadd.s32 $0xFFFFFF80  }
.Ltmp7:
0xc5: {  	(pc) =	sbr.rel @p0 .LBB2_16-.Ltmp7, $3  }
0xc6: {  	_ =	sdelay $0x1  }
0xc7: {  	_ =	swait.ge [sflag:s23], $0x80  }
0xc8: {  	[sflag:s23] =	ssyncset.done $0x0  }
0xc9: {  	[sflag:s23] =	ssyncadd.s32 $0xFFFFFF80  }
0xca: {  	[bflag:$0x0] =	sbarrier.arrive $0xFFFF  }
0xcb: {  	[hbm:s10], [sflag:s25] =	dma.local [spmem:s26], $0x1000  }
0xcc: {  	_ =	swait.ge [sflag:s18], $0x1000  }
0xcd: {  	[sflag:s18] =	ssyncset.done $0x0  }
0xce: {  	[sflag:s18] =	ssyncadd.s32 $0xFFFFF000  }
0xcf: {  	[spmem:s7] =	stream.linear.scatter [tilespmem:s21], [sflag:$0x2], $0x4000, $0x38;
	[tilespmem:$0x19C10] =	vst v63  }
0xd0: {  	_ =	swait.ge [sflag:s18], $0x4000  }
0xd1: {  	[sflag:s18] =	ssyncset.done $0x0  }
0xd2: {  	[sflag:s18] =	ssyncadd.s32 $0xFFFFC000  }
0xd3: {  	[spmem:s8] =	stream.linear.scatter [tilespmem:s21], [sflag:$0x2], $0x4000, $0x38;
	[tilespmem:$0x19C10] =	vst v63  }
0xd4: {  	_ =	swait.ge [sflag:s18], $0x4000  }
0xd5: {  	[sflag:s18] =	ssyncset.done $0x0  }
0xd6: {  	s29 =	simm.s32 $0x0;
	[sflag:s18] =	ssyncadd.s32 $0xFFFFC000  }
0xd7: {  	v3 =	vld [tilespmem:s29+$0x8470]  }
0xd8: {  	v5 =	vld [tilespmem:s29+$0x8400]  }
0xd9: {  	v9 =	vld [tilespmem:s29+$0x8410]  }
0xda: {  	v7 =	vld [tilespmem:s29+$0x8420]  }
0xdb: {  	v6 =	vld [tilespmem:s29+$0x8430]  }
0xdc: {  	v4 =	vld [tilespmem:s29+$0x8440];
	v10 =	vadd.s32 $0xFFF00000, v3  }
0xdd: {  	v8 =	vadd.s32 $0xFFF00000, v5;
	v3 =	vld [tilespmem:s29+$0x8450];
	vm1 =	vlt.u32 v10, $0x80000  }
0xde: {  	s28 =	simm.s32 $0x80;
	s30 =	simm.s32 $0x400;
	v9 =	vadd.s32 $0xFFF00000, v9;
	v5 =	vld [tilespmem:s29+$0x8460];
	vm0 =	vlt.u32 v8, $0x80000;
	v10 =	vsel vm1, v10, v1  }
.LBB2_18:
0xdf: {  	p0 =	sne.s32 s30, $0xAE00;
	v11 =	vld [tilespmem:s28+$0x8470];
	v8 =	vsel vm0, v8, v1;
	vm0 =	vlt.u32 v9, $0x80000;
	v7 =	vadd.s32 $0xFFF00000, v7;
	[tilespmem:s29+$0xB070] =	vst v10  }
0xe0: {  	v10 =	vld [tilespmem:s28+$0x8400];
	[tilespmem:s29+$0xB000] =	vst v8;
	v8 =	vsel vm0, v9, v1;
	vm0 =	vlt.u32 v7, $0x80000;
	v6 =	vadd.s32 $0xFFF00000, v6  }
0xe1: {  	v9 =	vld [tilespmem:s28+$0x8410];
	[tilespmem:s29+$0xB010] =	vst v8;
	v8 =	vsel vm0, v7, v1;
	vm0 =	vlt.u32 v6, $0x80000;
	v4 =	vadd.s32 $0xFFF00000, v4  }
.Ltmp8:
0xe2: {  	v7 =	vld [tilespmem:s28+$0x8420];
	[tilespmem:s29+$0xB020] =	vst v8;
	v8 =	vsel vm0, v6, v1;
	vm0 =	vlt.u32 v4, $0x80000;
	v3 =	vadd.s32 $0xFFF00000, v3;
	(pc) =	sbr.rel @p0 .LBB2_18-.Ltmp8, $4  }
0xe3: {  	v6 =	vld [tilespmem:s28+$0x8430];
	[tilespmem:s29+$0xB030] =	vst v8;
	v8 =	vsel vm0, v4, v1;
	vm0 =	vlt.u32 v3, $0x80000;
	v5 =	vadd.s32 $0xFFF00000, v5  }
0xe4: {  	v4 =	vld [tilespmem:s28+$0x8440];
	v11 =	vadd.s32 $0xFFF00000, v11;
	[tilespmem:s29+$0xB040] =	vst v8;
	v12 =	vsel vm0, v3, v1;
	vm0 =	vlt.u32 v5, $0x80000  }
0xe5: {  	v8 =	vadd.s32 $0xFFF00000, v10;
	v3 =	vld [tilespmem:s28+$0x8450];
	vm1 =	vlt.u32 v11, $0x80000;
	[tilespmem:s29+$0xB050] =	vst v12;
	v12 =	vsel vm0, v5, v1  }
0xe6: {  	vm0 =	vlt.u32 v8, $0x80000;
	v9 =	vadd.s32 $0xFFF00000, v9;
	v5 =	vld [tilespmem:s28+$0x8460];
	v10 =	vsel vm1, v11, v1;
	[tilespmem:s29+$0xB060] =	vst v12;
	s29 =	smov.u32 s28;
	s28 =	sshra.s32 s30, $0x2;
	s30 =	sadd.s32 $0x200, s30  }
0xe7: {  	v11 =	vld [tilespmem:s28+$0x8470];
	[tilespmem:s29+$0xB070] =	vst v10;
	v8 =	vsel vm0, v8, v1;
	vm15 =	vlt.u32 v9, $0x80000;
	v7 =	vadd.s32 $0xFFF00000, v7  }
0xe8: {  	v10 =	vld [tilespmem:s28+$0x8400];
	[tilespmem:s29+$0xB000] =	vst v8;
	v56 =	vsel vm15, v9, v1;
	vm4 =	vlt.u32 v7, $0x80000;
	v6 =	vadd.s32 $0xFFF00000, v6  }
0xe9: {  	v57 =	vld [tilespmem:s28+$0x8410];
	[tilespmem:s29+$0xB010] =	vst v56;
	v7 =	vsel vm4, v7, v1;
	vm5 =	vlt.u32 v6, $0x80000;
	v4 =	vadd.s32 $0xFFF00000, v4  }
0xea: {  	v8 =	vld [tilespmem:s28+$0x8420];
	[tilespmem:s29+$0xB020] =	vst v7;
	v6 =	vsel vm5, v6, v1;
	vm6 =	vlt.u32 v4, $0x80000;
	v3 =	vadd.s32 $0xFFF00000, v3  }
0xeb: {  	v7 =	vld [tilespmem:s28+$0x8430];
	[tilespmem:s29+$0xB030] =	vst v6;
	v4 =	vsel vm6, v4, v1;
	vm7 =	vlt.u32 v3, $0x80000;
	v58 =	vadd.s32 $0xFFF00000, v5  }
0xec: {  	v6 =	vld [tilespmem:s28+$0x8440];
	[tilespmem:s29+$0xB040] =	vst v4;
	v3 =	vsel vm7, v3, v1;
	v11 =	vadd.s32 $0xFFF00000, v11;
	vm8 =	vlt.u32 v58, $0x80000  }
0xed: {  	v59 =	vld [tilespmem:s28+$0x8450];
	[tilespmem:s29+$0xB050] =	vst v3;
	v3 =	vadd.s32 $0xFFF00000, v10;
	vm1 =	vlt.u32 v11, $0x80000;
	v4 =	vsel vm8, v58, v1  }
0xee: {  	v60 =	vld [tilespmem:s28+$0x8460];
	vm9 =	vlt.u32 v3, $0x80000;
	v9 =	vadd.s32 $0xFFF00000, v57;
	v11 =	vsel vm1, v11, v1;
	[tilespmem:s29+$0xB060] =	vst v4  }
0xef: {  	v3 =	vsel vm9, v3, v1;
	vm10 =	vlt.u32 v9, $0x80000;
	v61 =	vadd.s32 $0xFFF00000, v8;
	[tilespmem:s28+$0xB070] =	vst v11  }
0xf0: {  	[tilespmem:s28+$0xB000] =	vst v3;
	v3 =	vsel vm10, v9, v1;
	vm11 =	vlt.u32 v61, $0x80000;
	v7 =	vadd.s32 $0xFFF00000, v7  }
0xf1: {  	[tilespmem:s28+$0xB010] =	vst v3;
	v3 =	vsel vm11, v61, v1;
	vm12 =	vlt.u32 v7, $0x80000;
	v62 =	vadd.s32 $0xFFF00000, v6  }
0xf2: {  	[tilespmem:s28+$0xB020] =	vst v3;
	v3 =	vsel vm12, v7, v1;
	vm13 =	vlt.u32 v62, $0x80000;
	v5 =	vadd.s32 $0xFFF00000, v59  }
0xf3: {  	[tilespmem:s28+$0xB030] =	vst v3;
	v3 =	vsel vm13, v62, v1;
	vm14 =	vlt.u32 v5, $0x80000;
	v63 =	vadd.s32 $0xFFF00000, v60  }
0xf4: {  	[tilespmem:s28+$0xB040] =	vst v3;
	v3 =	vsel vm14, v5, v1;
	vm15 =	vlt.u32 v63, $0x80000  }
0xf5: {  	[tilespmem:s28+$0xB050] =	vst v3;
	v3 =	vsel vm15, v63, v1  }
0xf6: {  	[tilespmem:s28+$0xB060] =	vst v3  }
0xf7: {  	s28 =	simm.s32 $0x0;
	[bflag:$0x0] =	sbarrier.arrive $0xFFFF  }
.LBB2_20:
0xf8: {  	p0 =	sne.s32 s28, $0xAE00  }
.Ltmp9:
0xf9: {  	_ = 	snop;
	(pc) =	sbr.rel @p0 .LBB2_20-.Ltmp9, $4  }
0xfa: {  	_ = 	snop  }
0xfb: {  	s29 =	sshra.s32 s28, $0x2  }
0xfc: {  	s28 =	sadd.s32 $0x200, s28;
	s30 =	sadd.s32 $0x5800, s29;
	s29 =	sadd.s32 $0xB000, s29  }
0xfd: {  	[spmem:s2] =	stream.indirect.scatter.add.f32 [tilespmem:s30], [sflag:$0x1], $0x1, s29, s22, $0xb8;
	[tilespmem:$0x19C10] =	vst v63  }
0xfe: {  	_ =	swait.ge [sflag:s23], $0x80  }
0xff: {  	s28 =	simm.s32 $0x57;
	[sflag:s23] =	ssyncset.done $0x0  }
.LBB2_22:
0x100: {  	p0 =	sne.s32 s28, $0x1;
	s28 =	sadd.s32 $0xFFFFFFFF, s28;
	[sflag:s23] =	ssyncadd.s32 $0xFFFFFF80  }
.Ltmp10:
0x101: {  	(pc) =	sbr.rel @p0 .LBB2_22-.Ltmp10, $3  }
0x102: {  	_ =	sdelay $0x1  }
0x103: {  	_ =	swait.ge [sflag:s23], $0x80  }
0x104: {  	[sflag:s23] =	ssyncset.done $0x0  }
0x105: {  	[sflag:s23] =	ssyncadd.s32 $0xFFFFFF80  }
0x106: {  	[bflag:$0x0] =	sbarrier.arrive $0xFFFF  }
0x107: {  	[hbm:s11], [sflag:s25] =	dma.local [spmem:s26], $0x1000  }
0x108: {  	_ =	swait.ge [sflag:s18], $0x1000  }
0x109: {  	[sflag:s18] =	ssyncset.done $0x0  }
0x10a: {  	[sflag:s18] =	ssyncadd.s32 $0xFFFFF000  }
0x10b: {  	[spmem:s7] =	stream.linear.scatter [tilespmem:s21], [sflag:$0x2], $0x4000, $0x38;
	[tilespmem:$0x19C10] =	vst v63  }
0x10c: {  	_ =	swait.ge [sflag:s18], $0x4000  }
0x10d: {  	[sflag:s18] =	ssyncset.done $0x0  }
0x10e: {  	[sflag:s18] =	ssyncadd.s32 $0xFFFFC000  }
0x10f: {  	[spmem:s8] =	stream.linear.scatter [tilespmem:s21], [sflag:$0x2], $0x4000, $0x38;
	[tilespmem:$0x19C10] =	vst v63  }
0x110: {  	_ =	swait.ge [sflag:s18], $0x4000  }
0x111: {  	[sflag:s18] =	ssyncset.done $0x0  }
0x112: {  	s29 =	simm.s32 $0x0;
	[sflag:s18] =	ssyncadd.s32 $0xFFFFC000  }
0x113: {  	v3 =	vld [tilespmem:s29+$0x8470]  }
0x114: {  	v5 =	vld [tilespmem:s29+$0x8400]  }
0x115: {  	v9 =	vld [tilespmem:s29+$0x8410]  }
0x116: {  	v7 =	vld [tilespmem:s29+$0x8420]  }
0x117: {  	v6 =	vld [tilespmem:s29+$0x8430]  }
0x118: {  	v4 =	vld [tilespmem:s29+$0x8440];
	v10 =	vadd.s32 $0xFFE80000, v3  }
0x119: {  	v8 =	vadd.s32 $0xFFE80000, v5;
	v3 =	vld [tilespmem:s29+$0x8450];
	vm1 =	vlt.u32 v10, $0x80000  }
0x11a: {  	s28 =	simm.s32 $0x80;
	s30 =	simm.s32 $0x400;
	v9 =	vadd.s32 $0xFFE80000, v9;
	v5 =	vld [tilespmem:s29+$0x8460];
	vm0 =	vlt.u32 v8, $0x80000;
	v10 =	vsel vm1, v10, v1  }
.LBB2_24:
0x11b: {  	p0 =	sne.s32 s30, $0xAE00;
	v11 =	vld [tilespmem:s28+$0x8470];
	v8 =	vsel vm0, v8, v1;
	vm0 =	vlt.u32 v9, $0x80000;
	v7 =	vadd.s32 $0xFFE80000, v7;
	[tilespmem:s29+$0xB070] =	vst v10  }
0x11c: {  	v10 =	vld [tilespmem:s28+$0x8400];
	[tilespmem:s29+$0xB000] =	vst v8;
	v8 =	vsel vm0, v9, v1;
	vm0 =	vlt.u32 v7, $0x80000;
	v6 =	vadd.s32 $0xFFE80000, v6  }
0x11d: {  	v9 =	vld [tilespmem:s28+$0x8410];
	[tilespmem:s29+$0xB010] =	vst v8;
	v8 =	vsel vm0, v7, v1;
	vm0 =	vlt.u32 v6, $0x80000;
	v4 =	vadd.s32 $0xFFE80000, v4  }
.Ltmp11:
0x11e: {  	v7 =	vld [tilespmem:s28+$0x8420];
	[tilespmem:s29+$0xB020] =	vst v8;
	v8 =	vsel vm0, v6, v1;
	vm0 =	vlt.u32 v4, $0x80000;
	v3 =	vadd.s32 $0xFFE80000, v3;
	(pc) =	sbr.rel @p0 .LBB2_24-.Ltmp11, $4  }
0x11f: {  	v6 =	vld [tilespmem:s28+$0x8430];
	[tilespmem:s29+$0xB030] =	vst v8;
	v8 =	vsel vm0, v4, v1;
	vm0 =	vlt.u32 v3, $0x80000;
	v5 =	vadd.s32 $0xFFE80000, v5  }
0x120: {  	v4 =	vld [tilespmem:s28+$0x8440];
	v11 =	vadd.s32 $0xFFE80000, v11;
	[tilespmem:s29+$0xB040] =	vst v8;
	v12 =	vsel vm0, v3, v1;
	vm0 =	vlt.u32 v5, $0x80000  }
0x121: {  	v8 =	vadd.s32 $0xFFE80000, v10;
	v3 =	vld [tilespmem:s28+$0x8450];
	vm1 =	vlt.u32 v11, $0x80000;
	[tilespmem:s29+$0xB050] =	vst v12;
	v12 =	vsel vm0, v5, v1  }
0x122: {  	vm0 =	vlt.u32 v8, $0x80000;
	v9 =	vadd.s32 $0xFFE80000, v9;
	v5 =	vld [tilespmem:s28+$0x8460];
	v10 =	vsel vm1, v11, v1;
	[tilespmem:s29+$0xB060] =	vst v12;
	s29 =	smov.u32 s28;
	s28 =	sshra.s32 s30, $0x2;
	s30 =	sadd.s32 $0x200, s30  }
0x123: {  	v11 =	vld [tilespmem:s28+$0x8470];
	[tilespmem:s29+$0xB070] =	vst v10;
	v8 =	vsel vm0, v8, v1;
	vm15 =	vlt.u32 v9, $0x80000;
	v7 =	vadd.s32 $0xFFE80000, v7  }
0x124: {  	v10 =	vld [tilespmem:s28+$0x8400];
	[tilespmem:s29+$0xB000] =	vst v8;
	v56 =	vsel vm15, v9, v1;
	vm4 =	vlt.u32 v7, $0x80000;
	v6 =	vadd.s32 $0xFFE80000, v6  }
0x125: {  	v57 =	vld [tilespmem:s28+$0x8410];
	[tilespmem:s29+$0xB010] =	vst v56;
	v7 =	vsel vm4, v7, v1;
	vm5 =	vlt.u32 v6, $0x80000;
	v4 =	vadd.s32 $0xFFE80000, v4  }
0x126: {  	v8 =	vld [tilespmem:s28+$0x8420];
	[tilespmem:s29+$0xB020] =	vst v7;
	v6 =	vsel vm5, v6, v1;
	vm6 =	vlt.u32 v4, $0x80000;
	v3 =	vadd.s32 $0xFFE80000, v3  }
0x127: {  	v7 =	vld [tilespmem:s28+$0x8430];
	[tilespmem:s29+$0xB030] =	vst v6;
	v4 =	vsel vm6, v4, v1;
	vm7 =	vlt.u32 v3, $0x80000;
	v58 =	vadd.s32 $0xFFE80000, v5  }
0x128: {  	v6 =	vld [tilespmem:s28+$0x8440];
	[tilespmem:s29+$0xB040] =	vst v4;
	v3 =	vsel vm7, v3, v1;
	v11 =	vadd.s32 $0xFFE80000, v11;
	vm8 =	vlt.u32 v58, $0x80000  }
0x129: {  	v59 =	vld [tilespmem:s28+$0x8450];
	[tilespmem:s29+$0xB050] =	vst v3;
	v3 =	vadd.s32 $0xFFE80000, v10;
	vm1 =	vlt.u32 v11, $0x80000;
	v4 =	vsel vm8, v58, v1  }
0x12a: {  	v60 =	vld [tilespmem:s28+$0x8460];
	vm9 =	vlt.u32 v3, $0x80000;
	v9 =	vadd.s32 $0xFFE80000, v57;
	v11 =	vsel vm1, v11, v1;
	[tilespmem:s29+$0xB060] =	vst v4  }
0x12b: {  	v3 =	vsel vm9, v3, v1;
	vm10 =	vlt.u32 v9, $0x80000;
	v61 =	vadd.s32 $0xFFE80000, v8;
	[tilespmem:s28+$0xB070] =	vst v11  }
0x12c: {  	[tilespmem:s28+$0xB000] =	vst v3;
	v3 =	vsel vm10, v9, v1;
	vm11 =	vlt.u32 v61, $0x80000;
	v7 =	vadd.s32 $0xFFE80000, v7  }
0x12d: {  	[tilespmem:s28+$0xB010] =	vst v3;
	v3 =	vsel vm11, v61, v1;
	vm12 =	vlt.u32 v7, $0x80000;
	v62 =	vadd.s32 $0xFFE80000, v6  }
0x12e: {  	[tilespmem:s28+$0xB020] =	vst v3;
	v3 =	vsel vm12, v7, v1;
	vm13 =	vlt.u32 v62, $0x80000;
	v5 =	vadd.s32 $0xFFE80000, v59  }
0x12f: {  	[tilespmem:s28+$0xB030] =	vst v3;
	v3 =	vsel vm13, v62, v1;
	vm14 =	vlt.u32 v5, $0x80000;
	v63 =	vadd.s32 $0xFFE80000, v60  }
0x130: {  	[tilespmem:s28+$0xB040] =	vst v3;
	v3 =	vsel vm14, v5, v1;
	vm15 =	vlt.u32 v63, $0x80000  }
0x131: {  	[tilespmem:s28+$0xB050] =	vst v3;
	v3 =	vsel vm15, v63, v1  }
0x132: {  	[tilespmem:s28+$0xB060] =	vst v3  }
0x133: {  	s28 =	simm.s32 $0x0;
	[bflag:$0x0] =	sbarrier.arrive $0xFFFF  }
.LBB2_26:
0x134: {  	p0 =	sne.s32 s28, $0xAE00  }
.Ltmp12:
0x135: {  	_ = 	snop;
	(pc) =	sbr.rel @p0 .LBB2_26-.Ltmp12, $4  }
0x136: {  	_ = 	snop  }
0x137: {  	s29 =	sshra.s32 s28, $0x2  }
0x138: {  	s28 =	sadd.s32 $0x200, s28;
	s30 =	sadd.s32 $0x5800, s29;
	s29 =	sadd.s32 $0xB000, s29  }
0x139: {  	[spmem:s2] =	stream.indirect.scatter.add.f32 [tilespmem:s30], [sflag:$0x1], $0x1, s29, s22, $0xb8;
	[tilespmem:$0x19C10] =	vst v63  }
0x13a: {  	_ =	swait.ge [sflag:s23], $0x80  }
0x13b: {  	s28 =	simm.s32 $0x57;
	[sflag:s23] =	ssyncset.done $0x0  }
.LBB2_28:
0x13c: {  	p0 =	sne.s32 s28, $0x1;
	s28 =	sadd.s32 $0xFFFFFFFF, s28;
	[sflag:s23] =	ssyncadd.s32 $0xFFFFFF80  }
.Ltmp13:
0x13d: {  	(pc) =	sbr.rel @p0 .LBB2_28-.Ltmp13, $3  }
0x13e: {  	_ =	sdelay $0x1  }
0x13f: {  	_ =	swait.ge [sflag:s23], $0x80  }
0x140: {  	[sflag:s23] =	ssyncset.done $0x0  }
0x141: {  	[sflag:s23] =	ssyncadd.s32 $0xFFFFFF80  }
0x142: {  	[bflag:$0x0] =	sbarrier.arrive $0xFFFF  }
0x143: {  	[hbm:s12], [sflag:s25] =	dma.local [spmem:s26], $0x1000  }
0x144: {  	_ =	swait.ge [sflag:s18], $0x1000  }
0x145: {  	[sflag:s18] =	ssyncset.done $0x0  }
0x146: {  	[sflag:s18] =	ssyncadd.s32 $0xFFFFF000  }
0x147: {  	[spmem:s7] =	stream.linear.scatter [tilespmem:s21], [sflag:$0x2], $0x4000, $0x38;
	[tilespmem:$0x19C10] =	vst v63  }
0x148: {  	_ =	swait.ge [sflag:s18], $0x4000  }
0x149: {  	[sflag:s18] =	ssyncset.done $0x0  }
0x14a: {  	[sflag:s18] =	ssyncadd.s32 $0xFFFFC000  }
0x14b: {  	[spmem:s8] =	stream.linear.scatter [tilespmem:s21], [sflag:$0x2], $0x4000, $0x38;
	[tilespmem:$0x19C10] =	vst v63  }
0x14c: {  	_ =	swait.ge [sflag:s18], $0x4000  }
0x14d: {  	[sflag:s18] =	ssyncset.done $0x0  }
0x14e: {  	s29 =	simm.s32 $0x0;
	[sflag:s18] =	ssyncadd.s32 $0xFFFFC000  }
0x14f: {  	v3 =	vld [tilespmem:s29+$0x8470]  }
0x150: {  	v5 =	vld [tilespmem:s29+$0x8400]  }
0x151: {  	v9 =	vld [tilespmem:s29+$0x8410]  }
0x152: {  	v7 =	vld [tilespmem:s29+$0x8420]  }
0x153: {  	v6 =	vld [tilespmem:s29+$0x8430]  }
0x154: {  	v4 =	vld [tilespmem:s29+$0x8440];
	v10 =	vadd.s32 $0xFFE00000, v3  }
0x155: {  	v8 =	vadd.s32 $0xFFE00000, v5;
	v3 =	vld [tilespmem:s29+$0x8450];
	vm1 =	vlt.u32 v10, $0x80000  }
0x156: {  	s28 =	simm.s32 $0x80;
	s30 =	simm.s32 $0x400;
	v9 =	vadd.s32 $0xFFE00000, v9;
	v5 =	vld [tilespmem:s29+$0x8460];
	vm0 =	vlt.u32 v8, $0x80000;
	v10 =	vsel vm1, v10, v1  }
.LBB2_30:
0x157: {  	p0 =	sne.s32 s30, $0xAE00;
	v11 =	vld [tilespmem:s28+$0x8470];
	v8 =	vsel vm0, v8, v1;
	vm0 =	vlt.u32 v9, $0x80000;
	v7 =	vadd.s32 $0xFFE00000, v7;
	[tilespmem:s29+$0xB070] =	vst v10  }
0x158: {  	v10 =	vld [tilespmem:s28+$0x8400];
	[tilespmem:s29+$0xB000] =	vst v8;
	v8 =	vsel vm0, v9, v1;
	vm0 =	vlt.u32 v7, $0x80000;
	v6 =	vadd.s32 $0xFFE00000, v6  }
0x159: {  	v9 =	vld [tilespmem:s28+$0x8410];
	[tilespmem:s29+$0xB010] =	vst v8;
	v8 =	vsel vm0, v7, v1;
	vm0 =	vlt.u32 v6, $0x80000;
	v4 =	vadd.s32 $0xFFE00000, v4  }
.Ltmp14:
0x15a: {  	v7 =	vld [tilespmem:s28+$0x8420];
	[tilespmem:s29+$0xB020] =	vst v8;
	v8 =	vsel vm0, v6, v1;
	vm0 =	vlt.u32 v4, $0x80000;
	v3 =	vadd.s32 $0xFFE00000, v3;
	(pc) =	sbr.rel @p0 .LBB2_30-.Ltmp14, $4  }
0x15b: {  	v6 =	vld [tilespmem:s28+$0x8430];
	[tilespmem:s29+$0xB030] =	vst v8;
	v8 =	vsel vm0, v4, v1;
	vm0 =	vlt.u32 v3, $0x80000;
	v5 =	vadd.s32 $0xFFE00000, v5  }
0x15c: {  	v4 =	vld [tilespmem:s28+$0x8440];
	v11 =	vadd.s32 $0xFFE00000, v11;
	[tilespmem:s29+$0xB040] =	vst v8;
	v12 =	vsel vm0, v3, v1;
	vm0 =	vlt.u32 v5, $0x80000  }
0x15d: {  	v8 =	vadd.s32 $0xFFE00000, v10;
	v3 =	vld [tilespmem:s28+$0x8450];
	vm1 =	vlt.u32 v11, $0x80000;
	[tilespmem:s29+$0xB050] =	vst v12;
	v12 =	vsel vm0, v5, v1  }
0x15e: {  	vm0 =	vlt.u32 v8, $0x80000;
	v9 =	vadd.s32 $0xFFE00000, v9;
	v5 =	vld [tilespmem:s28+$0x8460];
	v10 =	vsel vm1, v11, v1;
	[tilespmem:s29+$0xB060] =	vst v12;
	s29 =	smov.u32 s28;
	s28 =	sshra.s32 s30, $0x2;
	s30 =	sadd.s32 $0x200, s30  }
0x15f: {  	v11 =	vld [tilespmem:s28+$0x8470];
	[tilespmem:s29+$0xB070] =	vst v10;
	v8 =	vsel vm0, v8, v1;
	vm15 =	vlt.u32 v9, $0x80000;
	v7 =	vadd.s32 $0xFFE00000, v7  }
0x160: {  	v10 =	vld [tilespmem:s28+$0x8400];
	[tilespmem:s29+$0xB000] =	vst v8;
	v56 =	vsel vm15, v9, v1;
	vm4 =	vlt.u32 v7, $0x80000;
	v6 =	vadd.s32 $0xFFE00000, v6  }
0x161: {  	v57 =	vld [tilespmem:s28+$0x8410];
	[tilespmem:s29+$0xB010] =	vst v56;
	v7 =	vsel vm4, v7, v1;
	vm5 =	vlt.u32 v6, $0x80000;
	v4 =	vadd.s32 $0xFFE00000, v4  }
0x162: {  	v8 =	vld [tilespmem:s28+$0x8420];
	[tilespmem:s29+$0xB020] =	vst v7;
	v6 =	vsel vm5, v6, v1;
	vm6 =	vlt.u32 v4, $0x80000;
	v3 =	vadd.s32 $0xFFE00000, v3  }
0x163: {  	v7 =	vld [tilespmem:s28+$0x8430];
	[tilespmem:s29+$0xB030] =	vst v6;
	v4 =	vsel vm6, v4, v1;
	vm7 =	vlt.u32 v3, $0x80000;
	v58 =	vadd.s32 $0xFFE00000, v5  }
0x164: {  	v6 =	vld [tilespmem:s28+$0x8440];
	[tilespmem:s29+$0xB040] =	vst v4;
	v3 =	vsel vm7, v3, v1;
	v11 =	vadd.s32 $0xFFE00000, v11;
	vm8 =	vlt.u32 v58, $0x80000  }
0x165: {  	v59 =	vld [tilespmem:s28+$0x8450];
	[tilespmem:s29+$0xB050] =	vst v3;
	v3 =	vadd.s32 $0xFFE00000, v10;
	vm1 =	vlt.u32 v11, $0x80000;
	v4 =	vsel vm8, v58, v1  }
0x166: {  	v60 =	vld [tilespmem:s28+$0x8460];
	vm9 =	vlt.u32 v3, $0x80000;
	v9 =	vadd.s32 $0xFFE00000, v57;
	v11 =	vsel vm1, v11, v1;
	[tilespmem:s29+$0xB060] =	vst v4  }
0x167: {  	v3 =	vsel vm9, v3, v1;
	vm10 =	vlt.u32 v9, $0x80000;
	v61 =	vadd.s32 $0xFFE00000, v8;
	[tilespmem:s28+$0xB070] =	vst v11  }
0x168: {  	[tilespmem:s28+$0xB000] =	vst v3;
	v3 =	vsel vm10, v9, v1;
	vm11 =	vlt.u32 v61, $0x80000;
	v7 =	vadd.s32 $0xFFE00000, v7  }
0x169: {  	[tilespmem:s28+$0xB010] =	vst v3;
	v3 =	vsel vm11, v61, v1;
	vm12 =	vlt.u32 v7, $0x80000;
	v62 =	vadd.s32 $0xFFE00000, v6  }
0x16a: {  	[tilespmem:s28+$0xB020] =	vst v3;
	v3 =	vsel vm12, v7, v1;
	vm13 =	vlt.u32 v62, $0x80000;
	v5 =	vadd.s32 $0xFFE00000, v59  }
0x16b: {  	[tilespmem:s28+$0xB030] =	vst v3;
	v3 =	vsel vm13, v62, v1;
	vm14 =	vlt.u32 v5, $0x80000;
	v63 =	vadd.s32 $0xFFE00000, v60  }
0x16c: {  	[tilespmem:s28+$0xB040] =	vst v3;
	v3 =	vsel vm14, v5, v1;
	vm15 =	vlt.u32 v63, $0x80000  }
0x16d: {  	[tilespmem:s28+$0xB050] =	vst v3;
	v3 =	vsel vm15, v63, v1  }
0x16e: {  	[tilespmem:s28+$0xB060] =	vst v3  }
0x16f: {  	s28 =	simm.s32 $0x0;
	[bflag:$0x0] =	sbarrier.arrive $0xFFFF  }
.LBB2_32:
0x170: {  	p0 =	sne.s32 s28, $0xAE00  }
.Ltmp15:
0x171: {  	_ = 	snop;
	(pc) =	sbr.rel @p0 .LBB2_32-.Ltmp15, $4  }
0x172: {  	_ = 	snop  }
0x173: {  	s29 =	sshra.s32 s28, $0x2  }
0x174: {  	s28 =	sadd.s32 $0x200, s28;
	s30 =	sadd.s32 $0x5800, s29;
	s29 =	sadd.s32 $0xB000, s29  }
0x175: {  	[spmem:s2] =	stream.indirect.scatter.add.f32 [tilespmem:s30], [sflag:$0x1], $0x1, s29, s22, $0xb8;
	[tilespmem:$0x19C10] =	vst v63  }
0x176: {  	_ =	swait.ge [sflag:s23], $0x80  }
0x177: {  	s28 =	simm.s32 $0x57;
	[sflag:s23] =	ssyncset.done $0x0  }
.LBB2_34:
0x178: {  	p0 =	sne.s32 s28, $0x1;
	s28 =	sadd.s32 $0xFFFFFFFF, s28;
	[sflag:s23] =	ssyncadd.s32 $0xFFFFFF80  }
.Ltmp16:
0x179: {  	(pc) =	sbr.rel @p0 .LBB2_34-.Ltmp16, $3  }
0x17a: {  	_ =	sdelay $0x1  }
0x17b: {  	_ =	swait.ge [sflag:s23], $0x80  }
0x17c: {  	[sflag:s23] =	ssyncset.done $0x0  }
0x17d: {  	[sflag:s23] =	ssyncadd.s32 $0xFFFFFF80  }
0x17e: {  	[bflag:$0x0] =	sbarrier.arrive $0xFFFF  }
0x17f: {  	[hbm:s13], [sflag:s25] =	dma.local [spmem:s26], $0x1000  }
0x180: {  	_ =	swait.ge [sflag:s18], $0x1000  }
0x181: {  	[sflag:s18] =	ssyncset.done $0x0  }
0x182: {  	[sflag:s18] =	ssyncadd.s32 $0xFFFFF000  }
0x183: {  	[spmem:s7] =	stream.linear.scatter [tilespmem:s21], [sflag:$0x2], $0x4000, $0x38;
	[tilespmem:$0x19C10] =	vst v63  }
0x184: {  	_ =	swait.ge [sflag:s18], $0x4000  }
0x185: {  	[sflag:s18] =	ssyncset.done $0x0  }
0x186: {  	[sflag:s18] =	ssyncadd.s32 $0xFFFFC000  }
0x187: {  	[spmem:s8] =	stream.linear.scatter [tilespmem:s21], [sflag:$0x2], $0x4000, $0x38;
	[tilespmem:$0x19C10] =	vst v63  }
0x188: {  	_ =	swait.ge [sflag:s18], $0x4000  }
0x189: {  	[sflag:s18] =	ssyncset.done $0x0  }
0x18a: {  	s29 =	simm.s32 $0x0;
	[sflag:s18] =	ssyncadd.s32 $0xFFFFC000  }
0x18b: {  	v3 =	vld [tilespmem:s29+$0x8470]  }
0x18c: {  	v5 =	vld [tilespmem:s29+$0x8400]  }
0x18d: {  	v9 =	vld [tilespmem:s29+$0x8410]  }
0x18e: {  	v7 =	vld [tilespmem:s29+$0x8420]  }
0x18f: {  	v6 =	vld [tilespmem:s29+$0x8430]  }
0x190: {  	v4 =	vld [tilespmem:s29+$0x8440];
	v10 =	vadd.s32 $0xFFD80000, v3  }
0x191: {  	v8 =	vadd.s32 $0xFFD80000, v5;
	v3 =	vld [tilespmem:s29+$0x8450];
	vm1 =	vlt.u32 v10, $0x80000  }
0x192: {  	s28 =	simm.s32 $0x80;
	s30 =	simm.s32 $0x400;
	v9 =	vadd.s32 $0xFFD80000, v9;
	v5 =	vld [tilespmem:s29+$0x8460];
	vm0 =	vlt.u32 v8, $0x80000;
	v10 =	vsel vm1, v10, v1  }
.LBB2_36:
0x193: {  	p0 =	sne.s32 s30, $0xAE00;
	v11 =	vld [tilespmem:s28+$0x8470];
	v8 =	vsel vm0, v8, v1;
	vm0 =	vlt.u32 v9, $0x80000;
	v7 =	vadd.s32 $0xFFD80000, v7;
	[tilespmem:s29+$0xB070] =	vst v10  }
0x194: {  	v10 =	vld [tilespmem:s28+$0x8400];
	[tilespmem:s29+$0xB000] =	vst v8;
	v8 =	vsel vm0, v9, v1;
	vm0 =	vlt.u32 v7, $0x80000;
	v6 =	vadd.s32 $0xFFD80000, v6  }
0x195: {  	v9 =	vld [tilespmem:s28+$0x8410];
	[tilespmem:s29+$0xB010] =	vst v8;
	v8 =	vsel vm0, v7, v1;
	vm0 =	vlt.u32 v6, $0x80000;
	v4 =	vadd.s32 $0xFFD80000, v4  }
.Ltmp17:
0x196: {  	v7 =	vld [tilespmem:s28+$0x8420];
	[tilespmem:s29+$0xB020] =	vst v8;
	v8 =	vsel vm0, v6, v1;
	vm0 =	vlt.u32 v4, $0x80000;
	v3 =	vadd.s32 $0xFFD80000, v3;
	(pc) =	sbr.rel @p0 .LBB2_36-.Ltmp17, $4  }
0x197: {  	v6 =	vld [tilespmem:s28+$0x8430];
	[tilespmem:s29+$0xB030] =	vst v8;
	v8 =	vsel vm0, v4, v1;
	vm0 =	vlt.u32 v3, $0x80000;
	v5 =	vadd.s32 $0xFFD80000, v5  }
0x198: {  	v4 =	vld [tilespmem:s28+$0x8440];
	v11 =	vadd.s32 $0xFFD80000, v11;
	[tilespmem:s29+$0xB040] =	vst v8;
	v12 =	vsel vm0, v3, v1;
	vm0 =	vlt.u32 v5, $0x80000  }
0x199: {  	v8 =	vadd.s32 $0xFFD80000, v10;
	v3 =	vld [tilespmem:s28+$0x8450];
	vm1 =	vlt.u32 v11, $0x80000;
	[tilespmem:s29+$0xB050] =	vst v12;
	v12 =	vsel vm0, v5, v1  }
0x19a: {  	vm0 =	vlt.u32 v8, $0x80000;
	v9 =	vadd.s32 $0xFFD80000, v9;
	v5 =	vld [tilespmem:s28+$0x8460];
	v10 =	vsel vm1, v11, v1;
	[tilespmem:s29+$0xB060] =	vst v12;
	s29 =	smov.u32 s28;
	s28 =	sshra.s32 s30, $0x2;
	s30 =	sadd.s32 $0x200, s30  }
0x19b: {  	v11 =	vld [tilespmem:s28+$0x8470];
	[tilespmem:s29+$0xB070] =	vst v10;
	v8 =	vsel vm0, v8, v1;
	vm15 =	vlt.u32 v9, $0x80000;
	v7 =	vadd.s32 $0xFFD80000, v7  }
0x19c: {  	v10 =	vld [tilespmem:s28+$0x8400];
	[tilespmem:s29+$0xB000] =	vst v8;
	v56 =	vsel vm15, v9, v1;
	vm4 =	vlt.u32 v7, $0x80000;
	v6 =	vadd.s32 $0xFFD80000, v6  }
0x19d: {  	v57 =	vld [tilespmem:s28+$0x8410];
	[tilespmem:s29+$0xB010] =	vst v56;
	v7 =	vsel vm4, v7, v1;
	vm5 =	vlt.u32 v6, $0x80000;
	v4 =	vadd.s32 $0xFFD80000, v4  }
0x19e: {  	v8 =	vld [tilespmem:s28+$0x8420];
	[tilespmem:s29+$0xB020] =	vst v7;
	v6 =	vsel vm5, v6, v1;
	vm6 =	vlt.u32 v4, $0x80000;
	v3 =	vadd.s32 $0xFFD80000, v3  }
0x19f: {  	v7 =	vld [tilespmem:s28+$0x8430];
	[tilespmem:s29+$0xB030] =	vst v6;
	v4 =	vsel vm6, v4, v1;
	vm7 =	vlt.u32 v3, $0x80000;
	v58 =	vadd.s32 $0xFFD80000, v5  }
0x1a0: {  	v6 =	vld [tilespmem:s28+$0x8440];
	[tilespmem:s29+$0xB040] =	vst v4;
	v3 =	vsel vm7, v3, v1;
	v11 =	vadd.s32 $0xFFD80000, v11;
	vm8 =	vlt.u32 v58, $0x80000  }
0x1a1: {  	v59 =	vld [tilespmem:s28+$0x8450];
	[tilespmem:s29+$0xB050] =	vst v3;
	v3 =	vadd.s32 $0xFFD80000, v10;
	vm1 =	vlt.u32 v11, $0x80000;
	v4 =	vsel vm8, v58, v1  }
0x1a2: {  	v60 =	vld [tilespmem:s28+$0x8460];
	vm9 =	vlt.u32 v3, $0x80000;
	v9 =	vadd.s32 $0xFFD80000, v57;
	v11 =	vsel vm1, v11, v1;
	[tilespmem:s29+$0xB060] =	vst v4  }
0x1a3: {  	v3 =	vsel vm9, v3, v1;
	vm10 =	vlt.u32 v9, $0x80000;
	v61 =	vadd.s32 $0xFFD80000, v8;
	[tilespmem:s28+$0xB070] =	vst v11  }
0x1a4: {  	[tilespmem:s28+$0xB000] =	vst v3;
	v3 =	vsel vm10, v9, v1;
	vm11 =	vlt.u32 v61, $0x80000;
	v7 =	vadd.s32 $0xFFD80000, v7  }
0x1a5: {  	[tilespmem:s28+$0xB010] =	vst v3;
	v3 =	vsel vm11, v61, v1;
	vm12 =	vlt.u32 v7, $0x80000;
	v62 =	vadd.s32 $0xFFD80000, v6  }
0x1a6: {  	[tilespmem:s28+$0xB020] =	vst v3;
	v3 =	vsel vm12, v7, v1;
	vm13 =	vlt.u32 v62, $0x80000;
	v5 =	vadd.s32 $0xFFD80000, v59  }
0x1a7: {  	[tilespmem:s28+$0xB030] =	vst v3;
	v3 =	vsel vm13, v62, v1;
	vm14 =	vlt.u32 v5, $0x80000;
	v63 =	vadd.s32 $0xFFD80000, v60  }
0x1a8: {  	[tilespmem:s28+$0xB040] =	vst v3;
	v3 =	vsel vm14, v5, v1;
	vm15 =	vlt.u32 v63, $0x80000  }
0x1a9: {  	[tilespmem:s28+$0xB050] =	vst v3;
	v3 =	vsel vm15, v63, v1  }
0x1aa: {  	[tilespmem:s28+$0xB060] =	vst v3  }
0x1ab: {  	s28 =	simm.s32 $0x0;
	[bflag:$0x0] =	sbarrier.arrive $0xFFFF  }
.LBB2_38:
0x1ac: {  	p0 =	sne.s32 s28, $0xAE00  }
.Ltmp18:
0x1ad: {  	_ = 	snop;
	(pc) =	sbr.rel @p0 .LBB2_38-.Ltmp18, $4  }
0x1ae: {  	_ = 	snop  }
0x1af: {  	s29 =	sshra.s32 s28, $0x2  }
0x1b0: {  	s28 =	sadd.s32 $0x200, s28;
	s30 =	sadd.s32 $0x5800, s29;
	s29 =	sadd.s32 $0xB000, s29  }
0x1b1: {  	[spmem:s2] =	stream.indirect.scatter.add.f32 [tilespmem:s30], [sflag:$0x1], $0x1, s29, s22, $0xb8;
	[tilespmem:$0x19C10] =	vst v63  }
0x1b2: {  	_ =	swait.ge [sflag:s23], $0x80  }
0x1b3: {  	s28 =	simm.s32 $0x57;
	[sflag:s23] =	ssyncset.done $0x0  }
.LBB2_40:
0x1b4: {  	p0 =	sne.s32 s28, $0x1;
	s28 =	sadd.s32 $0xFFFFFFFF, s28;
	[sflag:s23] =	ssyncadd.s32 $0xFFFFFF80  }
.Ltmp19:
0x1b5: {  	(pc) =	sbr.rel @p0 .LBB2_40-.Ltmp19, $3  }
0x1b6: {  	_ =	sdelay $0x1  }
0x1b7: {  	_ =	swait.ge [sflag:s23], $0x80  }
0x1b8: {  	[sflag:s23] =	ssyncset.done $0x0  }
0x1b9: {  	[sflag:s23] =	ssyncadd.s32 $0xFFFFFF80  }
0x1ba: {  	[bflag:$0x0] =	sbarrier.arrive $0xFFFF  }
0x1bb: {  	[hbm:s14], [sflag:s25] =	dma.local [spmem:s26], $0x1000  }
0x1bc: {  	_ =	swait.ge [sflag:s18], $0x1000  }
0x1bd: {  	[sflag:s18] =	ssyncset.done $0x0  }
0x1be: {  	[sflag:s18] =	ssyncadd.s32 $0xFFFFF000  }
0x1bf: {  	[spmem:s7] =	stream.linear.scatter [tilespmem:s21], [sflag:$0x2], $0x4000, $0x38;
	[tilespmem:$0x19C10] =	vst v63  }
0x1c0: {  	_ =	swait.ge [sflag:s18], $0x4000  }
0x1c1: {  	[sflag:s18] =	ssyncset.done $0x0  }
0x1c2: {  	[sflag:s18] =	ssyncadd.s32 $0xFFFFC000  }
0x1c3: {  	[spmem:s8] =	stream.linear.scatter [tilespmem:s21], [sflag:$0x2], $0x4000, $0x38;
	[tilespmem:$0x19C10] =	vst v63  }
0x1c4: {  	_ =	swait.ge [sflag:s18], $0x4000  }
0x1c5: {  	[sflag:s18] =	ssyncset.done $0x0  }
0x1c6: {  	s29 =	simm.s32 $0x0;
	[sflag:s18] =	ssyncadd.s32 $0xFFFFC000  }
0x1c7: {  	v3 =	vld [tilespmem:s29+$0x8470]  }
0x1c8: {  	v5 =	vld [tilespmem:s29+$0x8400]  }
0x1c9: {  	v9 =	vld [tilespmem:s29+$0x8410]  }
0x1ca: {  	v7 =	vld [tilespmem:s29+$0x8420]  }
0x1cb: {  	v6 =	vld [tilespmem:s29+$0x8430]  }
0x1cc: {  	v4 =	vld [tilespmem:s29+$0x8440];
	v10 =	vadd.s32 $0xFFD00000, v3  }
0x1cd: {  	v8 =	vadd.s32 $0xFFD00000, v5;
	v3 =	vld [tilespmem:s29+$0x8450];
	vm1 =	vlt.u32 v10, $0x80000  }
0x1ce: {  	s28 =	simm.s32 $0x80;
	s30 =	simm.s32 $0x400;
	v9 =	vadd.s32 $0xFFD00000, v9;
	v5 =	vld [tilespmem:s29+$0x8460];
	vm0 =	vlt.u32 v8, $0x80000;
	v10 =	vsel vm1, v10, v1  }
.LBB2_42:
0x1cf: {  	p0 =	sne.s32 s30, $0xAE00;
	v11 =	vld [tilespmem:s28+$0x8470];
	v8 =	vsel vm0, v8, v1;
	vm0 =	vlt.u32 v9, $0x80000;
	v7 =	vadd.s32 $0xFFD00000, v7;
	[tilespmem:s29+$0xB070] =	vst v10  }
0x1d0: {  	v10 =	vld [tilespmem:s28+$0x8400];
	[tilespmem:s29+$0xB000] =	vst v8;
	v8 =	vsel vm0, v9, v1;
	vm0 =	vlt.u32 v7, $0x80000;
	v6 =	vadd.s32 $0xFFD00000, v6  }
0x1d1: {  	v9 =	vld [tilespmem:s28+$0x8410];
	[tilespmem:s29+$0xB010] =	vst v8;
	v8 =	vsel vm0, v7, v1;
	vm0 =	vlt.u32 v6, $0x80000;
	v4 =	vadd.s32 $0xFFD00000, v4  }
.Ltmp20:
0x1d2: {  	v7 =	vld [tilespmem:s28+$0x8420];
	[tilespmem:s29+$0xB020] =	vst v8;
	v8 =	vsel vm0, v6, v1;
	vm0 =	vlt.u32 v4, $0x80000;
	v3 =	vadd.s32 $0xFFD00000, v3;
	(pc) =	sbr.rel @p0 .LBB2_42-.Ltmp20, $4  }
0x1d3: {  	v6 =	vld [tilespmem:s28+$0x8430];
	[tilespmem:s29+$0xB030] =	vst v8;
	v8 =	vsel vm0, v4, v1;
	vm0 =	vlt.u32 v3, $0x80000;
	v5 =	vadd.s32 $0xFFD00000, v5  }
0x1d4: {  	v4 =	vld [tilespmem:s28+$0x8440];
	v11 =	vadd.s32 $0xFFD00000, v11;
	[tilespmem:s29+$0xB040] =	vst v8;
	v12 =	vsel vm0, v3, v1;
	vm0 =	vlt.u32 v5, $0x80000  }
0x1d5: {  	v8 =	vadd.s32 $0xFFD00000, v10;
	v3 =	vld [tilespmem:s28+$0x8450];
	vm1 =	vlt.u32 v11, $0x80000;
	[tilespmem:s29+$0xB050] =	vst v12;
	v12 =	vsel vm0, v5, v1  }
0x1d6: {  	vm0 =	vlt.u32 v8, $0x80000;
	v9 =	vadd.s32 $0xFFD00000, v9;
	v5 =	vld [tilespmem:s28+$0x8460];
	v10 =	vsel vm1, v11, v1;
	[tilespmem:s29+$0xB060] =	vst v12;
	s29 =	smov.u32 s28;
	s28 =	sshra.s32 s30, $0x2;
	s30 =	sadd.s32 $0x200, s30  }
0x1d7: {  	v11 =	vld [tilespmem:s28+$0x8470];
	[tilespmem:s29+$0xB070] =	vst v10;
	v8 =	vsel vm0, v8, v1;
	vm15 =	vlt.u32 v9, $0x80000;
	v7 =	vadd.s32 $0xFFD00000, v7  }
0x1d8: {  	v10 =	vld [tilespmem:s28+$0x8400];
	[tilespmem:s29+$0xB000] =	vst v8;
	v56 =	vsel vm15, v9, v1;
	vm4 =	vlt.u32 v7, $0x80000;
	v6 =	vadd.s32 $0xFFD00000, v6  }
0x1d9: {  	v57 =	vld [tilespmem:s28+$0x8410];
	[tilespmem:s29+$0xB010] =	vst v56;
	v7 =	vsel vm4, v7, v1;
	vm5 =	vlt.u32 v6, $0x80000;
	v4 =	vadd.s32 $0xFFD00000, v4  }
0x1da: {  	v8 =	vld [tilespmem:s28+$0x8420];
	[tilespmem:s29+$0xB020] =	vst v7;
	v6 =	vsel vm5, v6, v1;
	vm6 =	vlt.u32 v4, $0x80000;
	v3 =	vadd.s32 $0xFFD00000, v3  }
0x1db: {  	v7 =	vld [tilespmem:s28+$0x8430];
	[tilespmem:s29+$0xB030] =	vst v6;
	v4 =	vsel vm6, v4, v1;
	vm7 =	vlt.u32 v3, $0x80000;
	v58 =	vadd.s32 $0xFFD00000, v5  }
0x1dc: {  	v6 =	vld [tilespmem:s28+$0x8440];
	[tilespmem:s29+$0xB040] =	vst v4;
	v3 =	vsel vm7, v3, v1;
	v11 =	vadd.s32 $0xFFD00000, v11;
	vm8 =	vlt.u32 v58, $0x80000  }
0x1dd: {  	v59 =	vld [tilespmem:s28+$0x8450];
	[tilespmem:s29+$0xB050] =	vst v3;
	v3 =	vadd.s32 $0xFFD00000, v10;
	vm1 =	vlt.u32 v11, $0x80000;
	v4 =	vsel vm8, v58, v1  }
0x1de: {  	v60 =	vld [tilespmem:s28+$0x8460];
	vm9 =	vlt.u32 v3, $0x80000;
	v9 =	vadd.s32 $0xFFD00000, v57;
	v11 =	vsel vm1, v11, v1;
	[tilespmem:s29+$0xB060] =	vst v4  }
0x1df: {  	v3 =	vsel vm9, v3, v1;
	vm10 =	vlt.u32 v9, $0x80000;
	v61 =	vadd.s32 $0xFFD00000, v8;
	[tilespmem:s28+$0xB070] =	vst v11  }
0x1e0: {  	[tilespmem:s28+$0xB000] =	vst v3;
	v3 =	vsel vm10, v9, v1;
	vm11 =	vlt.u32 v61, $0x80000;
	v7 =	vadd.s32 $0xFFD00000, v7  }
0x1e1: {  	[tilespmem:s28+$0xB010] =	vst v3;
	v3 =	vsel vm11, v61, v1;
	vm12 =	vlt.u32 v7, $0x80000;
	v62 =	vadd.s32 $0xFFD00000, v6  }
0x1e2: {  	[tilespmem:s28+$0xB020] =	vst v3;
	v3 =	vsel vm12, v7, v1;
	vm13 =	vlt.u32 v62, $0x80000;
	v5 =	vadd.s32 $0xFFD00000, v59  }
0x1e3: {  	[tilespmem:s28+$0xB030] =	vst v3;
	v3 =	vsel vm13, v62, v1;
	vm14 =	vlt.u32 v5, $0x80000;
	v63 =	vadd.s32 $0xFFD00000, v60  }
0x1e4: {  	[tilespmem:s28+$0xB040] =	vst v3;
	v3 =	vsel vm14, v5, v1;
	vm15 =	vlt.u32 v63, $0x80000  }
0x1e5: {  	[tilespmem:s28+$0xB050] =	vst v3;
	v3 =	vsel vm15, v63, v1  }
0x1e6: {  	[tilespmem:s28+$0xB060] =	vst v3  }
0x1e7: {  	s28 =	simm.s32 $0x0;
	[bflag:$0x0] =	sbarrier.arrive $0xFFFF  }
.LBB2_44:
0x1e8: {  	p0 =	sne.s32 s28, $0xAE00  }
.Ltmp21:
0x1e9: {  	_ = 	snop;
	(pc) =	sbr.rel @p0 .LBB2_44-.Ltmp21, $4  }
0x1ea: {  	_ = 	snop  }
0x1eb: {  	s29 =	sshra.s32 s28, $0x2  }
0x1ec: {  	s28 =	sadd.s32 $0x200, s28;
	s30 =	sadd.s32 $0x5800, s29;
	s29 =	sadd.s32 $0xB000, s29  }
0x1ed: {  	[spmem:s2] =	stream.indirect.scatter.add.f32 [tilespmem:s30], [sflag:$0x1], $0x1, s29, s22, $0xb8;
	[tilespmem:$0x19C10] =	vst v63  }
0x1ee: {  	_ =	swait.ge [sflag:s23], $0x80  }
0x1ef: {  	s28 =	simm.s32 $0x57;
	[sflag:s23] =	ssyncset.done $0x0  }
.LBB2_46:
0x1f0: {  	p0 =	sne.s32 s28, $0x1;
	s28 =	sadd.s32 $0xFFFFFFFF, s28;
	[sflag:s23] =	ssyncadd.s32 $0xFFFFFF80  }
.Ltmp22:
0x1f1: {  	(pc) =	sbr.rel @p0 .LBB2_46-.Ltmp22, $3  }
0x1f2: {  	_ =	sdelay $0x1  }
0x1f3: {  	_ =	swait.ge [sflag:s23], $0x80  }
0x1f4: {  	[sflag:s23] =	ssyncset.done $0x0  }
0x1f5: {  	[sflag:s23] =	ssyncadd.s32 $0xFFFFFF80  }
0x1f6: {  	[bflag:$0x0] =	sbarrier.arrive $0xFFFF  }
0x1f7: {  	[hbm:s15], [sflag:s25] =	dma.local [spmem:s26], $0x1000  }
0x1f8: {  	_ =	swait.ge [sflag:s18], $0x1000  }
0x1f9: {  	[sflag:s18] =	ssyncset.done $0x0  }
0x1fa: {  	[sflag:s18] =	ssyncadd.s32 $0xFFFFF000  }
0x1fb: {  	[spmem:s7] =	stream.linear.scatter [tilespmem:s21], [sflag:$0x2], $0x4000, $0x38;
	[tilespmem:$0x19C10] =	vst v63  }
0x1fc: {  	_ =	swait.ge [sflag:s18], $0x4000  }
0x1fd: {  	[sflag:s18] =	ssyncset.done $0x0  }
0x1fe: {  	[sflag:s18] =	ssyncadd.s32 $0xFFFFC000  }
0x1ff: {  	[spmem:s8] =	stream.linear.scatter [tilespmem:s21], [sflag:$0x2], $0x4000, $0x38;
	[tilespmem:$0x19C10] =	vst v63  }
0x200: {  	_ =	swait.ge [sflag:s18], $0x4000  }
0x201: {  	[sflag:s18] =	ssyncset.done $0x0  }
0x202: {  	s29 =	simm.s32 $0x0;
	[sflag:s18] =	ssyncadd.s32 $0xFFFFC000  }
0x203: {  	v3 =	vld [tilespmem:s29+$0x8470]  }
0x204: {  	v5 =	vld [tilespmem:s29+$0x8400]  }
0x205: {  	v9 =	vld [tilespmem:s29+$0x8410]  }
0x206: {  	v7 =	vld [tilespmem:s29+$0x8420]  }
0x207: {  	v6 =	vld [tilespmem:s29+$0x8430]  }
0x208: {  	v4 =	vld [tilespmem:s29+$0x8440];
	v10 =	vadd.s32 $0xFFC80000, v3  }
0x209: {  	v8 =	vadd.s32 $0xFFC80000, v5;
	v3 =	vld [tilespmem:s29+$0x8450];
	vm1 =	vlt.u32 v10, $0x80000  }
0x20a: {  	s28 =	simm.s32 $0x80;
	s30 =	simm.s32 $0x400;
	v9 =	vadd.s32 $0xFFC80000, v9;
	v5 =	vld [tilespmem:s29+$0x8460];
	vm0 =	vlt.u32 v8, $0x80000;
	v10 =	vsel vm1, v10, v1  }
.LBB2_48:
0x20b: {  	p0 =	sne.s32 s30, $0xAE00;
	v11 =	vld [tilespmem:s28+$0x8470];
	v8 =	vsel vm0, v8, v1;
	vm0 =	vlt.u32 v9, $0x80000;
	v7 =	vadd.s32 $0xFFC80000, v7;
	[tilespmem:s29+$0xB070] =	vst v10  }
0x20c: {  	v10 =	vld [tilespmem:s28+$0x8400];
	[tilespmem:s29+$0xB000] =	vst v8;
	v8 =	vsel vm0, v9, v1;
	vm0 =	vlt.u32 v7, $0x80000;
	v6 =	vadd.s32 $0xFFC80000, v6  }
0x20d: {  	v9 =	vld [tilespmem:s28+$0x8410];
	[tilespmem:s29+$0xB010] =	vst v8;
	v8 =	vsel vm0, v7, v1;
	vm0 =	vlt.u32 v6, $0x80000;
	v4 =	vadd.s32 $0xFFC80000, v4  }
.Ltmp23:
0x20e: {  	v7 =	vld [tilespmem:s28+$0x8420];
	[tilespmem:s29+$0xB020] =	vst v8;
	v8 =	vsel vm0, v6, v1;
	vm0 =	vlt.u32 v4, $0x80000;
	v3 =	vadd.s32 $0xFFC80000, v3;
	(pc) =	sbr.rel @p0 .LBB2_48-.Ltmp23, $4  }
0x20f: {  	v6 =	vld [tilespmem:s28+$0x8430];
	[tilespmem:s29+$0xB030] =	vst v8;
	v8 =	vsel vm0, v4, v1;
	vm0 =	vlt.u32 v3, $0x80000;
	v5 =	vadd.s32 $0xFFC80000, v5  }
0x210: {  	v4 =	vld [tilespmem:s28+$0x8440];
	v11 =	vadd.s32 $0xFFC80000, v11;
	[tilespmem:s29+$0xB040] =	vst v8;
	v12 =	vsel vm0, v3, v1;
	vm0 =	vlt.u32 v5, $0x80000  }
0x211: {  	v8 =	vadd.s32 $0xFFC80000, v10;
	v3 =	vld [tilespmem:s28+$0x8450];
	vm1 =	vlt.u32 v11, $0x80000;
	[tilespmem:s29+$0xB050] =	vst v12;
	v12 =	vsel vm0, v5, v1  }
0x212: {  	vm0 =	vlt.u32 v8, $0x80000;
	v9 =	vadd.s32 $0xFFC80000, v9;
	v5 =	vld [tilespmem:s28+$0x8460];
	v10 =	vsel vm1, v11, v1;
	[tilespmem:s29+$0xB060] =	vst v12;
	s29 =	smov.u32 s28;
	s28 =	sshra.s32 s30, $0x2;
	s30 =	sadd.s32 $0x200, s30  }
0x213: {  	v11 =	vld [tilespmem:s28+$0x8470];
	[tilespmem:s29+$0xB070] =	vst v10;
	v8 =	vsel vm0, v8, v1;
	vm15 =	vlt.u32 v9, $0x80000;
	v7 =	vadd.s32 $0xFFC80000, v7  }
0x214: {  	v10 =	vld [tilespmem:s28+$0x8400];
	[tilespmem:s29+$0xB000] =	vst v8;
	v56 =	vsel vm15, v9, v1;
	vm4 =	vlt.u32 v7, $0x80000;
	v6 =	vadd.s32 $0xFFC80000, v6  }
0x215: {  	v57 =	vld [tilespmem:s28+$0x8410];
	[tilespmem:s29+$0xB010] =	vst v56;
	v7 =	vsel vm4, v7, v1;
	vm5 =	vlt.u32 v6, $0x80000;
	v4 =	vadd.s32 $0xFFC80000, v4  }
0x216: {  	v8 =	vld [tilespmem:s28+$0x8420];
	[tilespmem:s29+$0xB020] =	vst v7;
	v6 =	vsel vm5, v6, v1;
	vm6 =	vlt.u32 v4, $0x80000;
	v3 =	vadd.s32 $0xFFC80000, v3  }
0x217: {  	v7 =	vld [tilespmem:s28+$0x8430];
	[tilespmem:s29+$0xB030] =	vst v6;
	v4 =	vsel vm6, v4, v1;
	vm7 =	vlt.u32 v3, $0x80000;
	v58 =	vadd.s32 $0xFFC80000, v5  }
0x218: {  	v6 =	vld [tilespmem:s28+$0x8440];
	[tilespmem:s29+$0xB040] =	vst v4;
	v3 =	vsel vm7, v3, v1;
	v11 =	vadd.s32 $0xFFC80000, v11;
	vm8 =	vlt.u32 v58, $0x80000  }
0x219: {  	v59 =	vld [tilespmem:s28+$0x8450];
	[tilespmem:s29+$0xB050] =	vst v3;
	v3 =	vadd.s32 $0xFFC80000, v10;
	vm1 =	vlt.u32 v11, $0x80000;
	v4 =	vsel vm8, v58, v1  }
0x21a: {  	v60 =	vld [tilespmem:s28+$0x8460];
	vm9 =	vlt.u32 v3, $0x80000;
	v9 =	vadd.s32 $0xFFC80000, v57;
	v11 =	vsel vm1, v11, v1;
	[tilespmem:s29+$0xB060] =	vst v4  }
0x21b: {  	v3 =	vsel vm9, v3, v1;
	vm10 =	vlt.u32 v9, $0x80000;
	v61 =	vadd.s32 $0xFFC80000, v8;
	[tilespmem:s28+$0xB070] =	vst v11  }
0x21c: {  	[tilespmem:s28+$0xB000] =	vst v3;
	v3 =	vsel vm10, v9, v1;
	vm11 =	vlt.u32 v61, $0x80000;
	v7 =	vadd.s32 $0xFFC80000, v7  }
0x21d: {  	[tilespmem:s28+$0xB010] =	vst v3;
	v3 =	vsel vm11, v61, v1;
	vm12 =	vlt.u32 v7, $0x80000;
	v62 =	vadd.s32 $0xFFC80000, v6  }
0x21e: {  	[tilespmem:s28+$0xB020] =	vst v3;
	v3 =	vsel vm12, v7, v1;
	vm13 =	vlt.u32 v62, $0x80000;
	v5 =	vadd.s32 $0xFFC80000, v59  }
0x21f: {  	[tilespmem:s28+$0xB030] =	vst v3;
	v3 =	vsel vm13, v62, v1;
	vm14 =	vlt.u32 v5, $0x80000;
	v63 =	vadd.s32 $0xFFC80000, v60  }
0x220: {  	[tilespmem:s28+$0xB040] =	vst v3;
	v3 =	vsel vm14, v5, v1;
	vm15 =	vlt.u32 v63, $0x80000  }
0x221: {  	[tilespmem:s28+$0xB050] =	vst v3;
	v3 =	vsel vm15, v63, v1  }
0x222: {  	[tilespmem:s28+$0xB060] =	vst v3  }
0x223: {  	s28 =	simm.s32 $0x0;
	[bflag:$0x0] =	sbarrier.arrive $0xFFFF  }
.LBB2_50:
0x224: {  	p0 =	sne.s32 s28, $0xAE00  }
.Ltmp24:
0x225: {  	_ = 	snop;
	(pc) =	sbr.rel @p0 .LBB2_50-.Ltmp24, $4  }
0x226: {  	_ = 	snop  }
0x227: {  	s29 =	sshra.s32 s28, $0x2  }
0x228: {  	s28 =	sadd.s32 $0x200, s28;
	s30 =	sadd.s32 $0x5800, s29;
	s29 =	sadd.s32 $0xB000, s29  }
0x229: {  	[spmem:s2] =	stream.indirect.scatter.add.f32 [tilespmem:s30], [sflag:$0x1], $0x1, s29, s22, $0xb8;
	[tilespmem:$0x19C10] =	vst v63  }
0x22a: {  	_ =	swait.ge [sflag:s23], $0x80  }
0x22b: {  	s28 =	simm.s32 $0x57;
	[sflag:s23] =	ssyncset.done $0x0  }
.LBB2_52:
0x22c: {  	p0 =	sne.s32 s28, $0x1;
	s28 =	sadd.s32 $0xFFFFFFFF, s28;
	[sflag:s23] =	ssyncadd.s32 $0xFFFFFF80  }
.Ltmp25:
0x22d: {  	(pc) =	sbr.rel @p0 .LBB2_52-.Ltmp25, $3  }
0x22e: {  	_ =	sdelay $0x1  }
0x22f: {  	_ =	swait.ge [sflag:s23], $0x80  }
0x230: {  	[sflag:s23] =	ssyncset.done $0x0  }
0x231: {  	s24 =	sadd.s32 $0x1, s24  }
0x232: {  	[sflag:s23] =	ssyncadd.s32 $0xFFFFFF80;
	p0 =	sne.s32 s24, s17  }
.Ltmp26:
0x233: {  	[bflag:$0x0] =	sbarrier.arrive $0xFFFF;
	(pc) =	sbr.rel @p0 .LBB2_1-.Ltmp26, $4  }
0x234: {  	[hbm:s16], [sflag:s25] =	dma.local [spmem:s26], $0x1000  }
0x235: {  	_ =	swait.ge [sflag:s18], $0x1000  }
0x236: {  	[sflag:s18] =	ssyncset.done $0x0  }
0x237: {  	[sflag:s18] =	ssyncadd.s32 $0xFFFFF000  }
0x238: {  	_ =	sfence.sel $0x180000  }
0x239: {  	[bflag:$0x0] =	sbarrier.arrive $0xFFFF  }
0x23a: {  	p0 =	sne.s32 s1, $0x0;
	_ =	strace $0x90000047  }
0x23b: {  	s0 =	sadd.s32 @!p0 $0x100000, s0;
	[bflag:$0x2] =	sbarrier.arrive $0xFFFF  }
0x23c: {  	[sflag:s0] =	ssyncadd.tile.s32 @!p0 $0x1;
	_ =	shalt  }
.Lfunc_end2:
_tile_overlayer_lowered:
.L_overlay_start_2:
0x23d: {  	(tag) =	ssettag $0x2  }
0x23e: {  	s0 =	rddreg [dreg:$0x0];
	s2 =	stileid.u32  }
0x23f: {  	s1 =	rddreg [dreg:$0x1];
	p0 =	sne.s32 s2, $0x0  }
0x240: {  	s3 =	rddreg [dreg:$0x2];
	[bflag:$0x3] =	sbarrier.arrive $0xFFFF;
	s2 =	simm.s32 @!p0 $0x1C02  }
0x241: {  	[timem:s3], [sflag:s2] =	dma.local @!p0 [hbm:s0], s1  }
0x242: {  	s0 =	simm.s32 @!p0 $0x2  }
0x243: {  	_ =	swait.ge @!p0 [sflag:s0], s1  }
0x244: {  	s1 =	ssub.s32 @!p0 $0x0, s1;
	[sflag:s0] =	ssyncset.done @!p0 $0x0  }
0x245: {  	[sflag:s0] =	ssyncadd.s32 @!p0 s1  }
0x246: {  	[bflag:$0x3] =	sbarrier.arrive $0xFFFF  }
0x247: {  	_ =	shalt  }

// kernel: sc_scatter_2048.3.cloned.1.call-start
scs
__scs_entry_jumppad:
0x0: {  	(pc) =	sbr.rel $0x88, $3  }
0x1: {  	(tag) =	ssettag $0x0;
	lr =	simm.s32 $0x1  }
0x2: {  	[smem:$0x3F9D] =	sst lr;
	_ =	strace $0xD0000000  }
0x3: {  	_ = 	snop  }
0x4: {  	_ = 	snop  }
0x5: {  	_ = 	snop  }
0x6: {  	_ = 	snop  }
0x7: {  	_ = 	snop  }
__scs_overlays_trampoline_lowered:
0x8: {  	[smem:$0x3FAC] =	sst s0  }
0x9: {  	[smem:$0x3FAD] =	sst s1  }
0xa: {  	[smem:$0x3FAE] =	sst s2  }
0xb: {  	[smem:$0x3FAF] =	sst s3  }
0xc: {  	[smem:$0x3FB0] =	sst s4  }
0xd: {  	[smem:$0x3FB1] =	sst s5  }
0xe: {  	[smem:$0x3FB2] =	sst s6  }
0xf: {  	[smem:$0x3FB3] =	sst s7  }
0x10: {  	[smem:$0x3FB4] =	sst s8  }
0x11: {  	[smem:$0x3FB5] =	sst s9;
	s0 =	simm.s32 @!p0 $0x0  }
0x12: {  	s1 =	sld [smem:$0x3F9B];
	s0 =	simm.s32 @p0 $0x1  }
0x13: {  	[smem:$0x3FB6] =	sst s0;
	s0 =	simm.s32 @!p1 $0x0  }
0x14: {  	s2 =	sld [smem:$0x3F9A];
	s0 =	simm.s32 @p1 $0x1  }
0x15: {  	[smem:$0x3FB7] =	sst s0;
	s0 =	simm.s32 @!p2 $0x0  }
0x16: {  	s3 =	sld [smem:$0x3FDB];
	s0 =	simm.s32 @p2 $0x1  }
0x17: {  	s4 =	simm.s32 $0x1BF5;
	[smem:$0x3FB9] =	sst s0  }
0x18: {  	s0 =	sld [smem:$0x3F9C];
	_ =	swait.ge [sflag:s4], $0x0  }
0x19: {  	s7 =	sld [smem:$0x3F9D]  }
0x1a: {  	s8 =	sadd.s32 $0xFFFFE003, lr  }
0x1b: {  	s9 =	sadd.s32 $0xFFFFFEF7, lr;
	s5 =	simm.s32 $0xFFFFFFFF;
	p2 =	slt.u32 s8, $0xFFFFF086  }
0x1c: {  	p1 =	slt.u32 s9, $0xF7A;
	s5 =	simm.s32 @!p2 $0x0  }
0x1d: {  	s5 =	simm.s32 @p1 $0x1;
	p0 =	seq.s32 s7, s2  }
0x1e: {  	s7 =	smul.u32 @!p0 $0xF7A, s2;
	p2 =	seq.s32 @!p0 s5, $0x0  }
0x1f: {  	s9 =	smul.u32 $0xF7A, s1;
	s8 =	simm.s32 @!p0 $0x1BF5;
	p2 =	por !p2, p0  }
0x20: {  	[sflag:s8] =	ssyncset.s32 @!p0 $0xFFFFF086;
	s6 =	sadd.s32 @!p0 s3, s7;
	s7 =	simm.s32 @!p0 $0x108  }
0x21: {  	s3 =	sadd.s32 s3, s9;
	s6 =	sadd.s32 @!p0 $0x88, s6;
	s7 =	simm.s32 @p2 $0x1082  }
0x22: {  	[simem:s7], [sflag:s8] =	dma.local @!p0 [hbm:s6], $0xF7A  }
0x23: {  	s9 =	sor.u32 $0xD0000000, s2;
	s6 =	simm.s32 $0x108;
	_ =	swait.ge @!p0 [sflag:s8], $0x0  }
0x24: {  	s3 =	sadd.s32 $0x88, s3;
	s6 =	simm.s32 @!p1 $0x1082;
	[sflag:s4] =	ssyncset.s32 $0xFFFFF086  }
0x25: {  	[simem:s6], [sflag:s4] =	dma.local [hbm:s3], $0xF7A  }
0x26: {  	[smem:$0x3F9D] =	sst s1;
	(tag) =	ssettag s2;
	_ =	strace s9  }
0x27: {  	s1 =	sld [smem:$0x3FAD]  }
0x28: {  	s2 =	sld [smem:$0x3FAE]  }
0x29: {  	s4 =	sld [smem:$0x3FB0]  }
0x2a: {  	p0 =	seq.s32 s5, $0x0;
	s5 =	sld [smem:$0x3FB1]  }
0x2b: {  	s6 =	sld [smem:$0x3FB2]  }
0x2c: {  	s7 =	sld [smem:$0x3FB3]  }
0x2d: {  	s3 =	simm.s32 $0x108;
	s8 =	sld [smem:$0x3FB4]  }
0x2e: {  	s3 =	simm.s32 @!p0 $0x1082;
	s9 =	sld [smem:$0x3FB5]  }
0x2f: {  	lr =	sadd.s32 s0, s3;
	s0 =	sld [smem:$0x3FAC]  }
0x30: {  	s3 =	sld [smem:$0x3FAF]  }
0x31: {  	[smem:$0x3FB8] =	sst s10  }
0x32: {  	s10 =	sld [smem:$0x3FB6];
	_ =	sdelay $0x3  }
0x33: {  	p0 =	seq.s32 s10, $0x1;
	s10 =	sld [smem:$0x3FB8];
	_ =	sdelay $0x3  }
0x34: {  	[smem:$0x3FB8] =	sst s10  }
0x35: {  	s10 =	sld [smem:$0x3FB7];
	_ =	sdelay $0x3  }
0x36: {  	p1 =	seq.s32 s10, $0x1;
	s10 =	sld [smem:$0x3FB8];
	_ =	sdelay $0x3  }
0x37: {  	[smem:$0x3FB8] =	sst s10  }
0x38: {  	s10 =	sld [smem:$0x3FB9]  }
0x39: {  	_ = 	snop;
	(pc) =	sbr.ind lr, $3  }
0x3a: {  	_ = 	snop  }
0x3b: {  	_ = 	snop  }
0x3c: {  	p2 =	seq.s32 s10, $0x1;
	s10 =	sld [smem:$0x3FB8]  }
0x3d: {  	_ =	shalt  }
0x3e: {  	_ =	shalt  }
0x3f: {  	_ =	shalt  }
0x40: {  	_ =	shalt  }
0x41: {  	_ =	shalt  }
0x42: {  	_ =	shalt  }
0x43: {  	_ =	shalt  }
0x44: {  	_ =	shalt  }
0x45: {  	_ =	shalt  }
0x46: {  	_ =	shalt  }
0x47: {  	_ =	shalt  }
0x48: {  	_ =	shalt  }
0x49: {  	_ =	shalt  }
0x4a: {  	_ =	shalt  }
0x4b: {  	_ =	shalt  }
0x4c: {  	_ =	shalt  }
0x4d: {  	_ =	shalt  }
0x4e: {  	_ =	shalt  }
0x4f: {  	_ =	shalt  }
0x50: {  	_ =	shalt  }
0x51: {  	_ =	shalt  }
0x52: {  	_ =	shalt  }
0x53: {  	_ =	shalt  }
0x54: {  	_ =	shalt  }
0x55: {  	_ =	shalt  }
0x56: {  	_ =	shalt  }
0x57: {  	_ =	shalt  }
0x58: {  	_ =	shalt  }
0x59: {  	_ =	shalt  }
0x5a: {  	_ =	shalt  }
0x5b: {  	_ =	shalt  }
0x5c: {  	_ =	shalt  }
0x5d: {  	_ =	shalt  }
0x5e: {  	_ =	shalt  }
0x5f: {  	_ =	shalt  }
0x60: {  	_ =	shalt  }
0x61: {  	_ =	shalt  }
0x62: {  	_ =	shalt  }
0x63: {  	_ =	shalt  }
0x64: {  	_ =	shalt  }
0x65: {  	_ =	shalt  }
0x66: {  	_ =	shalt  }
0x67: {  	_ =	shalt  }
0x68: {  	_ =	shalt  }
0x69: {  	_ =	shalt  }
0x6a: {  	_ =	shalt  }
0x6b: {  	_ =	shalt  }
0x6c: {  	_ =	shalt  }
0x6d: {  	_ =	shalt  }
0x6e: {  	_ =	shalt  }
0x6f: {  	_ =	shalt  }
0x70: {  	_ =	shalt  }
0x71: {  	_ =	shalt  }
0x72: {  	_ =	shalt  }
0x73: {  	_ =	shalt  }
0x74: {  	_ =	shalt  }
0x75: {  	_ =	shalt  }
0x76: {  	_ =	shalt  }
0x77: {  	_ =	shalt  }
0x78: {  	_ =	shalt  }
0x79: {  	_ =	shalt  }
0x7a: {  	_ =	shalt  }
0x7b: {  	_ =	shalt  }
0x7c: {  	_ =	shalt  }
0x7d: {  	_ =	shalt  }
0x7e: {  	_ =	shalt  }
0x7f: {  	_ =	shalt  }
0x80: {  	_ =	shalt  }
0x81: {  	_ =	shalt  }
0x82: {  	_ =	shalt  }
0x83: {  	_ =	shalt  }
0x84: {  	_ =	shalt  }
0x85: {  	_ =	shalt  }
0x86: {  	_ =	shalt  }
0x87: {  	_ =	shalt  }
.Lfunc_end0:
.L_simem_size_0:
called_computation.1_lowered:
.L_overlay_start_0:
0x88: {  	s2 =	sld [smem:$0x3FD9]  }
0x89: {  	s3 =	sld [smem:$0x3FFE];
	_ =	sdelay $0x1  }
0x8a: {  	s1 =	srdreg.scid  }
0x8b: {  	s0 =	sand.u32 $0x1, s1  }
0x8c: {  	s17 =	sshll.u32 s0, $0xA;
	s2 =	sadd.s32 s3, s2  }
0x8d: {  	s2 =	sadd.s32 s2, s17  }
0x8e: {  	[smem:$0x3FC4] =	sst s2  }
0x8f: {  	_ = 	snop  }
0x90: {  	(tm) =	ssettm $0x1  }
0x91: {  	s18 =	sld [smem:$0x3FFB];
	_ =	sdelay $0x3  }
0x92: {  	_ =	strace s18  }
0x93: {  	s2 =	sld [smem:$0x3FFC];
	_ =	sdelay $0x3  }
0x94: {  	_ =	strace s2  }
0x95: {  	s2 =	sld [smem:$0x3FFD];
	_ =	sdelay $0x3  }
0x96: {  	_ =	strace s2  }
0x97: {  	_ =	strace $0x8FFFFFFF  }
0x98: {  	s19 =	sld [smem:$0x3FDB];
	_ =	sdelay $0x1  }
0x99: {  	s20 =	simm.s32 $_scs_section_size  }
0x9a: {  	s4 =	simm.s32 $_size__tile_overlayer_lowered;
	s5 =	simm.s32 $_tile_overlayer_lowered  }
0x9b: {  	s6 =	simm.s32 $0x1BFF;
	s21 =	sshll.u32 s5, $0x1;
	s3 =	sadd.s32 s20, s19  }
0x9c: {  	s22 =	simm.s32 $0x0;
	s4 =	sshll.u32 s4, $0x1;
	s5 =	sadd.s32 s21, s3  }
0x9d: {  	[timem:s22], [sflag:s6] =	dma.local [hbm:s5], s4  }
0x9e: {  	_ =	swait.ge [sflag:s6], s4  }
0x9f: {  	s4 =	ssub.s32 $0x0, s4;
	[sflag:s6] =	ssyncset.done $0x0  }
0xa0: {  	[sflag:s6] =	ssyncadd.s32 s4;
	_ =	sdelay $0x1  }
0xa1: {  	s23 =	simm.s32 $0x1B8B  }
0xa2: {  	_ =	swait.ge [sflag:s23], $0x1  }
0xa3: {  	[sflag:s23] =	ssyncset.done $0x0  }
0xa4: {  	[sflag:s23] =	ssyncadd.s32 $0xFFFFFFFF  }
0xa5: {  	s4 =	sld [smem:$0x0]  }
0xa6: {  	s5 =	sand.u32 $0xFFFFFFFE, s1  }
0xa7: {  	p0 =	sne.s32 s1, s5  }
0xa8: {  	s5 =	sshll.u32 @p0 s5, $0xE  }
0xa9: {  	s5 =	sadd.s32 @p0 $0x11B8D, s5;
	s6 =	sshll.u32 @p0 s4, $0x11  }
0xaa: {  	s5 =	sor.u32 @p0 s6, s5  }
0xab: {  	[sflag:s5] =	ssyncadd.remote.s32 @p0 $0x1;
	_ =	sdelay $0x1  }
0xac: {  	s5 =	simm.s32 @p0 $0x1B8D  }
0xad: {  	_ =	swait.eq @p0 [sflag:s5], $0x1  }
0xae: {  	[sflag:s5] =	ssyncadd.s32 @p0 $0xFFFFFFFF  }
0xaf: {  	s6 =	sshll.u32 @!p0 s1, $0xE  }
0xb0: {  	s6 =	sor.u32 @!p0 $0x4000, s6;
	s5 =	simm.s32 @!p0 $0x1B8D  }
0xb1: {  	s4 =	sshll.u32 @!p0 s4, $0x11;
	s6 =	sadd.s32 @!p0 $0x11B8D, s6;
	_ =	swait.eq @!p0 [sflag:s5], $0x1  }
0xb2: {  	s4 =	sor.u32 @!p0 s4, s6;
	[sflag:s5] =	ssyncadd.s32 @!p0 $0xFFFFFFFF  }
0xb3: {  	s25 =	simm.s32 $0x1B8E;
	s24 =	sld [smem:$0x3FFE];
	[sflag:s4] =	ssyncadd.remote.s32 @!p0 $0x1  }
0xb4: {  	s26 =	simm.s32 $execute0_lowered;
	[smem:$0x3FD2] =	sst s25  }
0xb5: {  	s5 =	sshll.u32 s26, $0x1;
	_ =	strace $0x80000049;
	[dreg:$0x1] =	wrdreg $0xFFFFFFFF  }
0xb6: {  	s28 =	simm.s32 $_size_execute0_lowered;
	s3 =	sadd.s32 s3, s5;
	[dreg:$0x0] =	wrdreg $0x0  }
0xb7: {  	s5 =	sshll.u32 s28, $0x1;
	[dreg:$0x2] =	wrdreg s3  }
0xb8: {  	[dreg:$0x3] =	wrdreg s5  }
0xb9: {  	[dreg:$0x4] =	wrdreg $0xC0  }
0xba: {  	_ =	task [dreg:s22], $0x5FFFF  }
0xbb: {  	[dreg:$0x1] =	wrdreg $0xFFFFFFFF  }
0xbc: {  	[dreg:$0x0] =	wrdreg $0x60  }
0xbd: {  	[dreg:$0x2] =	wrdreg s24  }
0xbe: {  	[dreg:$0x3] =	wrdreg $0x11C000  }
0xbf: {  	[dreg:$0x4] =	wrdreg $0xA  }
0xc0: {  	_ =	task.clear_ibuf [dreg:s22], $0x5FFFF;
	_ =	strace $0x90000049  }
0xc1: {  	s29 =	simm.s32 $0xA;
	_ =	strace $0x8000004B  }
0xc2: {  	_ =	swait.ge [sflag:s29], $0x1  }
0xc3: {  	[sflag:s29] =	ssyncadd.s32 $0xFFFFFFFF  }
0xc4: {  	_ =	strace $0x9000004B  }
0xc5: {  	_ =	sfence  }
0xc6: {  	s30 =	sld [smem:$0x0];
	_ =	sdelay $0x2  }
0xc7: {  	s31 =	sshll.u32 s1, $0xD;
	s1 =	sshrl.u32 s1, $0x2  }
0xc8: {  	s4 =	sand.u32 $0x4000, s31;
	s1 =	sadd.s32 s1, s30  }
0xc9: {  	s0 =	sor.u32 s4, s0;
	s1 =	sshll.u32 s1, $0x11  }
0xca: {  	s0 =	sor.u32 s1, s0  }
0xcb: {  	s0 =	sadd.s32 $0x8F2B, s0  }
0xcc: {  	[sflag:s0] =	ssyncadd.remote.s32 $0x1  }
0xcd: {  	_ =	sfence.sel $0xFFFF  }
0xce: {  	[dreg:$0x0] =	wrdreg $0xFFFFFFFF;
	(pc) =	sbr.abs _section_cstart, $3  }
0xcf: {  	[dreg:$0x1] =	wrdreg $0xFFFFFFFF  }
0xd0: {  	_ =	task.clear_ibuf [dreg:s22], $0x2FFFF;
	_ =	strace $0x9FFFFFFF  }
0xd1: {  	(tm) =	ssettm $0x7FFFFFFF  }
tec
execute0_lowered:
.L_overlay_start_1:
0x0: {  	(tag) =	ssettag $0x1  }
0x1: {  	s4 =	rddreg [dreg:$0x0]  }
0x2: {  	s2 =	rddreg [dreg:$0x1]  }
0x3: {  	s0 =	rddreg [dreg:$0x2];
	s1 =	stileid.u32  }
0x4: {  	s5 =	srdreg.scid;
	s3 =	simm.s32 $0x0;
	s19 =	simm.s32 $0x2C00  }
0x5: {  	s20 =	simm.s32 $0x5800;
	s21 =	simm.s32 $0xDC00;
	s23 =	simm.s32 $0x1  }
0x6: {  	s24 =	simm.s32 $0x0;
	s6 =	smul.u32 $0x580, s1;
	s5 =	sand.u32 $0x1, s5  }
0x7: {  	[smem:$0x7FF] =	sst s3;
	s10 =	sadd.s32 $0x111C00, s4;
	s29 =	sshll.u32 s1, $0x4  }
0x8: {  	s9 =	sshll.u32 s1, $0xF;
	s7 =	ssub.s32 $0x2, s5;
	_ =	strace $0x8000004A  }
0x9: {  	s28 =	sshll.u32 s5, $0x16;
	s22 =	sor.u32 $0x80000, s29;
	s6 =	sadd.s32 s6, s4  }
0xa: {  	v1 =	vlaneseq.u32;
	s8 =	sshrl.u32 s7, $0x1;
	s16 =	sor.u32 $0x800000, s28;
	s11 =	sor.u32 s9, s28  }
0xb: {  	v1 =	vor.u32 s22, v1;
	s22 =	simm.s32 $0x80;
	s17 =	ssub.s32 s7, s8;
	s4 =	sadd.s32 $0xC400, s6  }
0xc: {  	s5 =	sadd.s32 $0x6C00, s6;
	s6 =	sadd.s32 $0x1400, s6;
	s30 =	sor.u32 s9, s16  }
0xd: {  	s7 =	sadd.s32 s9, s2;
	s11 =	sshrl.u32 s11, $0x3;
	s31 =	sshrl.u32 s30, $0x3  }
0xe: {  	s8 =	sadd.s32 $0x4000, s7;
	s18 =	sadd.s32 s11, s10;
	s17 =	smax.u32 s17, $0x1  }
0xf: {  	v0 =	vmov s16;
	s9 =	sadd.s32 s10, s31;
	s10 =	sadd.s32 $0x110000, s18;
	s11 =	sadd.s32 $0x120000, s18  }
0x10: {  	v0 =	vsub.s32 $0x0, v0;
	s12 =	sadd.s32 $0x130000, s18;
	s13 =	sadd.s32 $0x140000, s18;
	s14 =	sadd.s32 $0x150000, s18  }
0x11: {  	v2 =	vimm.f32 $0.0e+00;
	s15 =	sadd.s32 $0x160000, s18;
	s16 =	sadd.s32 $0x170000, s18;
	s18 =	simm.s32 $0x2;
	v0 =	vbroadcast v0, $0x0  }
.LBB2_1:
0x12: {  	[tilespmem:s3], [sflag:$0x2] =	stream.linear.gather [hbm4b:s4+s3], $0x2C00, $0x38;
	[tilespmem:$0x19C10] =	vst v63  }
0x13: {  	_ =	swait.ge [sflag:s18], $0x2C00  }
0x14: {  	[sflag:s18] =	ssyncset.done $0x0  }
0x15: {  	[sflag:s18] =	ssyncadd.s32 $0xFFFFD400  }
0x16: {  	[tilespmem:s19], [sflag:$0x2] =	stream.linear.gather [hbm4b:s5+s3], $0x2C00, $0x38;
	[tilespmem:$0x19C10] =	vst v63  }
0x17: {  	_ =	swait.ge [sflag:s18], $0x2C00  }
0x18: {  	[sflag:s18] =	ssyncset.done $0x0  }
0x19: {  	[sflag:s18] =	ssyncadd.s32 $0xFFFFD400  }
0x1a: {  	[tilespmem:s20], [sflag:$0x2] =	stream.linear.gather [hbm4b:s6+s3], $0x2C00, $0x38;
	[tilespmem:$0x19C10] =	vst v63  }
0x1b: {  	_ =	swait.ge [sflag:s18], $0x2C00  }
0x1c: {  	[sflag:s18] =	ssyncset.done $0x0  }
0x1d: {  	s25 =	simm.s32 $0x0;
	[sflag:s18] =	ssyncadd.s32 $0xFFFFD400  }
.LBB2_2:
0x1e: {  	p0 =	sne.s32 s25, $0xFFC0  }
.Ltmp0:
0x1f: {  	_ = 	snop;
	(pc) =	sbr.rel @p0 .LBB2_2-.Ltmp0, $3  }
0x20: {  	_ =	sdelay $0x1  }
0x21: {  	s26 =	sshra.s32 s25, $0x2  }
0x22: {  	s25 =	sadd.s32 $0x40, s25;
	[tilespmem:s26+$0xDC00] =	vst v2  }
0x23: {  	s25 =	simm.s32 $0x0  }
0x24: {  	v3 =	vld [tilespmem:s25+$0x70]  }
0x25: {  	v4 =	vld [tilespmem:s25+$0x2C70]  }
0x26: {  	v5 =	vld [tilespmem:s25+$0x0]  }
0x27: {  	v6 =	vld [tilespmem:s25+$0x2C00]  }
0x28: {  	v7 =	vld [tilespmem:s25+$0x10]  }
0x29: {  	v8 =	vld [tilespmem:s25+$0x2C10]  }
0x2a: {  	v9 =	vld [tilespmem:s25+$0x20]  }
0x2b: {  	v10 =	vld [tilespmem:s25+$0x2C20];
	v3 =	vshll.u32 v3, $0xC;
	v4 =	vadd.s32 v0, v4  }
0x2c: {  	v11 =	vld [tilespmem:s25+$0x30];
	v3 =	vadd.s32 v3, v4;
	v4 =	vshll.u32 v5, $0xC;
	v5 =	vadd.s32 v0, v6  }
0x2d: {  	v12 =	vld [tilespmem:s25+$0x2C30];
	[tilespmem:s25+$0x8470] =	vst v3;
	v3 =	vadd.s32 v4, v5  }
0x2e: {  	v13 =	vld [tilespmem:s25+$0x2C40];
	v4 =	vadd.s32 v0, v8;
	[tilespmem:s25+$0x8400] =	vst v3;
	v3 =	vshll.u32 v7, $0xC  }
0x2f: {  	v8 =	vld [tilespmem:s25+$0x40];
	v3 =	vadd.s32 v3, v4  }
0x30: {  	v5 =	vld [tilespmem:s25+$0x50];
	v4 =	vadd.s32 v0, v10;
	[tilespmem:s25+$0x8410] =	vst v3;
	v3 =	vshll.u32 v9, $0xC  }
0x31: {  	v6 =	vld [tilespmem:s25+$0x2C50];
	v3 =	vadd.s32 v3, v4  }
0x32: {  	v9 =	vadd.s32 v0, v12;
	v4 =	vld [tilespmem:s25+$0x60];
	[tilespmem:s25+$0x8420] =	vst v3;
	v3 =	vshll.u32 v11, $0xC  }
0x33: {  	s26 =	simm.s32 $0x80;
	v7 =	vld [tilespmem:s25+$0x2C60];
	v9 =	vadd.s32 v3, v9  }
0x34: {  	s28 =	simm.s32 $0x400;
	v8 =	vshll.u32 v8, $0xC;
	v3 =	vld [tilespmem:s26+$0x70];
	[tilespmem:s25+$0x8430] =	vst v9;
	v9 =	vadd.s32 v0, v13  }
.LBB2_4:
0x35: {  	p0 =	sne.s32 s28, $0xAE00;
	v10 =	vld [tilespmem:s26+$0x2C70];
	v8 =	vadd.s32 v8, v9;
	v5 =	vshll.u32 v5, $0xC  }
0x36: {  	v9 =	vld [tilespmem:s26+$0x0];
	[tilespmem:s25+$0x8440] =	vst v8;
	v6 =	vadd.s32 v0, v6  }
0x37: {  	v8 =	vld [tilespmem:s26+$0x2C00];
	v5 =	vadd.s32 v5, v6;
	v4 =	vshll.u32 v4, $0xC  }
0x38: {  	v6 =	vld [tilespmem:s26+$0x10];
	[tilespmem:s25+$0x8450] =	vst v5;
	v5 =	vadd.s32 v0, v7  }
0x39: {  	v7 =	vld [tilespmem:s26+$0x2C10];
	v4 =	vadd.s32 v4, v5  }
0x3a: {  	v3 =	vshll.u32 v3, $0xC;
	v5 =	vld [tilespmem:s26+$0x20];
	v10 =	vadd.s32 v0, v10;
	[tilespmem:s25+$0x8460] =	vst v4;
	s25 =	smov.u32 s26  }
0x3b: {  	v4 =	vshll.u32 v9, $0xC;
	v9 =	vld [tilespmem:s25+$0x2C20];
	v3 =	vadd.s32 v3, v10  }
0x3c: {  	v8 =	vadd.s32 v0, v8;
	v10 =	vld [tilespmem:s25+$0x30];
	[tilespmem:s25+$0x8470] =	vst v3  }
0x3d: {  	v3 =	vadd.s32 v4, v8;
	v4 =	vshll.u32 v6, $0xC;
	v8 =	vld [tilespmem:s25+$0x2C30]  }
0x3e: {  	[tilespmem:s25+$0x8400] =	vst v3;
	v3 =	vadd.s32 v0, v7;
	v7 =	vld [tilespmem:s25+$0x40]  }
0x3f: {  	v3 =	vadd.s32 v4, v3;
	v4 =	vshll.u32 v5, $0xC;
	v11 =	vld [tilespmem:s25+$0x2C40]  }
.Ltmp1:
0x40: {  	[tilespmem:s25+$0x8410] =	vst v3;
	v3 =	vadd.s32 v0, v9;
	v5 =	vld [tilespmem:s25+$0x50];
	(pc) =	sbr.rel @p0 .LBB2_4-.Ltmp1, $4  }
0x41: {  	v3 =	vadd.s32 v4, v3;
	v9 =	vshll.u32 v10, $0xC;
	v6 =	vld [tilespmem:s25+$0x2C50]  }
0x42: {  	[tilespmem:s25+$0x8420] =	vst v3;
	v3 =	vadd.s32 v0, v8;
	v4 =	vld [tilespmem:s25+$0x60]  }
0x43: {  	s26 =	sshra.s32 s28, $0x2;
	v9 =	vadd.s32 v9, v3;
	v8 =	vshll.u32 v7, $0xC;
	v7 =	vld [tilespmem:s25+$0x2C60]  }
0x44: {  	s28 =	sadd.s32 $0x200, s28;
	v3 =	vld [tilespmem:s26+$0x70];
	[tilespmem:s25+$0x8430] =	vst v9;
	v9 =	vadd.s32 v0, v11  }
0x45: {  	v10 =	vld [tilespmem:s26+$0x2C70];
	v8 =	vadd.s32 v8, v9  }
0x46: {  	v9 =	vld [tilespmem:s26+$0x0];
	v5 =	vshll.u32 v5, $0xC;
	[tilespmem:s25+$0x8440] =	vst v8;
	v6 =	vadd.s32 v0, v6  }
0x47: {  	v8 =	vld [tilespmem:s26+$0x2C00];
	v5 =	vadd.s32 v5, v6  }
0x48: {  	v6 =	vld [tilespmem:s26+$0x10];
	v4 =	vshll.u32 v4, $0xC;
	[tilespmem:s25+$0x8450] =	vst v5;
	v5 =	vadd.s32 v0, v7  }
0x49: {  	v7 =	vld [tilespmem:s26+$0x2C10];
	v4 =	vadd.s32 v4, v5  }
0x4a: {  	v5 =	vld [tilespmem:s26+$0x20];
	[tilespmem:s25+$0x8460] =	vst v4  }
0x4b: {  	v3 =	vshll.u32 v3, $0xC;
	v4 =	vadd.s32 v0, v10;
	v10 =	vld [tilespmem:s26+$0x2C20]  }
0x4c: {  	v9 =	vshll.u32 v9, $0xC;
	v3 =	vadd.s32 v3, v4;
	v4 =	vld [tilespmem:s26+$0x30];
	v8 =	vadd.s32 v0, v8  }
0x4d: {  	[tilespmem:s26+$0x8470] =	vst v3;
	v3 =	vadd.s32 v9, v8;
	v8 =	vld [tilespmem:s26+$0x2C30]  }
0x4e: {  	v9 =	vld [tilespmem:s26+$0x50]  }
0x4f: {  	[tilespmem:s26+$0x8400] =	vst v3;
	v3 =	vshll.u32 v6, $0xC;
	v6 =	vadd.s32 v0, v7;
	v7 =	vld [tilespmem:s26+$0x40]  }
0x50: {  	v3 =	vadd.s32 v3, v6;
	v6 =	vld [tilespmem:s26+$0x2C40]  }
0x51: {  	[tilespmem:s26+$0x8410] =	vst v3;
	v3 =	vshll.u32 v5, $0xC;
	v5 =	vadd.s32 v0, v10;
	v10 =	vld [tilespmem:s26+$0x2C60]  }
0x52: {  	v3 =	vadd.s32 v3, v5;
	v5 =	vld [tilespmem:s26+$0x2C50]  }
0x53: {  	[tilespmem:s26+$0x8420] =	vst v3;
	v3 =	vld [tilespmem:s26+$0x60];
	_ =	sdelay $0x1  }
0x54: {  	v4 =	vshll.u32 v4, $0xC;
	v8 =	vadd.s32 v0, v8  }
0x55: {  	v4 =	vadd.s32 v4, v8;
	v7 =	vshll.u32 v7, $0xC;
	v6 =	vadd.s32 v0, v6  }
0x56: {  	[tilespmem:s26+$0x8430] =	vst v4;
	v4 =	vadd.s32 v7, v6;
	v6 =	vshll.u32 v9, $0xC;
	v5 =	vadd.s32 v0, v5  }
0x57: {  	[tilespmem:s26+$0x8440] =	vst v4;
	v4 =	vadd.s32 v6, v5;
	v3 =	vshll.u32 v3, $0xC;
	v5 =	vadd.s32 v0, v10  }
0x58: {  	[tilespmem:s26+$0x8450] =	vst v4;
	v3 =	vadd.s32 v3, v5  }
0x59: {  	[tilespmem:s26+$0x8460] =	vst v3  }
0x5a: {  	[spmem:s7] =	stream.linear.scatter [tilespmem:s21], [sflag:$0x2], $0x4000, $0x38;
	[tilespmem:$0x19C10] =	vst v63  }
0x5b: {  	_ =	swait.ge [sflag:s18], $0x4000  }
0x5c: {  	[sflag:s18] =	ssyncset.done $0x0  }
0x5d: {  	[sflag:s18] =	ssyncadd.s32 $0xFFFFC000  }
0x5e: {  	[spmem:s8] =	stream.linear.scatter [tilespmem:s21], [sflag:$0x2], $0x4000, $0x38;
	[tilespmem:$0x19C10] =	vst v63  }
0x5f: {  	_ =	swait.ge [sflag:s18], $0x4000  }
0x60: {  	[sflag:s18] =	ssyncset.done $0x0  }
0x61: {  	s26 =	simm.s32 $0x0;
	[sflag:s18] =	ssyncadd.s32 $0xFFFFC000  }
0x62: {  	v5 =	vld [tilespmem:s26+$0x8470]  }
0x63: {  	v9 =	vld [tilespmem:s26+$0x8400]  }
0x64: {  	v8 =	vld [tilespmem:s26+$0x8410]  }
0x65: {  	v7 =	vld [tilespmem:s26+$0x8420]  }
0x66: {  	v6 =	vld [tilespmem:s26+$0x8430]  }
0x67: {  	v4 =	vld [tilespmem:s26+$0x8440];
	vm0 =	vlt.u32 v5, $0x80000  }
0x68: {  	v3 =	vld [tilespmem:s26+$0x8450];
	vm1 =	vlt.u32 v9, $0x80000;
	v10 =	vsel vm0, v5, v1  }
0x69: {  	s28 =	simm.s32 $0x400;
	s25 =	simm.s32 $0x80;
	v5 =	vld [tilespmem:s26+$0x8460];
	v9 =	vsel vm1, v9, v1;
	vm0 =	vlt.u32 v8, $0x80000;
	[tilespmem:s26+$0xB070] =	vst v10  }
.LBB2_6:
0x6a: {  	p0 =	sne.s32 s28, $0xAE00;
	v10 =	vld [tilespmem:s25+$0x8470];
	[tilespmem:s26+$0xB000] =	vst v9;
	v8 =	vsel vm0, v8, v1;
	vm0 =	vlt.u32 v7, $0x80000  }
0x6b: {  	v9 =	vld [tilespmem:s25+$0x8400];
	[tilespmem:s26+$0xB010] =	vst v8;
	v7 =	vsel vm0, v7, v1;
	vm0 =	vlt.u32 v6, $0x80000  }
0x6c: {  	v8 =	vld [tilespmem:s25+$0x8410];
	[tilespmem:s26+$0xB020] =	vst v7;
	v6 =	vsel vm0, v6, v1;
	vm0 =	vlt.u32 v4, $0x80000  }
.Ltmp2:
0x6d: {  	v7 =	vld [tilespmem:s25+$0x8420];
	[tilespmem:s26+$0xB030] =	vst v6;
	v4 =	vsel vm0, v4, v1;
	vm0 =	vlt.u32 v3, $0x80000;
	(pc) =	sbr.rel @p0 .LBB2_6-.Ltmp2, $4  }
0x6e: {  	v6 =	vld [tilespmem:s25+$0x8430];
	[tilespmem:s26+$0xB040] =	vst v4;
	v3 =	vsel vm0, v3, v1;
	vm0 =	vlt.u32 v5, $0x80000  }
0x6f: {  	v4 =	vld [tilespmem:s25+$0x8440];
	vm1 =	vlt.u32 v10, $0x80000;
	[tilespmem:s26+$0xB050] =	vst v3;
	v5 =	vsel vm0, v5, v1  }
0x70: {  	vm0 =	vlt.u32 v9, $0x80000;
	v3 =	vld [tilespmem:s25+$0x8450];
	v10 =	vsel vm1, v10, v1;
	[tilespmem:s26+$0xB060] =	vst v5;
	s26 =	smov.u32 s25  }
0x71: {  	s25 =	sshra.s32 s28, $0x2;
	s28 =	sadd.s32 $0x200, s28;
	v9 =	vsel vm0, v9, v1;
	vm0 =	vlt.u32 v8, $0x80000;
	v5 =	vld [tilespmem:s26+$0x8460];
	[tilespmem:s26+$0xB070] =	vst v10  }
0x72: {  	v10 =	vld [tilespmem:s25+$0x8470];
	[tilespmem:s26+$0xB000] =	vst v9;
	v8 =	vsel vm0, v8, v1;
	vm4 =	vlt.u32 v7, $0x80000  }
0x73: {  	v9 =	vld [tilespmem:s25+$0x8400];
	[tilespmem:s26+$0xB010] =	vst v8;
	v7 =	vsel vm4, v7, v1;
	vm5 =	vlt.u32 v6, $0x80000  }
0x74: {  	v8 =	vld [tilespmem:s25+$0x8410];
	[tilespmem:s26+$0xB020] =	vst v7;
	v6 =	vsel vm5, v6, v1;
	vm6 =	vlt.u32 v4, $0x80000  }
0x75: {  	v7 =	vld [tilespmem:s25+$0x8420];
	[tilespmem:s26+$0xB030] =	vst v6;
	v4 =	vsel vm6, v4, v1;
	vm7 =	vlt.u32 v3, $0x80000  }
0x76: {  	v6 =	vld [tilespmem:s25+$0x8430];
	[tilespmem:s26+$0xB040] =	vst v4;
	v3 =	vsel vm7, v3, v1;
	vm8 =	vlt.u32 v5, $0x80000  }
0x77: {  	v4 =	vld [tilespmem:s25+$0x8440];
	[tilespmem:s26+$0xB050] =	vst v3;
	v3 =	vsel vm8, v5, v1;
	vm9 =	vlt.u32 v10, $0x80000  }
0x78: {  	v62 =	vld [tilespmem:s25+$0x8450];
	[tilespmem:s26+$0xB060] =	vst v3;
	vm1 =	vlt.u32 v9, $0x80000;
	v3 =	vsel vm9, v10, v1  }
0x79: {  	v63 =	vld [tilespmem:s25+$0x8460];
	v9 =	vsel vm1, v9, v1;
	vm10 =	vlt.u32 v8, $0x80000;
	[tilespmem:s25+$0xB070] =	vst v3  }
0x7a: {  	[tilespmem:s25+$0xB000] =	vst v9;
	v3 =	vsel vm10, v8, v1;
	vm11 =	vlt.u32 v7, $0x80000  }
0x7b: {  	[tilespmem:s25+$0xB010] =	vst v3;
	v3 =	vsel vm11, v7, v1;
	vm12 =	vlt.u32 v6, $0x80000  }
0x7c: {  	[tilespmem:s25+$0xB020] =	vst v3;
	v3 =	vsel vm12, v6, v1;
	vm13 =	vlt.u32 v4, $0x80000  }
0x7d: {  	[tilespmem:s25+$0xB030] =	vst v3;
	v3 =	vsel vm13, v4, v1;
	vm14 =	vlt.u32 v62, $0x80000  }
0x7e: {  	[tilespmem:s25+$0xB040] =	vst v3;
	v3 =	vsel vm14, v62, v1;
	vm15 =	vlt.u32 v63, $0x80000  }
0x7f: {  	[tilespmem:s25+$0xB050] =	vst v3;
	v3 =	vsel vm15, v63, v1  }
0x80: {  	[tilespmem:s25+$0xB060] =	vst v3  }
0x81: {  	s25 =	simm.s32 $0x0;
	[bflag:$0x0] =	sbarrier.arrive $0xFFFF  }
.LBB2_8:
0x82: {  	p0 =	sne.s32 s25, $0xAE00  }
.Ltmp3:
0x83: {  	_ = 	snop;
	(pc) =	sbr.rel @p0 .LBB2_8-.Ltmp3, $4  }
0x84: {  	_ = 	snop  }
0x85: {  	s26 =	sshra.s32 s25, $0x2  }
0x86: {  	s25 =	sadd.s32 $0x200, s25;
	s28 =	sadd.s32 $0x5800, s26;
	s26 =	sadd.s32 $0xB000, s26  }
0x87: {  	[spmem:s2] =	stream.indirect.scatter.add.f32 [tilespmem:s28], [sflag:$0x1], $0x1, s26, s22, $0xb8;
	[tilespmem:$0x19C10] =	vst v63  }
0x88: {  	_ =	swait.ge [sflag:s23], $0x80  }
0x89: {  	s25 =	simm.s32 $0x57;
	[sflag:s23] =	ssyncset.done $0x0  }
.LBB2_10:
0x8a: {  	p0 =	sne.s32 s25, $0x1;
	s25 =	sadd.s32 $0xFFFFFFFF, s25;
	[sflag:s23] =	ssyncadd.s32 $0xFFFFFF80  }
.Ltmp4:
0x8b: {  	(pc) =	sbr.rel @p0 .LBB2_10-.Ltmp4, $3  }
0x8c: {  	_ =	sdelay $0x1  }
0x8d: {  	_ =	swait.ge [sflag:s23], $0x80  }
0x8e: {  	[sflag:s23] =	ssyncset.done $0x0  }
0x8f: {  	[sflag:s23] =	ssyncadd.s32 $0xFFFFFF80;
	s25 =	sshll.u32 s1, $0x6  }
0x90: {  	s26 =	sshrl.u32 s7, $0x3;
	[bflag:$0x0] =	sbarrier.arrive $0xFFFF;
	s25 =	sor.u32 $0x1C02, s25  }
0x91: {  	[hbm:s9], [sflag:s25] =	dma.local [spmem:s26], $0x1000  }
0x92: {  	_ =	swait.ge [sflag:s18], $0x1000  }
0x93: {  	[sflag:s18] =	ssyncset.done $0x0  }
0x94: {  	[sflag:s18] =	ssyncadd.s32 $0xFFFFF000  }
0x95: {  	[spmem:s7] =	stream.linear.scatter [tilespmem:s21], [sflag:$0x2], $0x4000, $0x38;
	[tilespmem:$0x19C10] =	vst v63  }
0x96: {  	_ =	swait.ge [sflag:s18], $0x4000  }
0x97: {  	[sflag:s18] =	ssyncset.done $0x0  }
0x98: {  	[sflag:s18] =	ssyncadd.s32 $0xFFFFC000  }
0x99: {  	[spmem:s8] =	stream.linear.scatter [tilespmem:s21], [sflag:$0x2], $0x4000, $0x38;
	[tilespmem:$0x19C10] =	vst v63  }
0x9a: {  	_ =	swait.ge [sflag:s18], $0x4000  }
0x9b: {  	[sflag:s18] =	ssyncset.done $0x0  }
0x9c: {  	s29 =	simm.s32 $0x0;
	[sflag:s18] =	ssyncadd.s32 $0xFFFFC000  }
0x9d: {  	v3 =	vld [tilespmem:s29+$0x8470]  }
0x9e: {  	v5 =	vld [tilespmem:s29+$0x8400]  }
0x9f: {  	v9 =	vld [tilespmem:s29+$0x8410]  }
0xa0: {  	v7 =	vld [tilespmem:s29+$0x8420]  }
0xa1: {  	v6 =	vld [tilespmem:s29+$0x8430]  }
0xa2: {  	v4 =	vld [tilespmem:s29+$0x8440];
	v10 =	vadd.s32 $0xFFF80000, v3  }
0xa3: {  	v8 =	vadd.s32 $0xFFF80000, v5;
	v3 =	vld [tilespmem:s29+$0x8450];
	vm1 =	vlt.u32 v10, $0x80000  }
0xa4: {  	s28 =	simm.s32 $0x80;
	s30 =	simm.s32 $0x400;
	v9 =	vadd.s32 $0xFFF80000, v9;
	v5 =	vld [tilespmem:s29+$0x8460];
	vm0 =	vlt.u32 v8, $0x80000;
	v10 =	vsel vm1, v10, v1  }
.LBB2_12:
0xa5: {  	p0 =	sne.s32 s30, $0xAE00;
	v11 =	vld [tilespmem:s28+$0x8470];
	v8 =	vsel vm0, v8, v1;
	vm0 =	vlt.u32 v9, $0x80000;
	v7 =	vadd.s32 $0xFFF80000, v7;
	[tilespmem:s29+$0xB070] =	vst v10  }
0xa6: {  	v10 =	vld [tilespmem:s28+$0x8400];
	[tilespmem:s29+$0xB000] =	vst v8;
	v8 =	vsel vm0, v9, v1;
	vm0 =	vlt.u32 v7, $0x80000;
	v6 =	vadd.s32 $0xFFF80000, v6  }
0xa7: {  	v9 =	vld [tilespmem:s28+$0x8410];
	[tilespmem:s29+$0xB010] =	vst v8;
	v8 =	vsel vm0, v7, v1;
	vm0 =	vlt.u32 v6, $0x80000;
	v4 =	vadd.s32 $0xFFF80000, v4  }
.Ltmp5:
0xa8: {  	v7 =	vld [tilespmem:s28+$0x8420];
	[tilespmem:s29+$0xB020] =	vst v8;
	v8 =	vsel vm0, v6, v1;
	vm0 =	vlt.u32 v4, $0x80000;
	v3 =	vadd.s32 $0xFFF80000, v3;
	(pc) =	sbr.rel @p0 .LBB2_12-.Ltmp5, $4  }
0xa9: {  	v6 =	vld [tilespmem:s28+$0x8430];
	[tilespmem:s29+$0xB030] =	vst v8;
	v8 =	vsel vm0, v4, v1;
	vm0 =	vlt.u32 v3, $0x80000;
	v5 =	vadd.s32 $0xFFF80000, v5  }
0xaa: {  	v4 =	vld [tilespmem:s28+$0x8440];
	v11 =	vadd.s32 $0xFFF80000, v11;
	[tilespmem:s29+$0xB040] =	vst v8;
	v12 =	vsel vm0, v3, v1;
	vm0 =	vlt.u32 v5, $0x80000  }
0xab: {  	v8 =	vadd.s32 $0xFFF80000, v10;
	v3 =	vld [tilespmem:s28+$0x8450];
	vm1 =	vlt.u32 v11, $0x80000;
	[tilespmem:s29+$0xB050] =	vst v12;
	v12 =	vsel vm0, v5, v1  }
0xac: {  	vm0 =	vlt.u32 v8, $0x80000;
	v9 =	vadd.s32 $0xFFF80000, v9;
	v5 =	vld [tilespmem:s28+$0x8460];
	v10 =	vsel vm1, v11, v1;
	[tilespmem:s29+$0xB060] =	vst v12;
	s29 =	smov.u32 s28;
	s28 =	sshra.s32 s30, $0x2;
	s30 =	sadd.s32 $0x200, s30  }
0xad: {  	v11 =	vld [tilespmem:s28+$0x8470];
	[tilespmem:s29+$0xB070] =	vst v10;
	v8 =	vsel vm0, v8, v1;
	vm15 =	vlt.u32 v9, $0x80000;
	v7 =	vadd.s32 $0xFFF80000, v7  }
0xae: {  	v10 =	vld [tilespmem:s28+$0x8400];
	[tilespmem:s29+$0xB000] =	vst v8;
	v56 =	vsel vm15, v9, v1;
	vm4 =	vlt.u32 v7, $0x80000;
	v6 =	vadd.s32 $0xFFF80000, v6  }
0xaf: {  	v57 =	vld [tilespmem:s28+$0x8410];
	[tilespmem:s29+$0xB010] =	vst v56;
	v7 =	vsel vm4, v7, v1;
	vm5 =	vlt.u32 v6, $0x80000;
	v4 =	vadd.s32 $0xFFF80000, v4  }
0xb0: {  	v8 =	vld [tilespmem:s28+$0x8420];
	[tilespmem:s29+$0xB020] =	vst v7;
	v6 =	vsel vm5, v6, v1;
	vm6 =	vlt.u32 v4, $0x80000;
	v3 =	vadd.s32 $0xFFF80000, v3  }
0xb1: {  	v7 =	vld [tilespmem:s28+$0x8430];
	[tilespmem:s29+$0xB030] =	vst v6;
	v4 =	vsel vm6, v4, v1;
	vm7 =	vlt.u32 v3, $0x80000;
	v58 =	vadd.s32 $0xFFF80000, v5  }
0xb2: {  	v6 =	vld [tilespmem:s28+$0x8440];
	[tilespmem:s29+$0xB040] =	vst v4;
	v3 =	vsel vm7, v3, v1;
	v11 =	vadd.s32 $0xFFF80000, v11;
	vm8 =	vlt.u32 v58, $0x80000  }
0xb3: {  	v59 =	vld [tilespmem:s28+$0x8450];
	[tilespmem:s29+$0xB050] =	vst v3;
	v3 =	vadd.s32 $0xFFF80000, v10;
	vm1 =	vlt.u32 v11, $0x80000;
	v4 =	vsel vm8, v58, v1  }
0xb4: {  	v60 =	vld [tilespmem:s28+$0x8460];
	vm9 =	vlt.u32 v3, $0x80000;
	v9 =	vadd.s32 $0xFFF80000, v57;
	v11 =	vsel vm1, v11, v1;
	[tilespmem:s29+$0xB060] =	vst v4  }
0xb5: {  	v3 =	vsel vm9, v3, v1;
	vm10 =	vlt.u32 v9, $0x80000;
	v61 =	vadd.s32 $0xFFF80000, v8;
	[tilespmem:s28+$0xB070] =	vst v11  }
0xb6: {  	[tilespmem:s28+$0xB000] =	vst v3;
	v3 =	vsel vm10, v9, v1;
	vm11 =	vlt.u32 v61, $0x80000;
	v7 =	vadd.s32 $0xFFF80000, v7  }
0xb7: {  	[tilespmem:s28+$0xB010] =	vst v3;
	v3 =	vsel vm11, v61, v1;
	vm12 =	vlt.u32 v7, $0x80000;
	v62 =	vadd.s32 $0xFFF80000, v6  }
0xb8: {  	[tilespmem:s28+$0xB020] =	vst v3;
	v3 =	vsel vm12, v7, v1;
	vm13 =	vlt.u32 v62, $0x80000;
	v5 =	vadd.s32 $0xFFF80000, v59  }
0xb9: {  	[tilespmem:s28+$0xB030] =	vst v3;
	v3 =	vsel vm13, v62, v1;
	vm14 =	vlt.u32 v5, $0x80000;
	v63 =	vadd.s32 $0xFFF80000, v60  }
0xba: {  	[tilespmem:s28+$0xB040] =	vst v3;
	v3 =	vsel vm14, v5, v1;
	vm15 =	vlt.u32 v63, $0x80000  }
0xbb: {  	[tilespmem:s28+$0xB050] =	vst v3;
	v3 =	vsel vm15, v63, v1  }
0xbc: {  	[tilespmem:s28+$0xB060] =	vst v3  }
0xbd: {  	s28 =	simm.s32 $0x0;
	[bflag:$0x0] =	sbarrier.arrive $0xFFFF  }
.LBB2_14:
0xbe: {  	p0 =	sne.s32 s28, $0xAE00  }
.Ltmp6:
0xbf: {  	_ = 	snop;
	(pc) =	sbr.rel @p0 .LBB2_14-.Ltmp6, $4  }
0xc0: {  	_ = 	snop  }
0xc1: {  	s29 =	sshra.s32 s28, $0x2  }
0xc2: {  	s28 =	sadd.s32 $0x200, s28;
	s30 =	sadd.s32 $0x5800, s29;
	s29 =	sadd.s32 $0xB000, s29  }
0xc3: {  	[spmem:s2] =	stream.indirect.scatter.add.f32 [tilespmem:s30], [sflag:$0x1], $0x1, s29, s22, $0xb8;
	[tilespmem:$0x19C10] =	vst v63  }
0xc4: {  	_ =	swait.ge [sflag:s23], $0x80  }
0xc5: {  	s28 =	simm.s32 $0x57;
	[sflag:s23] =	ssyncset.done $0x0  }
.LBB2_16:
0xc6: {  	p0 =	sne.s32 s28, $0x1;
	s28 =	sadd.s32 $0xFFFFFFFF, s28;
	[sflag:s23] =	ssyncadd.s32 $0xFFFFFF80  }
.Ltmp7:
0xc7: {  	(pc) =	sbr.rel @p0 .LBB2_16-.Ltmp7, $3  }
0xc8: {  	_ =	sdelay $0x1  }
0xc9: {  	_ =	swait.ge [sflag:s23], $0x80  }
0xca: {  	[sflag:s23] =	ssyncset.done $0x0  }
0xcb: {  	[sflag:s23] =	ssyncadd.s32 $0xFFFFFF80  }
0xcc: {  	[bflag:$0x0] =	sbarrier.arrive $0xFFFF  }
0xcd: {  	[hbm:s10], [sflag:s25] =	dma.local [spmem:s26], $0x1000  }
0xce: {  	_ =	swait.ge [sflag:s18], $0x1000  }
0xcf: {  	[sflag:s18] =	ssyncset.done $0x0  }
0xd0: {  	[sflag:s18] =	ssyncadd.s32 $0xFFFFF000  }
0xd1: {  	[spmem:s7] =	stream.linear.scatter [tilespmem:s21], [sflag:$0x2], $0x4000, $0x38;
	[tilespmem:$0x19C10] =	vst v63  }
0xd2: {  	_ =	swait.ge [sflag:s18], $0x4000  }
0xd3: {  	[sflag:s18] =	ssyncset.done $0x0  }
0xd4: {  	[sflag:s18] =	ssyncadd.s32 $0xFFFFC000  }
0xd5: {  	[spmem:s8] =	stream.linear.scatter [tilespmem:s21], [sflag:$0x2], $0x4000, $0x38;
	[tilespmem:$0x19C10] =	vst v63  }
0xd6: {  	_ =	swait.ge [sflag:s18], $0x4000  }
0xd7: {  	[sflag:s18] =	ssyncset.done $0x0  }
0xd8: {  	s29 =	simm.s32 $0x0;
	[sflag:s18] =	ssyncadd.s32 $0xFFFFC000  }
0xd9: {  	v3 =	vld [tilespmem:s29+$0x8470]  }
0xda: {  	v5 =	vld [tilespmem:s29+$0x8400]  }
0xdb: {  	v9 =	vld [tilespmem:s29+$0x8410]  }
0xdc: {  	v7 =	vld [tilespmem:s29+$0x8420]  }
0xdd: {  	v6 =	vld [tilespmem:s29+$0x8430]  }
0xde: {  	v4 =	vld [tilespmem:s29+$0x8440];
	v10 =	vadd.s32 $0xFFF00000, v3  }
0xdf: {  	v8 =	vadd.s32 $0xFFF00000, v5;
	v3 =	vld [tilespmem:s29+$0x8450];
	vm1 =	vlt.u32 v10, $0x80000  }
0xe0: {  	s28 =	simm.s32 $0x80;
	s30 =	simm.s32 $0x400;
	v9 =	vadd.s32 $0xFFF00000, v9;
	v5 =	vld [tilespmem:s29+$0x8460];
	vm0 =	vlt.u32 v8, $0x80000;
	v10 =	vsel vm1, v10, v1  }
.LBB2_18:
0xe1: {  	p0 =	sne.s32 s30, $0xAE00;
	v11 =	vld [tilespmem:s28+$0x8470];
	v8 =	vsel vm0, v8, v1;
	vm0 =	vlt.u32 v9, $0x80000;
	v7 =	vadd.s32 $0xFFF00000, v7;
	[tilespmem:s29+$0xB070] =	vst v10  }
0xe2: {  	v10 =	vld [tilespmem:s28+$0x8400];
	[tilespmem:s29+$0xB000] =	vst v8;
	v8 =	vsel vm0, v9, v1;
	vm0 =	vlt.u32 v7, $0x80000;
	v6 =	vadd.s32 $0xFFF00000, v6  }
0xe3: {  	v9 =	vld [tilespmem:s28+$0x8410];
	[tilespmem:s29+$0xB010] =	vst v8;
	v8 =	vsel vm0, v7, v1;
	vm0 =	vlt.u32 v6, $0x80000;
	v4 =	vadd.s32 $0xFFF00000, v4  }
.Ltmp8:
0xe4: {  	v7 =	vld [tilespmem:s28+$0x8420];
	[tilespmem:s29+$0xB020] =	vst v8;
	v8 =	vsel vm0, v6, v1;
	vm0 =	vlt.u32 v4, $0x80000;
	v3 =	vadd.s32 $0xFFF00000, v3;
	(pc) =	sbr.rel @p0 .LBB2_18-.Ltmp8, $4  }
0xe5: {  	v6 =	vld [tilespmem:s28+$0x8430];
	[tilespmem:s29+$0xB030] =	vst v8;
	v8 =	vsel vm0, v4, v1;
	vm0 =	vlt.u32 v3, $0x80000;
	v5 =	vadd.s32 $0xFFF00000, v5  }
0xe6: {  	v4 =	vld [tilespmem:s28+$0x8440];
	v11 =	vadd.s32 $0xFFF00000, v11;
	[tilespmem:s29+$0xB040] =	vst v8;
	v12 =	vsel vm0, v3, v1;
	vm0 =	vlt.u32 v5, $0x80000  }
0xe7: {  	v8 =	vadd.s32 $0xFFF00000, v10;
	v3 =	vld [tilespmem:s28+$0x8450];
	vm1 =	vlt.u32 v11, $0x80000;
	[tilespmem:s29+$0xB050] =	vst v12;
	v12 =	vsel vm0, v5, v1  }
0xe8: {  	vm0 =	vlt.u32 v8, $0x80000;
	v9 =	vadd.s32 $0xFFF00000, v9;
	v5 =	vld [tilespmem:s28+$0x8460];
	v10 =	vsel vm1, v11, v1;
	[tilespmem:s29+$0xB060] =	vst v12;
	s29 =	smov.u32 s28;
	s28 =	sshra.s32 s30, $0x2;
	s30 =	sadd.s32 $0x200, s30  }
0xe9: {  	v11 =	vld [tilespmem:s28+$0x8470];
	[tilespmem:s29+$0xB070] =	vst v10;
	v8 =	vsel vm0, v8, v1;
	vm15 =	vlt.u32 v9, $0x80000;
	v7 =	vadd.s32 $0xFFF00000, v7  }
0xea: {  	v10 =	vld [tilespmem:s28+$0x8400];
	[tilespmem:s29+$0xB000] =	vst v8;
	v56 =	vsel vm15, v9, v1;
	vm4 =	vlt.u32 v7, $0x80000;
	v6 =	vadd.s32 $0xFFF00000, v6  }
0xeb: {  	v57 =	vld [tilespmem:s28+$0x8410];
	[tilespmem:s29+$0xB010] =	vst v56;
	v7 =	vsel vm4, v7, v1;
	vm5 =	vlt.u32 v6, $0x80000;
	v4 =	vadd.s32 $0xFFF00000, v4  }
0xec: {  	v8 =	vld [tilespmem:s28+$0x8420];
	[tilespmem:s29+$0xB020] =	vst v7;
	v6 =	vsel vm5, v6, v1;
	vm6 =	vlt.u32 v4, $0x80000;
	v3 =	vadd.s32 $0xFFF00000, v3  }
0xed: {  	v7 =	vld [tilespmem:s28+$0x8430];
	[tilespmem:s29+$0xB030] =	vst v6;
	v4 =	vsel vm6, v4, v1;
	vm7 =	vlt.u32 v3, $0x80000;
	v58 =	vadd.s32 $0xFFF00000, v5  }
0xee: {  	v6 =	vld [tilespmem:s28+$0x8440];
	[tilespmem:s29+$0xB040] =	vst v4;
	v3 =	vsel vm7, v3, v1;
	v11 =	vadd.s32 $0xFFF00000, v11;
	vm8 =	vlt.u32 v58, $0x80000  }
0xef: {  	v59 =	vld [tilespmem:s28+$0x8450];
	[tilespmem:s29+$0xB050] =	vst v3;
	v3 =	vadd.s32 $0xFFF00000, v10;
	vm1 =	vlt.u32 v11, $0x80000;
	v4 =	vsel vm8, v58, v1  }
0xf0: {  	v60 =	vld [tilespmem:s28+$0x8460];
	vm9 =	vlt.u32 v3, $0x80000;
	v9 =	vadd.s32 $0xFFF00000, v57;
	v11 =	vsel vm1, v11, v1;
	[tilespmem:s29+$0xB060] =	vst v4  }
0xf1: {  	v3 =	vsel vm9, v3, v1;
	vm10 =	vlt.u32 v9, $0x80000;
	v61 =	vadd.s32 $0xFFF00000, v8;
	[tilespmem:s28+$0xB070] =	vst v11  }
0xf2: {  	[tilespmem:s28+$0xB000] =	vst v3;
	v3 =	vsel vm10, v9, v1;
	vm11 =	vlt.u32 v61, $0x80000;
	v7 =	vadd.s32 $0xFFF00000, v7  }
0xf3: {  	[tilespmem:s28+$0xB010] =	vst v3;
	v3 =	vsel vm11, v61, v1;
	vm12 =	vlt.u32 v7, $0x80000;
	v62 =	vadd.s32 $0xFFF00000, v6  }
0xf4: {  	[tilespmem:s28+$0xB020] =	vst v3;
	v3 =	vsel vm12, v7, v1;
	vm13 =	vlt.u32 v62, $0x80000;
	v5 =	vadd.s32 $0xFFF00000, v59  }
0xf5: {  	[tilespmem:s28+$0xB030] =	vst v3;
	v3 =	vsel vm13, v62, v1;
	vm14 =	vlt.u32 v5, $0x80000;
	v63 =	vadd.s32 $0xFFF00000, v60  }
0xf6: {  	[tilespmem:s28+$0xB040] =	vst v3;
	v3 =	vsel vm14, v5, v1;
	vm15 =	vlt.u32 v63, $0x80000  }
0xf7: {  	[tilespmem:s28+$0xB050] =	vst v3;
	v3 =	vsel vm15, v63, v1  }
0xf8: {  	[tilespmem:s28+$0xB060] =	vst v3  }
0xf9: {  	s28 =	simm.s32 $0x0;
	[bflag:$0x0] =	sbarrier.arrive $0xFFFF  }
.LBB2_20:
0xfa: {  	p0 =	sne.s32 s28, $0xAE00  }
.Ltmp9:
0xfb: {  	_ = 	snop;
	(pc) =	sbr.rel @p0 .LBB2_20-.Ltmp9, $4  }
0xfc: {  	_ = 	snop  }
0xfd: {  	s29 =	sshra.s32 s28, $0x2  }
0xfe: {  	s28 =	sadd.s32 $0x200, s28;
	s30 =	sadd.s32 $0x5800, s29;
	s29 =	sadd.s32 $0xB000, s29  }
0xff: {  	[spmem:s2] =	stream.indirect.scatter.add.f32 [tilespmem:s30], [sflag:$0x1], $0x1, s29, s22, $0xb8;
	[tilespmem:$0x19C10] =	vst v63  }
0x100: {  	_ =	swait.ge [sflag:s23], $0x80  }
0x101: {  	s28 =	simm.s32 $0x57;
	[sflag:s23] =	ssyncset.done $0x0  }
.LBB2_22:
0x102: {  	p0 =	sne.s32 s28, $0x1;
	s28 =	sadd.s32 $0xFFFFFFFF, s28;
	[sflag:s23] =	ssyncadd.s32 $0xFFFFFF80  }
.Ltmp10:
0x103: {  	(pc) =	sbr.rel @p0 .LBB2_22-.Ltmp10, $3  }
0x104: {  	_ =	sdelay $0x1  }
0x105: {  	_ =	swait.ge [sflag:s23], $0x80  }
0x106: {  	[sflag:s23] =	ssyncset.done $0x0  }
0x107: {  	[sflag:s23] =	ssyncadd.s32 $0xFFFFFF80  }
0x108: {  	[bflag:$0x0] =	sbarrier.arrive $0xFFFF  }
0x109: {  	[hbm:s11], [sflag:s25] =	dma.local [spmem:s26], $0x1000  }
0x10a: {  	_ =	swait.ge [sflag:s18], $0x1000  }
0x10b: {  	[sflag:s18] =	ssyncset.done $0x0  }
0x10c: {  	[sflag:s18] =	ssyncadd.s32 $0xFFFFF000  }
0x10d: {  	[spmem:s7] =	stream.linear.scatter [tilespmem:s21], [sflag:$0x2], $0x4000, $0x38;
	[tilespmem:$0x19C10] =	vst v63  }
0x10e: {  	_ =	swait.ge [sflag:s18], $0x4000  }
0x10f: {  	[sflag:s18] =	ssyncset.done $0x0  }
0x110: {  	[sflag:s18] =	ssyncadd.s32 $0xFFFFC000  }
0x111: {  	[spmem:s8] =	stream.linear.scatter [tilespmem:s21], [sflag:$0x2], $0x4000, $0x38;
	[tilespmem:$0x19C10] =	vst v63  }
0x112: {  	_ =	swait.ge [sflag:s18], $0x4000  }
0x113: {  	[sflag:s18] =	ssyncset.done $0x0  }
0x114: {  	s29 =	simm.s32 $0x0;
	[sflag:s18] =	ssyncadd.s32 $0xFFFFC000  }
0x115: {  	v3 =	vld [tilespmem:s29+$0x8470]  }
0x116: {  	v5 =	vld [tilespmem:s29+$0x8400]  }
0x117: {  	v9 =	vld [tilespmem:s29+$0x8410]  }
0x118: {  	v7 =	vld [tilespmem:s29+$0x8420]  }
0x119: {  	v6 =	vld [tilespmem:s29+$0x8430]  }
0x11a: {  	v4 =	vld [tilespmem:s29+$0x8440];
	v10 =	vadd.s32 $0xFFE80000, v3  }
0x11b: {  	v8 =	vadd.s32 $0xFFE80000, v5;
	v3 =	vld [tilespmem:s29+$0x8450];
	vm1 =	vlt.u32 v10, $0x80000  }
0x11c: {  	s28 =	simm.s32 $0x80;
	s30 =	simm.s32 $0x400;
	v9 =	vadd.s32 $0xFFE80000, v9;
	v5 =	vld [tilespmem:s29+$0x8460];
	vm0 =	vlt.u32 v8, $0x80000;
	v10 =	vsel vm1, v10, v1  }
.LBB2_24:
0x11d: {  	p0 =	sne.s32 s30, $0xAE00;
	v11 =	vld [tilespmem:s28+$0x8470];
	v8 =	vsel vm0, v8, v1;
	vm0 =	vlt.u32 v9, $0x80000;
	v7 =	vadd.s32 $0xFFE80000, v7;
	[tilespmem:s29+$0xB070] =	vst v10  }
0x11e: {  	v10 =	vld [tilespmem:s28+$0x8400];
	[tilespmem:s29+$0xB000] =	vst v8;
	v8 =	vsel vm0, v9, v1;
	vm0 =	vlt.u32 v7, $0x80000;
	v6 =	vadd.s32 $0xFFE80000, v6  }
0x11f: {  	v9 =	vld [tilespmem:s28+$0x8410];
	[tilespmem:s29+$0xB010] =	vst v8;
	v8 =	vsel vm0, v7, v1;
	vm0 =	vlt.u32 v6, $0x80000;
	v4 =	vadd.s32 $0xFFE80000, v4  }
.Ltmp11:
0x120: {  	v7 =	vld [tilespmem:s28+$0x8420];
	[tilespmem:s29+$0xB020] =	vst v8;
	v8 =	vsel vm0, v6, v1;
	vm0 =	vlt.u32 v4, $0x80000;
	v3 =	vadd.s32 $0xFFE80000, v3;
	(pc) =	sbr.rel @p0 .LBB2_24-.Ltmp11, $4  }
0x121: {  	v6 =	vld [tilespmem:s28+$0x8430];
	[tilespmem:s29+$0xB030] =	vst v8;
	v8 =	vsel vm0, v4, v1;
	vm0 =	vlt.u32 v3, $0x80000;
	v5 =	vadd.s32 $0xFFE80000, v5  }
0x122: {  	v4 =	vld [tilespmem:s28+$0x8440];
	v11 =	vadd.s32 $0xFFE80000, v11;
	[tilespmem:s29+$0xB040] =	vst v8;
	v12 =	vsel vm0, v3, v1;
	vm0 =	vlt.u32 v5, $0x80000  }
0x123: {  	v8 =	vadd.s32 $0xFFE80000, v10;
	v3 =	vld [tilespmem:s28+$0x8450];
	vm1 =	vlt.u32 v11, $0x80000;
	[tilespmem:s29+$0xB050] =	vst v12;
	v12 =	vsel vm0, v5, v1  }
0x124: {  	vm0 =	vlt.u32 v8, $0x80000;
	v9 =	vadd.s32 $0xFFE80000, v9;
	v5 =	vld [tilespmem:s28+$0x8460];
	v10 =	vsel vm1, v11, v1;
	[tilespmem:s29+$0xB060] =	vst v12;
	s29 =	smov.u32 s28;
	s28 =	sshra.s32 s30, $0x2;
	s30 =	sadd.s32 $0x200, s30  }
0x125: {  	v11 =	vld [tilespmem:s28+$0x8470];
	[tilespmem:s29+$0xB070] =	vst v10;
	v8 =	vsel vm0, v8, v1;
	vm15 =	vlt.u32 v9, $0x80000;
	v7 =	vadd.s32 $0xFFE80000, v7  }
0x126: {  	v10 =	vld [tilespmem:s28+$0x8400];
	[tilespmem:s29+$0xB000] =	vst v8;
	v56 =	vsel vm15, v9, v1;
	vm4 =	vlt.u32 v7, $0x80000;
	v6 =	vadd.s32 $0xFFE80000, v6  }
0x127: {  	v57 =	vld [tilespmem:s28+$0x8410];
	[tilespmem:s29+$0xB010] =	vst v56;
	v7 =	vsel vm4, v7, v1;
	vm5 =	vlt.u32 v6, $0x80000;
	v4 =	vadd.s32 $0xFFE80000, v4  }
0x128: {  	v8 =	vld [tilespmem:s28+$0x8420];
	[tilespmem:s29+$0xB020] =	vst v7;
	v6 =	vsel vm5, v6, v1;
	vm6 =	vlt.u32 v4, $0x80000;
	v3 =	vadd.s32 $0xFFE80000, v3  }
0x129: {  	v7 =	vld [tilespmem:s28+$0x8430];
	[tilespmem:s29+$0xB030] =	vst v6;
	v4 =	vsel vm6, v4, v1;
	vm7 =	vlt.u32 v3, $0x80000;
	v58 =	vadd.s32 $0xFFE80000, v5  }
0x12a: {  	v6 =	vld [tilespmem:s28+$0x8440];
	[tilespmem:s29+$0xB040] =	vst v4;
	v3 =	vsel vm7, v3, v1;
	v11 =	vadd.s32 $0xFFE80000, v11;
	vm8 =	vlt.u32 v58, $0x80000  }
0x12b: {  	v59 =	vld [tilespmem:s28+$0x8450];
	[tilespmem:s29+$0xB050] =	vst v3;
	v3 =	vadd.s32 $0xFFE80000, v10;
	vm1 =	vlt.u32 v11, $0x80000;
	v4 =	vsel vm8, v58, v1  }
0x12c: {  	v60 =	vld [tilespmem:s28+$0x8460];
	vm9 =	vlt.u32 v3, $0x80000;
	v9 =	vadd.s32 $0xFFE80000, v57;
	v11 =	vsel vm1, v11, v1;
	[tilespmem:s29+$0xB060] =	vst v4  }
0x12d: {  	v3 =	vsel vm9, v3, v1;
	vm10 =	vlt.u32 v9, $0x80000;
	v61 =	vadd.s32 $0xFFE80000, v8;
	[tilespmem:s28+$0xB070] =	vst v11  }
0x12e: {  	[tilespmem:s28+$0xB000] =	vst v3;
	v3 =	vsel vm10, v9, v1;
	vm11 =	vlt.u32 v61, $0x80000;
	v7 =	vadd.s32 $0xFFE80000, v7  }
0x12f: {  	[tilespmem:s28+$0xB010] =	vst v3;
	v3 =	vsel vm11, v61, v1;
	vm12 =	vlt.u32 v7, $0x80000;
	v62 =	vadd.s32 $0xFFE80000, v6  }
0x130: {  	[tilespmem:s28+$0xB020] =	vst v3;
	v3 =	vsel vm12, v7, v1;
	vm13 =	vlt.u32 v62, $0x80000;
	v5 =	vadd.s32 $0xFFE80000, v59  }
0x131: {  	[tilespmem:s28+$0xB030] =	vst v3;
	v3 =	vsel vm13, v62, v1;
	vm14 =	vlt.u32 v5, $0x80000;
	v63 =	vadd.s32 $0xFFE80000, v60  }
0x132: {  	[tilespmem:s28+$0xB040] =	vst v3;
	v3 =	vsel vm14, v5, v1;
	vm15 =	vlt.u32 v63, $0x80000  }
0x133: {  	[tilespmem:s28+$0xB050] =	vst v3;
	v3 =	vsel vm15, v63, v1  }
0x134: {  	[tilespmem:s28+$0xB060] =	vst v3  }
0x135: {  	s28 =	simm.s32 $0x0;
	[bflag:$0x0] =	sbarrier.arrive $0xFFFF  }
.LBB2_26:
0x136: {  	p0 =	sne.s32 s28, $0xAE00  }
.Ltmp12:
0x137: {  	_ = 	snop;
	(pc) =	sbr.rel @p0 .LBB2_26-.Ltmp12, $4  }
0x138: {  	_ = 	snop  }
0x139: {  	s29 =	sshra.s32 s28, $0x2  }
0x13a: {  	s28 =	sadd.s32 $0x200, s28;
	s30 =	sadd.s32 $0x5800, s29;
	s29 =	sadd.s32 $0xB000, s29  }
0x13b: {  	[spmem:s2] =	stream.indirect.scatter.add.f32 [tilespmem:s30], [sflag:$0x1], $0x1, s29, s22, $0xb8;
	[tilespmem:$0x19C10] =	vst v63  }
0x13c: {  	_ =	swait.ge [sflag:s23], $0x80  }
0x13d: {  	s28 =	simm.s32 $0x57;
	[sflag:s23] =	ssyncset.done $0x0  }
.LBB2_28:
0x13e: {  	p0 =	sne.s32 s28, $0x1;
	s28 =	sadd.s32 $0xFFFFFFFF, s28;
	[sflag:s23] =	ssyncadd.s32 $0xFFFFFF80  }
.Ltmp13:
0x13f: {  	(pc) =	sbr.rel @p0 .LBB2_28-.Ltmp13, $3  }
0x140: {  	_ =	sdelay $0x1  }
0x141: {  	_ =	swait.ge [sflag:s23], $0x80  }
0x142: {  	[sflag:s23] =	ssyncset.done $0x0  }
0x143: {  	[sflag:s23] =	ssyncadd.s32 $0xFFFFFF80  }
0x144: {  	[bflag:$0x0] =	sbarrier.arrive $0xFFFF  }
0x145: {  	[hbm:s12], [sflag:s25] =	dma.local [spmem:s26], $0x1000  }
0x146: {  	_ =	swait.ge [sflag:s18], $0x1000  }
0x147: {  	[sflag:s18] =	ssyncset.done $0x0  }
0x148: {  	[sflag:s18] =	ssyncadd.s32 $0xFFFFF000  }
0x149: {  	[spmem:s7] =	stream.linear.scatter [tilespmem:s21], [sflag:$0x2], $0x4000, $0x38;
	[tilespmem:$0x19C10] =	vst v63  }
0x14a: {  	_ =	swait.ge [sflag:s18], $0x4000  }
0x14b: {  	[sflag:s18] =	ssyncset.done $0x0  }
0x14c: {  	[sflag:s18] =	ssyncadd.s32 $0xFFFFC000  }
0x14d: {  	[spmem:s8] =	stream.linear.scatter [tilespmem:s21], [sflag:$0x2], $0x4000, $0x38;
	[tilespmem:$0x19C10] =	vst v63  }
0x14e: {  	_ =	swait.ge [sflag:s18], $0x4000  }
0x14f: {  	[sflag:s18] =	ssyncset.done $0x0  }
0x150: {  	s29 =	simm.s32 $0x0;
	[sflag:s18] =	ssyncadd.s32 $0xFFFFC000  }
0x151: {  	v3 =	vld [tilespmem:s29+$0x8470]  }
0x152: {  	v5 =	vld [tilespmem:s29+$0x8400]  }
0x153: {  	v9 =	vld [tilespmem:s29+$0x8410]  }
0x154: {  	v7 =	vld [tilespmem:s29+$0x8420]  }
0x155: {  	v6 =	vld [tilespmem:s29+$0x8430]  }
0x156: {  	v4 =	vld [tilespmem:s29+$0x8440];
	v10 =	vadd.s32 $0xFFE00000, v3  }
0x157: {  	v8 =	vadd.s32 $0xFFE00000, v5;
	v3 =	vld [tilespmem:s29+$0x8450];
	vm1 =	vlt.u32 v10, $0x80000  }
0x158: {  	s28 =	simm.s32 $0x80;
	s30 =	simm.s32 $0x400;
	v9 =	vadd.s32 $0xFFE00000, v9;
	v5 =	vld [tilespmem:s29+$0x8460];
	vm0 =	vlt.u32 v8, $0x80000;
	v10 =	vsel vm1, v10, v1  }
.LBB2_30:
0x159: {  	p0 =	sne.s32 s30, $0xAE00;
	v11 =	vld [tilespmem:s28+$0x8470];
	v8 =	vsel vm0, v8, v1;
	vm0 =	vlt.u32 v9, $0x80000;
	v7 =	vadd.s32 $0xFFE00000, v7;
	[tilespmem:s29+$0xB070] =	vst v10  }
0x15a: {  	v10 =	vld [tilespmem:s28+$0x8400];
	[tilespmem:s29+$0xB000] =	vst v8;
	v8 =	vsel vm0, v9, v1;
	vm0 =	vlt.u32 v7, $0x80000;
	v6 =	vadd.s32 $0xFFE00000, v6  }
0x15b: {  	v9 =	vld [tilespmem:s28+$0x8410];
	[tilespmem:s29+$0xB010] =	vst v8;
	v8 =	vsel vm0, v7, v1;
	vm0 =	vlt.u32 v6, $0x80000;
	v4 =	vadd.s32 $0xFFE00000, v4  }
.Ltmp14:
0x15c: {  	v7 =	vld [tilespmem:s28+$0x8420];
	[tilespmem:s29+$0xB020] =	vst v8;
	v8 =	vsel vm0, v6, v1;
	vm0 =	vlt.u32 v4, $0x80000;
	v3 =	vadd.s32 $0xFFE00000, v3;
	(pc) =	sbr.rel @p0 .LBB2_30-.Ltmp14, $4  }
0x15d: {  	v6 =	vld [tilespmem:s28+$0x8430];
	[tilespmem:s29+$0xB030] =	vst v8;
	v8 =	vsel vm0, v4, v1;
	vm0 =	vlt.u32 v3, $0x80000;
	v5 =	vadd.s32 $0xFFE00000, v5  }
0x15e: {  	v4 =	vld [tilespmem:s28+$0x8440];
	v11 =	vadd.s32 $0xFFE00000, v11;
	[tilespmem:s29+$0xB040] =	vst v8;
	v12 =	vsel vm0, v3, v1;
	vm0 =	vlt.u32 v5, $0x80000  }
0x15f: {  	v8 =	vadd.s32 $0xFFE00000, v10;
	v3 =	vld [tilespmem:s28+$0x8450];
	vm1 =	vlt.u32 v11, $0x80000;
	[tilespmem:s29+$0xB050] =	vst v12;
	v12 =	vsel vm0, v5, v1  }
0x160: {  	vm0 =	vlt.u32 v8, $0x80000;
	v9 =	vadd.s32 $0xFFE00000, v9;
	v5 =	vld [tilespmem:s28+$0x8460];
	v10 =	vsel vm1, v11, v1;
	[tilespmem:s29+$0xB060] =	vst v12;
	s29 =	smov.u32 s28;
	s28 =	sshra.s32 s30, $0x2;
	s30 =	sadd.s32 $0x200, s30  }
0x161: {  	v11 =	vld [tilespmem:s28+$0x8470];
	[tilespmem:s29+$0xB070] =	vst v10;
	v8 =	vsel vm0, v8, v1;
	vm15 =	vlt.u32 v9, $0x80000;
	v7 =	vadd.s32 $0xFFE00000, v7  }
0x162: {  	v10 =	vld [tilespmem:s28+$0x8400];
	[tilespmem:s29+$0xB000] =	vst v8;
	v56 =	vsel vm15, v9, v1;
	vm4 =	vlt.u32 v7, $0x80000;
	v6 =	vadd.s32 $0xFFE00000, v6  }
0x163: {  	v57 =	vld [tilespmem:s28+$0x8410];
	[tilespmem:s29+$0xB010] =	vst v56;
	v7 =	vsel vm4, v7, v1;
	vm5 =	vlt.u32 v6, $0x80000;
	v4 =	vadd.s32 $0xFFE00000, v4  }
0x164: {  	v8 =	vld [tilespmem:s28+$0x8420];
	[tilespmem:s29+$0xB020] =	vst v7;
	v6 =	vsel vm5, v6, v1;
	vm6 =	vlt.u32 v4, $0x80000;
	v3 =	vadd.s32 $0xFFE00000, v3  }
0x165: {  	v7 =	vld [tilespmem:s28+$0x8430];
	[tilespmem:s29+$0xB030] =	vst v6;
	v4 =	vsel vm6, v4, v1;
	vm7 =	vlt.u32 v3, $0x80000;
	v58 =	vadd.s32 $0xFFE00000, v5  }
0x166: {  	v6 =	vld [tilespmem:s28+$0x8440];
	[tilespmem:s29+$0xB040] =	vst v4;
	v3 =	vsel vm7, v3, v1;
	v11 =	vadd.s32 $0xFFE00000, v11;
	vm8 =	vlt.u32 v58, $0x80000  }
0x167: {  	v59 =	vld [tilespmem:s28+$0x8450];
	[tilespmem:s29+$0xB050] =	vst v3;
	v3 =	vadd.s32 $0xFFE00000, v10;
	vm1 =	vlt.u32 v11, $0x80000;
	v4 =	vsel vm8, v58, v1  }
0x168: {  	v60 =	vld [tilespmem:s28+$0x8460];
	vm9 =	vlt.u32 v3, $0x80000;
	v9 =	vadd.s32 $0xFFE00000, v57;
	v11 =	vsel vm1, v11, v1;
	[tilespmem:s29+$0xB060] =	vst v4  }
0x169: {  	v3 =	vsel vm9, v3, v1;
	vm10 =	vlt.u32 v9, $0x80000;
	v61 =	vadd.s32 $0xFFE00000, v8;
	[tilespmem:s28+$0xB070] =	vst v11  }
0x16a: {  	[tilespmem:s28+$0xB000] =	vst v3;
	v3 =	vsel vm10, v9, v1;
	vm11 =	vlt.u32 v61, $0x80000;
	v7 =	vadd.s32 $0xFFE00000, v7  }
0x16b: {  	[tilespmem:s28+$0xB010] =	vst v3;
	v3 =	vsel vm11, v61, v1;
	vm12 =	vlt.u32 v7, $0x80000;
	v62 =	vadd.s32 $0xFFE00000, v6  }
0x16c: {  	[tilespmem:s28+$0xB020] =	vst v3;
	v3 =	vsel vm12, v7, v1;
	vm13 =	vlt.u32 v62, $0x80000;
	v5 =	vadd.s32 $0xFFE00000, v59  }
0x16d: {  	[tilespmem:s28+$0xB030] =	vst v3;
	v3 =	vsel vm13, v62, v1;
	vm14 =	vlt.u32 v5, $0x80000;
	v63 =	vadd.s32 $0xFFE00000, v60  }
0x16e: {  	[tilespmem:s28+$0xB040] =	vst v3;
	v3 =	vsel vm14, v5, v1;
	vm15 =	vlt.u32 v63, $0x80000  }
0x16f: {  	[tilespmem:s28+$0xB050] =	vst v3;
	v3 =	vsel vm15, v63, v1  }
0x170: {  	[tilespmem:s28+$0xB060] =	vst v3  }
0x171: {  	s28 =	simm.s32 $0x0;
	[bflag:$0x0] =	sbarrier.arrive $0xFFFF  }
.LBB2_32:
0x172: {  	p0 =	sne.s32 s28, $0xAE00  }
.Ltmp15:
0x173: {  	_ = 	snop;
	(pc) =	sbr.rel @p0 .LBB2_32-.Ltmp15, $4  }
0x174: {  	_ = 	snop  }
0x175: {  	s29 =	sshra.s32 s28, $0x2  }
0x176: {  	s28 =	sadd.s32 $0x200, s28;
	s30 =	sadd.s32 $0x5800, s29;
	s29 =	sadd.s32 $0xB000, s29  }
0x177: {  	[spmem:s2] =	stream.indirect.scatter.add.f32 [tilespmem:s30], [sflag:$0x1], $0x1, s29, s22, $0xb8;
	[tilespmem:$0x19C10] =	vst v63  }
0x178: {  	_ =	swait.ge [sflag:s23], $0x80  }
0x179: {  	s28 =	simm.s32 $0x57;
	[sflag:s23] =	ssyncset.done $0x0  }
.LBB2_34:
0x17a: {  	p0 =	sne.s32 s28, $0x1;
	s28 =	sadd.s32 $0xFFFFFFFF, s28;
	[sflag:s23] =	ssyncadd.s32 $0xFFFFFF80  }
.Ltmp16:
0x17b: {  	(pc) =	sbr.rel @p0 .LBB2_34-.Ltmp16, $3  }
0x17c: {  	_ =	sdelay $0x1  }
0x17d: {  	_ =	swait.ge [sflag:s23], $0x80  }
0x17e: {  	[sflag:s23] =	ssyncset.done $0x0  }
0x17f: {  	[sflag:s23] =	ssyncadd.s32 $0xFFFFFF80  }
0x180: {  	[bflag:$0x0] =	sbarrier.arrive $0xFFFF  }
0x181: {  	[hbm:s13], [sflag:s25] =	dma.local [spmem:s26], $0x1000  }
0x182: {  	_ =	swait.ge [sflag:s18], $0x1000  }
0x183: {  	[sflag:s18] =	ssyncset.done $0x0  }
0x184: {  	[sflag:s18] =	ssyncadd.s32 $0xFFFFF000  }
0x185: {  	[spmem:s7] =	stream.linear.scatter [tilespmem:s21], [sflag:$0x2], $0x4000, $0x38;
	[tilespmem:$0x19C10] =	vst v63  }
0x186: {  	_ =	swait.ge [sflag:s18], $0x4000  }
0x187: {  	[sflag:s18] =	ssyncset.done $0x0  }
0x188: {  	[sflag:s18] =	ssyncadd.s32 $0xFFFFC000  }
0x189: {  	[spmem:s8] =	stream.linear.scatter [tilespmem:s21], [sflag:$0x2], $0x4000, $0x38;
	[tilespmem:$0x19C10] =	vst v63  }
0x18a: {  	_ =	swait.ge [sflag:s18], $0x4000  }
0x18b: {  	[sflag:s18] =	ssyncset.done $0x0  }
0x18c: {  	s29 =	simm.s32 $0x0;
	[sflag:s18] =	ssyncadd.s32 $0xFFFFC000  }
0x18d: {  	v3 =	vld [tilespmem:s29+$0x8470]  }
0x18e: {  	v5 =	vld [tilespmem:s29+$0x8400]  }
0x18f: {  	v9 =	vld [tilespmem:s29+$0x8410]  }
0x190: {  	v7 =	vld [tilespmem:s29+$0x8420]  }
0x191: {  	v6 =	vld [tilespmem:s29+$0x8430]  }
0x192: {  	v4 =	vld [tilespmem:s29+$0x8440];
	v10 =	vadd.s32 $0xFFD80000, v3  }
0x193: {  	v8 =	vadd.s32 $0xFFD80000, v5;
	v3 =	vld [tilespmem:s29+$0x8450];
	vm1 =	vlt.u32 v10, $0x80000  }
0x194: {  	s28 =	simm.s32 $0x80;
	s30 =	simm.s32 $0x400;
	v9 =	vadd.s32 $0xFFD80000, v9;
	v5 =	vld [tilespmem:s29+$0x8460];
	vm0 =	vlt.u32 v8, $0x80000;
	v10 =	vsel vm1, v10, v1  }
.LBB2_36:
0x195: {  	p0 =	sne.s32 s30, $0xAE00;
	v11 =	vld [tilespmem:s28+$0x8470];
	v8 =	vsel vm0, v8, v1;
	vm0 =	vlt.u32 v9, $0x80000;
	v7 =	vadd.s32 $0xFFD80000, v7;
	[tilespmem:s29+$0xB070] =	vst v10  }
0x196: {  	v10 =	vld [tilespmem:s28+$0x8400];
	[tilespmem:s29+$0xB000] =	vst v8;
	v8 =	vsel vm0, v9, v1;
	vm0 =	vlt.u32 v7, $0x80000;
	v6 =	vadd.s32 $0xFFD80000, v6  }
0x197: {  	v9 =	vld [tilespmem:s28+$0x8410];
	[tilespmem:s29+$0xB010] =	vst v8;
	v8 =	vsel vm0, v7, v1;
	vm0 =	vlt.u32 v6, $0x80000;
	v4 =	vadd.s32 $0xFFD80000, v4  }
.Ltmp17:
0x198: {  	v7 =	vld [tilespmem:s28+$0x8420];
	[tilespmem:s29+$0xB020] =	vst v8;
	v8 =	vsel vm0, v6, v1;
	vm0 =	vlt.u32 v4, $0x80000;
	v3 =	vadd.s32 $0xFFD80000, v3;
	(pc) =	sbr.rel @p0 .LBB2_36-.Ltmp17, $4  }
0x199: {  	v6 =	vld [tilespmem:s28+$0x8430];
	[tilespmem:s29+$0xB030] =	vst v8;
	v8 =	vsel vm0, v4, v1;
	vm0 =	vlt.u32 v3, $0x80000;
	v5 =	vadd.s32 $0xFFD80000, v5  }
0x19a: {  	v4 =	vld [tilespmem:s28+$0x8440];
	v11 =	vadd.s32 $0xFFD80000, v11;
	[tilespmem:s29+$0xB040] =	vst v8;
	v12 =	vsel vm0, v3, v1;
	vm0 =	vlt.u32 v5, $0x80000  }
0x19b: {  	v8 =	vadd.s32 $0xFFD80000, v10;
	v3 =	vld [tilespmem:s28+$0x8450];
	vm1 =	vlt.u32 v11, $0x80000;
	[tilespmem:s29+$0xB050] =	vst v12;
	v12 =	vsel vm0, v5, v1  }
0x19c: {  	vm0 =	vlt.u32 v8, $0x80000;
	v9 =	vadd.s32 $0xFFD80000, v9;
	v5 =	vld [tilespmem:s28+$0x8460];
	v10 =	vsel vm1, v11, v1;
	[tilespmem:s29+$0xB060] =	vst v12;
	s29 =	smov.u32 s28;
	s28 =	sshra.s32 s30, $0x2;
	s30 =	sadd.s32 $0x200, s30  }
0x19d: {  	v11 =	vld [tilespmem:s28+$0x8470];
	[tilespmem:s29+$0xB070] =	vst v10;
	v8 =	vsel vm0, v8, v1;
	vm15 =	vlt.u32 v9, $0x80000;
	v7 =	vadd.s32 $0xFFD80000, v7  }
0x19e: {  	v10 =	vld [tilespmem:s28+$0x8400];
	[tilespmem:s29+$0xB000] =	vst v8;
	v56 =	vsel vm15, v9, v1;
	vm4 =	vlt.u32 v7, $0x80000;
	v6 =	vadd.s32 $0xFFD80000, v6  }
0x19f: {  	v57 =	vld [tilespmem:s28+$0x8410];
	[tilespmem:s29+$0xB010] =	vst v56;
	v7 =	vsel vm4, v7, v1;
	vm5 =	vlt.u32 v6, $0x80000;
	v4 =	vadd.s32 $0xFFD80000, v4  }
0x1a0: {  	v8 =	vld [tilespmem:s28+$0x8420];
	[tilespmem:s29+$0xB020] =	vst v7;
	v6 =	vsel vm5, v6, v1;
	vm6 =	vlt.u32 v4, $0x80000;
	v3 =	vadd.s32 $0xFFD80000, v3  }
0x1a1: {  	v7 =	vld [tilespmem:s28+$0x8430];
	[tilespmem:s29+$0xB030] =	vst v6;
	v4 =	vsel vm6, v4, v1;
	vm7 =	vlt.u32 v3, $0x80000;
	v58 =	vadd.s32 $0xFFD80000, v5  }
0x1a2: {  	v6 =	vld [tilespmem:s28+$0x8440];
	[tilespmem:s29+$0xB040] =	vst v4;
	v3 =	vsel vm7, v3, v1;
	v11 =	vadd.s32 $0xFFD80000, v11;
	vm8 =	vlt.u32 v58, $0x80000  }
0x1a3: {  	v59 =	vld [tilespmem:s28+$0x8450];
	[tilespmem:s29+$0xB050] =	vst v3;
	v3 =	vadd.s32 $0xFFD80000, v10;
	vm1 =	vlt.u32 v11, $0x80000;
	v4 =	vsel vm8, v58, v1  }
0x1a4: {  	v60 =	vld [tilespmem:s28+$0x8460];
	vm9 =	vlt.u32 v3, $0x80000;
	v9 =	vadd.s32 $0xFFD80000, v57;
	v11 =	vsel vm1, v11, v1;
	[tilespmem:s29+$0xB060] =	vst v4  }
0x1a5: {  	v3 =	vsel vm9, v3, v1;
	vm10 =	vlt.u32 v9, $0x80000;
	v61 =	vadd.s32 $0xFFD80000, v8;
	[tilespmem:s28+$0xB070] =	vst v11  }
0x1a6: {  	[tilespmem:s28+$0xB000] =	vst v3;
	v3 =	vsel vm10, v9, v1;
	vm11 =	vlt.u32 v61, $0x80000;
	v7 =	vadd.s32 $0xFFD80000, v7  }
0x1a7: {  	[tilespmem:s28+$0xB010] =	vst v3;
	v3 =	vsel vm11, v61, v1;
	vm12 =	vlt.u32 v7, $0x80000;
	v62 =	vadd.s32 $0xFFD80000, v6  }
0x1a8: {  	[tilespmem:s28+$0xB020] =	vst v3;
	v3 =	vsel vm12, v7, v1;
	vm13 =	vlt.u32 v62, $0x80000;
	v5 =	vadd.s32 $0xFFD80000, v59  }
0x1a9: {  	[tilespmem:s28+$0xB030] =	vst v3;
	v3 =	vsel vm13, v62, v1;
	vm14 =	vlt.u32 v5, $0x80000;
	v63 =	vadd.s32 $0xFFD80000, v60  }
0x1aa: {  	[tilespmem:s28+$0xB040] =	vst v3;
	v3 =	vsel vm14, v5, v1;
	vm15 =	vlt.u32 v63, $0x80000  }
0x1ab: {  	[tilespmem:s28+$0xB050] =	vst v3;
	v3 =	vsel vm15, v63, v1  }
0x1ac: {  	[tilespmem:s28+$0xB060] =	vst v3  }
0x1ad: {  	s28 =	simm.s32 $0x0;
	[bflag:$0x0] =	sbarrier.arrive $0xFFFF  }
.LBB2_38:
0x1ae: {  	p0 =	sne.s32 s28, $0xAE00  }
.Ltmp18:
0x1af: {  	_ = 	snop;
	(pc) =	sbr.rel @p0 .LBB2_38-.Ltmp18, $4  }
0x1b0: {  	_ = 	snop  }
0x1b1: {  	s29 =	sshra.s32 s28, $0x2  }
0x1b2: {  	s28 =	sadd.s32 $0x200, s28;
	s30 =	sadd.s32 $0x5800, s29;
	s29 =	sadd.s32 $0xB000, s29  }
0x1b3: {  	[spmem:s2] =	stream.indirect.scatter.add.f32 [tilespmem:s30], [sflag:$0x1], $0x1, s29, s22, $0xb8;
	[tilespmem:$0x19C10] =	vst v63  }
0x1b4: {  	_ =	swait.ge [sflag:s23], $0x80  }
0x1b5: {  	s28 =	simm.s32 $0x57;
	[sflag:s23] =	ssyncset.done $0x0  }
.LBB2_40:
0x1b6: {  	p0 =	sne.s32 s28, $0x1;
	s28 =	sadd.s32 $0xFFFFFFFF, s28;
	[sflag:s23] =	ssyncadd.s32 $0xFFFFFF80  }
.Ltmp19:
0x1b7: {  	(pc) =	sbr.rel @p0 .LBB2_40-.Ltmp19, $3  }
0x1b8: {  	_ =	sdelay $0x1  }
0x1b9: {  	_ =	swait.ge [sflag:s23], $0x80  }
0x1ba: {  	[sflag:s23] =	ssyncset.done $0x0  }
0x1bb: {  	[sflag:s23] =	ssyncadd.s32 $0xFFFFFF80  }
0x1bc: {  	[bflag:$0x0] =	sbarrier.arrive $0xFFFF  }
0x1bd: {  	[hbm:s14], [sflag:s25] =	dma.local [spmem:s26], $0x1000  }
0x1be: {  	_ =	swait.ge [sflag:s18], $0x1000  }
0x1bf: {  	[sflag:s18] =	ssyncset.done $0x0  }
0x1c0: {  	[sflag:s18] =	ssyncadd.s32 $0xFFFFF000  }
0x1c1: {  	[spmem:s7] =	stream.linear.scatter [tilespmem:s21], [sflag:$0x2], $0x4000, $0x38;
	[tilespmem:$0x19C10] =	vst v63  }
0x1c2: {  	_ =	swait.ge [sflag:s18], $0x4000  }
0x1c3: {  	[sflag:s18] =	ssyncset.done $0x0  }
0x1c4: {  	[sflag:s18] =	ssyncadd.s32 $0xFFFFC000  }
0x1c5: {  	[spmem:s8] =	stream.linear.scatter [tilespmem:s21], [sflag:$0x2], $0x4000, $0x38;
	[tilespmem:$0x19C10] =	vst v63  }
0x1c6: {  	_ =	swait.ge [sflag:s18], $0x4000  }
0x1c7: {  	[sflag:s18] =	ssyncset.done $0x0  }
0x1c8: {  	s29 =	simm.s32 $0x0;
	[sflag:s18] =	ssyncadd.s32 $0xFFFFC000  }
0x1c9: {  	v3 =	vld [tilespmem:s29+$0x8470]  }
0x1ca: {  	v5 =	vld [tilespmem:s29+$0x8400]  }
0x1cb: {  	v9 =	vld [tilespmem:s29+$0x8410]  }
0x1cc: {  	v7 =	vld [tilespmem:s29+$0x8420]  }
0x1cd: {  	v6 =	vld [tilespmem:s29+$0x8430]  }
0x1ce: {  	v4 =	vld [tilespmem:s29+$0x8440];
	v10 =	vadd.s32 $0xFFD00000, v3  }
0x1cf: {  	v8 =	vadd.s32 $0xFFD00000, v5;
	v3 =	vld [tilespmem:s29+$0x8450];
	vm1 =	vlt.u32 v10, $0x80000  }
0x1d0: {  	s28 =	simm.s32 $0x80;
	s30 =	simm.s32 $0x400;
	v9 =	vadd.s32 $0xFFD00000, v9;
	v5 =	vld [tilespmem:s29+$0x8460];
	vm0 =	vlt.u32 v8, $0x80000;
	v10 =	vsel vm1, v10, v1  }
.LBB2_42:
0x1d1: {  	p0 =	sne.s32 s30, $0xAE00;
	v11 =	vld [tilespmem:s28+$0x8470];
	v8 =	vsel vm0, v8, v1;
	vm0 =	vlt.u32 v9, $0x80000;
	v7 =	vadd.s32 $0xFFD00000, v7;
	[tilespmem:s29+$0xB070] =	vst v10  }
0x1d2: {  	v10 =	vld [tilespmem:s28+$0x8400];
	[tilespmem:s29+$0xB000] =	vst v8;
	v8 =	vsel vm0, v9, v1;
	vm0 =	vlt.u32 v7, $0x80000;
	v6 =	vadd.s32 $0xFFD00000, v6  }
0x1d3: {  	v9 =	vld [tilespmem:s28+$0x8410];
	[tilespmem:s29+$0xB010] =	vst v8;
	v8 =	vsel vm0, v7, v1;
	vm0 =	vlt.u32 v6, $0x80000;
	v4 =	vadd.s32 $0xFFD00000, v4  }
.Ltmp20:
0x1d4: {  	v7 =	vld [tilespmem:s28+$0x8420];
	[tilespmem:s29+$0xB020] =	vst v8;
	v8 =	vsel vm0, v6, v1;
	vm0 =	vlt.u32 v4, $0x80000;
	v3 =	vadd.s32 $0xFFD00000, v3;
	(pc) =	sbr.rel @p0 .LBB2_42-.Ltmp20, $4  }
0x1d5: {  	v6 =	vld [tilespmem:s28+$0x8430];
	[tilespmem:s29+$0xB030] =	vst v8;
	v8 =	vsel vm0, v4, v1;
	vm0 =	vlt.u32 v3, $0x80000;
	v5 =	vadd.s32 $0xFFD00000, v5  }
0x1d6: {  	v4 =	vld [tilespmem:s28+$0x8440];
	v11 =	vadd.s32 $0xFFD00000, v11;
	[tilespmem:s29+$0xB040] =	vst v8;
	v12 =	vsel vm0, v3, v1;
	vm0 =	vlt.u32 v5, $0x80000  }
0x1d7: {  	v8 =	vadd.s32 $0xFFD00000, v10;
	v3 =	vld [tilespmem:s28+$0x8450];
	vm1 =	vlt.u32 v11, $0x80000;
	[tilespmem:s29+$0xB050] =	vst v12;
	v12 =	vsel vm0, v5, v1  }
0x1d8: {  	vm0 =	vlt.u32 v8, $0x80000;
	v9 =	vadd.s32 $0xFFD00000, v9;
	v5 =	vld [tilespmem:s28+$0x8460];
	v10 =	vsel vm1, v11, v1;
	[tilespmem:s29+$0xB060] =	vst v12;
	s29 =	smov.u32 s28;
	s28 =	sshra.s32 s30, $0x2;
	s30 =	sadd.s32 $0x200, s30  }
0x1d9: {  	v11 =	vld [tilespmem:s28+$0x8470];
	[tilespmem:s29+$0xB070] =	vst v10;
	v8 =	vsel vm0, v8, v1;
	vm15 =	vlt.u32 v9, $0x80000;
	v7 =	vadd.s32 $0xFFD00000, v7  }
0x1da: {  	v10 =	vld [tilespmem:s28+$0x8400];
	[tilespmem:s29+$0xB000] =	vst v8;
	v56 =	vsel vm15, v9, v1;
	vm4 =	vlt.u32 v7, $0x80000;
	v6 =	vadd.s32 $0xFFD00000, v6  }
0x1db: {  	v57 =	vld [tilespmem:s28+$0x8410];
	[tilespmem:s29+$0xB010] =	vst v56;
	v7 =	vsel vm4, v7, v1;
	vm5 =	vlt.u32 v6, $0x80000;
	v4 =	vadd.s32 $0xFFD00000, v4  }
0x1dc: {  	v8 =	vld [tilespmem:s28+$0x8420];
	[tilespmem:s29+$0xB020] =	vst v7;
	v6 =	vsel vm5, v6, v1;
	vm6 =	vlt.u32 v4, $0x80000;
	v3 =	vadd.s32 $0xFFD00000, v3  }
0x1dd: {  	v7 =	vld [tilespmem:s28+$0x8430];
	[tilespmem:s29+$0xB030] =	vst v6;
	v4 =	vsel vm6, v4, v1;
	vm7 =	vlt.u32 v3, $0x80000;
	v58 =	vadd.s32 $0xFFD00000, v5  }
0x1de: {  	v6 =	vld [tilespmem:s28+$0x8440];
	[tilespmem:s29+$0xB040] =	vst v4;
	v3 =	vsel vm7, v3, v1;
	v11 =	vadd.s32 $0xFFD00000, v11;
	vm8 =	vlt.u32 v58, $0x80000  }
0x1df: {  	v59 =	vld [tilespmem:s28+$0x8450];
	[tilespmem:s29+$0xB050] =	vst v3;
	v3 =	vadd.s32 $0xFFD00000, v10;
	vm1 =	vlt.u32 v11, $0x80000;
	v4 =	vsel vm8, v58, v1  }
0x1e0: {  	v60 =	vld [tilespmem:s28+$0x8460];
	vm9 =	vlt.u32 v3, $0x80000;
	v9 =	vadd.s32 $0xFFD00000, v57;
	v11 =	vsel vm1, v11, v1;
	[tilespmem:s29+$0xB060] =	vst v4  }
0x1e1: {  	v3 =	vsel vm9, v3, v1;
	vm10 =	vlt.u32 v9, $0x80000;
	v61 =	vadd.s32 $0xFFD00000, v8;
	[tilespmem:s28+$0xB070] =	vst v11  }
0x1e2: {  	[tilespmem:s28+$0xB000] =	vst v3;
	v3 =	vsel vm10, v9, v1;
	vm11 =	vlt.u32 v61, $0x80000;
	v7 =	vadd.s32 $0xFFD00000, v7  }
0x1e3: {  	[tilespmem:s28+$0xB010] =	vst v3;
	v3 =	vsel vm11, v61, v1;
	vm12 =	vlt.u32 v7, $0x80000;
	v62 =	vadd.s32 $0xFFD00000, v6  }
0x1e4: {  	[tilespmem:s28+$0xB020] =	vst v3;
	v3 =	vsel vm12, v7, v1;
	vm13 =	vlt.u32 v62, $0x80000;
	v5 =	vadd.s32 $0xFFD00000, v59  }
0x1e5: {  	[tilespmem:s28+$0xB030] =	vst v3;
	v3 =	vsel vm13, v62, v1;
	vm14 =	vlt.u32 v5, $0x80000;
	v63 =	vadd.s32 $0xFFD00000, v60  }
0x1e6: {  	[tilespmem:s28+$0xB040] =	vst v3;
	v3 =	vsel vm14, v5, v1;
	vm15 =	vlt.u32 v63, $0x80000  }
0x1e7: {  	[tilespmem:s28+$0xB050] =	vst v3;
	v3 =	vsel vm15, v63, v1  }
0x1e8: {  	[tilespmem:s28+$0xB060] =	vst v3  }
0x1e9: {  	s28 =	simm.s32 $0x0;
	[bflag:$0x0] =	sbarrier.arrive $0xFFFF  }
.LBB2_44:
0x1ea: {  	p0 =	sne.s32 s28, $0xAE00  }
.Ltmp21:
0x1eb: {  	_ = 	snop;
	(pc) =	sbr.rel @p0 .LBB2_44-.Ltmp21, $4  }
0x1ec: {  	_ = 	snop  }
0x1ed: {  	s29 =	sshra.s32 s28, $0x2  }
0x1ee: {  	s28 =	sadd.s32 $0x200, s28;
	s30 =	sadd.s32 $0x5800, s29;
	s29 =	sadd.s32 $0xB000, s29  }
0x1ef: {  	[spmem:s2] =	stream.indirect.scatter.add.f32 [tilespmem:s30], [sflag:$0x1], $0x1, s29, s22, $0xb8;
	[tilespmem:$0x19C10] =	vst v63  }
0x1f0: {  	_ =	swait.ge [sflag:s23], $0x80  }
0x1f1: {  	s28 =	simm.s32 $0x57;
	[sflag:s23] =	ssyncset.done $0x0  }
.LBB2_46:
0x1f2: {  	p0 =	sne.s32 s28, $0x1;
	s28 =	sadd.s32 $0xFFFFFFFF, s28;
	[sflag:s23] =	ssyncadd.s32 $0xFFFFFF80  }
.Ltmp22:
0x1f3: {  	(pc) =	sbr.rel @p0 .LBB2_46-.Ltmp22, $3  }
0x1f4: {  	_ =	sdelay $0x1  }
0x1f5: {  	_ =	swait.ge [sflag:s23], $0x80  }
0x1f6: {  	[sflag:s23] =	ssyncset.done $0x0  }
0x1f7: {  	[sflag:s23] =	ssyncadd.s32 $0xFFFFFF80  }
0x1f8: {  	[bflag:$0x0] =	sbarrier.arrive $0xFFFF  }
0x1f9: {  	[hbm:s15], [sflag:s25] =	dma.local [spmem:s26], $0x1000  }
0x1fa: {  	_ =	swait.ge [sflag:s18], $0x1000  }
0x1fb: {  	[sflag:s18] =	ssyncset.done $0x0  }
0x1fc: {  	[sflag:s18] =	ssyncadd.s32 $0xFFFFF000  }
0x1fd: {  	[spmem:s7] =	stream.linear.scatter [tilespmem:s21], [sflag:$0x2], $0x4000, $0x38;
	[tilespmem:$0x19C10] =	vst v63  }
0x1fe: {  	_ =	swait.ge [sflag:s18], $0x4000  }
0x1ff: {  	[sflag:s18] =	ssyncset.done $0x0  }
0x200: {  	[sflag:s18] =	ssyncadd.s32 $0xFFFFC000  }
0x201: {  	[spmem:s8] =	stream.linear.scatter [tilespmem:s21], [sflag:$0x2], $0x4000, $0x38;
	[tilespmem:$0x19C10] =	vst v63  }
0x202: {  	_ =	swait.ge [sflag:s18], $0x4000  }
0x203: {  	[sflag:s18] =	ssyncset.done $0x0  }
0x204: {  	s29 =	simm.s32 $0x0;
	[sflag:s18] =	ssyncadd.s32 $0xFFFFC000  }
0x205: {  	v3 =	vld [tilespmem:s29+$0x8470]  }
0x206: {  	v5 =	vld [tilespmem:s29+$0x8400]  }
0x207: {  	v9 =	vld [tilespmem:s29+$0x8410]  }
0x208: {  	v7 =	vld [tilespmem:s29+$0x8420]  }
0x209: {  	v6 =	vld [tilespmem:s29+$0x8430]  }
0x20a: {  	v4 =	vld [tilespmem:s29+$0x8440];
	v10 =	vadd.s32 $0xFFC80000, v3  }
0x20b: {  	v8 =	vadd.s32 $0xFFC80000, v5;
	v3 =	vld [tilespmem:s29+$0x8450];
	vm1 =	vlt.u32 v10, $0x80000  }
0x20c: {  	s28 =	simm.s32 $0x80;
	s30 =	simm.s32 $0x400;
	v9 =	vadd.s32 $0xFFC80000, v9;
	v5 =	vld [tilespmem:s29+$0x8460];
	vm0 =	vlt.u32 v8, $0x80000;
	v10 =	vsel vm1, v10, v1  }
.LBB2_48:
0x20d: {  	p0 =	sne.s32 s30, $0xAE00;
	v11 =	vld [tilespmem:s28+$0x8470];
	v8 =	vsel vm0, v8, v1;
	vm0 =	vlt.u32 v9, $0x80000;
	v7 =	vadd.s32 $0xFFC80000, v7;
	[tilespmem:s29+$0xB070] =	vst v10  }
0x20e: {  	v10 =	vld [tilespmem:s28+$0x8400];
	[tilespmem:s29+$0xB000] =	vst v8;
	v8 =	vsel vm0, v9, v1;
	vm0 =	vlt.u32 v7, $0x80000;
	v6 =	vadd.s32 $0xFFC80000, v6  }
0x20f: {  	v9 =	vld [tilespmem:s28+$0x8410];
	[tilespmem:s29+$0xB010] =	vst v8;
	v8 =	vsel vm0, v7, v1;
	vm0 =	vlt.u32 v6, $0x80000;
	v4 =	vadd.s32 $0xFFC80000, v4  }
.Ltmp23:
0x210: {  	v7 =	vld [tilespmem:s28+$0x8420];
	[tilespmem:s29+$0xB020] =	vst v8;
	v8 =	vsel vm0, v6, v1;
	vm0 =	vlt.u32 v4, $0x80000;
	v3 =	vadd.s32 $0xFFC80000, v3;
	(pc) =	sbr.rel @p0 .LBB2_48-.Ltmp23, $4  }
0x211: {  	v6 =	vld [tilespmem:s28+$0x8430];
	[tilespmem:s29+$0xB030] =	vst v8;
	v8 =	vsel vm0, v4, v1;
	vm0 =	vlt.u32 v3, $0x80000;
	v5 =	vadd.s32 $0xFFC80000, v5  }
0x212: {  	v4 =	vld [tilespmem:s28+$0x8440];
	v11 =	vadd.s32 $0xFFC80000, v11;
	[tilespmem:s29+$0xB040] =	vst v8;
	v12 =	vsel vm0, v3, v1;
	vm0 =	vlt.u32 v5, $0x80000  }
0x213: {  	v8 =	vadd.s32 $0xFFC80000, v10;
	v3 =	vld [tilespmem:s28+$0x8450];
	vm1 =	vlt.u32 v11, $0x80000;
	[tilespmem:s29+$0xB050] =	vst v12;
	v12 =	vsel vm0, v5, v1  }
0x214: {  	vm0 =	vlt.u32 v8, $0x80000;
	v9 =	vadd.s32 $0xFFC80000, v9;
	v5 =	vld [tilespmem:s28+$0x8460];
	v10 =	vsel vm1, v11, v1;
	[tilespmem:s29+$0xB060] =	vst v12;
	s29 =	smov.u32 s28;
	s28 =	sshra.s32 s30, $0x2;
	s30 =	sadd.s32 $0x200, s30  }
0x215: {  	v11 =	vld [tilespmem:s28+$0x8470];
	[tilespmem:s29+$0xB070] =	vst v10;
	v8 =	vsel vm0, v8, v1;
	vm15 =	vlt.u32 v9, $0x80000;
	v7 =	vadd.s32 $0xFFC80000, v7  }
0x216: {  	v10 =	vld [tilespmem:s28+$0x8400];
	[tilespmem:s29+$0xB000] =	vst v8;
	v56 =	vsel vm15, v9, v1;
	vm4 =	vlt.u32 v7, $0x80000;
	v6 =	vadd.s32 $0xFFC80000, v6  }
0x217: {  	v57 =	vld [tilespmem:s28+$0x8410];
	[tilespmem:s29+$0xB010] =	vst v56;
	v7 =	vsel vm4, v7, v1;
	vm5 =	vlt.u32 v6, $0x80000;
	v4 =	vadd.s32 $0xFFC80000, v4  }
0x218: {  	v8 =	vld [tilespmem:s28+$0x8420];
	[tilespmem:s29+$0xB020] =	vst v7;
	v6 =	vsel vm5, v6, v1;
	vm6 =	vlt.u32 v4, $0x80000;
	v3 =	vadd.s32 $0xFFC80000, v3  }
0x219: {  	v7 =	vld [tilespmem:s28+$0x8430];
	[tilespmem:s29+$0xB030] =	vst v6;
	v4 =	vsel vm6, v4, v1;
	vm7 =	vlt.u32 v3, $0x80000;
	v58 =	vadd.s32 $0xFFC80000, v5  }
0x21a: {  	v6 =	vld [tilespmem:s28+$0x8440];
	[tilespmem:s29+$0xB040] =	vst v4;
	v3 =	vsel vm7, v3, v1;
	v11 =	vadd.s32 $0xFFC80000, v11;
	vm8 =	vlt.u32 v58, $0x80000  }
0x21b: {  	v59 =	vld [tilespmem:s28+$0x8450];
	[tilespmem:s29+$0xB050] =	vst v3;
	v3 =	vadd.s32 $0xFFC80000, v10;
	vm1 =	vlt.u32 v11, $0x80000;
	v4 =	vsel vm8, v58, v1  }
0x21c: {  	v60 =	vld [tilespmem:s28+$0x8460];
	vm9 =	vlt.u32 v3, $0x80000;
	v9 =	vadd.s32 $0xFFC80000, v57;
	v11 =	vsel vm1, v11, v1;
	[tilespmem:s29+$0xB060] =	vst v4  }
0x21d: {  	v3 =	vsel vm9, v3, v1;
	vm10 =	vlt.u32 v9, $0x80000;
	v61 =	vadd.s32 $0xFFC80000, v8;
	[tilespmem:s28+$0xB070] =	vst v11  }
0x21e: {  	[tilespmem:s28+$0xB000] =	vst v3;
	v3 =	vsel vm10, v9, v1;
	vm11 =	vlt.u32 v61, $0x80000;
	v7 =	vadd.s32 $0xFFC80000, v7  }
0x21f: {  	[tilespmem:s28+$0xB010] =	vst v3;
	v3 =	vsel vm11, v61, v1;
	vm12 =	vlt.u32 v7, $0x80000;
	v62 =	vadd.s32 $0xFFC80000, v6  }
0x220: {  	[tilespmem:s28+$0xB020] =	vst v3;
	v3 =	vsel vm12, v7, v1;
	vm13 =	vlt.u32 v62, $0x80000;
	v5 =	vadd.s32 $0xFFC80000, v59  }
0x221: {  	[tilespmem:s28+$0xB030] =	vst v3;
	v3 =	vsel vm13, v62, v1;
	vm14 =	vlt.u32 v5, $0x80000;
	v63 =	vadd.s32 $0xFFC80000, v60  }
0x222: {  	[tilespmem:s28+$0xB040] =	vst v3;
	v3 =	vsel vm14, v5, v1;
	vm15 =	vlt.u32 v63, $0x80000  }
0x223: {  	[tilespmem:s28+$0xB050] =	vst v3;
	v3 =	vsel vm15, v63, v1  }
0x224: {  	[tilespmem:s28+$0xB060] =	vst v3  }
0x225: {  	s28 =	simm.s32 $0x0;
	[bflag:$0x0] =	sbarrier.arrive $0xFFFF  }
.LBB2_50:
0x226: {  	p0 =	sne.s32 s28, $0xAE00  }
.Ltmp24:
0x227: {  	_ = 	snop;
	(pc) =	sbr.rel @p0 .LBB2_50-.Ltmp24, $4  }
0x228: {  	_ = 	snop  }
0x229: {  	s29 =	sshra.s32 s28, $0x2  }
0x22a: {  	s28 =	sadd.s32 $0x200, s28;
	s30 =	sadd.s32 $0x5800, s29;
	s29 =	sadd.s32 $0xB000, s29  }
0x22b: {  	[spmem:s2] =	stream.indirect.scatter.add.f32 [tilespmem:s30], [sflag:$0x1], $0x1, s29, s22, $0xb8;
	[tilespmem:$0x19C10] =	vst v63  }
0x22c: {  	_ =	swait.ge [sflag:s23], $0x80  }
0x22d: {  	s28 =	simm.s32 $0x57;
	[sflag:s23] =	ssyncset.done $0x0  }
.LBB2_52:
0x22e: {  	p0 =	sne.s32 s28, $0x1;
	s28 =	sadd.s32 $0xFFFFFFFF, s28;
	[sflag:s23] =	ssyncadd.s32 $0xFFFFFF80  }
.Ltmp25:
0x22f: {  	(pc) =	sbr.rel @p0 .LBB2_52-.Ltmp25, $3  }
0x230: {  	_ =	sdelay $0x1  }
0x231: {  	_ =	swait.ge [sflag:s23], $0x80  }
0x232: {  	[sflag:s23] =	ssyncset.done $0x0  }
0x233: {  	s24 =	sadd.s32 $0x1, s24  }
0x234: {  	[sflag:s23] =	ssyncadd.s32 $0xFFFFFF80;
	p0 =	sne.s32 s24, s17  }
.Ltmp26:
0x235: {  	[bflag:$0x0] =	sbarrier.arrive $0xFFFF;
	(pc) =	sbr.rel @p0 .LBB2_1-.Ltmp26, $4  }
0x236: {  	[hbm:s16], [sflag:s25] =	dma.local [spmem:s26], $0x1000  }
0x237: {  	_ =	swait.ge [sflag:s18], $0x1000  }
0x238: {  	[sflag:s18] =	ssyncset.done $0x0  }
0x239: {  	[sflag:s18] =	ssyncadd.s32 $0xFFFFF000  }
0x23a: {  	_ =	sfence.sel $0x180000  }
0x23b: {  	[bflag:$0x0] =	sbarrier.arrive $0xFFFF  }
0x23c: {  	p0 =	sne.s32 s1, $0x0;
	_ =	strace $0x9000004A  }
0x23d: {  	s0 =	sadd.s32 @!p0 $0x100000, s0;
	[bflag:$0x2] =	sbarrier.arrive $0xFFFF  }
0x23e: {  	[sflag:s0] =	ssyncadd.tile.s32 @!p0 $0x1;
	_ =	shalt  }
.Lfunc_end2:
_tile_overlayer_lowered:
.L_overlay_start_2:
0x23f: {  	(tag) =	ssettag $0x2  }
0x240: {  	s0 =	rddreg [dreg:$0x0];
	s2 =	stileid.u32  }
0x241: {  	s1 =	rddreg [dreg:$0x1];
	p0 =	sne.s32 s2, $0x0  }
0x242: {  	s3 =	rddreg [dreg:$0x2];
	[bflag:$0x3] =	sbarrier.arrive $0xFFFF;
	s2 =	simm.s32 @!p0 $0x1C02  }
0x243: {  	[timem:s3], [sflag:s2] =	dma.local @!p0 [hbm:s0], s1  }
0x244: {  	s0 =	simm.s32 @!p0 $0x2  }
0x245: {  	_ =	swait.ge @!p0 [sflag:s0], s1  }
0x246: {  	s1 =	ssub.s32 @!p0 $0x0, s1;
	[sflag:s0] =	ssyncset.done @!p0 $0x0  }
0x247: {  	[sflag:s0] =	ssyncadd.s32 @!p0 s1  }
0x248: {  	[bflag:$0x3] =	sbarrier.arrive $0xFFFF  }
0x249: {  	_ =	shalt  }

</sc_bundles>
